<compile_context>
chip_gen: v7x
topology: tpu7x:2x2x1
jax: 0.10.2.dev20260603
libtpu: 0.0.44.dev20260713+nightly
codegen_flags: <defaults>
</compile_context>

<pallas_src>
import functools

import jax
import jax.numpy as jnp
from jax import lax
from jax.experimental import pallas as pl
from jax.experimental.pallas import tpu as pltpu
from jax.experimental.pallas import tpu_sc as plsc

STEP_SIZE = 0.1

NC = 2
NS = 16
NW = NC * NS
L = 16


_F16_SCALE = float(2.0 ** 112)


def _f16lo(q):
    fb = ((q & 0x7FFF) << 13) | ((q & 0x8000) << 16)
    return lax.bitcast_convert_type(fb, jnp.float32) * _F16_SCALE


def _f16hi(q):
    return _f16lo(lax.shift_right_logical(q, 16))


def _rsqrt(d2):
    i = lax.bitcast_convert_type(d2, jnp.int32)
    i = 0x5F3759DF - (i >> 1)
    y = lax.bitcast_convert_type(i, jnp.float32)
    for _ in range(2):
        y = y * (1.5 - 0.5 * d2 * y * y)
    return y


def _edge_body(npad, e_per_w, k_chunk,
               xq_hbm, snd_hbm, rcv_hbm, ka_hbm, xr_hbm, zz_hbm,
               fout_hbm,
               xq_s, fx_s, fy_s,
               *bufs):
    c = lax.axis_index("c")
    s = lax.axis_index("s")
    wid = s * NC + c

    sidx = bufs[0:3]
    ridx = bufs[3:6]
    qs = bufs[6:9]
    qr = bufs[9:12]
    ka = bufs[12:15]
    xr = bufs[15:18]
    fxv = bufs[18:21]
    fyv = bufs[21:24]
    lsem = bufs[24:27]
    gsem = bufs[27:30]
    ssem = bufs[30:33]

    @pl.when(s == 0)
    def _stage():
        pltpu.sync_copy(xq_hbm, xq_s)
        pltpu.sync_copy(zz_hbm, fx_s)
        pltpu.sync_copy(zz_hbm, fy_s)

    plsc.subcore_barrier()

    ebase = wid * e_per_w
    n_chunks = e_per_w // k_chunk
    last = n_chunks - 1

    def lin_descs(i, p):
        base = ebase + i * k_chunk
        dsl = pl.ds(base, k_chunk)
        return (
            pltpu.make_async_copy(snd_hbm.at[dsl], sidx[p], lsem[p]),
            pltpu.make_async_copy(rcv_hbm.at[dsl], ridx[p], lsem[p]),
            pltpu.make_async_copy(ka_hbm.at[dsl], ka[p], lsem[p]),
            pltpu.make_async_copy(xr_hbm.at[dsl], xr[p], lsem[p]),
        )

    def gat_descs(p):
        return (
            pltpu.make_async_copy(xq_s.at[sidx[p]], qs[p], gsem[p]),
            pltpu.make_async_copy(xq_s.at[ridx[p]], qr[p], gsem[p]),
        )

    def scat_descs(p):
        return (
            pltpu.make_async_copy(fxv[p], fx_s.at[ridx[p]], ssem[p]),
            pltpu.make_async_copy(fyv[p], fy_s.at[ridx[p]], ssem[p]),
        )

    def compute(p):
        def vec(j, carry2):
            sl = pl.ds(j * L, L)
            qsv = qs[p][sl]
            qrv = qr[p][sl]
            dx = _f16lo(qrv) - _f16lo(qsv)
            dy = _f16hi(qrv) - _f16hi(qsv)
            d2 = dx * dx + dy * dy
            spurious = (d2 == 0.0) & (sidx[p][sl] != ridx[p][sl])
            d2 = jnp.where(spurious, 1.0, d2)
            dist = d2 * _rsqrt(d2)
            fm = -ka[p][sl] * (dist - xr[p][sl]) / dist
            fxv[p][sl] = fm * dx
            fyv[p][sl] = fm * dy
            return carry2

        lax.fori_loop(0, k_chunk // L, vec, 0)

    def scat_start(p, add=True):
        for d in scat_descs(p):
            d.start(add=add)

    def step(i, p):
        q1 = (p + 1) % 3
        q2 = (p + 2) % 3
        for d in lin_descs(i + 1, q1):
            d.wait()
        for d in gat_descs(q1):
            d.start()
        for d in gat_descs(p):
            d.wait()
        compute(p)
        scat_start(p)
        for d in scat_descs(q2):
            d.wait()
        for d in lin_descs(i + 2, q2):
            d.start()

    for d in lin_descs(0, 0):
        d.start()
    for d in lin_descs(0, 0):
        d.wait()
    for d in gat_descs(0):
        d.start()
    for d in lin_descs(1, 1):
        d.start()
    for d in lin_descs(1, 1):
        d.wait()
    for d in gat_descs(1):
        d.start()
    for d in gat_descs(0):
        d.wait()
    compute(0)
    scat_start(0)
    for d in lin_descs(2, 2):
        d.start()

    n_steady = n_chunks - 4
    assert n_steady % 3 == 0, "n_chunks must be 1 mod 3"

    def triple(t, carry):
        i0 = 1 + 3 * t
        step(i0, 1)
        step(i0 + 1, 2)
        step(i0 + 2, 0)
        return carry

    lax.fori_loop(0, n_steady // 3, triple, 0)

    i = n_chunks - 3
    p = i % 3
    step(i, p)

    i = n_chunks - 2
    p = i % 3
    q1 = (p + 1) % 3
    q2 = (p + 2) % 3
    for d in lin_descs(i + 1, q1):
        d.wait()
    for d in gat_descs(q1):
        d.start()
    for d in gat_descs(p):
        d.wait()
    compute(p)
    scat_start(p)
    for d in scat_descs(q2):
        d.wait()

    i = n_chunks - 1
    p = i % 3
    q2 = (p + 2) % 3
    for d in gat_descs(p):
        d.wait()
    compute(p)
    scat_start(p)
    for d in scat_descs(q2):
        d.wait()
    for d in scat_descs(p):
        d.wait()

    plsc.subcore_barrier()

    npt = npad // NS
    pltpu.sync_copy(fx_s.at[pl.ds(s * npt, npt)],
                    fout_hbm.at[pl.ds((c * 2) * npad + s * npt, npt)])
    pltpu.sync_copy(fy_s.at[pl.ds(s * npt, npt)],
                    fout_hbm.at[pl.ds((c * 2 + 1) * npad + s * npt, npt)])


def _node_body(npad, n_per_w,
               f_hbm, xx_hbm, xy_hbm, vx_hbm, vy_hbm, fix_hbm,
               gx_hbm, gy_hbm,
               px_hbm, py_hbm, nvx_hbm, nvy_hbm,
               f0x_v, f0y_v, f1x_v, f1y_v,
               xx_v, xy_v, vx_v, vy_v, fix_v,
               px_v, py_v, nvx_v, nvy_v, g_v):
    c = lax.axis_index("c")
    s = lax.axis_index("s")
    wid = s * NC + c
    base = wid * n_per_w
    dsl = pl.ds(base, n_per_w)
    pltpu.sync_copy(f_hbm.at[pl.ds(0 * npad + base, n_per_w)], f0x_v)
    pltpu.sync_copy(f_hbm.at[pl.ds(1 * npad + base, n_per_w)], f0y_v)
    pltpu.sync_copy(f_hbm.at[pl.ds(2 * npad + base, n_per_w)], f1x_v)
    pltpu.sync_copy(f_hbm.at[pl.ds(3 * npad + base, n_per_w)], f1y_v)
    pltpu.sync_copy(xx_hbm.at[dsl], xx_v)
    pltpu.sync_copy(xy_hbm.at[dsl], xy_v)
    pltpu.sync_copy(vx_hbm.at[dsl], vx_v)
    pltpu.sync_copy(vy_hbm.at[dsl], vy_v)
    pltpu.sync_copy(fix_hbm.at[dsl], fix_v)
    pltpu.sync_copy(gx_hbm, g_v.at[pl.ds(0, L)])
    pltpu.sync_copy(gy_hbm, g_v.at[pl.ds(L, L)])
    gx = g_v[pl.ds(0, L)]
    gy = g_v[pl.ds(L, L)]

    def vec(j, carry):
        sl = pl.ds(j * L, L)
        m = 1.0 - fix_v[sl]
        fx = (f0x_v[sl] + f1x_v[sl] + gx) * m
        fy = (f0y_v[sl] + f1y_v[sl] + gy) * m
        nvx = vx_v[sl] + fx * STEP_SIZE
        nvy = vy_v[sl] + fy * STEP_SIZE
        nvx_v[sl] = nvx
        nvy_v[sl] = nvy
        px_v[sl] = xx_v[sl] + nvx * STEP_SIZE
        py_v[sl] = xy_v[sl] + nvy * STEP_SIZE
        return carry

    lax.fori_loop(0, n_per_w // L, vec, 0)
    pltpu.sync_copy(px_v, px_hbm.at[dsl])
    pltpu.sync_copy(py_v, py_hbm.at[dsl])
    pltpu.sync_copy(nvx_v, nvx_hbm.at[dsl])
    pltpu.sync_copy(nvy_v, nvy_hbm.at[dsl])


def kernel(x, edge_index, edge_attr, u):
    n = x.shape[0]
    e = edge_index.shape[1]
    npad = ((n + NW * L - 1) // (NW * L)) * (NW * L)
    e_per_w = e // NW
    k_chunk = 2000
    assert e_per_w % k_chunk == 0 and k_chunk % L == 0

    ei = edge_index.astype(jnp.int32)
    snd = ei[0]
    rcv = ei[1]
    pad = npad - n
    xx = jnp.pad(x[:, 0], (0, pad))
    xy = jnp.pad(x[:, 1], (0, pad))
    xb = lax.bitcast_convert_type(
        x[:, 0].astype(jnp.float16), jnp.uint16).astype(jnp.uint32)
    yb = lax.bitcast_convert_type(
        x[:, 1].astype(jnp.float16), jnp.uint16).astype(jnp.uint32)
    xq = jnp.pad(lax.bitcast_convert_type(xb | (yb << 16), jnp.int32),
                 (0, pad))
    vx = jnp.pad(x[:, 2], (0, pad))
    vy = jnp.pad(x[:, 3], (0, pad))
    fixc = jnp.pad(x[:, 4], (0, pad))
    zz = jnp.zeros((npad,), jnp.float32)
    gx = jnp.full((L,), u[0], jnp.float32)
    gy = jnp.full((L,), u[1], jnp.float32)

    mesh = plsc.VectorSubcoreMesh(core_axis_name="c", subcore_axis_name="s")

    edge_k = pl.kernel(
        functools.partial(_edge_body, npad, e_per_w, k_chunk),
        out_type=jax.ShapeDtypeStruct((NC * 2 * npad,), jnp.float32),
        mesh=mesh,
        scratch_types=[
            pltpu.VMEM_SHARED((npad,), jnp.int32),
            pltpu.VMEM_SHARED((npad,), jnp.float32),
            pltpu.VMEM_SHARED((npad,), jnp.float32),
        ]
        + [pltpu.VMEM((k_chunk,), jnp.int32) for _ in range(12)]
        + [pltpu.VMEM((k_chunk,), jnp.float32) for _ in range(12)]
        + [pltpu.SemaphoreType.DMA for _ in range(9)],
    )
    fpart = edge_k(xq, snd, rcv, edge_attr[:, 0], edge_attr[:, 1], zz)

    n_per_w = npad // NW
    node_k = pl.kernel(
        functools.partial(_node_body, npad, n_per_w),
        out_type=(
            jax.ShapeDtypeStruct((npad,), jnp.float32),
            jax.ShapeDtypeStruct((npad,), jnp.float32),
            jax.ShapeDtypeStruct((npad,), jnp.float32),
            jax.ShapeDtypeStruct((npad,), jnp.float32),
        ),
        mesh=mesh,
        scratch_types=(
            [pltpu.VMEM((n_per_w,), jnp.float32) for _ in range(13)]
            + [pltpu.VMEM((2 * L,), jnp.float32)]
        ),
    )
    px, py, nvx, nvy = node_k(fpart, xx, xy, vx, vy, fixc, gx, gy)

    return jnp.stack(
        [px[:n], py[:n], nvx[:n], nvy[:n], x[:, 4]], axis=1)

# --- scband reference (transcript-rebuilt; emitter-appended) ---
"""Pipeline reference for scband-spring-mass-simulator-34789235098350 (READ-ONLY COPY).

The authoritative reference and input builder live on the scoring server;
editing this copy changes nothing except your own understanding.
"""

import jax, jax.numpy as jnp
import numpy as np

STEP_SIZE = 0.1


def setup_inputs(seed: int = 0) -> dict:
    key = jax.random.key(seed)
    k1, k2, k3, k4 = jax.random.split(key, 4)
    N = 100000
    E = 6400000
    x = jax.random.normal(k1, (N, 5), dtype=jnp.float32)
    edge_index = jax.random.randint(k2, (2, E), 0, N, dtype=jnp.int64)
    edge_attr = jax.random.uniform(k3, (E, 2), dtype=jnp.float32)
    u = jax.random.normal(k4, (2,), dtype=jnp.float32)
    return {"x": x, "edge_index": edge_index, "edge_attr": edge_attr, "u": u}


def _hookes_law(receiver_nodes, sender_nodes, k, x_rest):
    diff = receiver_nodes[..., 0:2] - sender_nodes[..., 0:2]
    dist = jnp.linalg.norm(diff, axis=-1, keepdims=True)
    force_magnitude = -1.0 * k * ((dist - x_rest) / dist)
    return force_magnitude * diff


def _euler_integration(nodes, force_per_node, step_size):
    is_fixed = nodes[..., 4:5]
    force_per_node = force_per_node * (1.0 - is_fixed)
    new_vel = nodes[..., 2:4] + force_per_node * step_size
    new_pos = nodes[..., 0:2] + new_vel * step_size
    return jnp.concatenate([new_pos, new_vel, is_fixed], axis=-1)


def reference(x, edge_index, edge_attr, u):
    num_nodes = x.shape[0]
    sender = edge_index[0]
    receiver = edge_index[1]
    receiver_nodes = jnp.take(x, receiver, axis=0)
    sender_nodes = jnp.take(x, sender, axis=0)
    spring_force_per_edge = _hookes_law(
        receiver_nodes, sender_nodes,
        edge_attr[..., 0:1], edge_attr[..., 1:2])
    spring_force_per_node = jax.ops.segment_sum(
        spring_force_per_edge, receiver, num_segments=num_nodes)
    gravity = jnp.broadcast_to(u[None, :], (num_nodes, u.shape[0]))
    new_x = _euler_integration(x, spring_force_per_node + gravity, STEP_SIZE)
    return new_x

if __name__ == "__main__":
    import jax
    _d = setup_inputs()
    print(jax.jit(kernel)(*tuple(_d.values())))

</pallas_src>

<mosaic_0001>
#map = affine_map<(d0, d1) -> (0)>
module attributes {stable_mosaic.version = 14 : i64} {
  func.func @_node_body(%arg0: i32, %arg1: i32, %arg2: memref<401408xf32, #tpu.memory_space<hbm>>, %arg3: memref<100352xf32, #tpu.memory_space<hbm>>, %arg4: memref<100352xf32, #tpu.memory_space<hbm>>, %arg5: memref<100352xf32, #tpu.memory_space<hbm>>, %arg6: memref<100352xf32, #tpu.memory_space<hbm>>, %arg7: memref<100352xf32, #tpu.memory_space<hbm>>, %arg8: memref<16xf32, #tpu.memory_space<hbm>>, %arg9: memref<16xf32, #tpu.memory_space<hbm>>, %arg10: memref<100352xf32, #tpu.memory_space<hbm>>, %arg11: memref<100352xf32, #tpu.memory_space<hbm>>, %arg12: memref<100352xf32, #tpu.memory_space<hbm>>, %arg13: memref<100352xf32, #tpu.memory_space<hbm>>, %arg14: memref<3136xf32, #tpu.memory_space<vmem>>, %arg15: memref<3136xf32, #tpu.memory_space<vmem>>, %arg16: memref<3136xf32, #tpu.memory_space<vmem>>, %arg17: memref<3136xf32, #tpu.memory_space<vmem>>, %arg18: memref<3136xf32, #tpu.memory_space<vmem>>, %arg19: memref<3136xf32, #tpu.memory_space<vmem>>, %arg20: memref<3136xf32, #tpu.memory_space<vmem>>, %arg21: memref<3136xf32, #tpu.memory_space<vmem>>, %arg22: memref<3136xf32, #tpu.memory_space<vmem>>, %arg23: memref<3136xf32, #tpu.memory_space<vmem>>, %arg24: memref<3136xf32, #tpu.memory_space<vmem>>, %arg25: memref<3136xf32, #tpu.memory_space<vmem>>, %arg26: memref<3136xf32, #tpu.memory_space<vmem>>, %arg27: memref<32xf32, #tpu.memory_space<vmem>>) attributes {dimension_semantics = [#tpu.dimension_semantics<core_parallel>, #tpu.dimension_semantics<subcore_parallel>], iteration_bounds = array<i64: 2, 16>, scalar_prefetch = 0 : i64, scratch_operands = 14 : i64, tpu.core_type = #tpu.core_type<sc_vector_subcore>, window_params = [{transform_indices = #map}, {transform_indices = #map}, {transform_indices = #map}, {transform_indices = #map}, {transform_indices = #map}, {transform_indices = #map}, {transform_indices = #map}, {transform_indices = #map}, {transform_indices = #map}, {transform_indices = #map}, {transform_indices = #map}, {transform_indices = #map}]} {
    %mul3A = arith.constant 2 : i32
    %mul3A_0 = arith.muli %arg1, %mul3A : i32
    %add3A = arith.addi %mul3A_0, %arg0 : i32
    %mul3A_1 = arith.constant 3136 : i32
    %mul3A_2 = arith.muli %add3A, %mul3A_1 : i32
    %add3A_3 = arith.constant 0 : i32
    %add3A_4 = arith.addi %add3A_3, %mul3A_2 : i32
    "tpu.region"() ({
      %run_scoped3A = tpu.sem_alloc : memref<!tpu.dma_semaphore, #tpu.memory_space<semaphore_mem>>
      %dma_start3A = tpu.memref_slice %arg2[%add3A_4] : memref<401408xf32, #tpu.memory_space<hbm>> -> memref<3136xf32, #tpu.memory_space<hbm>>
      %dma_start3A_21 = tpu.memref_slice %arg2[%add3A_4] : memref<401408xf32, #tpu.memory_space<hbm>> -> memref<3136xf32, #tpu.memory_space<hbm>>
      tpu.enqueue_dma source(%dma_start3A_21 : memref<3136xf32, #tpu.memory_space<hbm>>) target(%arg14 : memref<3136xf32, #tpu.memory_space<vmem>>) target_semaphore(%run_scoped3A : memref<!tpu.dma_semaphore, #tpu.memory_space<semaphore_mem>>)
      %dma_wait3A = tpu.memref_slice %arg2[%add3A_4] : memref<401408xf32, #tpu.memory_space<hbm>> -> memref<3136xf32, #tpu.memory_space<hbm>>
      %dma_wait3A_22 = tpu.memref_slice %arg2[%add3A_4] : memref<401408xf32, #tpu.memory_space<hbm>> -> memref<3136xf32, #tpu.memory_space<hbm>>
      tpu.wait_dma2 semaphore(%run_scoped3A : memref<!tpu.dma_semaphore, #tpu.memory_space<semaphore_mem>>) src(%dma_wait3A_22 : memref<3136xf32, #tpu.memory_space<hbm>>) dst(%arg14 : memref<3136xf32, #tpu.memory_space<vmem>>)
      tpu.yield
    }) : () -> ()
    %add3A_5 = arith.constant 100352 : i32
    %add3A_6 = arith.addi %add3A_5, %mul3A_2 : i32
    "tpu.region"() ({
      %run_scoped3A = tpu.sem_alloc : memref<!tpu.dma_semaphore, #tpu.memory_space<semaphore_mem>>
      %dma_start3A = tpu.memref_slice %arg2[%add3A_6] : memref<401408xf32, #tpu.memory_space<hbm>> -> memref<3136xf32, #tpu.memory_space<hbm>>
      %dma_start3A_21 = tpu.memref_slice %arg2[%add3A_6] : memref<401408xf32, #tpu.memory_space<hbm>> -> memref<3136xf32, #tpu.memory_space<hbm>>
      tpu.enqueue_dma source(%dma_start3A_21 : memref<3136xf32, #tpu.memory_space<hbm>>) target(%arg15 : memref<3136xf32, #tpu.memory_space<vmem>>) target_semaphore(%run_scoped3A : memref<!tpu.dma_semaphore, #tpu.memory_space<semaphore_mem>>)
      %dma_wait3A = tpu.memref_slice %arg2[%add3A_6] : memref<401408xf32, #tpu.memory_space<hbm>> -> memref<3136xf32, #tpu.memory_space<hbm>>
      %dma_wait3A_22 = tpu.memref_slice %arg2[%add3A_6] : memref<401408xf32, #tpu.memory_space<hbm>> -> memref<3136xf32, #tpu.memory_space<hbm>>
      tpu.wait_dma2 semaphore(%run_scoped3A : memref<!tpu.dma_semaphore, #tpu.memory_space<semaphore_mem>>) src(%dma_wait3A_22 : memref<3136xf32, #tpu.memory_space<hbm>>) dst(%arg15 : memref<3136xf32, #tpu.memory_space<vmem>>)
      tpu.yield
    }) : () -> ()
    %add3A_7 = arith.constant 200704 : i32
    %add3A_8 = arith.addi %add3A_7, %mul3A_2 : i32
    "tpu.region"() ({
      %run_scoped3A = tpu.sem_alloc : memref<!tpu.dma_semaphore, #tpu.memory_space<semaphore_mem>>
      %dma_start3A = tpu.memref_slice %arg2[%add3A_8] : memref<401408xf32, #tpu.memory_space<hbm>> -> memref<3136xf32, #tpu.memory_space<hbm>>
      %dma_start3A_21 = tpu.memref_slice %arg2[%add3A_8] : memref<401408xf32, #tpu.memory_space<hbm>> -> memref<3136xf32, #tpu.memory_space<hbm>>
      tpu.enqueue_dma source(%dma_start3A_21 : memref<3136xf32, #tpu.memory_space<hbm>>) target(%arg16 : memref<3136xf32, #tpu.memory_space<vmem>>) target_semaphore(%run_scoped3A : memref<!tpu.dma_semaphore, #tpu.memory_space<semaphore_mem>>)
      %dma_wait3A = tpu.memref_slice %arg2[%add3A_8] : memref<401408xf32, #tpu.memory_space<hbm>> -> memref<3136xf32, #tpu.memory_space<hbm>>
      %dma_wait3A_22 = tpu.memref_slice %arg2[%add3A_8] : memref<401408xf32, #tpu.memory_space<hbm>> -> memref<3136xf32, #tpu.memory_space<hbm>>
      tpu.wait_dma2 semaphore(%run_scoped3A : memref<!tpu.dma_semaphore, #tpu.memory_space<semaphore_mem>>) src(%dma_wait3A_22 : memref<3136xf32, #tpu.memory_space<hbm>>) dst(%arg16 : memref<3136xf32, #tpu.memory_space<vmem>>)
      tpu.yield
    }) : () -> ()
    %add3A_9 = arith.constant 301056 : i32
    %add3A_10 = arith.addi %add3A_9, %mul3A_2 : i32
    "tpu.region"() ({
      %run_scoped3A = tpu.sem_alloc : memref<!tpu.dma_semaphore, #tpu.memory_space<semaphore_mem>>
      %dma_start3A = tpu.memref_slice %arg2[%add3A_10] : memref<401408xf32, #tpu.memory_space<hbm>> -> memref<3136xf32, #tpu.memory_space<hbm>>
      %dma_start3A_21 = tpu.memref_slice %arg2[%add3A_10] : memref<401408xf32, #tpu.memory_space<hbm>> -> memref<3136xf32, #tpu.memory_space<hbm>>
      tpu.enqueue_dma source(%dma_start3A_21 : memref<3136xf32, #tpu.memory_space<hbm>>) target(%arg17 : memref<3136xf32, #tpu.memory_space<vmem>>) target_semaphore(%run_scoped3A : memref<!tpu.dma_semaphore, #tpu.memory_space<semaphore_mem>>)
      %dma_wait3A = tpu.memref_slice %arg2[%add3A_10] : memref<401408xf32, #tpu.memory_space<hbm>> -> memref<3136xf32, #tpu.memory_space<hbm>>
      %dma_wait3A_22 = tpu.memref_slice %arg2[%add3A_10] : memref<401408xf32, #tpu.memory_space<hbm>> -> memref<3136xf32, #tpu.memory_space<hbm>>
      tpu.wait_dma2 semaphore(%run_scoped3A : memref<!tpu.dma_semaphore, #tpu.memory_space<semaphore_mem>>) src(%dma_wait3A_22 : memref<3136xf32, #tpu.memory_space<hbm>>) dst(%arg17 : memref<3136xf32, #tpu.memory_space<vmem>>)
      tpu.yield
    }) : () -> ()
    "tpu.region"() ({
      %run_scoped3A = tpu.sem_alloc : memref<!tpu.dma_semaphore, #tpu.memory_space<semaphore_mem>>
      %dma_start3A = tpu.memref_slice %arg3[%mul3A_2] : memref<100352xf32, #tpu.memory_space<hbm>> -> memref<3136xf32, #tpu.memory_space<hbm>>
      %dma_start3A_21 = tpu.memref_slice %arg3[%mul3A_2] : memref<100352xf32, #tpu.memory_space<hbm>> -> memref<3136xf32, #tpu.memory_space<hbm>>
      tpu.enqueue_dma source(%dma_start3A_21 : memref<3136xf32, #tpu.memory_space<hbm>>) target(%arg18 : memref<3136xf32, #tpu.memory_space<vmem>>) target_semaphore(%run_scoped3A : memref<!tpu.dma_semaphore, #tpu.memory_space<semaphore_mem>>)
      %dma_wait3A = tpu.memref_slice %arg3[%mul3A_2] : memref<100352xf32, #tpu.memory_space<hbm>> -> memref<3136xf32, #tpu.memory_space<hbm>>
      %dma_wait3A_22 = tpu.memref_slice %arg3[%mul3A_2] : memref<100352xf32, #tpu.memory_space<hbm>> -> memref<3136xf32, #tpu.memory_space<hbm>>
      tpu.wait_dma2 semaphore(%run_scoped3A : memref<!tpu.dma_semaphore, #tpu.memory_space<semaphore_mem>>) src(%dma_wait3A_22 : memref<3136xf32, #tpu.memory_space<hbm>>) dst(%arg18 : memref<3136xf32, #tpu.memory_space<vmem>>)
      tpu.yield
    }) : () -> ()
    "tpu.region"() ({
      %run_scoped3A = tpu.sem_alloc : memref<!tpu.dma_semaphore, #tpu.memory_space<semaphore_mem>>
      %dma_start3A = tpu.memref_slice %arg4[%mul3A_2] : memref<100352xf32, #tpu.memory_space<hbm>> -> memref<3136xf32, #tpu.memory_space<hbm>>
      %dma_start3A_21 = tpu.memref_slice %arg4[%mul3A_2] : memref<100352xf32, #tpu.memory_space<hbm>> -> memref<3136xf32, #tpu.memory_space<hbm>>
      tpu.enqueue_dma source(%dma_start3A_21 : memref<3136xf32, #tpu.memory_space<hbm>>) target(%arg19 : memref<3136xf32, #tpu.memory_space<vmem>>) target_semaphore(%run_scoped3A : memref<!tpu.dma_semaphore, #tpu.memory_space<semaphore_mem>>)
      %dma_wait3A = tpu.memref_slice %arg4[%mul3A_2] : memref<100352xf32, #tpu.memory_space<hbm>> -> memref<3136xf32, #tpu.memory_space<hbm>>
      %dma_wait3A_22 = tpu.memref_slice %arg4[%mul3A_2] : memref<100352xf32, #tpu.memory_space<hbm>> -> memref<3136xf32, #tpu.memory_space<hbm>>
      tpu.wait_dma2 semaphore(%run_scoped3A : memref<!tpu.dma_semaphore, #tpu.memory_space<semaphore_mem>>) src(%dma_wait3A_22 : memref<3136xf32, #tpu.memory_space<hbm>>) dst(%arg19 : memref<3136xf32, #tpu.memory_space<vmem>>)
      tpu.yield
    }) : () -> ()
    "tpu.region"() ({
      %run_scoped3A = tpu.sem_alloc : memref<!tpu.dma_semaphore, #tpu.memory_space<semaphore_mem>>
      %dma_start3A = tpu.memref_slice %arg5[%mul3A_2] : memref<100352xf32, #tpu.memory_space<hbm>> -> memref<3136xf32, #tpu.memory_space<hbm>>
      %dma_start3A_21 = tpu.memref_slice %arg5[%mul3A_2] : memref<100352xf32, #tpu.memory_space<hbm>> -> memref<3136xf32, #tpu.memory_space<hbm>>
      tpu.enqueue_dma source(%dma_start3A_21 : memref<3136xf32, #tpu.memory_space<hbm>>) target(%arg20 : memref<3136xf32, #tpu.memory_space<vmem>>) target_semaphore(%run_scoped3A : memref<!tpu.dma_semaphore, #tpu.memory_space<semaphore_mem>>)
      %dma_wait3A = tpu.memref_slice %arg5[%mul3A_2] : memref<100352xf32, #tpu.memory_space<hbm>> -> memref<3136xf32, #tpu.memory_space<hbm>>
      %dma_wait3A_22 = tpu.memref_slice %arg5[%mul3A_2] : memref<100352xf32, #tpu.memory_space<hbm>> -> memref<3136xf32, #tpu.memory_space<hbm>>
      tpu.wait_dma2 semaphore(%run_scoped3A : memref<!tpu.dma_semaphore, #tpu.memory_space<semaphore_mem>>) src(%dma_wait3A_22 : memref<3136xf32, #tpu.memory_space<hbm>>) dst(%arg20 : memref<3136xf32, #tpu.memory_space<vmem>>)
      tpu.yield
    }) : () -> ()
    "tpu.region"() ({
      %run_scoped3A = tpu.sem_alloc : memref<!tpu.dma_semaphore, #tpu.memory_space<semaphore_mem>>
      %dma_start3A = tpu.memref_slice %arg6[%mul3A_2] : memref<100352xf32, #tpu.memory_space<hbm>> -> memref<3136xf32, #tpu.memory_space<hbm>>
      %dma_start3A_21 = tpu.memref_slice %arg6[%mul3A_2] : memref<100352xf32, #tpu.memory_space<hbm>> -> memref<3136xf32, #tpu.memory_space<hbm>>
      tpu.enqueue_dma source(%dma_start3A_21 : memref<3136xf32, #tpu.memory_space<hbm>>) target(%arg21 : memref<3136xf32, #tpu.memory_space<vmem>>) target_semaphore(%run_scoped3A : memref<!tpu.dma_semaphore, #tpu.memory_space<semaphore_mem>>)
      %dma_wait3A = tpu.memref_slice %arg6[%mul3A_2] : memref<100352xf32, #tpu.memory_space<hbm>> -> memref<3136xf32, #tpu.memory_space<hbm>>
      %dma_wait3A_22 = tpu.memref_slice %arg6[%mul3A_2] : memref<100352xf32, #tpu.memory_space<hbm>> -> memref<3136xf32, #tpu.memory_space<hbm>>
      tpu.wait_dma2 semaphore(%run_scoped3A : memref<!tpu.dma_semaphore, #tpu.memory_space<semaphore_mem>>) src(%dma_wait3A_22 : memref<3136xf32, #tpu.memory_space<hbm>>) dst(%arg21 : memref<3136xf32, #tpu.memory_space<vmem>>)
      tpu.yield
    }) : () -> ()
    "tpu.region"() ({
      %run_scoped3A = tpu.sem_alloc : memref<!tpu.dma_semaphore, #tpu.memory_space<semaphore_mem>>
      %dma_start3A = tpu.memref_slice %arg7[%mul3A_2] : memref<100352xf32, #tpu.memory_space<hbm>> -> memref<3136xf32, #tpu.memory_space<hbm>>
      %dma_start3A_21 = tpu.memref_slice %arg7[%mul3A_2] : memref<100352xf32, #tpu.memory_space<hbm>> -> memref<3136xf32, #tpu.memory_space<hbm>>
      tpu.enqueue_dma source(%dma_start3A_21 : memref<3136xf32, #tpu.memory_space<hbm>>) target(%arg22 : memref<3136xf32, #tpu.memory_space<vmem>>) target_semaphore(%run_scoped3A : memref<!tpu.dma_semaphore, #tpu.memory_space<semaphore_mem>>)
      %dma_wait3A = tpu.memref_slice %arg7[%mul3A_2] : memref<100352xf32, #tpu.memory_space<hbm>> -> memref<3136xf32, #tpu.memory_space<hbm>>
      %dma_wait3A_22 = tpu.memref_slice %arg7[%mul3A_2] : memref<100352xf32, #tpu.memory_space<hbm>> -> memref<3136xf32, #tpu.memory_space<hbm>>
      tpu.wait_dma2 semaphore(%run_scoped3A : memref<!tpu.dma_semaphore, #tpu.memory_space<semaphore_mem>>) src(%dma_wait3A_22 : memref<3136xf32, #tpu.memory_space<hbm>>) dst(%arg22 : memref<3136xf32, #tpu.memory_space<vmem>>)
      tpu.yield
    }) : () -> ()
    "tpu.region"() ({
      %run_scoped3A = tpu.sem_alloc : memref<!tpu.dma_semaphore, #tpu.memory_space<semaphore_mem>>
      %dma_start3A = arith.constant 0 : i32
      %dma_start3A_21 = tpu.memref_slice %arg27[%dma_start3A] : memref<32xf32, #tpu.memory_space<vmem>> -> memref<16xf32, #tpu.memory_space<vmem>>
      %dma_start3A_22 = arith.constant 0 : i32
      %dma_start3A_23 = tpu.memref_slice %arg27[%dma_start3A_22] : memref<32xf32, #tpu.memory_space<vmem>> -> memref<16xf32, #tpu.memory_space<vmem>>
      tpu.enqueue_dma source(%arg8 : memref<16xf32, #tpu.memory_space<hbm>>) target(%dma_start3A_23 : memref<16xf32, #tpu.memory_space<vmem>>) target_semaphore(%run_scoped3A : memref<!tpu.dma_semaphore, #tpu.memory_space<semaphore_mem>>)
      %dma_wait3A = arith.constant 0 : i32
      %dma_wait3A_24 = tpu.memref_slice %arg27[%dma_wait3A] : memref<32xf32, #tpu.memory_space<vmem>> -> memref<16xf32, #tpu.memory_space<vmem>>
      %dma_wait3A_25 = arith.constant 0 : i32
      %dma_wait3A_26 = tpu.memref_slice %arg27[%dma_wait3A_25] : memref<32xf32, #tpu.memory_space<vmem>> -> memref<16xf32, #tpu.memory_space<vmem>>
      tpu.wait_dma2 semaphore(%run_scoped3A : memref<!tpu.dma_semaphore, #tpu.memory_space<semaphore_mem>>) src(%arg8 : memref<16xf32, #tpu.memory_space<hbm>>) dst(%dma_wait3A_26 : memref<16xf32, #tpu.memory_space<vmem>>)
      tpu.yield
    }) : () -> ()
    "tpu.region"() ({
      %run_scoped3A = tpu.sem_alloc : memref<!tpu.dma_semaphore, #tpu.memory_space<semaphore_mem>>
      %dma_start3A = arith.constant 16 : i32
      %dma_start3A_21 = tpu.memref_slice %arg27[%dma_start3A] : memref<32xf32, #tpu.memory_space<vmem>> -> memref<16xf32, #tpu.memory_space<vmem>>
      %dma_start3A_22 = arith.constant 16 : i32
      %dma_start3A_23 = tpu.memref_slice %arg27[%dma_start3A_22] : memref<32xf32, #tpu.memory_space<vmem>> -> memref<16xf32, #tpu.memory_space<vmem>>
      tpu.enqueue_dma source(%arg9 : memref<16xf32, #tpu.memory_space<hbm>>) target(%dma_start3A_23 : memref<16xf32, #tpu.memory_space<vmem>>) target_semaphore(%run_scoped3A : memref<!tpu.dma_semaphore, #tpu.memory_space<semaphore_mem>>)
      %dma_wait3A = arith.constant 16 : i32
      %dma_wait3A_24 = tpu.memref_slice %arg27[%dma_wait3A] : memref<32xf32, #tpu.memory_space<vmem>> -> memref<16xf32, #tpu.memory_space<vmem>>
      %dma_wait3A_25 = arith.constant 16 : i32
      %dma_wait3A_26 = tpu.memref_slice %arg27[%dma_wait3A_25] : memref<32xf32, #tpu.memory_space<vmem>> -> memref<16xf32, #tpu.memory_space<vmem>>
      tpu.wait_dma2 semaphore(%run_scoped3A : memref<!tpu.dma_semaphore, #tpu.memory_space<semaphore_mem>>) src(%arg9 : memref<16xf32, #tpu.memory_space<hbm>>) dst(%dma_wait3A_26 : memref<16xf32, #tpu.memory_space<vmem>>)
      tpu.yield
    }) : () -> ()
    %get3A = arith.constant 0 : index
    %get3A_11 = tpu.vector_load %arg27[%get3A] {strides = array<i32>} : memref<32xf32, #tpu.memory_space<vmem>>, vector<16xf32>,
    %get3A_12 = vector.shape_cast %get3A_11 : vector<16xf32> to vector<16xf32>
    %get3A_13 = arith.constant 16 : index
    %get3A_14 = tpu.vector_load %arg27[%get3A_13] {strides = array<i32>} : memref<32xf32, #tpu.memory_space<vmem>>, vector<16xf32>,
    %get3A_15 = vector.shape_cast %get3A_14 : vector<16xf32> to vector<16xf32>
    %scan3A = arith.constant 0 : i32
    %scan3A_16 = arith.constant 0 : i32
    %scan3A_17 = arith.constant 196 : i32
    %scan3A_18 = arith.addi %scan3A_16, %scan3A_17 : i32
    %scan3A_19 = arith.constant 1 : i32
    scf.for %scan3A_21 = %scan3A_16 to %scan3A_18 step %scan3A_19  : i32 {
      %mul3A_22 = arith.constant 16 : i32
      %mul3A_23 = arith.muli %scan3A_21, %mul3A_22 : i32
      %get3A_24 = arith.index_cast %mul3A_23 : i32 to index
      %get3A_25 = tpu.vector_load %arg22[%get3A_24] {strides = array<i32>} : memref<3136xf32, #tpu.memory_space<vmem>>, vector<16xf32>,
      %get3A_26 = vector.shape_cast %get3A_25 : vector<16xf32> to vector<16xf32>
      %sub3A = arith.constant 1.000000e+00 : f32
      %sub3A_27 = vector.broadcast %sub3A : f32 to vector<16xf32>
      %sub3A_28 = arith.subf %sub3A_27, %get3A_26 : vector<16xf32>
      %get3A_29 = arith.index_cast %mul3A_23 : i32 to index
      %get3A_30 = tpu.vector_load %arg14[%get3A_29] {strides = array<i32>} : memref<3136xf32, #tpu.memory_space<vmem>>, vector<16xf32>,
      %get3A_31 = vector.shape_cast %get3A_30 : vector<16xf32> to vector<16xf32>
      %get3A_32 = arith.index_cast %mul3A_23 : i32 to index
      %get3A_33 = tpu.vector_load %arg16[%get3A_32] {strides = array<i32>} : memref<3136xf32, #tpu.memory_space<vmem>>, vector<16xf32>,
      %get3A_34 = vector.shape_cast %get3A_33 : vector<16xf32> to vector<16xf32>
      %add3A_35 = arith.addf %get3A_31, %get3A_34 : vector<16xf32>
      %add3A_36 = arith.addf %add3A_35, %get3A_12 : vector<16xf32>
      %mul3A_37 = arith.mulf %add3A_36, %sub3A_28 : vector<16xf32>
      %get3A_38 = arith.index_cast %mul3A_23 : i32 to index
      %get3A_39 = tpu.vector_load %arg15[%get3A_38] {strides = array<i32>} : memref<3136xf32, #tpu.memory_space<vmem>>, vector<16xf32>,
      %get3A_40 = vector.shape_cast %get3A_39 : vector<16xf32> to vector<16xf32>
      %get3A_41 = arith.index_cast %mul3A_23 : i32 to index
      %get3A_42 = tpu.vector_load %arg17[%get3A_41] {strides = array<i32>} : memref<3136xf32, #tpu.memory_space<vmem>>, vector<16xf32>,
      %get3A_43 = vector.shape_cast %get3A_42 : vector<16xf32> to vector<16xf32>
      %add3A_44 = arith.addf %get3A_40, %get3A_43 : vector<16xf32>
      %add3A_45 = arith.addf %add3A_44, %get3A_15 : vector<16xf32>
      %mul3A_46 = arith.mulf %add3A_45, %sub3A_28 : vector<16xf32>
      %get3A_47 = arith.index_cast %mul3A_23 : i32 to index
      %get3A_48 = tpu.vector_load %arg20[%get3A_47] {strides = array<i32>} : memref<3136xf32, #tpu.memory_space<vmem>>, vector<16xf32>,
      %get3A_49 = vector.shape_cast %get3A_48 : vector<16xf32> to vector<16xf32>
      %mul3A_50 = arith.constant 1.000000e-01 : f32
      %mul3A_51 = vector.broadcast %mul3A_50 : f32 to vector<16xf32>
      %mul3A_52 = arith.mulf %mul3A_37, %mul3A_51 : vector<16xf32>
      %add3A_53 = arith.addf %get3A_49, %mul3A_52 : vector<16xf32>
      %get3A_54 = arith.index_cast %mul3A_23 : i32 to index
      %get3A_55 = tpu.vector_load %arg21[%get3A_54] {strides = array<i32>} : memref<3136xf32, #tpu.memory_space<vmem>>, vector<16xf32>,
      %get3A_56 = vector.shape_cast %get3A_55 : vector<16xf32> to vector<16xf32>
      %mul3A_57 = arith.constant 1.000000e-01 : f32
      %mul3A_58 = vector.broadcast %mul3A_57 : f32 to vector<16xf32>
      %mul3A_59 = arith.mulf %mul3A_46, %mul3A_58 : vector<16xf32>
      %add3A_60 = arith.addf %get3A_56, %mul3A_59 : vector<16xf32>
      %swap3A = arith.index_cast %mul3A_23 : i32 to index
      %swap3A_61 = tpu.vector_load %arg25[%swap3A] {strides = array<i32>} : memref<3136xf32, #tpu.memory_space<vmem>>, vector<16xf32>,
      %swap3A_62 = vector.shape_cast %swap3A_61 : vector<16xf32> to vector<16xf32>
      %swap3A_63 = vector.shape_cast %add3A_53 : vector<16xf32> to vector<16xf32>
      tpu.vector_store %arg25[%swap3A], %swap3A_63 {strides = array<i32>} : memref<3136xf32, #tpu.memory_space<vmem>>, vector<16xf32>,
      %swap3A_64 = arith.index_cast %mul3A_23 : i32 to index
      %swap3A_65 = tpu.vector_load %arg26[%swap3A_64] {strides = array<i32>} : memref<3136xf32, #tpu.memory_space<vmem>>, vector<16xf32>,
      %swap3A_66 = vector.shape_cast %swap3A_65 : vector<16xf32> to vector<16xf32>
      %swap3A_67 = vector.shape_cast %add3A_60 : vector<16xf32> to vector<16xf32>
      tpu.vector_store %arg26[%swap3A_64], %swap3A_67 {strides = array<i32>} : memref<3136xf32, #tpu.memory_space<vmem>>, vector<16xf32>,
      %get3A_68 = arith.index_cast %mul3A_23 : i32 to index
      %get3A_69 = tpu.vector_load %arg18[%get3A_68] {strides = array<i32>} : memref<3136xf32, #tpu.memory_space<vmem>>, vector<16xf32>,
      %get3A_70 = vector.shape_cast %get3A_69 : vector<16xf32> to vector<16xf32>
      %mul3A_71 = arith.constant 1.000000e-01 : f32
      %mul3A_72 = vector.broadcast %mul3A_71 : f32 to vector<16xf32>
      %mul3A_73 = arith.mulf %add3A_53, %mul3A_72 : vector<16xf32>
      %add3A_74 = arith.addf %get3A_70, %mul3A_73 : vector<16xf32>
      %swap3A_75 = arith.index_cast %mul3A_23 : i32 to index
      %swap3A_76 = tpu.vector_load %arg23[%swap3A_75] {strides = array<i32>} : memref<3136xf32, #tpu.memory_space<vmem>>, vector<16xf32>,
      %swap3A_77 = vector.shape_cast %swap3A_76 : vector<16xf32> to vector<16xf32>
      %swap3A_78 = vector.shape_cast %add3A_74 : vector<16xf32> to vector<16xf32>
      tpu.vector_store %arg23[%swap3A_75], %swap3A_78 {strides = array<i32>} : memref<3136xf32, #tpu.memory_space<vmem>>, vector<16xf32>,
      %get3A_79 = arith.index_cast %mul3A_23 : i32 to index
      %get3A_80 = tpu.vector_load %arg19[%get3A_79] {strides = array<i32>} : memref<3136xf32, #tpu.memory_space<vmem>>, vector<16xf32>,
      %get3A_81 = vector.shape_cast %get3A_80 : vector<16xf32> to vector<16xf32>
      %mul3A_82 = arith.constant 1.000000e-01 : f32
      %mul3A_83 = vector.broadcast %mul3A_82 : f32 to vector<16xf32>
      %mul3A_84 = arith.mulf %add3A_60, %mul3A_83 : vector<16xf32>
      %add3A_85 = arith.addf %get3A_81, %mul3A_84 : vector<16xf32>
      %swap3A_86 = arith.index_cast %mul3A_23 : i32 to index
      %swap3A_87 = tpu.vector_load %arg24[%swap3A_86] {strides = array<i32>} : memref<3136xf32, #tpu.memory_space<vmem>>, vector<16xf32>,
      %swap3A_88 = vector.shape_cast %swap3A_87 : vector<16xf32> to vector<16xf32>
      %swap3A_89 = vector.shape_cast %add3A_85 : vector<16xf32> to vector<16xf32>
      tpu.vector_store %arg24[%swap3A_86], %swap3A_89 {strides = array<i32>} : memref<3136xf32, #tpu.memory_space<vmem>>, vector<16xf32>,
    }
    %scan3A_20 = arith.constant 196 : i32
    "tpu.region"() ({
      %run_scoped3A = tpu.sem_alloc : memref<!tpu.dma_semaphore, #tpu.memory_space<semaphore_mem>>
      %dma_start3A = tpu.memref_slice %arg10[%mul3A_2] : memref<100352xf32, #tpu.memory_space<hbm>> -> memref<3136xf32, #tpu.memory_space<hbm>>
      %dma_start3A_21 = tpu.memref_slice %arg10[%mul3A_2] : memref<100352xf32, #tpu.memory_space<hbm>> -> memref<3136xf32, #tpu.memory_space<hbm>>
      tpu.enqueue_dma source(%arg23 : memref<3136xf32, #tpu.memory_space<vmem>>) target(%dma_start3A_21 : memref<3136xf32, #tpu.memory_space<hbm>>) target_semaphore(%run_scoped3A : memref<!tpu.dma_semaphore, #tpu.memory_space<semaphore_mem>>)
      %dma_wait3A = tpu.memref_slice %arg10[%mul3A_2] : memref<100352xf32, #tpu.memory_space<hbm>> -> memref<3136xf32, #tpu.memory_space<hbm>>
      %dma_wait3A_22 = tpu.memref_slice %arg10[%mul3A_2] : memref<100352xf32, #tpu.memory_space<hbm>> -> memref<3136xf32, #tpu.memory_space<hbm>>
      tpu.wait_dma2 semaphore(%run_scoped3A : memref<!tpu.dma_semaphore, #tpu.memory_space<semaphore_mem>>) src(%arg23 : memref<3136xf32, #tpu.memory_space<vmem>>) dst(%dma_wait3A_22 : memref<3136xf32, #tpu.memory_space<hbm>>)
      tpu.yield
    }) : () -> ()
    "tpu.region"() ({
      %run_scoped3A = tpu.sem_alloc : memref<!tpu.dma_semaphore, #tpu.memory_space<semaphore_mem>>
      %dma_start3A = tpu.memref_slice %arg11[%mul3A_2] : memref<100352xf32, #tpu.memory_space<hbm>> -> memref<3136xf32, #tpu.memory_space<hbm>>
      %dma_start3A_21 = tpu.memref_slice %arg11[%mul3A_2] : memref<100352xf32, #tpu.memory_space<hbm>> -> memref<3136xf32, #tpu.memory_space<hbm>>
      tpu.enqueue_dma source(%arg24 : memref<3136xf32, #tpu.memory_space<vmem>>) target(%dma_start3A_21 : memref<3136xf32, #tpu.memory_space<hbm>>) target_semaphore(%run_scoped3A : memref<!tpu.dma_semaphore, #tpu.memory_space<semaphore_mem>>)
      %dma_wait3A = tpu.memref_slice %arg11[%mul3A_2] : memref<100352xf32, #tpu.memory_space<hbm>> -> memref<3136xf32, #tpu.memory_space<hbm>>
      %dma_wait3A_22 = tpu.memref_slice %arg11[%mul3A_2] : memref<100352xf32, #tpu.memory_space<hbm>> -> memref<3136xf32, #tpu.memory_space<hbm>>
      tpu.wait_dma2 semaphore(%run_scoped3A : memref<!tpu.dma_semaphore, #tpu.memory_space<semaphore_mem>>) src(%arg24 : memref<3136xf32, #tpu.memory_space<vmem>>) dst(%dma_wait3A_22 : memref<3136xf32, #tpu.memory_space<hbm>>)
      tpu.yield
    }) : () -> ()
    "tpu.region"() ({
      %run_scoped3A = tpu.sem_alloc : memref<!tpu.dma_semaphore, #tpu.memory_space<semaphore_mem>>
      %dma_start3A = tpu.memref_slice %arg12[%mul3A_2] : memref<100352xf32, #tpu.memory_space<hbm>> -> memref<3136xf32, #tpu.memory_space<hbm>>
      %dma_start3A_21 = tpu.memref_slice %arg12[%mul3A_2] : memref<100352xf32, #tpu.memory_space<hbm>> -> memref<3136xf32, #tpu.memory_space<hbm>>
      tpu.enqueue_dma source(%arg25 : memref<3136xf32, #tpu.memory_space<vmem>>) target(%dma_start3A_21 : memref<3136xf32, #tpu.memory_space<hbm>>) target_semaphore(%run_scoped3A : memref<!tpu.dma_semaphore, #tpu.memory_space<semaphore_mem>>)
      %dma_wait3A = tpu.memref_slice %arg12[%mul3A_2] : memref<100352xf32, #tpu.memory_space<hbm>> -> memref<3136xf32, #tpu.memory_space<hbm>>
      %dma_wait3A_22 = tpu.memref_slice %arg12[%mul3A_2] : memref<100352xf32, #tpu.memory_space<hbm>> -> memref<3136xf32, #tpu.memory_space<hbm>>
      tpu.wait_dma2 semaphore(%run_scoped3A : memref<!tpu.dma_semaphore, #tpu.memory_space<semaphore_mem>>) src(%arg25 : memref<3136xf32, #tpu.memory_space<vmem>>) dst(%dma_wait3A_22 : memref<3136xf32, #tpu.memory_space<hbm>>)
      tpu.yield
    }) : () -> ()
    "tpu.region"() ({
      %run_scoped3A = tpu.sem_alloc : memref<!tpu.dma_semaphore, #tpu.memory_space<semaphore_mem>>
      %dma_start3A = tpu.memref_slice %arg13[%mul3A_2] : memref<100352xf32, #tpu.memory_space<hbm>> -> memref<3136xf32, #tpu.memory_space<hbm>>
      %dma_start3A_21 = tpu.memref_slice %arg13[%mul3A_2] : memref<100352xf32, #tpu.memory_space<hbm>> -> memref<3136xf32, #tpu.memory_space<hbm>>
      tpu.enqueue_dma source(%arg26 : memref<3136xf32, #tpu.memory_space<vmem>>) target(%dma_start3A_21 : memref<3136xf32, #tpu.memory_space<hbm>>) target_semaphore(%run_scoped3A : memref<!tpu.dma_semaphore, #tpu.memory_space<semaphore_mem>>)
      %dma_wait3A = tpu.memref_slice %arg13[%mul3A_2] : memref<100352xf32, #tpu.memory_space<hbm>> -> memref<3136xf32, #tpu.memory_space<hbm>>
      %dma_wait3A_22 = tpu.memref_slice %arg13[%mul3A_2] : memref<100352xf32, #tpu.memory_space<hbm>> -> memref<3136xf32, #tpu.memory_space<hbm>>
      tpu.wait_dma2 semaphore(%run_scoped3A : memref<!tpu.dma_semaphore, #tpu.memory_space<semaphore_mem>>) src(%arg26 : memref<3136xf32, #tpu.memory_space<vmem>>) dst(%dma_wait3A_22 : memref<3136xf32, #tpu.memory_space<hbm>>)
      tpu.yield
    }) : () -> ()
    return
  }
}

#map = affine_map<(d0, d1) -> (0)>
module attributes {stable_mosaic.version = 14 : i64} {
  func.func @_edge_body(%arg0: i32, %arg1: i32, %arg2: memref<100352xi32, #tpu.memory_space<hbm>>, %arg3: memref<6400000xi32, #tpu.memory_space<hbm>>, %arg4: memref<6400000xi32, #tpu.memory_space<hbm>>, %arg5: memref<6400000xf32, #tpu.memory_space<hbm>>, %arg6: memref<6400000xf32, #tpu.memory_space<hbm>>, %arg7: memref<100352xf32, #tpu.memory_space<hbm>>, %arg8: memref<401408xf32, #tpu.memory_space<hbm>>, %arg9: memref<100352xi32, #tpu.memory_space<vmem_shared>>, %arg10: memref<100352xf32, #tpu.memory_space<vmem_shared>>, %arg11: memref<100352xf32, #tpu.memory_space<vmem_shared>>, %arg12: memref<2000xi32, #tpu.memory_space<vmem>>, %arg13: memref<2000xi32, #tpu.memory_space<vmem>>, %arg14: memref<2000xi32, #tpu.memory_space<vmem>>, %arg15: memref<2000xi32, #tpu.memory_space<vmem>>, %arg16: memref<2000xi32, #tpu.memory_space<vmem>>, %arg17: memref<2000xi32, #tpu.memory_space<vmem>>, %arg18: memref<2000xi32, #tpu.memory_space<vmem>>, %arg19: memref<2000xi32, #tpu.memory_space<vmem>>, %arg20: memref<2000xi32, #tpu.memory_space<vmem>>, %arg21: memref<2000xi32, #tpu.memory_space<vmem>>, %arg22: memref<2000xi32, #tpu.memory_space<vmem>>, %arg23: memref<2000xi32, #tpu.memory_space<vmem>>, %arg24: memref<2000xf32, #tpu.memory_space<vmem>>, %arg25: memref<2000xf32, #tpu.memory_space<vmem>>, %arg26: memref<2000xf32, #tpu.memory_space<vmem>>, %arg27: memref<2000xf32, #tpu.memory_space<vmem>>, %arg28: memref<2000xf32, #tpu.memory_space<vmem>>, %arg29: memref<2000xf32, #tpu.memory_space<vmem>>, %arg30: memref<2000xf32, #tpu.memory_space<vmem>>, %arg31: memref<2000xf32, #tpu.memory_space<vmem>>, %arg32: memref<2000xf32, #tpu.memory_space<vmem>>, %arg33: memref<2000xf32, #tpu.memory_space<vmem>>, %arg34: memref<2000xf32, #tpu.memory_space<vmem>>, %arg35: memref<2000xf32, #tpu.memory_space<vmem>>, %arg36: memref<!tpu.dma_semaphore, #tpu.memory_space<semaphore_mem>>, %arg37: memref<!tpu.dma_semaphore, #tpu.memory_space<semaphore_mem>>, %arg38: memref<!tpu.dma_semaphore, #tpu.memory_space<semaphore_mem>>, %arg39: memref<!tpu.dma_semaphore, #tpu.memory_space<semaphore_mem>>, %arg40: memref<!tpu.dma_semaphore, #tpu.memory_space<semaphore_mem>>, %arg41: memref<!tpu.dma_semaphore, #tpu.memory_space<semaphore_mem>>, %arg42: memref<!tpu.dma_semaphore, #tpu.memory_space<semaphore_mem>>, %arg43: memref<!tpu.dma_semaphore, #tpu.memory_space<semaphore_mem>>, %arg44: memref<!tpu.dma_semaphore, #tpu.memory_space<semaphore_mem>>) attributes {dimension_semantics = [#tpu.dimension_semantics<core_parallel>, #tpu.dimension_semantics<subcore_parallel>], iteration_bounds = array<i64: 2, 16>, scalar_prefetch = 0 : i64, scratch_operands = 36 : i64, tpu.core_type = #tpu.core_type<sc_vector_subcore>, window_params = [{transform_indices = #map}, {transform_indices = #map}, {transform_indices = #map}, {transform_indices = #map}, {transform_indices = #map}, {transform_indices = #map}, {transform_indices = #map}]} {
    %mul3A = arith.constant 2 : i32
    %mul3A_0 = arith.muli %arg1, %mul3A : i32
    %add3A = arith.addi %mul3A_0, %arg0 : i32
    %eq3A = arith.constant 0 : i32
    %eq3A_1 = arith.cmpi eq, %arg1, %eq3A : i32
    %convert_element_type3A = arith.extui %eq3A_1 : i1 to i32
    %cond3A = arith.constant 0 : i32
    %cond3A_2 = arith.cmpi ne, %convert_element_type3A, %cond3A : i32
    scf.if %cond3A_2 {
      "tpu.region"() ({
        %run_scoped3A = tpu.sem_alloc : memref<!tpu.dma_semaphore, #tpu.memory_space<semaphore_mem>>
        tpu.enqueue_dma source(%arg2 : memref<100352xi32, #tpu.memory_space<hbm>>) target(%arg9 : memref<100352xi32, #tpu.memory_space<vmem_shared>>) target_semaphore(%run_scoped3A : memref<!tpu.dma_semaphore, #tpu.memory_space<semaphore_mem>>)
        tpu.wait_dma2 semaphore(%run_scoped3A : memref<!tpu.dma_semaphore, #tpu.memory_space<semaphore_mem>>) src(%arg2 : memref<100352xi32, #tpu.memory_space<hbm>>) dst(%arg9 : memref<100352xi32, #tpu.memory_space<vmem_shared>>)
        tpu.yield
      }) : () -> ()
      "tpu.region"() ({
        %run_scoped3A = tpu.sem_alloc : memref<!tpu.dma_semaphore, #tpu.memory_space<semaphore_mem>>
        tpu.enqueue_dma source(%arg7 : memref<100352xf32, #tpu.memory_space<hbm>>) target(%arg10 : memref<100352xf32, #tpu.memory_space<vmem_shared>>) target_semaphore(%run_scoped3A : memref<!tpu.dma_semaphore, #tpu.memory_space<semaphore_mem>>)
        tpu.wait_dma2 semaphore(%run_scoped3A : memref<!tpu.dma_semaphore, #tpu.memory_space<semaphore_mem>>) src(%arg7 : memref<100352xf32, #tpu.memory_space<hbm>>) dst(%arg10 : memref<100352xf32, #tpu.memory_space<vmem_shared>>)
        tpu.yield
      }) : () -> ()
      "tpu.region"() ({
        %run_scoped3A = tpu.sem_alloc : memref<!tpu.dma_semaphore, #tpu.memory_space<semaphore_mem>>
        tpu.enqueue_dma source(%arg7 : memref<100352xf32, #tpu.memory_space<hbm>>) target(%arg11 : memref<100352xf32, #tpu.memory_space<vmem_shared>>) target_semaphore(%run_scoped3A : memref<!tpu.dma_semaphore, #tpu.memory_space<semaphore_mem>>)
        tpu.wait_dma2 semaphore(%run_scoped3A : memref<!tpu.dma_semaphore, #tpu.memory_space<semaphore_mem>>) src(%arg7 : memref<100352xf32, #tpu.memory_space<hbm>>) dst(%arg11 : memref<100352xf32, #tpu.memory_space<vmem_shared>>)
        tpu.yield
      }) : () -> ()
    } else {
    }
    %barrier3A = arith.constant 0 : index
    tpu.barrier barrier_id(%barrier3A)
    %mul3A_3 = arith.constant 200000 : i32
    %mul3A_4 = arith.muli %add3A, %mul3A_3 : i32
    %add3A_5 = arith.constant 0 : i32
    %add3A_6 = arith.addi %mul3A_4, %add3A_5 : i32
    %dma_start3A = tpu.memref_slice %arg3[%add3A_6] : memref<6400000xi32, #tpu.memory_space<hbm>> -> memref<2000xi32, #tpu.memory_space<hbm>>
    %dma_start3A_7 = tpu.memref_slice %arg3[%add3A_6] : memref<6400000xi32, #tpu.memory_space<hbm>> -> memref<2000xi32, #tpu.memory_space<hbm>>
    tpu.enqueue_dma source(%dma_start3A_7 : memref<2000xi32, #tpu.memory_space<hbm>>) target(%arg12 : memref<2000xi32, #tpu.memory_space<vmem>>) target_semaphore(%arg36 : memref<!tpu.dma_semaphore, #tpu.memory_space<semaphore_mem>>)
    %dma_start3A_8 = tpu.memref_slice %arg4[%add3A_6] : memref<6400000xi32, #tpu.memory_space<hbm>> -> memref<2000xi32, #tpu.memory_space<hbm>>
    %dma_start3A_9 = tpu.memref_slice %arg4[%add3A_6] : memref<6400000xi32, #tpu.memory_space<hbm>> -> memref<2000xi32, #tpu.memory_space<hbm>>
    tpu.enqueue_dma source(%dma_start3A_9 : memref<2000xi32, #tpu.memory_space<hbm>>) target(%arg15 : memref<2000xi32, #tpu.memory_space<vmem>>) target_semaphore(%arg36 : memref<!tpu.dma_semaphore, #tpu.memory_space<semaphore_mem>>)
    %dma_start3A_10 = tpu.memref_slice %arg5[%add3A_6] : memref<6400000xf32, #tpu.memory_space<hbm>> -> memref<2000xf32, #tpu.memory_space<hbm>>
    %dma_start3A_11 = tpu.memref_slice %arg5[%add3A_6] : memref<6400000xf32, #tpu.memory_space<hbm>> -> memref<2000xf32, #tpu.memory_space<hbm>>
    tpu.enqueue_dma source(%dma_start3A_11 : memref<2000xf32, #tpu.memory_space<hbm>>) target(%arg24 : memref<2000xf32, #tpu.memory_space<vmem>>) target_semaphore(%arg36 : memref<!tpu.dma_semaphore, #tpu.memory_space<semaphore_mem>>)
    %dma_start3A_12 = tpu.memref_slice %arg6[%add3A_6] : memref<6400000xf32, #tpu.memory_space<hbm>> -> memref<2000xf32, #tpu.memory_space<hbm>>
    %dma_start3A_13 = tpu.memref_slice %arg6[%add3A_6] : memref<6400000xf32, #tpu.memory_space<hbm>> -> memref<2000xf32, #tpu.memory_space<hbm>>
    tpu.enqueue_dma source(%dma_start3A_13 : memref<2000xf32, #tpu.memory_space<hbm>>) target(%arg27 : memref<2000xf32, #tpu.memory_space<vmem>>) target_semaphore(%arg36 : memref<!tpu.dma_semaphore, #tpu.memory_space<semaphore_mem>>)
    %add3A_14 = arith.constant 0 : i32
    %add3A_15 = arith.addi %mul3A_4, %add3A_14 : i32
    %dma_wait3A = tpu.memref_slice %arg3[%add3A_15] : memref<6400000xi32, #tpu.memory_space<hbm>> -> memref<2000xi32, #tpu.memory_space<hbm>>
    %dma_wait3A_16 = tpu.memref_slice %arg3[%add3A_15] : memref<6400000xi32, #tpu.memory_space<hbm>> -> memref<2000xi32, #tpu.memory_space<hbm>>
    tpu.wait_dma2 semaphore(%arg36 : memref<!tpu.dma_semaphore, #tpu.memory_space<semaphore_mem>>) src(%dma_wait3A_16 : memref<2000xi32, #tpu.memory_space<hbm>>) dst(%arg12 : memref<2000xi32, #tpu.memory_space<vmem>>)
    %dma_wait3A_17 = tpu.memref_slice %arg4[%add3A_15] : memref<6400000xi32, #tpu.memory_space<hbm>> -> memref<2000xi32, #tpu.memory_space<hbm>>
    %dma_wait3A_18 = tpu.memref_slice %arg4[%add3A_15] : memref<6400000xi32, #tpu.memory_space<hbm>> -> memref<2000xi32, #tpu.memory_space<hbm>>
    tpu.wait_dma2 semaphore(%arg36 : memref<!tpu.dma_semaphore, #tpu.memory_space<semaphore_mem>>) src(%dma_wait3A_18 : memref<2000xi32, #tpu.memory_space<hbm>>) dst(%arg15 : memref<2000xi32, #tpu.memory_space<vmem>>)
    %dma_wait3A_19 = tpu.memref_slice %arg5[%add3A_15] : memref<6400000xf32, #tpu.memory_space<hbm>> -> memref<2000xf32, #tpu.memory_space<hbm>>
    %dma_wait3A_20 = tpu.memref_slice %arg5[%add3A_15] : memref<6400000xf32, #tpu.memory_space<hbm>> -> memref<2000xf32, #tpu.memory_space<hbm>>
    tpu.wait_dma2 semaphore(%arg36 : memref<!tpu.dma_semaphore, #tpu.memory_space<semaphore_mem>>) src(%dma_wait3A_20 : memref<2000xf32, #tpu.memory_space<hbm>>) dst(%arg24 : memref<2000xf32, #tpu.memory_space<vmem>>)
    %dma_wait3A_21 = tpu.memref_slice %arg6[%add3A_15] : memref<6400000xf32, #tpu.memory_space<hbm>> -> memref<2000xf32, #tpu.memory_space<hbm>>
    %dma_wait3A_22 = tpu.memref_slice %arg6[%add3A_15] : memref<6400000xf32, #tpu.memory_space<hbm>> -> memref<2000xf32, #tpu.memory_space<hbm>>
    tpu.wait_dma2 semaphore(%arg36 : memref<!tpu.dma_semaphore, #tpu.memory_space<semaphore_mem>>) src(%dma_wait3A_22 : memref<2000xf32, #tpu.memory_space<hbm>>) dst(%arg27 : memref<2000xf32, #tpu.memory_space<vmem>>)
    %dma_start3A_23 = arith.constant 0 : i32
    %dma_start3A_24 = tpu.memref_slice %arg9[%dma_start3A_23] : memref<100352xi32, #tpu.memory_space<vmem_shared>> -> memref<100352xi32, #tpu.memory_space<vmem_shared>>
    tpu.enqueue_indirect_dma source(%dma_start3A_24 : memref<100352xi32, #tpu.memory_space<vmem_shared>>) target(%arg18 : memref<2000xi32, #tpu.memory_space<vmem>>) offsets(%arg12 : memref<2000xi32, #tpu.memory_space<vmem>>) semaphore(%arg39 : memref<!tpu.dma_semaphore, #tpu.memory_space<semaphore_mem>>)
    %dma_start3A_25 = arith.constant 0 : i32
    %dma_start3A_26 = tpu.memref_slice %arg9[%dma_start3A_25] : memref<100352xi32, #tpu.memory_space<vmem_shared>> -> memref<100352xi32, #tpu.memory_space<vmem_shared>>
    tpu.enqueue_indirect_dma source(%dma_start3A_26 : memref<100352xi32, #tpu.memory_space<vmem_shared>>) target(%arg21 : memref<2000xi32, #tpu.memory_space<vmem>>) offsets(%arg15 : memref<2000xi32, #tpu.memory_space<vmem>>) semaphore(%arg39 : memref<!tpu.dma_semaphore, #tpu.memory_space<semaphore_mem>>)
    %add3A_27 = arith.constant 2000 : i32
    %add3A_28 = arith.addi %mul3A_4, %add3A_27 : i32
    %dma_start3A_29 = tpu.memref_slice %arg3[%add3A_28] : memref<6400000xi32, #tpu.memory_space<hbm>> -> memref<2000xi32, #tpu.memory_space<hbm>>
    %dma_start3A_30 = tpu.memref_slice %arg3[%add3A_28] : memref<6400000xi32, #tpu.memory_space<hbm>> -> memref<2000xi32, #tpu.memory_space<hbm>>
    tpu.enqueue_dma source(%dma_start3A_30 : memref<2000xi32, #tpu.memory_space<hbm>>) target(%arg13 : memref<2000xi32, #tpu.memory_space<vmem>>) target_semaphore(%arg37 : memref<!tpu.dma_semaphore, #tpu.memory_space<semaphore_mem>>)
    %dma_start3A_31 = tpu.memref_slice %arg4[%add3A_28] : memref<6400000xi32, #tpu.memory_space<hbm>> -> memref<2000xi32, #tpu.memory_space<hbm>>
    %dma_start3A_32 = tpu.memref_slice %arg4[%add3A_28] : memref<6400000xi32, #tpu.memory_space<hbm>> -> memref<2000xi32, #tpu.memory_space<hbm>>
    tpu.enqueue_dma source(%dma_start3A_32 : memref<2000xi32, #tpu.memory_space<hbm>>) target(%arg16 : memref<2000xi32, #tpu.memory_space<vmem>>) target_semaphore(%arg37 : memref<!tpu.dma_semaphore, #tpu.memory_space<semaphore_mem>>)
    %dma_start3A_33 = tpu.memref_slice %arg5[%add3A_28] : memref<6400000xf32, #tpu.memory_space<hbm>> -> memref<2000xf32, #tpu.memory_space<hbm>>
    %dma_start3A_34 = tpu.memref_slice %arg5[%add3A_28] : memref<6400000xf32, #tpu.memory_space<hbm>> -> memref<2000xf32, #tpu.memory_space<hbm>>
    tpu.enqueue_dma source(%dma_start3A_34 : memref<2000xf32, #tpu.memory_space<hbm>>) target(%arg25 : memref<2000xf32, #tpu.memory_space<vmem>>) target_semaphore(%arg37 : memref<!tpu.dma_semaphore, #tpu.memory_space<semaphore_mem>>)
    %dma_start3A_35 = tpu.memref_slice %arg6[%add3A_28] : memref<6400000xf32, #tpu.memory_space<hbm>> -> memref<2000xf32, #tpu.memory_space<hbm>>
    %dma_start3A_36 = tpu.memref_slice %arg6[%add3A_28] : memref<6400000xf32, #tpu.memory_space<hbm>> -> memref<2000xf32, #tpu.memory_space<hbm>>
    tpu.enqueue_dma source(%dma_start3A_36 : memref<2000xf32, #tpu.memory_space<hbm>>) target(%arg28 : memref<2000xf32, #tpu.memory_space<vmem>>) target_semaphore(%arg37 : memref<!tpu.dma_semaphore, #tpu.memory_space<semaphore_mem>>)
    %add3A_37 = arith.constant 2000 : i32
    %add3A_38 = arith.addi %mul3A_4, %add3A_37 : i32
    %dma_wait3A_39 = tpu.memref_slice %arg3[%add3A_38] : memref<6400000xi32, #tpu.memory_space<hbm>> -> memref<2000xi32, #tpu.memory_space<hbm>>
    %dma_wait3A_40 = tpu.memref_slice %arg3[%add3A_38] : memref<6400000xi32, #tpu.memory_space<hbm>> -> memref<2000xi32, #tpu.memory_space<hbm>>
    tpu.wait_dma2 semaphore(%arg37 : memref<!tpu.dma_semaphore, #tpu.memory_space<semaphore_mem>>) src(%dma_wait3A_40 : memref<2000xi32, #tpu.memory_space<hbm>>) dst(%arg13 : memref<2000xi32, #tpu.memory_space<vmem>>)
    %dma_wait3A_41 = tpu.memref_slice %arg4[%add3A_38] : memref<6400000xi32, #tpu.memory_space<hbm>> -> memref<2000xi32, #tpu.memory_space<hbm>>
    %dma_wait3A_42 = tpu.memref_slice %arg4[%add3A_38] : memref<6400000xi32, #tpu.memory_space<hbm>> -> memref<2000xi32, #tpu.memory_space<hbm>>
    tpu.wait_dma2 semaphore(%arg37 : memref<!tpu.dma_semaphore, #tpu.memory_space<semaphore_mem>>) src(%dma_wait3A_42 : memref<2000xi32, #tpu.memory_space<hbm>>) dst(%arg16 : memref<2000xi32, #tpu.memory_space<vmem>>)
    %dma_wait3A_43 = tpu.memref_slice %arg5[%add3A_38] : memref<6400000xf32, #tpu.memory_space<hbm>> -> memref<2000xf32, #tpu.memory_space<hbm>>
    %dma_wait3A_44 = tpu.memref_slice %arg5[%add3A_38] : memref<6400000xf32, #tpu.memory_space<hbm>> -> memref<2000xf32, #tpu.memory_space<hbm>>
    tpu.wait_dma2 semaphore(%arg37 : memref<!tpu.dma_semaphore, #tpu.memory_space<semaphore_mem>>) src(%dma_wait3A_44 : memref<2000xf32, #tpu.memory_space<hbm>>) dst(%arg25 : memref<2000xf32, #tpu.memory_space<vmem>>)
    %dma_wait3A_45 = tpu.memref_slice %arg6[%add3A_38] : memref<6400000xf32, #tpu.memory_space<hbm>> -> memref<2000xf32, #tpu.memory_space<hbm>>
    %dma_wait3A_46 = tpu.memref_slice %arg6[%add3A_38] : memref<6400000xf32, #tpu.memory_space<hbm>> -> memref<2000xf32, #tpu.memory_space<hbm>>
    tpu.wait_dma2 semaphore(%arg37 : memref<!tpu.dma_semaphore, #tpu.memory_space<semaphore_mem>>) src(%dma_wait3A_46 : memref<2000xf32, #tpu.memory_space<hbm>>) dst(%arg28 : memref<2000xf32, #tpu.memory_space<vmem>>)
    %dma_start3A_47 = arith.constant 0 : i32
    %dma_start3A_48 = tpu.memref_slice %arg9[%dma_start3A_47] : memref<100352xi32, #tpu.memory_space<vmem_shared>> -> memref<100352xi32, #tpu.memory_space<vmem_shared>>
    tpu.enqueue_indirect_dma source(%dma_start3A_48 : memref<100352xi32, #tpu.memory_space<vmem_shared>>) target(%arg19 : memref<2000xi32, #tpu.memory_space<vmem>>) offsets(%arg13 : memref<2000xi32, #tpu.memory_space<vmem>>) semaphore(%arg40 : memref<!tpu.dma_semaphore, #tpu.memory_space<semaphore_mem>>)
    %dma_start3A_49 = arith.constant 0 : i32
    %dma_start3A_50 = tpu.memref_slice %arg9[%dma_start3A_49] : memref<100352xi32, #tpu.memory_space<vmem_shared>> -> memref<100352xi32, #tpu.memory_space<vmem_shared>>
    tpu.enqueue_indirect_dma source(%dma_start3A_50 : memref<100352xi32, #tpu.memory_space<vmem_shared>>) target(%arg22 : memref<2000xi32, #tpu.memory_space<vmem>>) offsets(%arg16 : memref<2000xi32, #tpu.memory_space<vmem>>) semaphore(%arg40 : memref<!tpu.dma_semaphore, #tpu.memory_space<semaphore_mem>>)
    %dma_wait3A_51 = arith.constant 0 : i32
    %dma_wait3A_52 = tpu.memref_slice %arg9[%dma_wait3A_51] : memref<100352xi32, #tpu.memory_space<vmem_shared>> -> memref<100352xi32, #tpu.memory_space<vmem_shared>>
    tpu.wait_indirect_dma semaphore(%arg39 : memref<!tpu.dma_semaphore, #tpu.memory_space<semaphore_mem>>) src(%dma_wait3A_52 : memref<100352xi32, #tpu.memory_space<vmem_shared>>) dst(%arg18 : memref<2000xi32, #tpu.memory_space<vmem>>)
    %dma_wait3A_53 = arith.constant 0 : i32
    %dma_wait3A_54 = tpu.memref_slice %arg9[%dma_wait3A_53] : memref<100352xi32, #tpu.memory_space<vmem_shared>> -> memref<100352xi32, #tpu.memory_space<vmem_shared>>
    tpu.wait_indirect_dma semaphore(%arg39 : memref<!tpu.dma_semaphore, #tpu.memory_space<semaphore_mem>>) src(%dma_wait3A_54 : memref<100352xi32, #tpu.memory_space<vmem_shared>>) dst(%arg21 : memref<2000xi32, #tpu.memory_space<vmem>>)
    %scan3A = arith.constant 0 : i32
    %scan3A_55 = arith.constant 0 : i32
    %scan3A_56 = arith.constant 125 : i32
    %scan3A_57 = arith.addi %scan3A_55, %scan3A_56 : i32
    %scan3A_58 = arith.constant 1 : i32
    scf.for %scan3A_197 = %scan3A_55 to %scan3A_57 step %scan3A_58  : i32 {
      %mul3A_198 = arith.constant 16 : i32
      %mul3A_199 = arith.muli %scan3A_197, %mul3A_198 : i32
      %get3A = arith.index_cast %mul3A_199 : i32 to index
      %get3A_200 = tpu.vector_load %arg18[%get3A] {strides = array<i32>} : memref<2000xi32, #tpu.memory_space<vmem>>, vector<16xi32>,
      %get3A_201 = vector.shape_cast %get3A_200 : vector<16xi32> to vector<16xi32>
      %get3A_202 = arith.index_cast %mul3A_199 : i32 to index
      %get3A_203 = tpu.vector_load %arg21[%get3A_202] {strides = array<i32>} : memref<2000xi32, #tpu.memory_space<vmem>>, vector<16xi32>,
      %get3A_204 = vector.shape_cast %get3A_203 : vector<16xi32> to vector<16xi32>
      %and3A = arith.constant 32767 : i32
      %and3A_205 = vector.broadcast %and3A : i32 to vector<16xi32>
      %and3A_206 = arith.andi %get3A_204, %and3A_205 : vector<16xi32>
      %shift_left3A = arith.constant 13 : i32
      %shift_left3A_207 = vector.broadcast %shift_left3A : i32 to vector<16xi32>
      %shift_left3A_208 = arith.shli %and3A_206, %shift_left3A_207 : vector<16xi32>
      %and3A_209 = arith.constant 32768 : i32
      %and3A_210 = vector.broadcast %and3A_209 : i32 to vector<16xi32>
      %and3A_211 = arith.andi %get3A_204, %and3A_210 : vector<16xi32>
      %shift_left3A_212 = arith.constant 16 : i32
      %shift_left3A_213 = vector.broadcast %shift_left3A_212 : i32 to vector<16xi32>
      %shift_left3A_214 = arith.shli %and3A_211, %shift_left3A_213 : vector<16xi32>
      %or3A = arith.ori %shift_left3A_208, %shift_left3A_214 : vector<16xi32>
      %bitcast_convert_type3A = tpu.bitcast %or3A : vector<16xi32> -> vector<16xf32>
      %mul3A_215 = arith.constant 5.19229686E+33 : f32
      %mul3A_216 = vector.broadcast %mul3A_215 : f32 to vector<16xf32>
      %mul3A_217 = arith.mulf %bitcast_convert_type3A, %mul3A_216 : vector<16xf32>
      %and3A_218 = arith.constant 32767 : i32
      %and3A_219 = vector.broadcast %and3A_218 : i32 to vector<16xi32>
      %and3A_220 = arith.andi %get3A_201, %and3A_219 : vector<16xi32>
      %shift_left3A_221 = arith.constant 13 : i32
      %shift_left3A_222 = vector.broadcast %shift_left3A_221 : i32 to vector<16xi32>
      %shift_left3A_223 = arith.shli %and3A_220, %shift_left3A_222 : vector<16xi32>
      %and3A_224 = arith.constant 32768 : i32
      %and3A_225 = vector.broadcast %and3A_224 : i32 to vector<16xi32>
      %and3A_226 = arith.andi %get3A_201, %and3A_225 : vector<16xi32>
      %shift_left3A_227 = arith.constant 16 : i32
      %shift_left3A_228 = vector.broadcast %shift_left3A_227 : i32 to vector<16xi32>
      %shift_left3A_229 = arith.shli %and3A_226, %shift_left3A_228 : vector<16xi32>
      %or3A_230 = arith.ori %shift_left3A_223, %shift_left3A_229 : vector<16xi32>
      %bitcast_convert_type3A_231 = tpu.bitcast %or3A_230 : vector<16xi32> -> vector<16xf32>
      %mul3A_232 = arith.constant 5.19229686E+33 : f32
      %mul3A_233 = vector.broadcast %mul3A_232 : f32 to vector<16xf32>
      %mul3A_234 = arith.mulf %bitcast_convert_type3A_231, %mul3A_233 : vector<16xf32>
      %sub3A = arith.subf %mul3A_217, %mul3A_234 : vector<16xf32>
      %shift_right_logical3A = arith.constant 16 : i32
      %shift_right_logical3A_235 = vector.broadcast %shift_right_logical3A : i32 to vector<16xi32>
      %shift_right_logical3A_236 = arith.shrui %get3A_204, %shift_right_logical3A_235 : vector<16xi32>
      %and3A_237 = arith.constant 32767 : i32
      %and3A_238 = vector.broadcast %and3A_237 : i32 to vector<16xi32>
      %and3A_239 = arith.andi %shift_right_logical3A_236, %and3A_238 : vector<16xi32>
      %shift_left3A_240 = arith.constant 13 : i32
      %shift_left3A_241 = vector.broadcast %shift_left3A_240 : i32 to vector<16xi32>
      %shift_left3A_242 = arith.shli %and3A_239, %shift_left3A_241 : vector<16xi32>
      %and3A_243 = arith.constant 32768 : i32
      %and3A_244 = vector.broadcast %and3A_243 : i32 to vector<16xi32>
      %and3A_245 = arith.andi %shift_right_logical3A_236, %and3A_244 : vector<16xi32>
      %shift_left3A_246 = arith.constant 16 : i32
      %shift_left3A_247 = vector.broadcast %shift_left3A_246 : i32 to vector<16xi32>
      %shift_left3A_248 = arith.shli %and3A_245, %shift_left3A_247 : vector<16xi32>
      %or3A_249 = arith.ori %shift_left3A_242, %shift_left3A_248 : vector<16xi32>
      %bitcast_convert_type3A_250 = tpu.bitcast %or3A_249 : vector<16xi32> -> vector<16xf32>
      %mul3A_251 = arith.constant 5.19229686E+33 : f32
      %mul3A_252 = vector.broadcast %mul3A_251 : f32 to vector<16xf32>
      %mul3A_253 = arith.mulf %bitcast_convert_type3A_250, %mul3A_252 : vector<16xf32>
      %shift_right_logical3A_254 = arith.constant 16 : i32
      %shift_right_logical3A_255 = vector.broadcast %shift_right_logical3A_254 : i32 to vector<16xi32>
      %shift_right_logical3A_256 = arith.shrui %get3A_201, %shift_right_logical3A_255 : vector<16xi32>
      %and3A_257 = arith.constant 32767 : i32
      %and3A_258 = vector.broadcast %and3A_257 : i32 to vector<16xi32>
      %and3A_259 = arith.andi %shift_right_logical3A_256, %and3A_258 : vector<16xi32>
      %shift_left3A_260 = arith.constant 13 : i32
      %shift_left3A_261 = vector.broadcast %shift_left3A_260 : i32 to vector<16xi32>
      %shift_left3A_262 = arith.shli %and3A_259, %shift_left3A_261 : vector<16xi32>
      %and3A_263 = arith.constant 32768 : i32
      %and3A_264 = vector.broadcast %and3A_263 : i32 to vector<16xi32>
      %and3A_265 = arith.andi %shift_right_logical3A_256, %and3A_264 : vector<16xi32>
      %shift_left3A_266 = arith.constant 16 : i32
      %shift_left3A_267 = vector.broadcast %shift_left3A_266 : i32 to vector<16xi32>
      %shift_left3A_268 = arith.shli %and3A_265, %shift_left3A_267 : vector<16xi32>
      %or3A_269 = arith.ori %shift_left3A_262, %shift_left3A_268 : vector<16xi32>
      %bitcast_convert_type3A_270 = tpu.bitcast %or3A_269 : vector<16xi32> -> vector<16xf32>
      %mul3A_271 = arith.constant 5.19229686E+33 : f32
      %mul3A_272 = vector.broadcast %mul3A_271 : f32 to vector<16xf32>
      %mul3A_273 = arith.mulf %bitcast_convert_type3A_270, %mul3A_272 : vector<16xf32>
      %sub3A_274 = arith.subf %mul3A_253, %mul3A_273 : vector<16xf32>
      %mul3A_275 = arith.mulf %sub3A, %sub3A : vector<16xf32>
      %mul3A_276 = arith.mulf %sub3A_274, %sub3A_274 : vector<16xf32>
      %add3A_277 = arith.addf %mul3A_275, %mul3A_276 : vector<16xf32>
      %eq3A_278 = arith.constant 0.000000e+00 : f32
      %eq3A_279 = vector.broadcast %eq3A_278 : f32 to vector<16xf32>
      %eq3A_280 = arith.cmpf oeq, %add3A_277, %eq3A_279 : vector<16xf32>
      %get3A_281 = arith.index_cast %mul3A_199 : i32 to index
      %get3A_282 = tpu.vector_load %arg12[%get3A_281] {strides = array<i32>} : memref<2000xi32, #tpu.memory_space<vmem>>, vector<16xi32>,
      %get3A_283 = vector.shape_cast %get3A_282 : vector<16xi32> to vector<16xi32>
      %get3A_284 = arith.index_cast %mul3A_199 : i32 to index
      %get3A_285 = tpu.vector_load %arg15[%get3A_284] {strides = array<i32>} : memref<2000xi32, #tpu.memory_space<vmem>>, vector<16xi32>,
      %get3A_286 = vector.shape_cast %get3A_285 : vector<16xi32> to vector<16xi32>
      %ne3A = arith.cmpi ne, %get3A_283, %get3A_286 : vector<16xi32>
      %and3A_287 = arith.andi %eq3A_280, %ne3A : vector<16xi1>
      %jit3A = arith.constant 1.000000e+00 : f32
      %broadcast_in_dim3A = vector.broadcast %jit3A : f32 to vector<16xf32>
      %select_n3A = arith.select %and3A_287, %broadcast_in_dim3A, %add3A_277 : vector<16xi1>, vector<16xf32>
      %bitcast_convert_type3A_288 = tpu.bitcast %select_n3A : vector<16xf32> -> vector<16xi32>
      %shift_right_arithmetic3A = arith.constant 1 : i32
      %shift_right_arithmetic3A_289 = vector.broadcast %shift_right_arithmetic3A : i32 to vector<16xi32>
      %shift_right_arithmetic3A_290 = arith.shrsi %bitcast_convert_type3A_288, %shift_right_arithmetic3A_289 : vector<16xi32>
      %sub3A_291 = arith.constant 1597463007 : i32
      %sub3A_292 = vector.broadcast %sub3A_291 : i32 to vector<16xi32>
      %sub3A_293 = arith.subi %sub3A_292, %shift_right_arithmetic3A_290 : vector<16xi32>
      %bitcast_convert_type3A_294 = tpu.bitcast %sub3A_293 : vector<16xi32> -> vector<16xf32>
      %mul3A_295 = arith.constant 5.000000e-01 : f32
      %mul3A_296 = vector.broadcast %mul3A_295 : f32 to vector<16xf32>
      %mul3A_297 = arith.mulf %mul3A_296, %select_n3A : vector<16xf32>
      %mul3A_298 = arith.mulf %mul3A_297, %bitcast_convert_type3A_294 : vector<16xf32>
      %mul3A_299 = arith.mulf %mul3A_298, %bitcast_convert_type3A_294 : vector<16xf32>
      %sub3A_300 = arith.constant 1.500000e+00 : f32
      %sub3A_301 = vector.broadcast %sub3A_300 : f32 to vector<16xf32>
      %sub3A_302 = arith.subf %sub3A_301, %mul3A_299 : vector<16xf32>
      %mul3A_303 = arith.mulf %bitcast_convert_type3A_294, %sub3A_302 : vector<16xf32>
      %mul3A_304 = arith.constant 5.000000e-01 : f32
      %mul3A_305 = vector.broadcast %mul3A_304 : f32 to vector<16xf32>
      %mul3A_306 = arith.mulf %mul3A_305, %select_n3A : vector<16xf32>
      %mul3A_307 = arith.mulf %mul3A_306, %mul3A_303 : vector<16xf32>
      %mul3A_308 = arith.mulf %mul3A_307, %mul3A_303 : vector<16xf32>
      %sub3A_309 = arith.constant 1.500000e+00 : f32
      %sub3A_310 = vector.broadcast %sub3A_309 : f32 to vector<16xf32>
      %sub3A_311 = arith.subf %sub3A_310, %mul3A_308 : vector<16xf32>
      %mul3A_312 = arith.mulf %mul3A_303, %sub3A_311 : vector<16xf32>
      %mul3A_313 = arith.mulf %select_n3A, %mul3A_312 : vector<16xf32>
      %get3A_314 = arith.index_cast %mul3A_199 : i32 to index
      %get3A_315 = tpu.vector_load %arg24[%get3A_314] {strides = array<i32>} : memref<2000xf32, #tpu.memory_space<vmem>>, vector<16xf32>,
      %get3A_316 = vector.shape_cast %get3A_315 : vector<16xf32> to vector<16xf32>
      %neg3A = arith.constant 0.000000e+00 : f32
      %neg3A_317 = vector.broadcast %neg3A : f32 to vector<16xf32>
      %neg3A_318 = arith.subf %neg3A_317, %get3A_316 : vector<16xf32>
      %get3A_319 = arith.index_cast %mul3A_199 : i32 to index
      %get3A_320 = tpu.vector_load %arg27[%get3A_319] {strides = array<i32>} : memref<2000xf32, #tpu.memory_space<vmem>>, vector<16xf32>,
      %get3A_321 = vector.shape_cast %get3A_320 : vector<16xf32> to vector<16xf32>
      %sub3A_322 = arith.subf %mul3A_313, %get3A_321 : vector<16xf32>
      %mul3A_323 = arith.mulf %neg3A_318, %sub3A_322 : vector<16xf32>
      %div3A = arith.divf %mul3A_323, %mul3A_313 : vector<16xf32>
      %mul3A_324 = arith.mulf %div3A, %sub3A : vector<16xf32>
      %swap3A = arith.index_cast %mul3A_199 : i32 to index
      %swap3A_325 = tpu.vector_load %arg30[%swap3A] {strides = array<i32>} : memref<2000xf32, #tpu.memory_space<vmem>>, vector<16xf32>,
      %swap3A_326 = vector.shape_cast %swap3A_325 : vector<16xf32> to vector<16xf32>
      %swap3A_327 = vector.shape_cast %mul3A_324 : vector<16xf32> to vector<16xf32>
      tpu.vector_store %arg30[%swap3A], %swap3A_327 {strides = array<i32>} : memref<2000xf32, #tpu.memory_space<vmem>>, vector<16xf32>,
      %mul3A_328 = arith.mulf %div3A, %sub3A_274 : vector<16xf32>
      %swap3A_329 = arith.index_cast %mul3A_199 : i32 to index
      %swap3A_330 = tpu.vector_load %arg33[%swap3A_329] {strides = array<i32>} : memref<2000xf32, #tpu.memory_space<vmem>>, vector<16xf32>,
      %swap3A_331 = vector.shape_cast %swap3A_330 : vector<16xf32> to vector<16xf32>
      %swap3A_332 = vector.shape_cast %mul3A_328 : vector<16xf32> to vector<16xf32>
      tpu.vector_store %arg33[%swap3A_329], %swap3A_332 {strides = array<i32>} : memref<2000xf32, #tpu.memory_space<vmem>>, vector<16xf32>,
    }
    %scan3A_59 = arith.constant 125 : i32
    %dma_start3A_60 = arith.constant 0 : i32
    %dma_start3A_61 = tpu.memref_slice %arg10[%dma_start3A_60] : memref<100352xf32, #tpu.memory_space<vmem_shared>> -> memref<100352xf32, #tpu.memory_space<vmem_shared>>
    tpu.enqueue_indirect_dma source(%arg30 : memref<2000xf32, #tpu.memory_space<vmem>>) target(%dma_start3A_61 : memref<100352xf32, #tpu.memory_space<vmem_shared>>) offsets(%arg15 : memref<2000xi32, #tpu.memory_space<vmem>>) semaphore(%arg42 : memref<!tpu.dma_semaphore, #tpu.memory_space<semaphore_mem>>) {add = true}
    %dma_start3A_62 = arith.constant 0 : i32
    %dma_start3A_63 = tpu.memref_slice %arg11[%dma_start3A_62] : memref<100352xf32, #tpu.memory_space<vmem_shared>> -> memref<100352xf32, #tpu.memory_space<vmem_shared>>
    tpu.enqueue_indirect_dma source(%arg33 : memref<2000xf32, #tpu.memory_space<vmem>>) target(%dma_start3A_63 : memref<100352xf32, #tpu.memory_space<vmem_shared>>) offsets(%arg15 : memref<2000xi32, #tpu.memory_space<vmem>>) semaphore(%arg42 : memref<!tpu.dma_semaphore, #tpu.memory_space<semaphore_mem>>) {add = true}
    %add3A_64 = arith.constant 4000 : i32
    %add3A_65 = arith.addi %mul3A_4, %add3A_64 : i32
    %dma_start3A_66 = tpu.memref_slice %arg3[%add3A_65] : memref<6400000xi32, #tpu.memory_space<hbm>> -> memref<2000xi32, #tpu.memory_space<hbm>>
    %dma_start3A_67 = tpu.memref_slice %arg3[%add3A_65] : memref<6400000xi32, #tpu.memory_space<hbm>> -> memref<2000xi32, #tpu.memory_space<hbm>>
    tpu.enqueue_dma source(%dma_start3A_67 : memref<2000xi32, #tpu.memory_space<hbm>>) target(%arg14 : memref<2000xi32, #tpu.memory_space<vmem>>) target_semaphore(%arg38 : memref<!tpu.dma_semaphore, #tpu.memory_space<semaphore_mem>>)
    %dma_start3A_68 = tpu.memref_slice %arg4[%add3A_65] : memref<6400000xi32, #tpu.memory_space<hbm>> -> memref<2000xi32, #tpu.memory_space<hbm>>
    %dma_start3A_69 = tpu.memref_slice %arg4[%add3A_65] : memref<6400000xi32, #tpu.memory_space<hbm>> -> memref<2000xi32, #tpu.memory_space<hbm>>
    tpu.enqueue_dma source(%dma_start3A_69 : memref<2000xi32, #tpu.memory_space<hbm>>) target(%arg17 : memref<2000xi32, #tpu.memory_space<vmem>>) target_semaphore(%arg38 : memref<!tpu.dma_semaphore, #tpu.memory_space<semaphore_mem>>)
    %dma_start3A_70 = tpu.memref_slice %arg5[%add3A_65] : memref<6400000xf32, #tpu.memory_space<hbm>> -> memref<2000xf32, #tpu.memory_space<hbm>>
    %dma_start3A_71 = tpu.memref_slice %arg5[%add3A_65] : memref<6400000xf32, #tpu.memory_space<hbm>> -> memref<2000xf32, #tpu.memory_space<hbm>>
    tpu.enqueue_dma source(%dma_start3A_71 : memref<2000xf32, #tpu.memory_space<hbm>>) target(%arg26 : memref<2000xf32, #tpu.memory_space<vmem>>) target_semaphore(%arg38 : memref<!tpu.dma_semaphore, #tpu.memory_space<semaphore_mem>>)
    %dma_start3A_72 = tpu.memref_slice %arg6[%add3A_65] : memref<6400000xf32, #tpu.memory_space<hbm>> -> memref<2000xf32, #tpu.memory_space<hbm>>
    %dma_start3A_73 = tpu.memref_slice %arg6[%add3A_65] : memref<6400000xf32, #tpu.memory_space<hbm>> -> memref<2000xf32, #tpu.memory_space<hbm>>
    tpu.enqueue_dma source(%dma_start3A_73 : memref<2000xf32, #tpu.memory_space<hbm>>) target(%arg29 : memref<2000xf32, #tpu.memory_space<vmem>>) target_semaphore(%arg38 : memref<!tpu.dma_semaphore, #tpu.memory_space<semaphore_mem>>)
    %scan3A_74 = arith.constant 0 : i32
    %scan3A_75 = arith.constant 0 : i32
    %scan3A_76 = arith.constant 32 : i32
    %scan3A_77 = arith.addi %scan3A_75, %scan3A_76 : i32
    %scan3A_78 = arith.constant 1 : i32
    scf.for %scan3A_197 = %scan3A_75 to %scan3A_77 step %scan3A_78  : i32 {
      %mul3A_198 = arith.constant 3 : i32
      %mul3A_199 = arith.muli %mul3A_198, %scan3A_197 : i32
      %add3A_200 = arith.constant 1 : i32
      %add3A_201 = arith.addi %add3A_200, %mul3A_199 : i32
      %add3A_202 = arith.constant 1 : i32
      %add3A_203 = arith.addi %add3A_201, %add3A_202 : i32
      %mul3A_204 = arith.constant 2000 : i32
      %mul3A_205 = arith.muli %add3A_203, %mul3A_204 : i32
      %add3A_206 = arith.addi %mul3A_4, %mul3A_205 : i32
      %dma_wait3A_207 = tpu.memref_slice %arg3[%add3A_206] : memref<6400000xi32, #tpu.memory_space<hbm>> -> memref<2000xi32, #tpu.memory_space<hbm>>
      %dma_wait3A_208 = tpu.memref_slice %arg3[%add3A_206] : memref<6400000xi32, #tpu.memory_space<hbm>> -> memref<2000xi32, #tpu.memory_space<hbm>>
      tpu.wait_dma2 semaphore(%arg38 : memref<!tpu.dma_semaphore, #tpu.memory_space<semaphore_mem>>) src(%dma_wait3A_208 : memref<2000xi32, #tpu.memory_space<hbm>>) dst(%arg14 : memref<2000xi32, #tpu.memory_space<vmem>>)
      %dma_wait3A_209 = tpu.memref_slice %arg4[%add3A_206] : memref<6400000xi32, #tpu.memory_space<hbm>> -> memref<2000xi32, #tpu.memory_space<hbm>>
      %dma_wait3A_210 = tpu.memref_slice %arg4[%add3A_206] : memref<6400000xi32, #tpu.memory_space<hbm>> -> memref<2000xi32, #tpu.memory_space<hbm>>
      tpu.wait_dma2 semaphore(%arg38 : memref<!tpu.dma_semaphore, #tpu.memory_space<semaphore_mem>>) src(%dma_wait3A_210 : memref<2000xi32, #tpu.memory_space<hbm>>) dst(%arg17 : memref<2000xi32, #tpu.memory_space<vmem>>)
      %dma_wait3A_211 = tpu.memref_slice %arg5[%add3A_206] : memref<6400000xf32, #tpu.memory_space<hbm>> -> memref<2000xf32, #tpu.memory_space<hbm>>
      %dma_wait3A_212 = tpu.memref_slice %arg5[%add3A_206] : memref<6400000xf32, #tpu.memory_space<hbm>> -> memref<2000xf32, #tpu.memory_space<hbm>>
      tpu.wait_dma2 semaphore(%arg38 : memref<!tpu.dma_semaphore, #tpu.memory_space<semaphore_mem>>) src(%dma_wait3A_212 : memref<2000xf32, #tpu.memory_space<hbm>>) dst(%arg26 : memref<2000xf32, #tpu.memory_space<vmem>>)
      %dma_wait3A_213 = tpu.memref_slice %arg6[%add3A_206] : memref<6400000xf32, #tpu.memory_space<hbm>> -> memref<2000xf32, #tpu.memory_space<hbm>>
      %dma_wait3A_214 = tpu.memref_slice %arg6[%add3A_206] : memref<6400000xf32, #tpu.memory_space<hbm>> -> memref<2000xf32, #tpu.memory_space<hbm>>
      tpu.wait_dma2 semaphore(%arg38 : memref<!tpu.dma_semaphore, #tpu.memory_space<semaphore_mem>>) src(%dma_wait3A_214 : memref<2000xf32, #tpu.memory_space<hbm>>) dst(%arg29 : memref<2000xf32, #tpu.memory_space<vmem>>)
      %dma_start3A_215 = arith.constant 0 : i32
      %dma_start3A_216 = tpu.memref_slice %arg9[%dma_start3A_215] : memref<100352xi32, #tpu.memory_space<vmem_shared>> -> memref<100352xi32, #tpu.memory_space<vmem_shared>>
      tpu.enqueue_indirect_dma source(%dma_start3A_216 : memref<100352xi32, #tpu.memory_space<vmem_shared>>) target(%arg20 : memref<2000xi32, #tpu.memory_space<vmem>>) offsets(%arg14 : memref<2000xi32, #tpu.memory_space<vmem>>) semaphore(%arg41 : memref<!tpu.dma_semaphore, #tpu.memory_space<semaphore_mem>>)
      %dma_start3A_217 = arith.constant 0 : i32
      %dma_start3A_218 = tpu.memref_slice %arg9[%dma_start3A_217] : memref<100352xi32, #tpu.memory_space<vmem_shared>> -> memref<100352xi32, #tpu.memory_space<vmem_shared>>
      tpu.enqueue_indirect_dma source(%dma_start3A_218 : memref<100352xi32, #tpu.memory_space<vmem_shared>>) target(%arg23 : memref<2000xi32, #tpu.memory_space<vmem>>) offsets(%arg17 : memref<2000xi32, #tpu.memory_space<vmem>>) semaphore(%arg41 : memref<!tpu.dma_semaphore, #tpu.memory_space<semaphore_mem>>)
      %dma_wait3A_219 = arith.constant 0 : i32
      %dma_wait3A_220 = tpu.memref_slice %arg9[%dma_wait3A_219] : memref<100352xi32, #tpu.memory_space<vmem_shared>> -> memref<100352xi32, #tpu.memory_space<vmem_shared>>
      tpu.wait_indirect_dma semaphore(%arg40 : memref<!tpu.dma_semaphore, #tpu.memory_space<semaphore_mem>>) src(%dma_wait3A_220 : memref<100352xi32, #tpu.memory_space<vmem_shared>>) dst(%arg19 : memref<2000xi32, #tpu.memory_space<vmem>>)
      %dma_wait3A_221 = arith.constant 0 : i32
      %dma_wait3A_222 = tpu.memref_slice %arg9[%dma_wait3A_221] : memref<100352xi32, #tpu.memory_space<vmem_shared>> -> memref<100352xi32, #tpu.memory_space<vmem_shared>>
      tpu.wait_indirect_dma semaphore(%arg40 : memref<!tpu.dma_semaphore, #tpu.memory_space<semaphore_mem>>) src(%dma_wait3A_222 : memref<100352xi32, #tpu.memory_space<vmem_shared>>) dst(%arg22 : memref<2000xi32, #tpu.memory_space<vmem>>)
      %scan3A_223 = arith.constant 0 : i32
      %scan3A_224 = arith.constant 0 : i32
      %scan3A_225 = arith.constant 125 : i32
      %scan3A_226 = arith.addi %scan3A_224, %scan3A_225 : i32
      %scan3A_227 = arith.constant 1 : i32
      scf.for %scan3A_350 = %scan3A_224 to %scan3A_226 step %scan3A_227  : i32 {
        %mul3A_351 = arith.constant 16 : i32
        %mul3A_352 = arith.muli %scan3A_350, %mul3A_351 : i32
        %get3A = arith.index_cast %mul3A_352 : i32 to index
        %get3A_353 = tpu.vector_load %arg19[%get3A] {strides = array<i32>} : memref<2000xi32, #tpu.memory_space<vmem>>, vector<16xi32>,
        %get3A_354 = vector.shape_cast %get3A_353 : vector<16xi32> to vector<16xi32>
        %get3A_355 = arith.index_cast %mul3A_352 : i32 to index
        %get3A_356 = tpu.vector_load %arg22[%get3A_355] {strides = array<i32>} : memref<2000xi32, #tpu.memory_space<vmem>>, vector<16xi32>,
        %get3A_357 = vector.shape_cast %get3A_356 : vector<16xi32> to vector<16xi32>
        %and3A = arith.constant 32767 : i32
        %and3A_358 = vector.broadcast %and3A : i32 to vector<16xi32>
        %and3A_359 = arith.andi %get3A_357, %and3A_358 : vector<16xi32>
        %shift_left3A = arith.constant 13 : i32
        %shift_left3A_360 = vector.broadcast %shift_left3A : i32 to vector<16xi32>
        %shift_left3A_361 = arith.shli %and3A_359, %shift_left3A_360 : vector<16xi32>
        %and3A_362 = arith.constant 32768 : i32
        %and3A_363 = vector.broadcast %and3A_362 : i32 to vector<16xi32>
        %and3A_364 = arith.andi %get3A_357, %and3A_363 : vector<16xi32>
        %shift_left3A_365 = arith.constant 16 : i32
        %shift_left3A_366 = vector.broadcast %shift_left3A_365 : i32 to vector<16xi32>
        %shift_left3A_367 = arith.shli %and3A_364, %shift_left3A_366 : vector<16xi32>
        %or3A = arith.ori %shift_left3A_361, %shift_left3A_367 : vector<16xi32>
        %bitcast_convert_type3A = tpu.bitcast %or3A : vector<16xi32> -> vector<16xf32>
        %mul3A_368 = arith.constant 5.19229686E+33 : f32
        %mul3A_369 = vector.broadcast %mul3A_368 : f32 to vector<16xf32>
        %mul3A_370 = arith.mulf %bitcast_convert_type3A, %mul3A_369 : vector<16xf32>
        %and3A_371 = arith.constant 32767 : i32
        %and3A_372 = vector.broadcast %and3A_371 : i32 to vector<16xi32>
        %and3A_373 = arith.andi %get3A_354, %and3A_372 : vector<16xi32>
        %shift_left3A_374 = arith.constant 13 : i32
        %shift_left3A_375 = vector.broadcast %shift_left3A_374 : i32 to vector<16xi32>
        %shift_left3A_376 = arith.shli %and3A_373, %shift_left3A_375 : vector<16xi32>
        %and3A_377 = arith.constant 32768 : i32
        %and3A_378 = vector.broadcast %and3A_377 : i32 to vector<16xi32>
        %and3A_379 = arith.andi %get3A_354, %and3A_378 : vector<16xi32>
        %shift_left3A_380 = arith.constant 16 : i32
        %shift_left3A_381 = vector.broadcast %shift_left3A_380 : i32 to vector<16xi32>
        %shift_left3A_382 = arith.shli %and3A_379, %shift_left3A_381 : vector<16xi32>
        %or3A_383 = arith.ori %shift_left3A_376, %shift_left3A_382 : vector<16xi32>
        %bitcast_convert_type3A_384 = tpu.bitcast %or3A_383 : vector<16xi32> -> vector<16xf32>
        %mul3A_385 = arith.constant 5.19229686E+33 : f32
        %mul3A_386 = vector.broadcast %mul3A_385 : f32 to vector<16xf32>
        %mul3A_387 = arith.mulf %bitcast_convert_type3A_384, %mul3A_386 : vector<16xf32>
        %sub3A = arith.subf %mul3A_370, %mul3A_387 : vector<16xf32>
        %shift_right_logical3A = arith.constant 16 : i32
        %shift_right_logical3A_388 = vector.broadcast %shift_right_logical3A : i32 to vector<16xi32>
        %shift_right_logical3A_389 = arith.shrui %get3A_357, %shift_right_logical3A_388 : vector<16xi32>
        %and3A_390 = arith.constant 32767 : i32
        %and3A_391 = vector.broadcast %and3A_390 : i32 to vector<16xi32>
        %and3A_392 = arith.andi %shift_right_logical3A_389, %and3A_391 : vector<16xi32>
        %shift_left3A_393 = arith.constant 13 : i32
        %shift_left3A_394 = vector.broadcast %shift_left3A_393 : i32 to vector<16xi32>
        %shift_left3A_395 = arith.shli %and3A_392, %shift_left3A_394 : vector<16xi32>
        %and3A_396 = arith.constant 32768 : i32
        %and3A_397 = vector.broadcast %and3A_396 : i32 to vector<16xi32>
        %and3A_398 = arith.andi %shift_right_logical3A_389, %and3A_397 : vector<16xi32>
        %shift_left3A_399 = arith.constant 16 : i32
        %shift_left3A_400 = vector.broadcast %shift_left3A_399 : i32 to vector<16xi32>
        %shift_left3A_401 = arith.shli %and3A_398, %shift_left3A_400 : vector<16xi32>
        %or3A_402 = arith.ori %shift_left3A_395, %shift_left3A_401 : vector<16xi32>
        %bitcast_convert_type3A_403 = tpu.bitcast %or3A_402 : vector<16xi32> -> vector<16xf32>
        %mul3A_404 = arith.constant 5.19229686E+33 : f32
        %mul3A_405 = vector.broadcast %mul3A_404 : f32 to vector<16xf32>
        %mul3A_406 = arith.mulf %bitcast_convert_type3A_403, %mul3A_405 : vector<16xf32>
        %shift_right_logical3A_407 = arith.constant 16 : i32
        %shift_right_logical3A_408 = vector.broadcast %shift_right_logical3A_407 : i32 to vector<16xi32>
        %shift_right_logical3A_409 = arith.shrui %get3A_354, %shift_right_logical3A_408 : vector<16xi32>
        %and3A_410 = arith.constant 32767 : i32
        %and3A_411 = vector.broadcast %and3A_410 : i32 to vector<16xi32>
        %and3A_412 = arith.andi %shift_right_logical3A_409, %and3A_411 : vector<16xi32>
        %shift_left3A_413 = arith.constant 13 : i32
        %shift_left3A_414 = vector.broadcast %shift_left3A_413 : i32 to vector<16xi32>
        %shift_left3A_415 = arith.shli %and3A_412, %shift_left3A_414 : vector<16xi32>
        %and3A_416 = arith.constant 32768 : i32
        %and3A_417 = vector.broadcast %and3A_416 : i32 to vector<16xi32>
        %and3A_418 = arith.andi %shift_right_logical3A_409, %and3A_417 : vector<16xi32>
        %shift_left3A_419 = arith.constant 16 : i32
        %shift_left3A_420 = vector.broadcast %shift_left3A_419 : i32 to vector<16xi32>
        %shift_left3A_421 = arith.shli %and3A_418, %shift_left3A_420 : vector<16xi32>
        %or3A_422 = arith.ori %shift_left3A_415, %shift_left3A_421 : vector<16xi32>
        %bitcast_convert_type3A_423 = tpu.bitcast %or3A_422 : vector<16xi32> -> vector<16xf32>
        %mul3A_424 = arith.constant 5.19229686E+33 : f32
        %mul3A_425 = vector.broadcast %mul3A_424 : f32 to vector<16xf32>
        %mul3A_426 = arith.mulf %bitcast_convert_type3A_423, %mul3A_425 : vector<16xf32>
        %sub3A_427 = arith.subf %mul3A_406, %mul3A_426 : vector<16xf32>
        %mul3A_428 = arith.mulf %sub3A, %sub3A : vector<16xf32>
        %mul3A_429 = arith.mulf %sub3A_427, %sub3A_427 : vector<16xf32>
        %add3A_430 = arith.addf %mul3A_428, %mul3A_429 : vector<16xf32>
        %eq3A_431 = arith.constant 0.000000e+00 : f32
        %eq3A_432 = vector.broadcast %eq3A_431 : f32 to vector<16xf32>
        %eq3A_433 = arith.cmpf oeq, %add3A_430, %eq3A_432 : vector<16xf32>
        %get3A_434 = arith.index_cast %mul3A_352 : i32 to index
        %get3A_435 = tpu.vector_load %arg13[%get3A_434] {strides = array<i32>} : memref<2000xi32, #tpu.memory_space<vmem>>, vector<16xi32>,
        %get3A_436 = vector.shape_cast %get3A_435 : vector<16xi32> to vector<16xi32>
        %get3A_437 = arith.index_cast %mul3A_352 : i32 to index
        %get3A_438 = tpu.vector_load %arg16[%get3A_437] {strides = array<i32>} : memref<2000xi32, #tpu.memory_space<vmem>>, vector<16xi32>,
        %get3A_439 = vector.shape_cast %get3A_438 : vector<16xi32> to vector<16xi32>
        %ne3A = arith.cmpi ne, %get3A_436, %get3A_439 : vector<16xi32>
        %and3A_440 = arith.andi %eq3A_433, %ne3A : vector<16xi1>
        %jit3A = arith.constant 1.000000e+00 : f32
        %broadcast_in_dim3A = vector.broadcast %jit3A : f32 to vector<16xf32>
        %select_n3A = arith.select %and3A_440, %broadcast_in_dim3A, %add3A_430 : vector<16xi1>, vector<16xf32>
        %bitcast_convert_type3A_441 = tpu.bitcast %select_n3A : vector<16xf32> -> vector<16xi32>
        %shift_right_arithmetic3A = arith.constant 1 : i32
        %shift_right_arithmetic3A_442 = vector.broadcast %shift_right_arithmetic3A : i32 to vector<16xi32>
        %shift_right_arithmetic3A_443 = arith.shrsi %bitcast_convert_type3A_441, %shift_right_arithmetic3A_442 : vector<16xi32>
        %sub3A_444 = arith.constant 1597463007 : i32
        %sub3A_445 = vector.broadcast %sub3A_444 : i32 to vector<16xi32>
        %sub3A_446 = arith.subi %sub3A_445, %shift_right_arithmetic3A_443 : vector<16xi32>
        %bitcast_convert_type3A_447 = tpu.bitcast %sub3A_446 : vector<16xi32> -> vector<16xf32>
        %mul3A_448 = arith.constant 5.000000e-01 : f32
        %mul3A_449 = vector.broadcast %mul3A_448 : f32 to vector<16xf32>
        %mul3A_450 = arith.mulf %mul3A_449, %select_n3A : vector<16xf32>
        %mul3A_451 = arith.mulf %mul3A_450, %bitcast_convert_type3A_447 : vector<16xf32>
        %mul3A_452 = arith.mulf %mul3A_451, %bitcast_convert_type3A_447 : vector<16xf32>
        %sub3A_453 = arith.constant 1.500000e+00 : f32
        %sub3A_454 = vector.broadcast %sub3A_453 : f32 to vector<16xf32>
        %sub3A_455 = arith.subf %sub3A_454, %mul3A_452 : vector<16xf32>
        %mul3A_456 = arith.mulf %bitcast_convert_type3A_447, %sub3A_455 : vector<16xf32>
        %mul3A_457 = arith.constant 5.000000e-01 : f32
        %mul3A_458 = vector.broadcast %mul3A_457 : f32 to vector<16xf32>
        %mul3A_459 = arith.mulf %mul3A_458, %select_n3A : vector<16xf32>
        %mul3A_460 = arith.mulf %mul3A_459, %mul3A_456 : vector<16xf32>
        %mul3A_461 = arith.mulf %mul3A_460, %mul3A_456 : vector<16xf32>
        %sub3A_462 = arith.constant 1.500000e+00 : f32
        %sub3A_463 = vector.broadcast %sub3A_462 : f32 to vector<16xf32>
        %sub3A_464 = arith.subf %sub3A_463, %mul3A_461 : vector<16xf32>
        %mul3A_465 = arith.mulf %mul3A_456, %sub3A_464 : vector<16xf32>
        %mul3A_466 = arith.mulf %select_n3A, %mul3A_465 : vector<16xf32>
        %get3A_467 = arith.index_cast %mul3A_352 : i32 to index
        %get3A_468 = tpu.vector_load %arg25[%get3A_467] {strides = array<i32>} : memref<2000xf32, #tpu.memory_space<vmem>>, vector<16xf32>,
        %get3A_469 = vector.shape_cast %get3A_468 : vector<16xf32> to vector<16xf32>
        %neg3A = arith.constant 0.000000e+00 : f32
        %neg3A_470 = vector.broadcast %neg3A : f32 to vector<16xf32>
        %neg3A_471 = arith.subf %neg3A_470, %get3A_469 : vector<16xf32>
        %get3A_472 = arith.index_cast %mul3A_352 : i32 to index
        %get3A_473 = tpu.vector_load %arg28[%get3A_472] {strides = array<i32>} : memref<2000xf32, #tpu.memory_space<vmem>>, vector<16xf32>,
        %get3A_474 = vector.shape_cast %get3A_473 : vector<16xf32> to vector<16xf32>
        %sub3A_475 = arith.subf %mul3A_466, %get3A_474 : vector<16xf32>
        %mul3A_476 = arith.mulf %neg3A_471, %sub3A_475 : vector<16xf32>
        %div3A = arith.divf %mul3A_476, %mul3A_466 : vector<16xf32>
        %mul3A_477 = arith.mulf %div3A, %sub3A : vector<16xf32>
        %swap3A = arith.index_cast %mul3A_352 : i32 to index
        %swap3A_478 = tpu.vector_load %arg31[%swap3A] {strides = array<i32>} : memref<2000xf32, #tpu.memory_space<vmem>>, vector<16xf32>,
        %swap3A_479 = vector.shape_cast %swap3A_478 : vector<16xf32> to vector<16xf32>
        %swap3A_480 = vector.shape_cast %mul3A_477 : vector<16xf32> to vector<16xf32>
        tpu.vector_store %arg31[%swap3A], %swap3A_480 {strides = array<i32>} : memref<2000xf32, #tpu.memory_space<vmem>>, vector<16xf32>,
        %mul3A_481 = arith.mulf %div3A, %sub3A_427 : vector<16xf32>
        %swap3A_482 = arith.index_cast %mul3A_352 : i32 to index
        %swap3A_483 = tpu.vector_load %arg34[%swap3A_482] {strides = array<i32>} : memref<2000xf32, #tpu.memory_space<vmem>>, vector<16xf32>,
        %swap3A_484 = vector.shape_cast %swap3A_483 : vector<16xf32> to vector<16xf32>
        %swap3A_485 = vector.shape_cast %mul3A_481 : vector<16xf32> to vector<16xf32>
        tpu.vector_store %arg34[%swap3A_482], %swap3A_485 {strides = array<i32>} : memref<2000xf32, #tpu.memory_space<vmem>>, vector<16xf32>,
      }
      %scan3A_228 = arith.constant 125 : i32
      %dma_start3A_229 = arith.constant 0 : i32
      %dma_start3A_230 = tpu.memref_slice %arg10[%dma_start3A_229] : memref<100352xf32, #tpu.memory_space<vmem_shared>> -> memref<100352xf32, #tpu.memory_space<vmem_shared>>
      tpu.enqueue_indirect_dma source(%arg31 : memref<2000xf32, #tpu.memory_space<vmem>>) target(%dma_start3A_230 : memref<100352xf32, #tpu.memory_space<vmem_shared>>) offsets(%arg16 : memref<2000xi32, #tpu.memory_space<vmem>>) semaphore(%arg43 : memref<!tpu.dma_semaphore, #tpu.memory_space<semaphore_mem>>) {add = true}
      %dma_start3A_231 = arith.constant 0 : i32
      %dma_start3A_232 = tpu.memref_slice %arg11[%dma_start3A_231] : memref<100352xf32, #tpu.memory_space<vmem_shared>> -> memref<100352xf32, #tpu.memory_space<vmem_shared>>
      tpu.enqueue_indirect_dma source(%arg34 : memref<2000xf32, #tpu.memory_space<vmem>>) target(%dma_start3A_232 : memref<100352xf32, #tpu.memory_space<vmem_shared>>) offsets(%arg16 : memref<2000xi32, #tpu.memory_space<vmem>>) semaphore(%arg43 : memref<!tpu.dma_semaphore, #tpu.memory_space<semaphore_mem>>) {add = true}
      %dma_wait3A_233 = arith.constant 0 : i32
      %dma_wait3A_234 = tpu.memref_slice %arg10[%dma_wait3A_233] : memref<100352xf32, #tpu.memory_space<vmem_shared>> -> memref<100352xf32, #tpu.memory_space<vmem_shared>>
      tpu.wait_indirect_dma semaphore(%arg42 : memref<!tpu.dma_semaphore, #tpu.memory_space<semaphore_mem>>) src(%arg30 : memref<2000xf32, #tpu.memory_space<vmem>>) dst(%dma_wait3A_234 : memref<100352xf32, #tpu.memory_space<vmem_shared>>)
      %dma_wait3A_235 = arith.constant 0 : i32
      %dma_wait3A_236 = tpu.memref_slice %arg11[%dma_wait3A_235] : memref<100352xf32, #tpu.memory_space<vmem_shared>> -> memref<100352xf32, #tpu.memory_space<vmem_shared>>
      tpu.wait_indirect_dma semaphore(%arg42 : memref<!tpu.dma_semaphore, #tpu.memory_space<semaphore_mem>>) src(%arg33 : memref<2000xf32, #tpu.memory_space<vmem>>) dst(%dma_wait3A_236 : memref<100352xf32, #tpu.memory_space<vmem_shared>>)
      %add3A_237 = arith.constant 2 : i32
      %add3A_238 = arith.addi %add3A_201, %add3A_237 : i32
      %mul3A_239 = arith.constant 2000 : i32
      %mul3A_240 = arith.muli %add3A_238, %mul3A_239 : i32
      %add3A_241 = arith.addi %mul3A_4, %mul3A_240 : i32
      %dma_start3A_242 = tpu.memref_slice %arg3[%add3A_241] : memref<6400000xi32, #tpu.memory_space<hbm>> -> memref<2000xi32, #tpu.memory_space<hbm>>
      %dma_start3A_243 = tpu.memref_slice %arg3[%add3A_241] : memref<6400000xi32, #tpu.memory_space<hbm>> -> memref<2000xi32, #tpu.memory_space<hbm>>
      tpu.enqueue_dma source(%dma_start3A_243 : memref<2000xi32, #tpu.memory_space<hbm>>) target(%arg12 : memref<2000xi32, #tpu.memory_space<vmem>>) target_semaphore(%arg36 : memref<!tpu.dma_semaphore, #tpu.memory_space<semaphore_mem>>)
      %dma_start3A_244 = tpu.memref_slice %arg4[%add3A_241] : memref<6400000xi32, #tpu.memory_space<hbm>> -> memref<2000xi32, #tpu.memory_space<hbm>>
      %dma_start3A_245 = tpu.memref_slice %arg4[%add3A_241] : memref<6400000xi32, #tpu.memory_space<hbm>> -> memref<2000xi32, #tpu.memory_space<hbm>>
      tpu.enqueue_dma source(%dma_start3A_245 : memref<2000xi32, #tpu.memory_space<hbm>>) target(%arg15 : memref<2000xi32, #tpu.memory_space<vmem>>) target_semaphore(%arg36 : memref<!tpu.dma_semaphore, #tpu.memory_space<semaphore_mem>>)
      %dma_start3A_246 = tpu.memref_slice %arg5[%add3A_241] : memref<6400000xf32, #tpu.memory_space<hbm>> -> memref<2000xf32, #tpu.memory_space<hbm>>
      %dma_start3A_247 = tpu.memref_slice %arg5[%add3A_241] : memref<6400000xf32, #tpu.memory_space<hbm>> -> memref<2000xf32, #tpu.memory_space<hbm>>
      tpu.enqueue_dma source(%dma_start3A_247 : memref<2000xf32, #tpu.memory_space<hbm>>) target(%arg24 : memref<2000xf32, #tpu.memory_space<vmem>>) target_semaphore(%arg36 : memref<!tpu.dma_semaphore, #tpu.memory_space<semaphore_mem>>)
      %dma_start3A_248 = tpu.memref_slice %arg6[%add3A_241] : memref<6400000xf32, #tpu.memory_space<hbm>> -> memref<2000xf32, #tpu.memory_space<hbm>>
      %dma_start3A_249 = tpu.memref_slice %arg6[%add3A_241] : memref<6400000xf32, #tpu.memory_space<hbm>> -> memref<2000xf32, #tpu.memory_space<hbm>>
      tpu.enqueue_dma source(%dma_start3A_249 : memref<2000xf32, #tpu.memory_space<hbm>>) target(%arg27 : memref<2000xf32, #tpu.memory_space<vmem>>) target_semaphore(%arg36 : memref<!tpu.dma_semaphore, #tpu.memory_space<semaphore_mem>>)
      %add3A_250 = arith.constant 1 : i32
      %add3A_251 = arith.addi %add3A_201, %add3A_250 : i32
      %add3A_252 = arith.constant 1 : i32
      %add3A_253 = arith.addi %add3A_251, %add3A_252 : i32
      %mul3A_254 = arith.constant 2000 : i32
      %mul3A_255 = arith.muli %add3A_253, %mul3A_254 : i32
      %add3A_256 = arith.addi %mul3A_4, %mul3A_255 : i32
      %dma_wait3A_257 = tpu.memref_slice %arg3[%add3A_256] : memref<6400000xi32, #tpu.memory_space<hbm>> -> memref<2000xi32, #tpu.memory_space<hbm>>
      %dma_wait3A_258 = tpu.memref_slice %arg3[%add3A_256] : memref<6400000xi32, #tpu.memory_space<hbm>> -> memref<2000xi32, #tpu.memory_space<hbm>>
      tpu.wait_dma2 semaphore(%arg36 : memref<!tpu.dma_semaphore, #tpu.memory_space<semaphore_mem>>) src(%dma_wait3A_258 : memref<2000xi32, #tpu.memory_space<hbm>>) dst(%arg12 : memref<2000xi32, #tpu.memory_space<vmem>>)
      %dma_wait3A_259 = tpu.memref_slice %arg4[%add3A_256] : memref<6400000xi32, #tpu.memory_space<hbm>> -> memref<2000xi32, #tpu.memory_space<hbm>>
      %dma_wait3A_260 = tpu.memref_slice %arg4[%add3A_256] : memref<6400000xi32, #tpu.memory_space<hbm>> -> memref<2000xi32, #tpu.memory_space<hbm>>
      tpu.wait_dma2 semaphore(%arg36 : memref<!tpu.dma_semaphore, #tpu.memory_space<semaphore_mem>>) src(%dma_wait3A_260 : memref<2000xi32, #tpu.memory_space<hbm>>) dst(%arg15 : memref<2000xi32, #tpu.memory_space<vmem>>)
      %dma_wait3A_261 = tpu.memref_slice %arg5[%add3A_256] : memref<6400000xf32, #tpu.memory_space<hbm>> -> memref<2000xf32, #tpu.memory_space<hbm>>
      %dma_wait3A_262 = tpu.memref_slice %arg5[%add3A_256] : memref<6400000xf32, #tpu.memory_space<hbm>> -> memref<2000xf32, #tpu.memory_space<hbm>>
      tpu.wait_dma2 semaphore(%arg36 : memref<!tpu.dma_semaphore, #tpu.memory_space<semaphore_mem>>) src(%dma_wait3A_262 : memref<2000xf32, #tpu.memory_space<hbm>>) dst(%arg24 : memref<2000xf32, #tpu.memory_space<vmem>>)
      %dma_wait3A_263 = tpu.memref_slice %arg6[%add3A_256] : memref<6400000xf32, #tpu.memory_space<hbm>> -> memref<2000xf32, #tpu.memory_space<hbm>>
      %dma_wait3A_264 = tpu.memref_slice %arg6[%add3A_256] : memref<6400000xf32, #tpu.memory_space<hbm>> -> memref<2000xf32, #tpu.memory_space<hbm>>
      tpu.wait_dma2 semaphore(%arg36 : memref<!tpu.dma_semaphore, #tpu.memory_space<semaphore_mem>>) src(%dma_wait3A_264 : memref<2000xf32, #tpu.memory_space<hbm>>) dst(%arg27 : memref<2000xf32, #tpu.memory_space<vmem>>)
      %dma_start3A_265 = arith.constant 0 : i32
      %dma_start3A_266 = tpu.memref_slice %arg9[%dma_start3A_265] : memref<100352xi32, #tpu.memory_space<vmem_shared>> -> memref<100352xi32, #tpu.memory_space<vmem_shared>>
      tpu.enqueue_indirect_dma source(%dma_start3A_266 : memref<100352xi32, #tpu.memory_space<vmem_shared>>) target(%arg18 : memref<2000xi32, #tpu.memory_space<vmem>>) offsets(%arg12 : memref<2000xi32, #tpu.memory_space<vmem>>) semaphore(%arg39 : memref<!tpu.dma_semaphore, #tpu.memory_space<semaphore_mem>>)
      %dma_start3A_267 = arith.constant 0 : i32
      %dma_start3A_268 = tpu.memref_slice %arg9[%dma_start3A_267] : memref<100352xi32, #tpu.memory_space<vmem_shared>> -> memref<100352xi32, #tpu.memory_space<vmem_shared>>
      tpu.enqueue_indirect_dma source(%dma_start3A_268 : memref<100352xi32, #tpu.memory_space<vmem_shared>>) target(%arg21 : memref<2000xi32, #tpu.memory_space<vmem>>) offsets(%arg15 : memref<2000xi32, #tpu.memory_space<vmem>>) semaphore(%arg39 : memref<!tpu.dma_semaphore, #tpu.memory_space<semaphore_mem>>)
      %dma_wait3A_269 = arith.constant 0 : i32
      %dma_wait3A_270 = tpu.memref_slice %arg9[%dma_wait3A_269] : memref<100352xi32, #tpu.memory_space<vmem_shared>> -> memref<100352xi32, #tpu.memory_space<vmem_shared>>
      tpu.wait_indirect_dma semaphore(%arg41 : memref<!tpu.dma_semaphore, #tpu.memory_space<semaphore_mem>>) src(%dma_wait3A_270 : memref<100352xi32, #tpu.memory_space<vmem_shared>>) dst(%arg20 : memref<2000xi32, #tpu.memory_space<vmem>>)
      %dma_wait3A_271 = arith.constant 0 : i32
      %dma_wait3A_272 = tpu.memref_slice %arg9[%dma_wait3A_271] : memref<100352xi32, #tpu.memory_space<vmem_shared>> -> memref<100352xi32, #tpu.memory_space<vmem_shared>>
      tpu.wait_indirect_dma semaphore(%arg41 : memref<!tpu.dma_semaphore, #tpu.memory_space<semaphore_mem>>) src(%dma_wait3A_272 : memref<100352xi32, #tpu.memory_space<vmem_shared>>) dst(%arg23 : memref<2000xi32, #tpu.memory_space<vmem>>)
      %scan3A_273 = arith.constant 0 : i32
      %scan3A_274 = arith.constant 0 : i32
      %scan3A_275 = arith.constant 125 : i32
      %scan3A_276 = arith.addi %scan3A_274, %scan3A_275 : i32
      %scan3A_277 = arith.constant 1 : i32
      scf.for %scan3A_350 = %scan3A_274 to %scan3A_276 step %scan3A_277  : i32 {
        %mul3A_351 = arith.constant 16 : i32
        %mul3A_352 = arith.muli %scan3A_350, %mul3A_351 : i32
        %get3A = arith.index_cast %mul3A_352 : i32 to index
        %get3A_353 = tpu.vector_load %arg20[%get3A] {strides = array<i32>} : memref<2000xi32, #tpu.memory_space<vmem>>, vector<16xi32>,
        %get3A_354 = vector.shape_cast %get3A_353 : vector<16xi32> to vector<16xi32>
        %get3A_355 = arith.index_cast %mul3A_352 : i32 to index
        %get3A_356 = tpu.vector_load %arg23[%get3A_355] {strides = array<i32>} : memref<2000xi32, #tpu.memory_space<vmem>>, vector<16xi32>,
        %get3A_357 = vector.shape_cast %get3A_356 : vector<16xi32> to vector<16xi32>
        %and3A = arith.constant 32767 : i32
        %and3A_358 = vector.broadcast %and3A : i32 to vector<16xi32>
        %and3A_359 = arith.andi %get3A_357, %and3A_358 : vector<16xi32>
        %shift_left3A = arith.constant 13 : i32
        %shift_left3A_360 = vector.broadcast %shift_left3A : i32 to vector<16xi32>
        %shift_left3A_361 = arith.shli %and3A_359, %shift_left3A_360 : vector<16xi32>
        %and3A_362 = arith.constant 32768 : i32
        %and3A_363 = vector.broadcast %and3A_362 : i32 to vector<16xi32>
        %and3A_364 = arith.andi %get3A_357, %and3A_363 : vector<16xi32>
        %shift_left3A_365 = arith.constant 16 : i32
        %shift_left3A_366 = vector.broadcast %shift_left3A_365 : i32 to vector<16xi32>
        %shift_left3A_367 = arith.shli %and3A_364, %shift_left3A_366 : vector<16xi32>
        %or3A = arith.ori %shift_left3A_361, %shift_left3A_367 : vector<16xi32>
        %bitcast_convert_type3A = tpu.bitcast %or3A : vector<16xi32> -> vector<16xf32>
        %mul3A_368 = arith.constant 5.19229686E+33 : f32
        %mul3A_369 = vector.broadcast %mul3A_368 : f32 to vector<16xf32>
        %mul3A_370 = arith.mulf %bitcast_convert_type3A, %mul3A_369 : vector<16xf32>
        %and3A_371 = arith.constant 32767 : i32
        %and3A_372 = vector.broadcast %and3A_371 : i32 to vector<16xi32>
        %and3A_373 = arith.andi %get3A_354, %and3A_372 : vector<16xi32>
        %shift_left3A_374 = arith.constant 13 : i32
        %shift_left3A_375 = vector.broadcast %shift_left3A_374 : i32 to vector<16xi32>
        %shift_left3A_376 = arith.shli %and3A_373, %shift_left3A_375 : vector<16xi32>
        %and3A_377 = arith.constant 32768 : i32
        %and3A_378 = vector.broadcast %and3A_377 : i32 to vector<16xi32>
        %and3A_379 = arith.andi %get3A_354, %and3A_378 : vector<16xi32>
        %shift_left3A_380 = arith.constant 16 : i32
        %shift_left3A_381 = vector.broadcast %shift_left3A_380 : i32 to vector<16xi32>
        %shift_left3A_382 = arith.shli %and3A_379, %shift_left3A_381 : vector<16xi32>
        %or3A_383 = arith.ori %shift_left3A_376, %shift_left3A_382 : vector<16xi32>
        %bitcast_convert_type3A_384 = tpu.bitcast %or3A_383 : vector<16xi32> -> vector<16xf32>
        %mul3A_385 = arith.constant 5.19229686E+33 : f32
        %mul3A_386 = vector.broadcast %mul3A_385 : f32 to vector<16xf32>
        %mul3A_387 = arith.mulf %bitcast_convert_type3A_384, %mul3A_386 : vector<16xf32>
        %sub3A = arith.subf %mul3A_370, %mul3A_387 : vector<16xf32>
        %shift_right_logical3A = arith.constant 16 : i32
        %shift_right_logical3A_388 = vector.broadcast %shift_right_logical3A : i32 to vector<16xi32>
        %shift_right_logical3A_389 = arith.shrui %get3A_357, %shift_right_logical3A_388 : vector<16xi32>
        %and3A_390 = arith.constant 32767 : i32
        %and3A_391 = vector.broadcast %and3A_390 : i32 to vector<16xi32>
        %and3A_392 = arith.andi %shift_right_logical3A_389, %and3A_391 : vector<16xi32>
        %shift_left3A_393 = arith.constant 13 : i32
        %shift_left3A_394 = vector.broadcast %shift_left3A_393 : i32 to vector<16xi32>
        %shift_left3A_395 = arith.shli %and3A_392, %shift_left3A_394 : vector<16xi32>
        %and3A_396 = arith.constant 32768 : i32
        %and3A_397 = vector.broadcast %and3A_396 : i32 to vector<16xi32>
        %and3A_398 = arith.andi %shift_right_logical3A_389, %and3A_397 : vector<16xi32>
        %shift_left3A_399 = arith.constant 16 : i32
        %shift_left3A_400 = vector.broadcast %shift_left3A_399 : i32 to vector<16xi32>
        %shift_left3A_401 = arith.shli %and3A_398, %shift_left3A_400 : vector<16xi32>
        %or3A_402 = arith.ori %shift_left3A_395, %shift_left3A_401 : vector<16xi32>
        %bitcast_convert_type3A_403 = tpu.bitcast %or3A_402 : vector<16xi32> -> vector<16xf32>
        %mul3A_404 = arith.constant 5.19229686E+33 : f32
        %mul3A_405 = vector.broadcast %mul3A_404 : f32 to vector<16xf32>
        %mul3A_406 = arith.mulf %bitcast_convert_type3A_403, %mul3A_405 : vector<16xf32>
        %shift_right_logical3A_407 = arith.constant 16 : i32
        %shift_right_logical3A_408 = vector.broadcast %shift_right_logical3A_407 : i32 to vector<16xi32>
        %shift_right_logical3A_409 = arith.shrui %get3A_354, %shift_right_logical3A_408 : vector<16xi32>
        %and3A_410 = arith.constant 32767 : i32
        %and3A_411 = vector.broadcast %and3A_410 : i32 to vector<16xi32>
        %and3A_412 = arith.andi %shift_right_logical3A_409, %and3A_411 : vector<16xi32>
        %shift_left3A_413 = arith.constant 13 : i32
        %shift_left3A_414 = vector.broadcast %shift_left3A_413 : i32 to vector<16xi32>
        %shift_left3A_415 = arith.shli %and3A_412, %shift_left3A_414 : vector<16xi32>
        %and3A_416 = arith.constant 32768 : i32
        %and3A_417 = vector.broadcast %and3A_416 : i32 to vector<16xi32>
        %and3A_418 = arith.andi %shift_right_logical3A_409, %and3A_417 : vector<16xi32>
        %shift_left3A_419 = arith.constant 16 : i32
        %shift_left3A_420 = vector.broadcast %shift_left3A_419 : i32 to vector<16xi32>
        %shift_left3A_421 = arith.shli %and3A_418, %shift_left3A_420 : vector<16xi32>
        %or3A_422 = arith.ori %shift_left3A_415, %shift_left3A_421 : vector<16xi32>
        %bitcast_convert_type3A_423 = tpu.bitcast %or3A_422 : vector<16xi32> -> vector<16xf32>
        %mul3A_424 = arith.constant 5.19229686E+33 : f32
        %mul3A_425 = vector.broadcast %mul3A_424 : f32 to vector<16xf32>
        %mul3A_426 = arith.mulf %bitcast_convert_type3A_423, %mul3A_425 : vector<16xf32>
        %sub3A_427 = arith.subf %mul3A_406, %mul3A_426 : vector<16xf32>
        %mul3A_428 = arith.mulf %sub3A, %sub3A : vector<16xf32>
        %mul3A_429 = arith.mulf %sub3A_427, %sub3A_427 : vector<16xf32>
        %add3A_430 = arith.addf %mul3A_428, %mul3A_429 : vector<16xf32>
        %eq3A_431 = arith.constant 0.000000e+00 : f32
        %eq3A_432 = vector.broadcast %eq3A_431 : f32 to vector<16xf32>
        %eq3A_433 = arith.cmpf oeq, %add3A_430, %eq3A_432 : vector<16xf32>
        %get3A_434 = arith.index_cast %mul3A_352 : i32 to index
        %get3A_435 = tpu.vector_load %arg14[%get3A_434] {strides = array<i32>} : memref<2000xi32, #tpu.memory_space<vmem>>, vector<16xi32>,
        %get3A_436 = vector.shape_cast %get3A_435 : vector<16xi32> to vector<16xi32>
        %get3A_437 = arith.index_cast %mul3A_352 : i32 to index
        %get3A_438 = tpu.vector_load %arg17[%get3A_437] {strides = array<i32>} : memref<2000xi32, #tpu.memory_space<vmem>>, vector<16xi32>,
        %get3A_439 = vector.shape_cast %get3A_438 : vector<16xi32> to vector<16xi32>
        %ne3A = arith.cmpi ne, %get3A_436, %get3A_439 : vector<16xi32>
        %and3A_440 = arith.andi %eq3A_433, %ne3A : vector<16xi1>
        %jit3A = arith.constant 1.000000e+00 : f32
        %broadcast_in_dim3A = vector.broadcast %jit3A : f32 to vector<16xf32>
        %select_n3A = arith.select %and3A_440, %broadcast_in_dim3A, %add3A_430 : vector<16xi1>, vector<16xf32>
        %bitcast_convert_type3A_441 = tpu.bitcast %select_n3A : vector<16xf32> -> vector<16xi32>
        %shift_right_arithmetic3A = arith.constant 1 : i32
        %shift_right_arithmetic3A_442 = vector.broadcast %shift_right_arithmetic3A : i32 to vector<16xi32>
        %shift_right_arithmetic3A_443 = arith.shrsi %bitcast_convert_type3A_441, %shift_right_arithmetic3A_442 : vector<16xi32>
        %sub3A_444 = arith.constant 1597463007 : i32
        %sub3A_445 = vector.broadcast %sub3A_444 : i32 to vector<16xi32>
        %sub3A_446 = arith.subi %sub3A_445, %shift_right_arithmetic3A_443 : vector<16xi32>
        %bitcast_convert_type3A_447 = tpu.bitcast %sub3A_446 : vector<16xi32> -> vector<16xf32>
        %mul3A_448 = arith.constant 5.000000e-01 : f32
        %mul3A_449 = vector.broadcast %mul3A_448 : f32 to vector<16xf32>
        %mul3A_450 = arith.mulf %mul3A_449, %select_n3A : vector<16xf32>
        %mul3A_451 = arith.mulf %mul3A_450, %bitcast_convert_type3A_447 : vector<16xf32>
        %mul3A_452 = arith.mulf %mul3A_451, %bitcast_convert_type3A_447 : vector<16xf32>
        %sub3A_453 = arith.constant 1.500000e+00 : f32
        %sub3A_454 = vector.broadcast %sub3A_453 : f32 to vector<16xf32>
        %sub3A_455 = arith.subf %sub3A_454, %mul3A_452 : vector<16xf32>
        %mul3A_456 = arith.mulf %bitcast_convert_type3A_447, %sub3A_455 : vector<16xf32>
        %mul3A_457 = arith.constant 5.000000e-01 : f32
        %mul3A_458 = vector.broadcast %mul3A_457 : f32 to vector<16xf32>
        %mul3A_459 = arith.mulf %mul3A_458, %select_n3A : vector<16xf32>
        %mul3A_460 = arith.mulf %mul3A_459, %mul3A_456 : vector<16xf32>
        %mul3A_461 = arith.mulf %mul3A_460, %mul3A_456 : vector<16xf32>
        %sub3A_462 = arith.constant 1.500000e+00 : f32
        %sub3A_463 = vector.broadcast %sub3A_462 : f32 to vector<16xf32>
        %sub3A_464 = arith.subf %sub3A_463, %mul3A_461 : vector<16xf32>
        %mul3A_465 = arith.mulf %mul3A_456, %sub3A_464 : vector<16xf32>
        %mul3A_466 = arith.mulf %select_n3A, %mul3A_465 : vector<16xf32>
        %get3A_467 = arith.index_cast %mul3A_352 : i32 to index
        %get3A_468 = tpu.vector_load %arg26[%get3A_467] {strides = array<i32>} : memref<2000xf32, #tpu.memory_space<vmem>>, vector<16xf32>,
        %get3A_469 = vector.shape_cast %get3A_468 : vector<16xf32> to vector<16xf32>
        %neg3A = arith.constant 0.000000e+00 : f32
        %neg3A_470 = vector.broadcast %neg3A : f32 to vector<16xf32>
        %neg3A_471 = arith.subf %neg3A_470, %get3A_469 : vector<16xf32>
        %get3A_472 = arith.index_cast %mul3A_352 : i32 to index
        %get3A_473 = tpu.vector_load %arg29[%get3A_472] {strides = array<i32>} : memref<2000xf32, #tpu.memory_space<vmem>>, vector<16xf32>,
        %get3A_474 = vector.shape_cast %get3A_473 : vector<16xf32> to vector<16xf32>
        %sub3A_475 = arith.subf %mul3A_466, %get3A_474 : vector<16xf32>
        %mul3A_476 = arith.mulf %neg3A_471, %sub3A_475 : vector<16xf32>
        %div3A = arith.divf %mul3A_476, %mul3A_466 : vector<16xf32>
        %mul3A_477 = arith.mulf %div3A, %sub3A : vector<16xf32>
        %swap3A = arith.index_cast %mul3A_352 : i32 to index
        %swap3A_478 = tpu.vector_load %arg32[%swap3A] {strides = array<i32>} : memref<2000xf32, #tpu.memory_space<vmem>>, vector<16xf32>,
        %swap3A_479 = vector.shape_cast %swap3A_478 : vector<16xf32> to vector<16xf32>
        %swap3A_480 = vector.shape_cast %mul3A_477 : vector<16xf32> to vector<16xf32>
        tpu.vector_store %arg32[%swap3A], %swap3A_480 {strides = array<i32>} : memref<2000xf32, #tpu.memory_space<vmem>>, vector<16xf32>,
        %mul3A_481 = arith.mulf %div3A, %sub3A_427 : vector<16xf32>
        %swap3A_482 = arith.index_cast %mul3A_352 : i32 to index
        %swap3A_483 = tpu.vector_load %arg35[%swap3A_482] {strides = array<i32>} : memref<2000xf32, #tpu.memory_space<vmem>>, vector<16xf32>,
        %swap3A_484 = vector.shape_cast %swap3A_483 : vector<16xf32> to vector<16xf32>
        %swap3A_485 = vector.shape_cast %mul3A_481 : vector<16xf32> to vector<16xf32>
        tpu.vector_store %arg35[%swap3A_482], %swap3A_485 {strides = array<i32>} : memref<2000xf32, #tpu.memory_space<vmem>>, vector<16xf32>,
      }
      %scan3A_278 = arith.constant 125 : i32
      %dma_start3A_279 = arith.constant 0 : i32
      %dma_start3A_280 = tpu.memref_slice %arg10[%dma_start3A_279] : memref<100352xf32, #tpu.memory_space<vmem_shared>> -> memref<100352xf32, #tpu.memory_space<vmem_shared>>
      tpu.enqueue_indirect_dma source(%arg32 : memref<2000xf32, #tpu.memory_space<vmem>>) target(%dma_start3A_280 : memref<100352xf32, #tpu.memory_space<vmem_shared>>) offsets(%arg17 : memref<2000xi32, #tpu.memory_space<vmem>>) semaphore(%arg44 : memref<!tpu.dma_semaphore, #tpu.memory_space<semaphore_mem>>) {add = true}
      %dma_start3A_281 = arith.constant 0 : i32
      %dma_start3A_282 = tpu.memref_slice %arg11[%dma_start3A_281] : memref<100352xf32, #tpu.memory_space<vmem_shared>> -> memref<100352xf32, #tpu.memory_space<vmem_shared>>
      tpu.enqueue_indirect_dma source(%arg35 : memref<2000xf32, #tpu.memory_space<vmem>>) target(%dma_start3A_282 : memref<100352xf32, #tpu.memory_space<vmem_shared>>) offsets(%arg17 : memref<2000xi32, #tpu.memory_space<vmem>>) semaphore(%arg44 : memref<!tpu.dma_semaphore, #tpu.memory_space<semaphore_mem>>) {add = true}
      %dma_wait3A_283 = arith.constant 0 : i32
      %dma_wait3A_284 = tpu.memref_slice %arg10[%dma_wait3A_283] : memref<100352xf32, #tpu.memory_space<vmem_shared>> -> memref<100352xf32, #tpu.memory_space<vmem_shared>>
      tpu.wait_indirect_dma semaphore(%arg43 : memref<!tpu.dma_semaphore, #tpu.memory_space<semaphore_mem>>) src(%arg31 : memref<2000xf32, #tpu.memory_space<vmem>>) dst(%dma_wait3A_284 : memref<100352xf32, #tpu.memory_space<vmem_shared>>)
      %dma_wait3A_285 = arith.constant 0 : i32
      %dma_wait3A_286 = tpu.memref_slice %arg11[%dma_wait3A_285] : memref<100352xf32, #tpu.memory_space<vmem_shared>> -> memref<100352xf32, #tpu.memory_space<vmem_shared>>
      tpu.wait_indirect_dma semaphore(%arg43 : memref<!tpu.dma_semaphore, #tpu.memory_space<semaphore_mem>>) src(%arg34 : memref<2000xf32, #tpu.memory_space<vmem>>) dst(%dma_wait3A_286 : memref<100352xf32, #tpu.memory_space<vmem_shared>>)
      %add3A_287 = arith.constant 2 : i32
      %add3A_288 = arith.addi %add3A_251, %add3A_287 : i32
      %mul3A_289 = arith.constant 2000 : i32
      %mul3A_290 = arith.muli %add3A_288, %mul3A_289 : i32
      %add3A_291 = arith.addi %mul3A_4, %mul3A_290 : i32
      %dma_start3A_292 = tpu.memref_slice %arg3[%add3A_291] : memref<6400000xi32, #tpu.memory_space<hbm>> -> memref<2000xi32, #tpu.memory_space<hbm>>
      %dma_start3A_293 = tpu.memref_slice %arg3[%add3A_291] : memref<6400000xi32, #tpu.memory_space<hbm>> -> memref<2000xi32, #tpu.memory_space<hbm>>
      tpu.enqueue_dma source(%dma_start3A_293 : memref<2000xi32, #tpu.memory_space<hbm>>) target(%arg13 : memref<2000xi32, #tpu.memory_space<vmem>>) target_semaphore(%arg37 : memref<!tpu.dma_semaphore, #tpu.memory_space<semaphore_mem>>)
      %dma_start3A_294 = tpu.memref_slice %arg4[%add3A_291] : memref<6400000xi32, #tpu.memory_space<hbm>> -> memref<2000xi32, #tpu.memory_space<hbm>>
      %dma_start3A_295 = tpu.memref_slice %arg4[%add3A_291] : memref<6400000xi32, #tpu.memory_space<hbm>> -> memref<2000xi32, #tpu.memory_space<hbm>>
      tpu.enqueue_dma source(%dma_start3A_295 : memref<2000xi32, #tpu.memory_space<hbm>>) target(%arg16 : memref<2000xi32, #tpu.memory_space<vmem>>) target_semaphore(%arg37 : memref<!tpu.dma_semaphore, #tpu.memory_space<semaphore_mem>>)
      %dma_start3A_296 = tpu.memref_slice %arg5[%add3A_291] : memref<6400000xf32, #tpu.memory_space<hbm>> -> memref<2000xf32, #tpu.memory_space<hbm>>
      %dma_start3A_297 = tpu.memref_slice %arg5[%add3A_291] : memref<6400000xf32, #tpu.memory_space<hbm>> -> memref<2000xf32, #tpu.memory_space<hbm>>
      tpu.enqueue_dma source(%dma_start3A_297 : memref<2000xf32, #tpu.memory_space<hbm>>) target(%arg25 : memref<2000xf32, #tpu.memory_space<vmem>>) target_semaphore(%arg37 : memref<!tpu.dma_semaphore, #tpu.memory_space<semaphore_mem>>)
      %dma_start3A_298 = tpu.memref_slice %arg6[%add3A_291] : memref<6400000xf32, #tpu.memory_space<hbm>> -> memref<2000xf32, #tpu.memory_space<hbm>>
      %dma_start3A_299 = tpu.memref_slice %arg6[%add3A_291] : memref<6400000xf32, #tpu.memory_space<hbm>> -> memref<2000xf32, #tpu.memory_space<hbm>>
      tpu.enqueue_dma source(%dma_start3A_299 : memref<2000xf32, #tpu.memory_space<hbm>>) target(%arg28 : memref<2000xf32, #tpu.memory_space<vmem>>) target_semaphore(%arg37 : memref<!tpu.dma_semaphore, #tpu.memory_space<semaphore_mem>>)
      %add3A_300 = arith.constant 2 : i32
      %add3A_301 = arith.addi %add3A_201, %add3A_300 : i32
      %add3A_302 = arith.constant 1 : i32
      %add3A_303 = arith.addi %add3A_301, %add3A_302 : i32
      %mul3A_304 = arith.constant 2000 : i32
      %mul3A_305 = arith.muli %add3A_303, %mul3A_304 : i32
      %add3A_306 = arith.addi %mul3A_4, %mul3A_305 : i32
      %dma_wait3A_307 = tpu.memref_slice %arg3[%add3A_306] : memref<6400000xi32, #tpu.memory_space<hbm>> -> memref<2000xi32, #tpu.memory_space<hbm>>
      %dma_wait3A_308 = tpu.memref_slice %arg3[%add3A_306] : memref<6400000xi32, #tpu.memory_space<hbm>> -> memref<2000xi32, #tpu.memory_space<hbm>>
      tpu.wait_dma2 semaphore(%arg37 : memref<!tpu.dma_semaphore, #tpu.memory_space<semaphore_mem>>) src(%dma_wait3A_308 : memref<2000xi32, #tpu.memory_space<hbm>>) dst(%arg13 : memref<2000xi32, #tpu.memory_space<vmem>>)
      %dma_wait3A_309 = tpu.memref_slice %arg4[%add3A_306] : memref<6400000xi32, #tpu.memory_space<hbm>> -> memref<2000xi32, #tpu.memory_space<hbm>>
      %dma_wait3A_310 = tpu.memref_slice %arg4[%add3A_306] : memref<6400000xi32, #tpu.memory_space<hbm>> -> memref<2000xi32, #tpu.memory_space<hbm>>
      tpu.wait_dma2 semaphore(%arg37 : memref<!tpu.dma_semaphore, #tpu.memory_space<semaphore_mem>>) src(%dma_wait3A_310 : memref<2000xi32, #tpu.memory_space<hbm>>) dst(%arg16 : memref<2000xi32, #tpu.memory_space<vmem>>)
      %dma_wait3A_311 = tpu.memref_slice %arg5[%add3A_306] : memref<6400000xf32, #tpu.memory_space<hbm>> -> memref<2000xf32, #tpu.memory_space<hbm>>
      %dma_wait3A_312 = tpu.memref_slice %arg5[%add3A_306] : memref<6400000xf32, #tpu.memory_space<hbm>> -> memref<2000xf32, #tpu.memory_space<hbm>>
      tpu.wait_dma2 semaphore(%arg37 : memref<!tpu.dma_semaphore, #tpu.memory_space<semaphore_mem>>) src(%dma_wait3A_312 : memref<2000xf32, #tpu.memory_space<hbm>>) dst(%arg25 : memref<2000xf32, #tpu.memory_space<vmem>>)
      %dma_wait3A_313 = tpu.memref_slice %arg6[%add3A_306] : memref<6400000xf32, #tpu.memory_space<hbm>> -> memref<2000xf32, #tpu.memory_space<hbm>>
      %dma_wait3A_314 = tpu.memref_slice %arg6[%add3A_306] : memref<6400000xf32, #tpu.memory_space<hbm>> -> memref<2000xf32, #tpu.memory_space<hbm>>
      tpu.wait_dma2 semaphore(%arg37 : memref<!tpu.dma_semaphore, #tpu.memory_space<semaphore_mem>>) src(%dma_wait3A_314 : memref<2000xf32, #tpu.memory_space<hbm>>) dst(%arg28 : memref<2000xf32, #tpu.memory_space<vmem>>)
      %dma_start3A_315 = arith.constant 0 : i32
      %dma_start3A_316 = tpu.memref_slice %arg9[%dma_start3A_315] : memref<100352xi32, #tpu.memory_space<vmem_shared>> -> memref<100352xi32, #tpu.memory_space<vmem_shared>>
      tpu.enqueue_indirect_dma source(%dma_start3A_316 : memref<100352xi32, #tpu.memory_space<vmem_shared>>) target(%arg19 : memref<2000xi32, #tpu.memory_space<vmem>>) offsets(%arg13 : memref<2000xi32, #tpu.memory_space<vmem>>) semaphore(%arg40 : memref<!tpu.dma_semaphore, #tpu.memory_space<semaphore_mem>>)
      %dma_start3A_317 = arith.constant 0 : i32
      %dma_start3A_318 = tpu.memref_slice %arg9[%dma_start3A_317] : memref<100352xi32, #tpu.memory_space<vmem_shared>> -> memref<100352xi32, #tpu.memory_space<vmem_shared>>
      tpu.enqueue_indirect_dma source(%dma_start3A_318 : memref<100352xi32, #tpu.memory_space<vmem_shared>>) target(%arg22 : memref<2000xi32, #tpu.memory_space<vmem>>) offsets(%arg16 : memref<2000xi32, #tpu.memory_space<vmem>>) semaphore(%arg40 : memref<!tpu.dma_semaphore, #tpu.memory_space<semaphore_mem>>)
      %dma_wait3A_319 = arith.constant 0 : i32
      %dma_wait3A_320 = tpu.memref_slice %arg9[%dma_wait3A_319] : memref<100352xi32, #tpu.memory_space<vmem_shared>> -> memref<100352xi32, #tpu.memory_space<vmem_shared>>
      tpu.wait_indirect_dma semaphore(%arg39 : memref<!tpu.dma_semaphore, #tpu.memory_space<semaphore_mem>>) src(%dma_wait3A_320 : memref<100352xi32, #tpu.memory_space<vmem_shared>>) dst(%arg18 : memref<2000xi32, #tpu.memory_space<vmem>>)
      %dma_wait3A_321 = arith.constant 0 : i32
      %dma_wait3A_322 = tpu.memref_slice %arg9[%dma_wait3A_321] : memref<100352xi32, #tpu.memory_space<vmem_shared>> -> memref<100352xi32, #tpu.memory_space<vmem_shared>>
      tpu.wait_indirect_dma semaphore(%arg39 : memref<!tpu.dma_semaphore, #tpu.memory_space<semaphore_mem>>) src(%dma_wait3A_322 : memref<100352xi32, #tpu.memory_space<vmem_shared>>) dst(%arg21 : memref<2000xi32, #tpu.memory_space<vmem>>)
      %scan3A_323 = arith.constant 0 : i32
      %scan3A_324 = arith.constant 0 : i32
      %scan3A_325 = arith.constant 125 : i32
      %scan3A_326 = arith.addi %scan3A_324, %scan3A_325 : i32
      %scan3A_327 = arith.constant 1 : i32
      scf.for %scan3A_350 = %scan3A_324 to %scan3A_326 step %scan3A_327  : i32 {
        %mul3A_351 = arith.constant 16 : i32
        %mul3A_352 = arith.muli %scan3A_350, %mul3A_351 : i32
        %get3A = arith.index_cast %mul3A_352 : i32 to index
        %get3A_353 = tpu.vector_load %arg18[%get3A] {strides = array<i32>} : memref<2000xi32, #tpu.memory_space<vmem>>, vector<16xi32>,
        %get3A_354 = vector.shape_cast %get3A_353 : vector<16xi32> to vector<16xi32>
        %get3A_355 = arith.index_cast %mul3A_352 : i32 to index
        %get3A_356 = tpu.vector_load %arg21[%get3A_355] {strides = array<i32>} : memref<2000xi32, #tpu.memory_space<vmem>>, vector<16xi32>,
        %get3A_357 = vector.shape_cast %get3A_356 : vector<16xi32> to vector<16xi32>
        %and3A = arith.constant 32767 : i32
        %and3A_358 = vector.broadcast %and3A : i32 to vector<16xi32>
        %and3A_359 = arith.andi %get3A_357, %and3A_358 : vector<16xi32>
        %shift_left3A = arith.constant 13 : i32
        %shift_left3A_360 = vector.broadcast %shift_left3A : i32 to vector<16xi32>
        %shift_left3A_361 = arith.shli %and3A_359, %shift_left3A_360 : vector<16xi32>
        %and3A_362 = arith.constant 32768 : i32
        %and3A_363 = vector.broadcast %and3A_362 : i32 to vector<16xi32>
        %and3A_364 = arith.andi %get3A_357, %and3A_363 : vector<16xi32>
        %shift_left3A_365 = arith.constant 16 : i32
        %shift_left3A_366 = vector.broadcast %shift_left3A_365 : i32 to vector<16xi32>
        %shift_left3A_367 = arith.shli %and3A_364, %shift_left3A_366 : vector<16xi32>
        %or3A = arith.ori %shift_left3A_361, %shift_left3A_367 : vector<16xi32>
        %bitcast_convert_type3A = tpu.bitcast %or3A : vector<16xi32> -> vector<16xf32>
        %mul3A_368 = arith.constant 5.19229686E+33 : f32
        %mul3A_369 = vector.broadcast %mul3A_368 : f32 to vector<16xf32>
        %mul3A_370 = arith.mulf %bitcast_convert_type3A, %mul3A_369 : vector<16xf32>
        %and3A_371 = arith.constant 32767 : i32
        %and3A_372 = vector.broadcast %and3A_371 : i32 to vector<16xi32>
        %and3A_373 = arith.andi %get3A_354, %and3A_372 : vector<16xi32>
        %shift_left3A_374 = arith.constant 13 : i32
        %shift_left3A_375 = vector.broadcast %shift_left3A_374 : i32 to vector<16xi32>
        %shift_left3A_376 = arith.shli %and3A_373, %shift_left3A_375 : vector<16xi32>
        %and3A_377 = arith.constant 32768 : i32
        %and3A_378 = vector.broadcast %and3A_377 : i32 to vector<16xi32>
        %and3A_379 = arith.andi %get3A_354, %and3A_378 : vector<16xi32>
        %shift_left3A_380 = arith.constant 16 : i32
        %shift_left3A_381 = vector.broadcast %shift_left3A_380 : i32 to vector<16xi32>
        %shift_left3A_382 = arith.shli %and3A_379, %shift_left3A_381 : vector<16xi32>
        %or3A_383 = arith.ori %shift_left3A_376, %shift_left3A_382 : vector<16xi32>
        %bitcast_convert_type3A_384 = tpu.bitcast %or3A_383 : vector<16xi32> -> vector<16xf32>
        %mul3A_385 = arith.constant 5.19229686E+33 : f32
        %mul3A_386 = vector.broadcast %mul3A_385 : f32 to vector<16xf32>
        %mul3A_387 = arith.mulf %bitcast_convert_type3A_384, %mul3A_386 : vector<16xf32>
        %sub3A = arith.subf %mul3A_370, %mul3A_387 : vector<16xf32>
        %shift_right_logical3A = arith.constant 16 : i32
        %shift_right_logical3A_388 = vector.broadcast %shift_right_logical3A : i32 to vector<16xi32>
        %shift_right_logical3A_389 = arith.shrui %get3A_357, %shift_right_logical3A_388 : vector<16xi32>
        %and3A_390 = arith.constant 32767 : i32
        %and3A_391 = vector.broadcast %and3A_390 : i32 to vector<16xi32>
        %and3A_392 = arith.andi %shift_right_logical3A_389, %and3A_391 : vector<16xi32>
        %shift_left3A_393 = arith.constant 13 : i32
        %shift_left3A_394 = vector.broadcast %shift_left3A_393 : i32 to vector<16xi32>
        %shift_left3A_395 = arith.shli %and3A_392, %shift_left3A_394 : vector<16xi32>
        %and3A_396 = arith.constant 32768 : i32
        %and3A_397 = vector.broadcast %and3A_396 : i32 to vector<16xi32>
        %and3A_398 = arith.andi %shift_right_logical3A_389, %and3A_397 : vector<16xi32>
        %shift_left3A_399 = arith.constant 16 : i32
        %shift_left3A_400 = vector.broadcast %shift_left3A_399 : i32 to vector<16xi32>
        %shift_left3A_401 = arith.shli %and3A_398, %shift_left3A_400 : vector<16xi32>
        %or3A_402 = arith.ori %shift_left3A_395, %shift_left3A_401 : vector<16xi32>
        %bitcast_convert_type3A_403 = tpu.bitcast %or3A_402 : vector<16xi32> -> vector<16xf32>
        %mul3A_404 = arith.constant 5.19229686E+33 : f32
        %mul3A_405 = vector.broadcast %mul3A_404 : f32 to vector<16xf32>
        %mul3A_406 = arith.mulf %bitcast_convert_type3A_403, %mul3A_405 : vector<16xf32>
        %shift_right_logical3A_407 = arith.constant 16 : i32
        %shift_right_logical3A_408 = vector.broadcast %shift_right_logical3A_407 : i32 to vector<16xi32>
        %shift_right_logical3A_409 = arith.shrui %get3A_354, %shift_right_logical3A_408 : vector<16xi32>
        %and3A_410 = arith.constant 32767 : i32
        %and3A_411 = vector.broadcast %and3A_410 : i32 to vector<16xi32>
        %and3A_412 = arith.andi %shift_right_logical3A_409, %and3A_411 : vector<16xi32>
        %shift_left3A_413 = arith.constant 13 : i32
        %shift_left3A_414 = vector.broadcast %shift_left3A_413 : i32 to vector<16xi32>
        %shift_left3A_415 = arith.shli %and3A_412, %shift_left3A_414 : vector<16xi32>
        %and3A_416 = arith.constant 32768 : i32
        %and3A_417 = vector.broadcast %and3A_416 : i32 to vector<16xi32>
        %and3A_418 = arith.andi %shift_right_logical3A_409, %and3A_417 : vector<16xi32>
        %shift_left3A_419 = arith.constant 16 : i32
        %shift_left3A_420 = vector.broadcast %shift_left3A_419 : i32 to vector<16xi32>
        %shift_left3A_421 = arith.shli %and3A_418, %shift_left3A_420 : vector<16xi32>
        %or3A_422 = arith.ori %shift_left3A_415, %shift_left3A_421 : vector<16xi32>
        %bitcast_convert_type3A_423 = tpu.bitcast %or3A_422 : vector<16xi32> -> vector<16xf32>
        %mul3A_424 = arith.constant 5.19229686E+33 : f32
        %mul3A_425 = vector.broadcast %mul3A_424 : f32 to vector<16xf32>
        %mul3A_426 = arith.mulf %bitcast_convert_type3A_423, %mul3A_425 : vector<16xf32>
        %sub3A_427 = arith.subf %mul3A_406, %mul3A_426 : vector<16xf32>
        %mul3A_428 = arith.mulf %sub3A, %sub3A : vector<16xf32>
        %mul3A_429 = arith.mulf %sub3A_427, %sub3A_427 : vector<16xf32>
        %add3A_430 = arith.addf %mul3A_428, %mul3A_429 : vector<16xf32>
        %eq3A_431 = arith.constant 0.000000e+00 : f32
        %eq3A_432 = vector.broadcast %eq3A_431 : f32 to vector<16xf32>
        %eq3A_433 = arith.cmpf oeq, %add3A_430, %eq3A_432 : vector<16xf32>
        %get3A_434 = arith.index_cast %mul3A_352 : i32 to index
        %get3A_435 = tpu.vector_load %arg12[%get3A_434] {strides = array<i32>} : memref<2000xi32, #tpu.memory_space<vmem>>, vector<16xi32>,
        %get3A_436 = vector.shape_cast %get3A_435 : vector<16xi32> to vector<16xi32>
        %get3A_437 = arith.index_cast %mul3A_352 : i32 to index
        %get3A_438 = tpu.vector_load %arg15[%get3A_437] {strides = array<i32>} : memref<2000xi32, #tpu.memory_space<vmem>>, vector<16xi32>,
        %get3A_439 = vector.shape_cast %get3A_438 : vector<16xi32> to vector<16xi32>
        %ne3A = arith.cmpi ne, %get3A_436, %get3A_439 : vector<16xi32>
        %and3A_440 = arith.andi %eq3A_433, %ne3A : vector<16xi1>
        %jit3A = arith.constant 1.000000e+00 : f32
        %broadcast_in_dim3A = vector.broadcast %jit3A : f32 to vector<16xf32>
        %select_n3A = arith.select %and3A_440, %broadcast_in_dim3A, %add3A_430 : vector<16xi1>, vector<16xf32>
        %bitcast_convert_type3A_441 = tpu.bitcast %select_n3A : vector<16xf32> -> vector<16xi32>
        %shift_right_arithmetic3A = arith.constant 1 : i32
        %shift_right_arithmetic3A_442 = vector.broadcast %shift_right_arithmetic3A : i32 to vector<16xi32>
        %shift_right_arithmetic3A_443 = arith.shrsi %bitcast_convert_type3A_441, %shift_right_arithmetic3A_442 : vector<16xi32>
        %sub3A_444 = arith.constant 1597463007 : i32
        %sub3A_445 = vector.broadcast %sub3A_444 : i32 to vector<16xi32>
        %sub3A_446 = arith.subi %sub3A_445, %shift_right_arithmetic3A_443 : vector<16xi32>
        %bitcast_convert_type3A_447 = tpu.bitcast %sub3A_446 : vector<16xi32> -> vector<16xf32>
        %mul3A_448 = arith.constant 5.000000e-01 : f32
        %mul3A_449 = vector.broadcast %mul3A_448 : f32 to vector<16xf32>
        %mul3A_450 = arith.mulf %mul3A_449, %select_n3A : vector<16xf32>
        %mul3A_451 = arith.mulf %mul3A_450, %bitcast_convert_type3A_447 : vector<16xf32>
        %mul3A_452 = arith.mulf %mul3A_451, %bitcast_convert_type3A_447 : vector<16xf32>
        %sub3A_453 = arith.constant 1.500000e+00 : f32
        %sub3A_454 = vector.broadcast %sub3A_453 : f32 to vector<16xf32>
        %sub3A_455 = arith.subf %sub3A_454, %mul3A_452 : vector<16xf32>
        %mul3A_456 = arith.mulf %bitcast_convert_type3A_447, %sub3A_455 : vector<16xf32>
        %mul3A_457 = arith.constant 5.000000e-01 : f32
        %mul3A_458 = vector.broadcast %mul3A_457 : f32 to vector<16xf32>
        %mul3A_459 = arith.mulf %mul3A_458, %select_n3A : vector<16xf32>
        %mul3A_460 = arith.mulf %mul3A_459, %mul3A_456 : vector<16xf32>
        %mul3A_461 = arith.mulf %mul3A_460, %mul3A_456 : vector<16xf32>
        %sub3A_462 = arith.constant 1.500000e+00 : f32
        %sub3A_463 = vector.broadcast %sub3A_462 : f32 to vector<16xf32>
        %sub3A_464 = arith.subf %sub3A_463, %mul3A_461 : vector<16xf32>
        %mul3A_465 = arith.mulf %mul3A_456, %sub3A_464 : vector<16xf32>
        %mul3A_466 = arith.mulf %select_n3A, %mul3A_465 : vector<16xf32>
        %get3A_467 = arith.index_cast %mul3A_352 : i32 to index
        %get3A_468 = tpu.vector_load %arg24[%get3A_467] {strides = array<i32>} : memref<2000xf32, #tpu.memory_space<vmem>>, vector<16xf32>,
        %get3A_469 = vector.shape_cast %get3A_468 : vector<16xf32> to vector<16xf32>
        %neg3A = arith.constant 0.000000e+00 : f32
        %neg3A_470 = vector.broadcast %neg3A : f32 to vector<16xf32>
        %neg3A_471 = arith.subf %neg3A_470, %get3A_469 : vector<16xf32>
        %get3A_472 = arith.index_cast %mul3A_352 : i32 to index
        %get3A_473 = tpu.vector_load %arg27[%get3A_472] {strides = array<i32>} : memref<2000xf32, #tpu.memory_space<vmem>>, vector<16xf32>,
        %get3A_474 = vector.shape_cast %get3A_473 : vector<16xf32> to vector<16xf32>
        %sub3A_475 = arith.subf %mul3A_466, %get3A_474 : vector<16xf32>
        %mul3A_476 = arith.mulf %neg3A_471, %sub3A_475 : vector<16xf32>
        %div3A = arith.divf %mul3A_476, %mul3A_466 : vector<16xf32>
        %mul3A_477 = arith.mulf %div3A, %sub3A : vector<16xf32>
        %swap3A = arith.index_cast %mul3A_352 : i32 to index
        %swap3A_478 = tpu.vector_load %arg30[%swap3A] {strides = array<i32>} : memref<2000xf32, #tpu.memory_space<vmem>>, vector<16xf32>,
        %swap3A_479 = vector.shape_cast %swap3A_478 : vector<16xf32> to vector<16xf32>
        %swap3A_480 = vector.shape_cast %mul3A_477 : vector<16xf32> to vector<16xf32>
        tpu.vector_store %arg30[%swap3A], %swap3A_480 {strides = array<i32>} : memref<2000xf32, #tpu.memory_space<vmem>>, vector<16xf32>,
        %mul3A_481 = arith.mulf %div3A, %sub3A_427 : vector<16xf32>
        %swap3A_482 = arith.index_cast %mul3A_352 : i32 to index
        %swap3A_483 = tpu.vector_load %arg33[%swap3A_482] {strides = array<i32>} : memref<2000xf32, #tpu.memory_space<vmem>>, vector<16xf32>,
        %swap3A_484 = vector.shape_cast %swap3A_483 : vector<16xf32> to vector<16xf32>
        %swap3A_485 = vector.shape_cast %mul3A_481 : vector<16xf32> to vector<16xf32>
        tpu.vector_store %arg33[%swap3A_482], %swap3A_485 {strides = array<i32>} : memref<2000xf32, #tpu.memory_space<vmem>>, vector<16xf32>,
      }
      %scan3A_328 = arith.constant 125 : i32
      %dma_start3A_329 = arith.constant 0 : i32
      %dma_start3A_330 = tpu.memref_slice %arg10[%dma_start3A_329] : memref<100352xf32, #tpu.memory_space<vmem_shared>> -> memref<100352xf32, #tpu.memory_space<vmem_shared>>
      tpu.enqueue_indirect_dma source(%arg30 : memref<2000xf32, #tpu.memory_space<vmem>>) target(%dma_start3A_330 : memref<100352xf32, #tpu.memory_space<vmem_shared>>) offsets(%arg15 : memref<2000xi32, #tpu.memory_space<vmem>>) semaphore(%arg42 : memref<!tpu.dma_semaphore, #tpu.memory_space<semaphore_mem>>) {add = true}
      %dma_start3A_331 = arith.constant 0 : i32
      %dma_start3A_332 = tpu.memref_slice %arg11[%dma_start3A_331] : memref<100352xf32, #tpu.memory_space<vmem_shared>> -> memref<100352xf32, #tpu.memory_space<vmem_shared>>
      tpu.enqueue_indirect_dma source(%arg33 : memref<2000xf32, #tpu.memory_space<vmem>>) target(%dma_start3A_332 : memref<100352xf32, #tpu.memory_space<vmem_shared>>) offsets(%arg15 : memref<2000xi32, #tpu.memory_space<vmem>>) semaphore(%arg42 : memref<!tpu.dma_semaphore, #tpu.memory_space<semaphore_mem>>) {add = true}
      %dma_wait3A_333 = arith.constant 0 : i32
      %dma_wait3A_334 = tpu.memref_slice %arg10[%dma_wait3A_333] : memref<100352xf32, #tpu.memory_space<vmem_shared>> -> memref<100352xf32, #tpu.memory_space<vmem_shared>>
      tpu.wait_indirect_dma semaphore(%arg44 : memref<!tpu.dma_semaphore, #tpu.memory_space<semaphore_mem>>) src(%arg32 : memref<2000xf32, #tpu.memory_space<vmem>>) dst(%dma_wait3A_334 : memref<100352xf32, #tpu.memory_space<vmem_shared>>)
      %dma_wait3A_335 = arith.constant 0 : i32
      %dma_wait3A_336 = tpu.memref_slice %arg11[%dma_wait3A_335] : memref<100352xf32, #tpu.memory_space<vmem_shared>> -> memref<100352xf32, #tpu.memory_space<vmem_shared>>
      tpu.wait_indirect_dma semaphore(%arg44 : memref<!tpu.dma_semaphore, #tpu.memory_space<semaphore_mem>>) src(%arg35 : memref<2000xf32, #tpu.memory_space<vmem>>) dst(%dma_wait3A_336 : memref<100352xf32, #tpu.memory_space<vmem_shared>>)
      %add3A_337 = arith.constant 2 : i32
      %add3A_338 = arith.addi %add3A_301, %add3A_337 : i32
      %mul3A_339 = arith.constant 2000 : i32
      %mul3A_340 = arith.muli %add3A_338, %mul3A_339 : i32
      %add3A_341 = arith.addi %mul3A_4, %mul3A_340 : i32
      %dma_start3A_342 = tpu.memref_slice %arg3[%add3A_341] : memref<6400000xi32, #tpu.memory_space<hbm>> -> memref<2000xi32, #tpu.memory_space<hbm>>
      %dma_start3A_343 = tpu.memref_slice %arg3[%add3A_341] : memref<6400000xi32, #tpu.memory_space<hbm>> -> memref<2000xi32, #tpu.memory_space<hbm>>
      tpu.enqueue_dma source(%dma_start3A_343 : memref<2000xi32, #tpu.memory_space<hbm>>) target(%arg14 : memref<2000xi32, #tpu.memory_space<vmem>>) target_semaphore(%arg38 : memref<!tpu.dma_semaphore, #tpu.memory_space<semaphore_mem>>)
      %dma_start3A_344 = tpu.memref_slice %arg4[%add3A_341] : memref<6400000xi32, #tpu.memory_space<hbm>> -> memref<2000xi32, #tpu.memory_space<hbm>>
      %dma_start3A_345 = tpu.memref_slice %arg4[%add3A_341] : memref<6400000xi32, #tpu.memory_space<hbm>> -> memref<2000xi32, #tpu.memory_space<hbm>>
      tpu.enqueue_dma source(%dma_start3A_345 : memref<2000xi32, #tpu.memory_space<hbm>>) target(%arg17 : memref<2000xi32, #tpu.memory_space<vmem>>) target_semaphore(%arg38 : memref<!tpu.dma_semaphore, #tpu.memory_space<semaphore_mem>>)
      %dma_start3A_346 = tpu.memref_slice %arg5[%add3A_341] : memref<6400000xf32, #tpu.memory_space<hbm>> -> memref<2000xf32, #tpu.memory_space<hbm>>
      %dma_start3A_347 = tpu.memref_slice %arg5[%add3A_341] : memref<6400000xf32, #tpu.memory_space<hbm>> -> memref<2000xf32, #tpu.memory_space<hbm>>
      tpu.enqueue_dma source(%dma_start3A_347 : memref<2000xf32, #tpu.memory_space<hbm>>) target(%arg26 : memref<2000xf32, #tpu.memory_space<vmem>>) target_semaphore(%arg38 : memref<!tpu.dma_semaphore, #tpu.memory_space<semaphore_mem>>)
      %dma_start3A_348 = tpu.memref_slice %arg6[%add3A_341] : memref<6400000xf32, #tpu.memory_space<hbm>> -> memref<2000xf32, #tpu.memory_space<hbm>>
      %dma_start3A_349 = tpu.memref_slice %arg6[%add3A_341] : memref<6400000xf32, #tpu.memory_space<hbm>> -> memref<2000xf32, #tpu.memory_space<hbm>>
      tpu.enqueue_dma source(%dma_start3A_349 : memref<2000xf32, #tpu.memory_space<hbm>>) target(%arg29 : memref<2000xf32, #tpu.memory_space<vmem>>) target_semaphore(%arg38 : memref<!tpu.dma_semaphore, #tpu.memory_space<semaphore_mem>>)
    }
    %scan3A_79 = arith.constant 32 : i32
    %add3A_80 = arith.constant 196000 : i32
    %add3A_81 = arith.addi %mul3A_4, %add3A_80 : i32
    %dma_wait3A_82 = tpu.memref_slice %arg3[%add3A_81] : memref<6400000xi32, #tpu.memory_space<hbm>> -> memref<2000xi32, #tpu.memory_space<hbm>>
    %dma_wait3A_83 = tpu.memref_slice %arg3[%add3A_81] : memref<6400000xi32, #tpu.memory_space<hbm>> -> memref<2000xi32, #tpu.memory_space<hbm>>
    tpu.wait_dma2 semaphore(%arg38 : memref<!tpu.dma_semaphore, #tpu.memory_space<semaphore_mem>>) src(%dma_wait3A_83 : memref<2000xi32, #tpu.memory_space<hbm>>) dst(%arg14 : memref<2000xi32, #tpu.memory_space<vmem>>)
    %dma_wait3A_84 = tpu.memref_slice %arg4[%add3A_81] : memref<6400000xi32, #tpu.memory_space<hbm>> -> memref<2000xi32, #tpu.memory_space<hbm>>
    %dma_wait3A_85 = tpu.memref_slice %arg4[%add3A_81] : memref<6400000xi32, #tpu.memory_space<hbm>> -> memref<2000xi32, #tpu.memory_space<hbm>>
    tpu.wait_dma2 semaphore(%arg38 : memref<!tpu.dma_semaphore, #tpu.memory_space<semaphore_mem>>) src(%dma_wait3A_85 : memref<2000xi32, #tpu.memory_space<hbm>>) dst(%arg17 : memref<2000xi32, #tpu.memory_space<vmem>>)
    %dma_wait3A_86 = tpu.memref_slice %arg5[%add3A_81] : memref<6400000xf32, #tpu.memory_space<hbm>> -> memref<2000xf32, #tpu.memory_space<hbm>>
    %dma_wait3A_87 = tpu.memref_slice %arg5[%add3A_81] : memref<6400000xf32, #tpu.memory_space<hbm>> -> memref<2000xf32, #tpu.memory_space<hbm>>
    tpu.wait_dma2 semaphore(%arg38 : memref<!tpu.dma_semaphore, #tpu.memory_space<semaphore_mem>>) src(%dma_wait3A_87 : memref<2000xf32, #tpu.memory_space<hbm>>) dst(%arg26 : memref<2000xf32, #tpu.memory_space<vmem>>)
    %dma_wait3A_88 = tpu.memref_slice %arg6[%add3A_81] : memref<6400000xf32, #tpu.memory_space<hbm>> -> memref<2000xf32, #tpu.memory_space<hbm>>
    %dma_wait3A_89 = tpu.memref_slice %arg6[%add3A_81] : memref<6400000xf32, #tpu.memory_space<hbm>> -> memref<2000xf32, #tpu.memory_space<hbm>>
    tpu.wait_dma2 semaphore(%arg38 : memref<!tpu.dma_semaphore, #tpu.memory_space<semaphore_mem>>) src(%dma_wait3A_89 : memref<2000xf32, #tpu.memory_space<hbm>>) dst(%arg29 : memref<2000xf32, #tpu.memory_space<vmem>>)
    %dma_start3A_90 = arith.constant 0 : i32
    %dma_start3A_91 = tpu.memref_slice %arg9[%dma_start3A_90] : memref<100352xi32, #tpu.memory_space<vmem_shared>> -> memref<100352xi32, #tpu.memory_space<vmem_shared>>
    tpu.enqueue_indirect_dma source(%dma_start3A_91 : memref<100352xi32, #tpu.memory_space<vmem_shared>>) target(%arg20 : memref<2000xi32, #tpu.memory_space<vmem>>) offsets(%arg14 : memref<2000xi32, #tpu.memory_space<vmem>>) semaphore(%arg41 : memref<!tpu.dma_semaphore, #tpu.memory_space<semaphore_mem>>)
    %dma_start3A_92 = arith.constant 0 : i32
    %dma_start3A_93 = tpu.memref_slice %arg9[%dma_start3A_92] : memref<100352xi32, #tpu.memory_space<vmem_shared>> -> memref<100352xi32, #tpu.memory_space<vmem_shared>>
    tpu.enqueue_indirect_dma source(%dma_start3A_93 : memref<100352xi32, #tpu.memory_space<vmem_shared>>) target(%arg23 : memref<2000xi32, #tpu.memory_space<vmem>>) offsets(%arg17 : memref<2000xi32, #tpu.memory_space<vmem>>) semaphore(%arg41 : memref<!tpu.dma_semaphore, #tpu.memory_space<semaphore_mem>>)
    %dma_wait3A_94 = arith.constant 0 : i32
    %dma_wait3A_95 = tpu.memref_slice %arg9[%dma_wait3A_94] : memref<100352xi32, #tpu.memory_space<vmem_shared>> -> memref<100352xi32, #tpu.memory_space<vmem_shared>>
    tpu.wait_indirect_dma semaphore(%arg40 : memref<!tpu.dma_semaphore, #tpu.memory_space<semaphore_mem>>) src(%dma_wait3A_95 : memref<100352xi32, #tpu.memory_space<vmem_shared>>) dst(%arg19 : memref<2000xi32, #tpu.memory_space<vmem>>)
    %dma_wait3A_96 = arith.constant 0 : i32
    %dma_wait3A_97 = tpu.memref_slice %arg9[%dma_wait3A_96] : memref<100352xi32, #tpu.memory_space<vmem_shared>> -> memref<100352xi32, #tpu.memory_space<vmem_shared>>
    tpu.wait_indirect_dma semaphore(%arg40 : memref<!tpu.dma_semaphore, #tpu.memory_space<semaphore_mem>>) src(%dma_wait3A_97 : memref<100352xi32, #tpu.memory_space<vmem_shared>>) dst(%arg22 : memref<2000xi32, #tpu.memory_space<vmem>>)
    %scan3A_98 = arith.constant 0 : i32
    %scan3A_99 = arith.constant 0 : i32
    %scan3A_100 = arith.constant 125 : i32
    %scan3A_101 = arith.addi %scan3A_99, %scan3A_100 : i32
    %scan3A_102 = arith.constant 1 : i32
    scf.for %scan3A_197 = %scan3A_99 to %scan3A_101 step %scan3A_102  : i32 {
      %mul3A_198 = arith.constant 16 : i32
      %mul3A_199 = arith.muli %scan3A_197, %mul3A_198 : i32
      %get3A = arith.index_cast %mul3A_199 : i32 to index
      %get3A_200 = tpu.vector_load %arg19[%get3A] {strides = array<i32>} : memref<2000xi32, #tpu.memory_space<vmem>>, vector<16xi32>,
      %get3A_201 = vector.shape_cast %get3A_200 : vector<16xi32> to vector<16xi32>
      %get3A_202 = arith.index_cast %mul3A_199 : i32 to index
      %get3A_203 = tpu.vector_load %arg22[%get3A_202] {strides = array<i32>} : memref<2000xi32, #tpu.memory_space<vmem>>, vector<16xi32>,
      %get3A_204 = vector.shape_cast %get3A_203 : vector<16xi32> to vector<16xi32>
      %and3A = arith.constant 32767 : i32
      %and3A_205 = vector.broadcast %and3A : i32 to vector<16xi32>
      %and3A_206 = arith.andi %get3A_204, %and3A_205 : vector<16xi32>
      %shift_left3A = arith.constant 13 : i32
      %shift_left3A_207 = vector.broadcast %shift_left3A : i32 to vector<16xi32>
      %shift_left3A_208 = arith.shli %and3A_206, %shift_left3A_207 : vector<16xi32>
      %and3A_209 = arith.constant 32768 : i32
      %and3A_210 = vector.broadcast %and3A_209 : i32 to vector<16xi32>
      %and3A_211 = arith.andi %get3A_204, %and3A_210 : vector<16xi32>
      %shift_left3A_212 = arith.constant 16 : i32
      %shift_left3A_213 = vector.broadcast %shift_left3A_212 : i32 to vector<16xi32>
      %shift_left3A_214 = arith.shli %and3A_211, %shift_left3A_213 : vector<16xi32>
      %or3A = arith.ori %shift_left3A_208, %shift_left3A_214 : vector<16xi32>
      %bitcast_convert_type3A = tpu.bitcast %or3A : vector<16xi32> -> vector<16xf32>
      %mul3A_215 = arith.constant 5.19229686E+33 : f32
      %mul3A_216 = vector.broadcast %mul3A_215 : f32 to vector<16xf32>
      %mul3A_217 = arith.mulf %bitcast_convert_type3A, %mul3A_216 : vector<16xf32>
      %and3A_218 = arith.constant 32767 : i32
      %and3A_219 = vector.broadcast %and3A_218 : i32 to vector<16xi32>
      %and3A_220 = arith.andi %get3A_201, %and3A_219 : vector<16xi32>
      %shift_left3A_221 = arith.constant 13 : i32
      %shift_left3A_222 = vector.broadcast %shift_left3A_221 : i32 to vector<16xi32>
      %shift_left3A_223 = arith.shli %and3A_220, %shift_left3A_222 : vector<16xi32>
      %and3A_224 = arith.constant 32768 : i32
      %and3A_225 = vector.broadcast %and3A_224 : i32 to vector<16xi32>
      %and3A_226 = arith.andi %get3A_201, %and3A_225 : vector<16xi32>
      %shift_left3A_227 = arith.constant 16 : i32
      %shift_left3A_228 = vector.broadcast %shift_left3A_227 : i32 to vector<16xi32>
      %shift_left3A_229 = arith.shli %and3A_226, %shift_left3A_228 : vector<16xi32>
      %or3A_230 = arith.ori %shift_left3A_223, %shift_left3A_229 : vector<16xi32>
      %bitcast_convert_type3A_231 = tpu.bitcast %or3A_230 : vector<16xi32> -> vector<16xf32>
      %mul3A_232 = arith.constant 5.19229686E+33 : f32
      %mul3A_233 = vector.broadcast %mul3A_232 : f32 to vector<16xf32>
      %mul3A_234 = arith.mulf %bitcast_convert_type3A_231, %mul3A_233 : vector<16xf32>
      %sub3A = arith.subf %mul3A_217, %mul3A_234 : vector<16xf32>
      %shift_right_logical3A = arith.constant 16 : i32
      %shift_right_logical3A_235 = vector.broadcast %shift_right_logical3A : i32 to vector<16xi32>
      %shift_right_logical3A_236 = arith.shrui %get3A_204, %shift_right_logical3A_235 : vector<16xi32>
      %and3A_237 = arith.constant 32767 : i32
      %and3A_238 = vector.broadcast %and3A_237 : i32 to vector<16xi32>
      %and3A_239 = arith.andi %shift_right_logical3A_236, %and3A_238 : vector<16xi32>
      %shift_left3A_240 = arith.constant 13 : i32
      %shift_left3A_241 = vector.broadcast %shift_left3A_240 : i32 to vector<16xi32>
      %shift_left3A_242 = arith.shli %and3A_239, %shift_left3A_241 : vector<16xi32>
      %and3A_243 = arith.constant 32768 : i32
      %and3A_244 = vector.broadcast %and3A_243 : i32 to vector<16xi32>
      %and3A_245 = arith.andi %shift_right_logical3A_236, %and3A_244 : vector<16xi32>
      %shift_left3A_246 = arith.constant 16 : i32
      %shift_left3A_247 = vector.broadcast %shift_left3A_246 : i32 to vector<16xi32>
      %shift_left3A_248 = arith.shli %and3A_245, %shift_left3A_247 : vector<16xi32>
      %or3A_249 = arith.ori %shift_left3A_242, %shift_left3A_248 : vector<16xi32>
      %bitcast_convert_type3A_250 = tpu.bitcast %or3A_249 : vector<16xi32> -> vector<16xf32>
      %mul3A_251 = arith.constant 5.19229686E+33 : f32
      %mul3A_252 = vector.broadcast %mul3A_251 : f32 to vector<16xf32>
      %mul3A_253 = arith.mulf %bitcast_convert_type3A_250, %mul3A_252 : vector<16xf32>
      %shift_right_logical3A_254 = arith.constant 16 : i32
      %shift_right_logical3A_255 = vector.broadcast %shift_right_logical3A_254 : i32 to vector<16xi32>
      %shift_right_logical3A_256 = arith.shrui %get3A_201, %shift_right_logical3A_255 : vector<16xi32>
      %and3A_257 = arith.constant 32767 : i32
      %and3A_258 = vector.broadcast %and3A_257 : i32 to vector<16xi32>
      %and3A_259 = arith.andi %shift_right_logical3A_256, %and3A_258 : vector<16xi32>
      %shift_left3A_260 = arith.constant 13 : i32
      %shift_left3A_261 = vector.broadcast %shift_left3A_260 : i32 to vector<16xi32>
      %shift_left3A_262 = arith.shli %and3A_259, %shift_left3A_261 : vector<16xi32>
      %and3A_263 = arith.constant 32768 : i32
      %and3A_264 = vector.broadcast %and3A_263 : i32 to vector<16xi32>
      %and3A_265 = arith.andi %shift_right_logical3A_256, %and3A_264 : vector<16xi32>
      %shift_left3A_266 = arith.constant 16 : i32
      %shift_left3A_267 = vector.broadcast %shift_left3A_266 : i32 to vector<16xi32>
      %shift_left3A_268 = arith.shli %and3A_265, %shift_left3A_267 : vector<16xi32>
      %or3A_269 = arith.ori %shift_left3A_262, %shift_left3A_268 : vector<16xi32>
      %bitcast_convert_type3A_270 = tpu.bitcast %or3A_269 : vector<16xi32> -> vector<16xf32>
      %mul3A_271 = arith.constant 5.19229686E+33 : f32
      %mul3A_272 = vector.broadcast %mul3A_271 : f32 to vector<16xf32>
      %mul3A_273 = arith.mulf %bitcast_convert_type3A_270, %mul3A_272 : vector<16xf32>
      %sub3A_274 = arith.subf %mul3A_253, %mul3A_273 : vector<16xf32>
      %mul3A_275 = arith.mulf %sub3A, %sub3A : vector<16xf32>
      %mul3A_276 = arith.mulf %sub3A_274, %sub3A_274 : vector<16xf32>
      %add3A_277 = arith.addf %mul3A_275, %mul3A_276 : vector<16xf32>
      %eq3A_278 = arith.constant 0.000000e+00 : f32
      %eq3A_279 = vector.broadcast %eq3A_278 : f32 to vector<16xf32>
      %eq3A_280 = arith.cmpf oeq, %add3A_277, %eq3A_279 : vector<16xf32>
      %get3A_281 = arith.index_cast %mul3A_199 : i32 to index
      %get3A_282 = tpu.vector_load %arg13[%get3A_281] {strides = array<i32>} : memref<2000xi32, #tpu.memory_space<vmem>>, vector<16xi32>,
      %get3A_283 = vector.shape_cast %get3A_282 : vector<16xi32> to vector<16xi32>
      %get3A_284 = arith.index_cast %mul3A_199 : i32 to index
      %get3A_285 = tpu.vector_load %arg16[%get3A_284] {strides = array<i32>} : memref<2000xi32, #tpu.memory_space<vmem>>, vector<16xi32>,
      %get3A_286 = vector.shape_cast %get3A_285 : vector<16xi32> to vector<16xi32>
      %ne3A = arith.cmpi ne, %get3A_283, %get3A_286 : vector<16xi32>
      %and3A_287 = arith.andi %eq3A_280, %ne3A : vector<16xi1>
      %jit3A = arith.constant 1.000000e+00 : f32
      %broadcast_in_dim3A = vector.broadcast %jit3A : f32 to vector<16xf32>
      %select_n3A = arith.select %and3A_287, %broadcast_in_dim3A, %add3A_277 : vector<16xi1>, vector<16xf32>
      %bitcast_convert_type3A_288 = tpu.bitcast %select_n3A : vector<16xf32> -> vector<16xi32>
      %shift_right_arithmetic3A = arith.constant 1 : i32
      %shift_right_arithmetic3A_289 = vector.broadcast %shift_right_arithmetic3A : i32 to vector<16xi32>
      %shift_right_arithmetic3A_290 = arith.shrsi %bitcast_convert_type3A_288, %shift_right_arithmetic3A_289 : vector<16xi32>
      %sub3A_291 = arith.constant 1597463007 : i32
      %sub3A_292 = vector.broadcast %sub3A_291 : i32 to vector<16xi32>
      %sub3A_293 = arith.subi %sub3A_292, %shift_right_arithmetic3A_290 : vector<16xi32>
      %bitcast_convert_type3A_294 = tpu.bitcast %sub3A_293 : vector<16xi32> -> vector<16xf32>
      %mul3A_295 = arith.constant 5.000000e-01 : f32
      %mul3A_296 = vector.broadcast %mul3A_295 : f32 to vector<16xf32>
      %mul3A_297 = arith.mulf %mul3A_296, %select_n3A : vector<16xf32>
      %mul3A_298 = arith.mulf %mul3A_297, %bitcast_convert_type3A_294 : vector<16xf32>
      %mul3A_299 = arith.mulf %mul3A_298, %bitcast_convert_type3A_294 : vector<16xf32>
      %sub3A_300 = arith.constant 1.500000e+00 : f32
      %sub3A_301 = vector.broadcast %sub3A_300 : f32 to vector<16xf32>
      %sub3A_302 = arith.subf %sub3A_301, %mul3A_299 : vector<16xf32>
      %mul3A_303 = arith.mulf %bitcast_convert_type3A_294, %sub3A_302 : vector<16xf32>
      %mul3A_304 = arith.constant 5.000000e-01 : f32
      %mul3A_305 = vector.broadcast %mul3A_304 : f32 to vector<16xf32>
      %mul3A_306 = arith.mulf %mul3A_305, %select_n3A : vector<16xf32>
      %mul3A_307 = arith.mulf %mul3A_306, %mul3A_303 : vector<16xf32>
      %mul3A_308 = arith.mulf %mul3A_307, %mul3A_303 : vector<16xf32>
      %sub3A_309 = arith.constant 1.500000e+00 : f32
      %sub3A_310 = vector.broadcast %sub3A_309 : f32 to vector<16xf32>
      %sub3A_311 = arith.subf %sub3A_310, %mul3A_308 : vector<16xf32>
      %mul3A_312 = arith.mulf %mul3A_303, %sub3A_311 : vector<16xf32>
      %mul3A_313 = arith.mulf %select_n3A, %mul3A_312 : vector<16xf32>
      %get3A_314 = arith.index_cast %mul3A_199 : i32 to index
      %get3A_315 = tpu.vector_load %arg25[%get3A_314] {strides = array<i32>} : memref<2000xf32, #tpu.memory_space<vmem>>, vector<16xf32>,
      %get3A_316 = vector.shape_cast %get3A_315 : vector<16xf32> to vector<16xf32>
      %neg3A = arith.constant 0.000000e+00 : f32
      %neg3A_317 = vector.broadcast %neg3A : f32 to vector<16xf32>
      %neg3A_318 = arith.subf %neg3A_317, %get3A_316 : vector<16xf32>
      %get3A_319 = arith.index_cast %mul3A_199 : i32 to index
      %get3A_320 = tpu.vector_load %arg28[%get3A_319] {strides = array<i32>} : memref<2000xf32, #tpu.memory_space<vmem>>, vector<16xf32>,
      %get3A_321 = vector.shape_cast %get3A_320 : vector<16xf32> to vector<16xf32>
      %sub3A_322 = arith.subf %mul3A_313, %get3A_321 : vector<16xf32>
      %mul3A_323 = arith.mulf %neg3A_318, %sub3A_322 : vector<16xf32>
      %div3A = arith.divf %mul3A_323, %mul3A_313 : vector<16xf32>
      %mul3A_324 = arith.mulf %div3A, %sub3A : vector<16xf32>
      %swap3A = arith.index_cast %mul3A_199 : i32 to index
      %swap3A_325 = tpu.vector_load %arg31[%swap3A] {strides = array<i32>} : memref<2000xf32, #tpu.memory_space<vmem>>, vector<16xf32>,
      %swap3A_326 = vector.shape_cast %swap3A_325 : vector<16xf32> to vector<16xf32>
      %swap3A_327 = vector.shape_cast %mul3A_324 : vector<16xf32> to vector<16xf32>
      tpu.vector_store %arg31[%swap3A], %swap3A_327 {strides = array<i32>} : memref<2000xf32, #tpu.memory_space<vmem>>, vector<16xf32>,
      %mul3A_328 = arith.mulf %div3A, %sub3A_274 : vector<16xf32>
      %swap3A_329 = arith.index_cast %mul3A_199 : i32 to index
      %swap3A_330 = tpu.vector_load %arg34[%swap3A_329] {strides = array<i32>} : memref<2000xf32, #tpu.memory_space<vmem>>, vector<16xf32>,
      %swap3A_331 = vector.shape_cast %swap3A_330 : vector<16xf32> to vector<16xf32>
      %swap3A_332 = vector.shape_cast %mul3A_328 : vector<16xf32> to vector<16xf32>
      tpu.vector_store %arg34[%swap3A_329], %swap3A_332 {strides = array<i32>} : memref<2000xf32, #tpu.memory_space<vmem>>, vector<16xf32>,
    }
    %scan3A_103 = arith.constant 125 : i32
    %dma_start3A_104 = arith.constant 0 : i32
    %dma_start3A_105 = tpu.memref_slice %arg10[%dma_start3A_104] : memref<100352xf32, #tpu.memory_space<vmem_shared>> -> memref<100352xf32, #tpu.memory_space<vmem_shared>>
    tpu.enqueue_indirect_dma source(%arg31 : memref<2000xf32, #tpu.memory_space<vmem>>) target(%dma_start3A_105 : memref<100352xf32, #tpu.memory_space<vmem_shared>>) offsets(%arg16 : memref<2000xi32, #tpu.memory_space<vmem>>) semaphore(%arg43 : memref<!tpu.dma_semaphore, #tpu.memory_space<semaphore_mem>>) {add = true}
    %dma_start3A_106 = arith.constant 0 : i32
    %dma_start3A_107 = tpu.memref_slice %arg11[%dma_start3A_106] : memref<100352xf32, #tpu.memory_space<vmem_shared>> -> memref<100352xf32, #tpu.memory_space<vmem_shared>>
    tpu.enqueue_indirect_dma source(%arg34 : memref<2000xf32, #tpu.memory_space<vmem>>) target(%dma_start3A_107 : memref<100352xf32, #tpu.memory_space<vmem_shared>>) offsets(%arg16 : memref<2000xi32, #tpu.memory_space<vmem>>) semaphore(%arg43 : memref<!tpu.dma_semaphore, #tpu.memory_space<semaphore_mem>>) {add = true}
    %dma_wait3A_108 = arith.constant 0 : i32
    %dma_wait3A_109 = tpu.memref_slice %arg10[%dma_wait3A_108] : memref<100352xf32, #tpu.memory_space<vmem_shared>> -> memref<100352xf32, #tpu.memory_space<vmem_shared>>
    tpu.wait_indirect_dma semaphore(%arg42 : memref<!tpu.dma_semaphore, #tpu.memory_space<semaphore_mem>>) src(%arg30 : memref<2000xf32, #tpu.memory_space<vmem>>) dst(%dma_wait3A_109 : memref<100352xf32, #tpu.memory_space<vmem_shared>>)
    %dma_wait3A_110 = arith.constant 0 : i32
    %dma_wait3A_111 = tpu.memref_slice %arg11[%dma_wait3A_110] : memref<100352xf32, #tpu.memory_space<vmem_shared>> -> memref<100352xf32, #tpu.memory_space<vmem_shared>>
    tpu.wait_indirect_dma semaphore(%arg42 : memref<!tpu.dma_semaphore, #tpu.memory_space<semaphore_mem>>) src(%arg33 : memref<2000xf32, #tpu.memory_space<vmem>>) dst(%dma_wait3A_111 : memref<100352xf32, #tpu.memory_space<vmem_shared>>)
    %add3A_112 = arith.constant 198000 : i32
    %add3A_113 = arith.addi %mul3A_4, %add3A_112 : i32
    %dma_start3A_114 = tpu.memref_slice %arg3[%add3A_113] : memref<6400000xi32, #tpu.memory_space<hbm>> -> memref<2000xi32, #tpu.memory_space<hbm>>
    %dma_start3A_115 = tpu.memref_slice %arg3[%add3A_113] : memref<6400000xi32, #tpu.memory_space<hbm>> -> memref<2000xi32, #tpu.memory_space<hbm>>
    tpu.enqueue_dma source(%dma_start3A_115 : memref<2000xi32, #tpu.memory_space<hbm>>) target(%arg12 : memref<2000xi32, #tpu.memory_space<vmem>>) target_semaphore(%arg36 : memref<!tpu.dma_semaphore, #tpu.memory_space<semaphore_mem>>)
    %dma_start3A_116 = tpu.memref_slice %arg4[%add3A_113] : memref<6400000xi32, #tpu.memory_space<hbm>> -> memref<2000xi32, #tpu.memory_space<hbm>>
    %dma_start3A_117 = tpu.memref_slice %arg4[%add3A_113] : memref<6400000xi32, #tpu.memory_space<hbm>> -> memref<2000xi32, #tpu.memory_space<hbm>>
    tpu.enqueue_dma source(%dma_start3A_117 : memref<2000xi32, #tpu.memory_space<hbm>>) target(%arg15 : memref<2000xi32, #tpu.memory_space<vmem>>) target_semaphore(%arg36 : memref<!tpu.dma_semaphore, #tpu.memory_space<semaphore_mem>>)
    %dma_start3A_118 = tpu.memref_slice %arg5[%add3A_113] : memref<6400000xf32, #tpu.memory_space<hbm>> -> memref<2000xf32, #tpu.memory_space<hbm>>
    %dma_start3A_119 = tpu.memref_slice %arg5[%add3A_113] : memref<6400000xf32, #tpu.memory_space<hbm>> -> memref<2000xf32, #tpu.memory_space<hbm>>
    tpu.enqueue_dma source(%dma_start3A_119 : memref<2000xf32, #tpu.memory_space<hbm>>) target(%arg24 : memref<2000xf32, #tpu.memory_space<vmem>>) target_semaphore(%arg36 : memref<!tpu.dma_semaphore, #tpu.memory_space<semaphore_mem>>)
    %dma_start3A_120 = tpu.memref_slice %arg6[%add3A_113] : memref<6400000xf32, #tpu.memory_space<hbm>> -> memref<2000xf32, #tpu.memory_space<hbm>>
    %dma_start3A_121 = tpu.memref_slice %arg6[%add3A_113] : memref<6400000xf32, #tpu.memory_space<hbm>> -> memref<2000xf32, #tpu.memory_space<hbm>>
    tpu.enqueue_dma source(%dma_start3A_121 : memref<2000xf32, #tpu.memory_space<hbm>>) target(%arg27 : memref<2000xf32, #tpu.memory_space<vmem>>) target_semaphore(%arg36 : memref<!tpu.dma_semaphore, #tpu.memory_space<semaphore_mem>>)
    %add3A_122 = arith.constant 198000 : i32
    %add3A_123 = arith.addi %mul3A_4, %add3A_122 : i32
    %dma_wait3A_124 = tpu.memref_slice %arg3[%add3A_123] : memref<6400000xi32, #tpu.memory_space<hbm>> -> memref<2000xi32, #tpu.memory_space<hbm>>
    %dma_wait3A_125 = tpu.memref_slice %arg3[%add3A_123] : memref<6400000xi32, #tpu.memory_space<hbm>> -> memref<2000xi32, #tpu.memory_space<hbm>>
    tpu.wait_dma2 semaphore(%arg36 : memref<!tpu.dma_semaphore, #tpu.memory_space<semaphore_mem>>) src(%dma_wait3A_125 : memref<2000xi32, #tpu.memory_space<hbm>>) dst(%arg12 : memref<2000xi32, #tpu.memory_space<vmem>>)
    %dma_wait3A_126 = tpu.memref_slice %arg4[%add3A_123] : memref<6400000xi32, #tpu.memory_space<hbm>> -> memref<2000xi32, #tpu.memory_space<hbm>>
    %dma_wait3A_127 = tpu.memref_slice %arg4[%add3A_123] : memref<6400000xi32, #tpu.memory_space<hbm>> -> memref<2000xi32, #tpu.memory_space<hbm>>
    tpu.wait_dma2 semaphore(%arg36 : memref<!tpu.dma_semaphore, #tpu.memory_space<semaphore_mem>>) src(%dma_wait3A_127 : memref<2000xi32, #tpu.memory_space<hbm>>) dst(%arg15 : memref<2000xi32, #tpu.memory_space<vmem>>)
    %dma_wait3A_128 = tpu.memref_slice %arg5[%add3A_123] : memref<6400000xf32, #tpu.memory_space<hbm>> -> memref<2000xf32, #tpu.memory_space<hbm>>
    %dma_wait3A_129 = tpu.memref_slice %arg5[%add3A_123] : memref<6400000xf32, #tpu.memory_space<hbm>> -> memref<2000xf32, #tpu.memory_space<hbm>>
    tpu.wait_dma2 semaphore(%arg36 : memref<!tpu.dma_semaphore, #tpu.memory_space<semaphore_mem>>) src(%dma_wait3A_129 : memref<2000xf32, #tpu.memory_space<hbm>>) dst(%arg24 : memref<2000xf32, #tpu.memory_space<vmem>>)
    %dma_wait3A_130 = tpu.memref_slice %arg6[%add3A_123] : memref<6400000xf32, #tpu.memory_space<hbm>> -> memref<2000xf32, #tpu.memory_space<hbm>>
    %dma_wait3A_131 = tpu.memref_slice %arg6[%add3A_123] : memref<6400000xf32, #tpu.memory_space<hbm>> -> memref<2000xf32, #tpu.memory_space<hbm>>
    tpu.wait_dma2 semaphore(%arg36 : memref<!tpu.dma_semaphore, #tpu.memory_space<semaphore_mem>>) src(%dma_wait3A_131 : memref<2000xf32, #tpu.memory_space<hbm>>) dst(%arg27 : memref<2000xf32, #tpu.memory_space<vmem>>)
    %dma_start3A_132 = arith.constant 0 : i32
    %dma_start3A_133 = tpu.memref_slice %arg9[%dma_start3A_132] : memref<100352xi32, #tpu.memory_space<vmem_shared>> -> memref<100352xi32, #tpu.memory_space<vmem_shared>>
    tpu.enqueue_indirect_dma source(%dma_start3A_133 : memref<100352xi32, #tpu.memory_space<vmem_shared>>) target(%arg18 : memref<2000xi32, #tpu.memory_space<vmem>>) offsets(%arg12 : memref<2000xi32, #tpu.memory_space<vmem>>) semaphore(%arg39 : memref<!tpu.dma_semaphore, #tpu.memory_space<semaphore_mem>>)
    %dma_start3A_134 = arith.constant 0 : i32
    %dma_start3A_135 = tpu.memref_slice %arg9[%dma_start3A_134] : memref<100352xi32, #tpu.memory_space<vmem_shared>> -> memref<100352xi32, #tpu.memory_space<vmem_shared>>
    tpu.enqueue_indirect_dma source(%dma_start3A_135 : memref<100352xi32, #tpu.memory_space<vmem_shared>>) target(%arg21 : memref<2000xi32, #tpu.memory_space<vmem>>) offsets(%arg15 : memref<2000xi32, #tpu.memory_space<vmem>>) semaphore(%arg39 : memref<!tpu.dma_semaphore, #tpu.memory_space<semaphore_mem>>)
    %dma_wait3A_136 = arith.constant 0 : i32
    %dma_wait3A_137 = tpu.memref_slice %arg9[%dma_wait3A_136] : memref<100352xi32, #tpu.memory_space<vmem_shared>> -> memref<100352xi32, #tpu.memory_space<vmem_shared>>
    tpu.wait_indirect_dma semaphore(%arg41 : memref<!tpu.dma_semaphore, #tpu.memory_space<semaphore_mem>>) src(%dma_wait3A_137 : memref<100352xi32, #tpu.memory_space<vmem_shared>>) dst(%arg20 : memref<2000xi32, #tpu.memory_space<vmem>>)
    %dma_wait3A_138 = arith.constant 0 : i32
    %dma_wait3A_139 = tpu.memref_slice %arg9[%dma_wait3A_138] : memref<100352xi32, #tpu.memory_space<vmem_shared>> -> memref<100352xi32, #tpu.memory_space<vmem_shared>>
    tpu.wait_indirect_dma semaphore(%arg41 : memref<!tpu.dma_semaphore, #tpu.memory_space<semaphore_mem>>) src(%dma_wait3A_139 : memref<100352xi32, #tpu.memory_space<vmem_shared>>) dst(%arg23 : memref<2000xi32, #tpu.memory_space<vmem>>)
    %scan3A_140 = arith.constant 0 : i32
    %scan3A_141 = arith.constant 0 : i32
    %scan3A_142 = arith.constant 125 : i32
    %scan3A_143 = arith.addi %scan3A_141, %scan3A_142 : i32
    %scan3A_144 = arith.constant 1 : i32
    scf.for %scan3A_197 = %scan3A_141 to %scan3A_143 step %scan3A_144  : i32 {
      %mul3A_198 = arith.constant 16 : i32
      %mul3A_199 = arith.muli %scan3A_197, %mul3A_198 : i32
      %get3A = arith.index_cast %mul3A_199 : i32 to index
      %get3A_200 = tpu.vector_load %arg20[%get3A] {strides = array<i32>} : memref<2000xi32, #tpu.memory_space<vmem>>, vector<16xi32>,
      %get3A_201 = vector.shape_cast %get3A_200 : vector<16xi32> to vector<16xi32>
      %get3A_202 = arith.index_cast %mul3A_199 : i32 to index
      %get3A_203 = tpu.vector_load %arg23[%get3A_202] {strides = array<i32>} : memref<2000xi32, #tpu.memory_space<vmem>>, vector<16xi32>,
      %get3A_204 = vector.shape_cast %get3A_203 : vector<16xi32> to vector<16xi32>
      %and3A = arith.constant 32767 : i32
      %and3A_205 = vector.broadcast %and3A : i32 to vector<16xi32>
      %and3A_206 = arith.andi %get3A_204, %and3A_205 : vector<16xi32>
      %shift_left3A = arith.constant 13 : i32
      %shift_left3A_207 = vector.broadcast %shift_left3A : i32 to vector<16xi32>
      %shift_left3A_208 = arith.shli %and3A_206, %shift_left3A_207 : vector<16xi32>
      %and3A_209 = arith.constant 32768 : i32
      %and3A_210 = vector.broadcast %and3A_209 : i32 to vector<16xi32>
      %and3A_211 = arith.andi %get3A_204, %and3A_210 : vector<16xi32>
      %shift_left3A_212 = arith.constant 16 : i32
      %shift_left3A_213 = vector.broadcast %shift_left3A_212 : i32 to vector<16xi32>
      %shift_left3A_214 = arith.shli %and3A_211, %shift_left3A_213 : vector<16xi32>
      %or3A = arith.ori %shift_left3A_208, %shift_left3A_214 : vector<16xi32>
      %bitcast_convert_type3A = tpu.bitcast %or3A : vector<16xi32> -> vector<16xf32>
      %mul3A_215 = arith.constant 5.19229686E+33 : f32
      %mul3A_216 = vector.broadcast %mul3A_215 : f32 to vector<16xf32>
      %mul3A_217 = arith.mulf %bitcast_convert_type3A, %mul3A_216 : vector<16xf32>
      %and3A_218 = arith.constant 32767 : i32
      %and3A_219 = vector.broadcast %and3A_218 : i32 to vector<16xi32>
      %and3A_220 = arith.andi %get3A_201, %and3A_219 : vector<16xi32>
      %shift_left3A_221 = arith.constant 13 : i32
      %shift_left3A_222 = vector.broadcast %shift_left3A_221 : i32 to vector<16xi32>
      %shift_left3A_223 = arith.shli %and3A_220, %shift_left3A_222 : vector<16xi32>
      %and3A_224 = arith.constant 32768 : i32
      %and3A_225 = vector.broadcast %and3A_224 : i32 to vector<16xi32>
      %and3A_226 = arith.andi %get3A_201, %and3A_225 : vector<16xi32>
      %shift_left3A_227 = arith.constant 16 : i32
      %shift_left3A_228 = vector.broadcast %shift_left3A_227 : i32 to vector<16xi32>
      %shift_left3A_229 = arith.shli %and3A_226, %shift_left3A_228 : vector<16xi32>
      %or3A_230 = arith.ori %shift_left3A_223, %shift_left3A_229 : vector<16xi32>
      %bitcast_convert_type3A_231 = tpu.bitcast %or3A_230 : vector<16xi32> -> vector<16xf32>
      %mul3A_232 = arith.constant 5.19229686E+33 : f32
      %mul3A_233 = vector.broadcast %mul3A_232 : f32 to vector<16xf32>
      %mul3A_234 = arith.mulf %bitcast_convert_type3A_231, %mul3A_233 : vector<16xf32>
      %sub3A = arith.subf %mul3A_217, %mul3A_234 : vector<16xf32>
      %shift_right_logical3A = arith.constant 16 : i32
      %shift_right_logical3A_235 = vector.broadcast %shift_right_logical3A : i32 to vector<16xi32>
      %shift_right_logical3A_236 = arith.shrui %get3A_204, %shift_right_logical3A_235 : vector<16xi32>
      %and3A_237 = arith.constant 32767 : i32
      %and3A_238 = vector.broadcast %and3A_237 : i32 to vector<16xi32>
      %and3A_239 = arith.andi %shift_right_logical3A_236, %and3A_238 : vector<16xi32>
      %shift_left3A_240 = arith.constant 13 : i32
      %shift_left3A_241 = vector.broadcast %shift_left3A_240 : i32 to vector<16xi32>
      %shift_left3A_242 = arith.shli %and3A_239, %shift_left3A_241 : vector<16xi32>
      %and3A_243 = arith.constant 32768 : i32
      %and3A_244 = vector.broadcast %and3A_243 : i32 to vector<16xi32>
      %and3A_245 = arith.andi %shift_right_logical3A_236, %and3A_244 : vector<16xi32>
      %shift_left3A_246 = arith.constant 16 : i32
      %shift_left3A_247 = vector.broadcast %shift_left3A_246 : i32 to vector<16xi32>
      %shift_left3A_248 = arith.shli %and3A_245, %shift_left3A_247 : vector<16xi32>
      %or3A_249 = arith.ori %shift_left3A_242, %shift_left3A_248 : vector<16xi32>
      %bitcast_convert_type3A_250 = tpu.bitcast %or3A_249 : vector<16xi32> -> vector<16xf32>
      %mul3A_251 = arith.constant 5.19229686E+33 : f32
      %mul3A_252 = vector.broadcast %mul3A_251 : f32 to vector<16xf32>
      %mul3A_253 = arith.mulf %bitcast_convert_type3A_250, %mul3A_252 : vector<16xf32>
      %shift_right_logical3A_254 = arith.constant 16 : i32
      %shift_right_logical3A_255 = vector.broadcast %shift_right_logical3A_254 : i32 to vector<16xi32>
      %shift_right_logical3A_256 = arith.shrui %get3A_201, %shift_right_logical3A_255 : vector<16xi32>
      %and3A_257 = arith.constant 32767 : i32
      %and3A_258 = vector.broadcast %and3A_257 : i32 to vector<16xi32>
      %and3A_259 = arith.andi %shift_right_logical3A_256, %and3A_258 : vector<16xi32>
      %shift_left3A_260 = arith.constant 13 : i32
      %shift_left3A_261 = vector.broadcast %shift_left3A_260 : i32 to vector<16xi32>
      %shift_left3A_262 = arith.shli %and3A_259, %shift_left3A_261 : vector<16xi32>
      %and3A_263 = arith.constant 32768 : i32
      %and3A_264 = vector.broadcast %and3A_263 : i32 to vector<16xi32>
      %and3A_265 = arith.andi %shift_right_logical3A_256, %and3A_264 : vector<16xi32>
      %shift_left3A_266 = arith.constant 16 : i32
      %shift_left3A_267 = vector.broadcast %shift_left3A_266 : i32 to vector<16xi32>
      %shift_left3A_268 = arith.shli %and3A_265, %shift_left3A_267 : vector<16xi32>
      %or3A_269 = arith.ori %shift_left3A_262, %shift_left3A_268 : vector<16xi32>
      %bitcast_convert_type3A_270 = tpu.bitcast %or3A_269 : vector<16xi32> -> vector<16xf32>
      %mul3A_271 = arith.constant 5.19229686E+33 : f32
      %mul3A_272 = vector.broadcast %mul3A_271 : f32 to vector<16xf32>
      %mul3A_273 = arith.mulf %bitcast_convert_type3A_270, %mul3A_272 : vector<16xf32>
      %sub3A_274 = arith.subf %mul3A_253, %mul3A_273 : vector<16xf32>
      %mul3A_275 = arith.mulf %sub3A, %sub3A : vector<16xf32>
      %mul3A_276 = arith.mulf %sub3A_274, %sub3A_274 : vector<16xf32>
      %add3A_277 = arith.addf %mul3A_275, %mul3A_276 : vector<16xf32>
      %eq3A_278 = arith.constant 0.000000e+00 : f32
      %eq3A_279 = vector.broadcast %eq3A_278 : f32 to vector<16xf32>
      %eq3A_280 = arith.cmpf oeq, %add3A_277, %eq3A_279 : vector<16xf32>
      %get3A_281 = arith.index_cast %mul3A_199 : i32 to index
      %get3A_282 = tpu.vector_load %arg14[%get3A_281] {strides = array<i32>} : memref<2000xi32, #tpu.memory_space<vmem>>, vector<16xi32>,
      %get3A_283 = vector.shape_cast %get3A_282 : vector<16xi32> to vector<16xi32>
      %get3A_284 = arith.index_cast %mul3A_199 : i32 to index
      %get3A_285 = tpu.vector_load %arg17[%get3A_284] {strides = array<i32>} : memref<2000xi32, #tpu.memory_space<vmem>>, vector<16xi32>,
      %get3A_286 = vector.shape_cast %get3A_285 : vector<16xi32> to vector<16xi32>
      %ne3A = arith.cmpi ne, %get3A_283, %get3A_286 : vector<16xi32>
      %and3A_287 = arith.andi %eq3A_280, %ne3A : vector<16xi1>
      %jit3A = arith.constant 1.000000e+00 : f32
      %broadcast_in_dim3A = vector.broadcast %jit3A : f32 to vector<16xf32>
      %select_n3A = arith.select %and3A_287, %broadcast_in_dim3A, %add3A_277 : vector<16xi1>, vector<16xf32>
      %bitcast_convert_type3A_288 = tpu.bitcast %select_n3A : vector<16xf32> -> vector<16xi32>
      %shift_right_arithmetic3A = arith.constant 1 : i32
      %shift_right_arithmetic3A_289 = vector.broadcast %shift_right_arithmetic3A : i32 to vector<16xi32>
      %shift_right_arithmetic3A_290 = arith.shrsi %bitcast_convert_type3A_288, %shift_right_arithmetic3A_289 : vector<16xi32>
      %sub3A_291 = arith.constant 1597463007 : i32
      %sub3A_292 = vector.broadcast %sub3A_291 : i32 to vector<16xi32>
      %sub3A_293 = arith.subi %sub3A_292, %shift_right_arithmetic3A_290 : vector<16xi32>
      %bitcast_convert_type3A_294 = tpu.bitcast %sub3A_293 : vector<16xi32> -> vector<16xf32>
      %mul3A_295 = arith.constant 5.000000e-01 : f32
      %mul3A_296 = vector.broadcast %mul3A_295 : f32 to vector<16xf32>
      %mul3A_297 = arith.mulf %mul3A_296, %select_n3A : vector<16xf32>
      %mul3A_298 = arith.mulf %mul3A_297, %bitcast_convert_type3A_294 : vector<16xf32>
      %mul3A_299 = arith.mulf %mul3A_298, %bitcast_convert_type3A_294 : vector<16xf32>
      %sub3A_300 = arith.constant 1.500000e+00 : f32
      %sub3A_301 = vector.broadcast %sub3A_300 : f32 to vector<16xf32>
      %sub3A_302 = arith.subf %sub3A_301, %mul3A_299 : vector<16xf32>
      %mul3A_303 = arith.mulf %bitcast_convert_type3A_294, %sub3A_302 : vector<16xf32>
      %mul3A_304 = arith.constant 5.000000e-01 : f32
      %mul3A_305 = vector.broadcast %mul3A_304 : f32 to vector<16xf32>
      %mul3A_306 = arith.mulf %mul3A_305, %select_n3A : vector<16xf32>
      %mul3A_307 = arith.mulf %mul3A_306, %mul3A_303 : vector<16xf32>
      %mul3A_308 = arith.mulf %mul3A_307, %mul3A_303 : vector<16xf32>
      %sub3A_309 = arith.constant 1.500000e+00 : f32
      %sub3A_310 = vector.broadcast %sub3A_309 : f32 to vector<16xf32>
      %sub3A_311 = arith.subf %sub3A_310, %mul3A_308 : vector<16xf32>
      %mul3A_312 = arith.mulf %mul3A_303, %sub3A_311 : vector<16xf32>
      %mul3A_313 = arith.mulf %select_n3A, %mul3A_312 : vector<16xf32>
      %get3A_314 = arith.index_cast %mul3A_199 : i32 to index
      %get3A_315 = tpu.vector_load %arg26[%get3A_314] {strides = array<i32>} : memref<2000xf32, #tpu.memory_space<vmem>>, vector<16xf32>,
      %get3A_316 = vector.shape_cast %get3A_315 : vector<16xf32> to vector<16xf32>
      %neg3A = arith.constant 0.000000e+00 : f32
      %neg3A_317 = vector.broadcast %neg3A : f32 to vector<16xf32>
      %neg3A_318 = arith.subf %neg3A_317, %get3A_316 : vector<16xf32>
      %get3A_319 = arith.index_cast %mul3A_199 : i32 to index
      %get3A_320 = tpu.vector_load %arg29[%get3A_319] {strides = array<i32>} : memref<2000xf32, #tpu.memory_space<vmem>>, vector<16xf32>,
      %get3A_321 = vector.shape_cast %get3A_320 : vector<16xf32> to vector<16xf32>
      %sub3A_322 = arith.subf %mul3A_313, %get3A_321 : vector<16xf32>
      %mul3A_323 = arith.mulf %neg3A_318, %sub3A_322 : vector<16xf32>
      %div3A = arith.divf %mul3A_323, %mul3A_313 : vector<16xf32>
      %mul3A_324 = arith.mulf %div3A, %sub3A : vector<16xf32>
      %swap3A = arith.index_cast %mul3A_199 : i32 to index
      %swap3A_325 = tpu.vector_load %arg32[%swap3A] {strides = array<i32>} : memref<2000xf32, #tpu.memory_space<vmem>>, vector<16xf32>,
      %swap3A_326 = vector.shape_cast %swap3A_325 : vector<16xf32> to vector<16xf32>
      %swap3A_327 = vector.shape_cast %mul3A_324 : vector<16xf32> to vector<16xf32>
      tpu.vector_store %arg32[%swap3A], %swap3A_327 {strides = array<i32>} : memref<2000xf32, #tpu.memory_space<vmem>>, vector<16xf32>,
      %mul3A_328 = arith.mulf %div3A, %sub3A_274 : vector<16xf32>
      %swap3A_329 = arith.index_cast %mul3A_199 : i32 to index
      %swap3A_330 = tpu.vector_load %arg35[%swap3A_329] {strides = array<i32>} : memref<2000xf32, #tpu.memory_space<vmem>>, vector<16xf32>,
      %swap3A_331 = vector.shape_cast %swap3A_330 : vector<16xf32> to vector<16xf32>
      %swap3A_332 = vector.shape_cast %mul3A_328 : vector<16xf32> to vector<16xf32>
      tpu.vector_store %arg35[%swap3A_329], %swap3A_332 {strides = array<i32>} : memref<2000xf32, #tpu.memory_space<vmem>>, vector<16xf32>,
    }
    %scan3A_145 = arith.constant 125 : i32
    %dma_start3A_146 = arith.constant 0 : i32
    %dma_start3A_147 = tpu.memref_slice %arg10[%dma_start3A_146] : memref<100352xf32, #tpu.memory_space<vmem_shared>> -> memref<100352xf32, #tpu.memory_space<vmem_shared>>
    tpu.enqueue_indirect_dma source(%arg32 : memref<2000xf32, #tpu.memory_space<vmem>>) target(%dma_start3A_147 : memref<100352xf32, #tpu.memory_space<vmem_shared>>) offsets(%arg17 : memref<2000xi32, #tpu.memory_space<vmem>>) semaphore(%arg44 : memref<!tpu.dma_semaphore, #tpu.memory_space<semaphore_mem>>) {add = true}
    %dma_start3A_148 = arith.constant 0 : i32
    %dma_start3A_149 = tpu.memref_slice %arg11[%dma_start3A_148] : memref<100352xf32, #tpu.memory_space<vmem_shared>> -> memref<100352xf32, #tpu.memory_space<vmem_shared>>
    tpu.enqueue_indirect_dma source(%arg35 : memref<2000xf32, #tpu.memory_space<vmem>>) target(%dma_start3A_149 : memref<100352xf32, #tpu.memory_space<vmem_shared>>) offsets(%arg17 : memref<2000xi32, #tpu.memory_space<vmem>>) semaphore(%arg44 : memref<!tpu.dma_semaphore, #tpu.memory_space<semaphore_mem>>) {add = true}
    %dma_wait3A_150 = arith.constant 0 : i32
    %dma_wait3A_151 = tpu.memref_slice %arg10[%dma_wait3A_150] : memref<100352xf32, #tpu.memory_space<vmem_shared>> -> memref<100352xf32, #tpu.memory_space<vmem_shared>>
    tpu.wait_indirect_dma semaphore(%arg43 : memref<!tpu.dma_semaphore, #tpu.memory_space<semaphore_mem>>) src(%arg31 : memref<2000xf32, #tpu.memory_space<vmem>>) dst(%dma_wait3A_151 : memref<100352xf32, #tpu.memory_space<vmem_shared>>)
    %dma_wait3A_152 = arith.constant 0 : i32
    %dma_wait3A_153 = tpu.memref_slice %arg11[%dma_wait3A_152] : memref<100352xf32, #tpu.memory_space<vmem_shared>> -> memref<100352xf32, #tpu.memory_space<vmem_shared>>
    tpu.wait_indirect_dma semaphore(%arg43 : memref<!tpu.dma_semaphore, #tpu.memory_space<semaphore_mem>>) src(%arg34 : memref<2000xf32, #tpu.memory_space<vmem>>) dst(%dma_wait3A_153 : memref<100352xf32, #tpu.memory_space<vmem_shared>>)
    %dma_wait3A_154 = arith.constant 0 : i32
    %dma_wait3A_155 = tpu.memref_slice %arg9[%dma_wait3A_154] : memref<100352xi32, #tpu.memory_space<vmem_shared>> -> memref<100352xi32, #tpu.memory_space<vmem_shared>>
    tpu.wait_indirect_dma semaphore(%arg39 : memref<!tpu.dma_semaphore, #tpu.memory_space<semaphore_mem>>) src(%dma_wait3A_155 : memref<100352xi32, #tpu.memory_space<vmem_shared>>) dst(%arg18 : memref<2000xi32, #tpu.memory_space<vmem>>)
    %dma_wait3A_156 = arith.constant 0 : i32
    %dma_wait3A_157 = tpu.memref_slice %arg9[%dma_wait3A_156] : memref<100352xi32, #tpu.memory_space<vmem_shared>> -> memref<100352xi32, #tpu.memory_space<vmem_shared>>
    tpu.wait_indirect_dma semaphore(%arg39 : memref<!tpu.dma_semaphore, #tpu.memory_space<semaphore_mem>>) src(%dma_wait3A_157 : memref<100352xi32, #tpu.memory_space<vmem_shared>>) dst(%arg21 : memref<2000xi32, #tpu.memory_space<vmem>>)
    %scan3A_158 = arith.constant 0 : i32
    %scan3A_159 = arith.constant 0 : i32
    %scan3A_160 = arith.constant 125 : i32
    %scan3A_161 = arith.addi %scan3A_159, %scan3A_160 : i32
    %scan3A_162 = arith.constant 1 : i32
    scf.for %scan3A_197 = %scan3A_159 to %scan3A_161 step %scan3A_162  : i32 {
      %mul3A_198 = arith.constant 16 : i32
      %mul3A_199 = arith.muli %scan3A_197, %mul3A_198 : i32
      %get3A = arith.index_cast %mul3A_199 : i32 to index
      %get3A_200 = tpu.vector_load %arg18[%get3A] {strides = array<i32>} : memref<2000xi32, #tpu.memory_space<vmem>>, vector<16xi32>,
      %get3A_201 = vector.shape_cast %get3A_200 : vector<16xi32> to vector<16xi32>
      %get3A_202 = arith.index_cast %mul3A_199 : i32 to index
      %get3A_203 = tpu.vector_load %arg21[%get3A_202] {strides = array<i32>} : memref<2000xi32, #tpu.memory_space<vmem>>, vector<16xi32>,
      %get3A_204 = vector.shape_cast %get3A_203 : vector<16xi32> to vector<16xi32>
      %and3A = arith.constant 32767 : i32
      %and3A_205 = vector.broadcast %and3A : i32 to vector<16xi32>
      %and3A_206 = arith.andi %get3A_204, %and3A_205 : vector<16xi32>
      %shift_left3A = arith.constant 13 : i32
      %shift_left3A_207 = vector.broadcast %shift_left3A : i32 to vector<16xi32>
      %shift_left3A_208 = arith.shli %and3A_206, %shift_left3A_207 : vector<16xi32>
      %and3A_209 = arith.constant 32768 : i32
      %and3A_210 = vector.broadcast %and3A_209 : i32 to vector<16xi32>
      %and3A_211 = arith.andi %get3A_204, %and3A_210 : vector<16xi32>
      %shift_left3A_212 = arith.constant 16 : i32
      %shift_left3A_213 = vector.broadcast %shift_left3A_212 : i32 to vector<16xi32>
      %shift_left3A_214 = arith.shli %and3A_211, %shift_left3A_213 : vector<16xi32>
      %or3A = arith.ori %shift_left3A_208, %shift_left3A_214 : vector<16xi32>
      %bitcast_convert_type3A = tpu.bitcast %or3A : vector<16xi32> -> vector<16xf32>
      %mul3A_215 = arith.constant 5.19229686E+33 : f32
      %mul3A_216 = vector.broadcast %mul3A_215 : f32 to vector<16xf32>
      %mul3A_217 = arith.mulf %bitcast_convert_type3A, %mul3A_216 : vector<16xf32>
      %and3A_218 = arith.constant 32767 : i32
      %and3A_219 = vector.broadcast %and3A_218 : i32 to vector<16xi32>
      %and3A_220 = arith.andi %get3A_201, %and3A_219 : vector<16xi32>
      %shift_left3A_221 = arith.constant 13 : i32
      %shift_left3A_222 = vector.broadcast %shift_left3A_221 : i32 to vector<16xi32>
      %shift_left3A_223 = arith.shli %and3A_220, %shift_left3A_222 : vector<16xi32>
      %and3A_224 = arith.constant 32768 : i32
      %and3A_225 = vector.broadcast %and3A_224 : i32 to vector<16xi32>
      %and3A_226 = arith.andi %get3A_201, %and3A_225 : vector<16xi32>
      %shift_left3A_227 = arith.constant 16 : i32
      %shift_left3A_228 = vector.broadcast %shift_left3A_227 : i32 to vector<16xi32>
      %shift_left3A_229 = arith.shli %and3A_226, %shift_left3A_228 : vector<16xi32>
      %or3A_230 = arith.ori %shift_left3A_223, %shift_left3A_229 : vector<16xi32>
      %bitcast_convert_type3A_231 = tpu.bitcast %or3A_230 : vector<16xi32> -> vector<16xf32>
      %mul3A_232 = arith.constant 5.19229686E+33 : f32
      %mul3A_233 = vector.broadcast %mul3A_232 : f32 to vector<16xf32>
      %mul3A_234 = arith.mulf %bitcast_convert_type3A_231, %mul3A_233 : vector<16xf32>
      %sub3A = arith.subf %mul3A_217, %mul3A_234 : vector<16xf32>
      %shift_right_logical3A = arith.constant 16 : i32
      %shift_right_logical3A_235 = vector.broadcast %shift_right_logical3A : i32 to vector<16xi32>
      %shift_right_logical3A_236 = arith.shrui %get3A_204, %shift_right_logical3A_235 : vector<16xi32>
      %and3A_237 = arith.constant 32767 : i32
      %and3A_238 = vector.broadcast %and3A_237 : i32 to vector<16xi32>
      %and3A_239 = arith.andi %shift_right_logical3A_236, %and3A_238 : vector<16xi32>
      %shift_left3A_240 = arith.constant 13 : i32
      %shift_left3A_241 = vector.broadcast %shift_left3A_240 : i32 to vector<16xi32>
      %shift_left3A_242 = arith.shli %and3A_239, %shift_left3A_241 : vector<16xi32>
      %and3A_243 = arith.constant 32768 : i32
      %and3A_244 = vector.broadcast %and3A_243 : i32 to vector<16xi32>
      %and3A_245 = arith.andi %shift_right_logical3A_236, %and3A_244 : vector<16xi32>
      %shift_left3A_246 = arith.constant 16 : i32
      %shift_left3A_247 = vector.broadcast %shift_left3A_246 : i32 to vector<16xi32>
      %shift_left3A_248 = arith.shli %and3A_245, %shift_left3A_247 : vector<16xi32>
      %or3A_249 = arith.ori %shift_left3A_242, %shift_left3A_248 : vector<16xi32>
      %bitcast_convert_type3A_250 = tpu.bitcast %or3A_249 : vector<16xi32> -> vector<16xf32>
      %mul3A_251 = arith.constant 5.19229686E+33 : f32
      %mul3A_252 = vector.broadcast %mul3A_251 : f32 to vector<16xf32>
      %mul3A_253 = arith.mulf %bitcast_convert_type3A_250, %mul3A_252 : vector<16xf32>
      %shift_right_logical3A_254 = arith.constant 16 : i32
      %shift_right_logical3A_255 = vector.broadcast %shift_right_logical3A_254 : i32 to vector<16xi32>
      %shift_right_logical3A_256 = arith.shrui %get3A_201, %shift_right_logical3A_255 : vector<16xi32>
      %and3A_257 = arith.constant 32767 : i32
      %and3A_258 = vector.broadcast %and3A_257 : i32 to vector<16xi32>
      %and3A_259 = arith.andi %shift_right_logical3A_256, %and3A_258 : vector<16xi32>
      %shift_left3A_260 = arith.constant 13 : i32
      %shift_left3A_261 = vector.broadcast %shift_left3A_260 : i32 to vector<16xi32>
      %shift_left3A_262 = arith.shli %and3A_259, %shift_left3A_261 : vector<16xi32>
      %and3A_263 = arith.constant 32768 : i32
      %and3A_264 = vector.broadcast %and3A_263 : i32 to vector<16xi32>
      %and3A_265 = arith.andi %shift_right_logical3A_256, %and3A_264 : vector<16xi32>
      %shift_left3A_266 = arith.constant 16 : i32
      %shift_left3A_267 = vector.broadcast %shift_left3A_266 : i32 to vector<16xi32>
      %shift_left3A_268 = arith.shli %and3A_265, %shift_left3A_267 : vector<16xi32>
      %or3A_269 = arith.ori %shift_left3A_262, %shift_left3A_268 : vector<16xi32>
      %bitcast_convert_type3A_270 = tpu.bitcast %or3A_269 : vector<16xi32> -> vector<16xf32>
      %mul3A_271 = arith.constant 5.19229686E+33 : f32
      %mul3A_272 = vector.broadcast %mul3A_271 : f32 to vector<16xf32>
      %mul3A_273 = arith.mulf %bitcast_convert_type3A_270, %mul3A_272 : vector<16xf32>
      %sub3A_274 = arith.subf %mul3A_253, %mul3A_273 : vector<16xf32>
      %mul3A_275 = arith.mulf %sub3A, %sub3A : vector<16xf32>
      %mul3A_276 = arith.mulf %sub3A_274, %sub3A_274 : vector<16xf32>
      %add3A_277 = arith.addf %mul3A_275, %mul3A_276 : vector<16xf32>
      %eq3A_278 = arith.constant 0.000000e+00 : f32
      %eq3A_279 = vector.broadcast %eq3A_278 : f32 to vector<16xf32>
      %eq3A_280 = arith.cmpf oeq, %add3A_277, %eq3A_279 : vector<16xf32>
      %get3A_281 = arith.index_cast %mul3A_199 : i32 to index
      %get3A_282 = tpu.vector_load %arg12[%get3A_281] {strides = array<i32>} : memref<2000xi32, #tpu.memory_space<vmem>>, vector<16xi32>,
      %get3A_283 = vector.shape_cast %get3A_282 : vector<16xi32> to vector<16xi32>
      %get3A_284 = arith.index_cast %mul3A_199 : i32 to index
      %get3A_285 = tpu.vector_load %arg15[%get3A_284] {strides = array<i32>} : memref<2000xi32, #tpu.memory_space<vmem>>, vector<16xi32>,
      %get3A_286 = vector.shape_cast %get3A_285 : vector<16xi32> to vector<16xi32>
      %ne3A = arith.cmpi ne, %get3A_283, %get3A_286 : vector<16xi32>
      %and3A_287 = arith.andi %eq3A_280, %ne3A : vector<16xi1>
      %jit3A = arith.constant 1.000000e+00 : f32
      %broadcast_in_dim3A = vector.broadcast %jit3A : f32 to vector<16xf32>
      %select_n3A = arith.select %and3A_287, %broadcast_in_dim3A, %add3A_277 : vector<16xi1>, vector<16xf32>
      %bitcast_convert_type3A_288 = tpu.bitcast %select_n3A : vector<16xf32> -> vector<16xi32>
      %shift_right_arithmetic3A = arith.constant 1 : i32
      %shift_right_arithmetic3A_289 = vector.broadcast %shift_right_arithmetic3A : i32 to vector<16xi32>
      %shift_right_arithmetic3A_290 = arith.shrsi %bitcast_convert_type3A_288, %shift_right_arithmetic3A_289 : vector<16xi32>
      %sub3A_291 = arith.constant 1597463007 : i32
      %sub3A_292 = vector.broadcast %sub3A_291 : i32 to vector<16xi32>
      %sub3A_293 = arith.subi %sub3A_292, %shift_right_arithmetic3A_290 : vector<16xi32>
      %bitcast_convert_type3A_294 = tpu.bitcast %sub3A_293 : vector<16xi32> -> vector<16xf32>
      %mul3A_295 = arith.constant 5.000000e-01 : f32
      %mul3A_296 = vector.broadcast %mul3A_295 : f32 to vector<16xf32>
      %mul3A_297 = arith.mulf %mul3A_296, %select_n3A : vector<16xf32>
      %mul3A_298 = arith.mulf %mul3A_297, %bitcast_convert_type3A_294 : vector<16xf32>
      %mul3A_299 = arith.mulf %mul3A_298, %bitcast_convert_type3A_294 : vector<16xf32>
      %sub3A_300 = arith.constant 1.500000e+00 : f32
      %sub3A_301 = vector.broadcast %sub3A_300 : f32 to vector<16xf32>
      %sub3A_302 = arith.subf %sub3A_301, %mul3A_299 : vector<16xf32>
      %mul3A_303 = arith.mulf %bitcast_convert_type3A_294, %sub3A_302 : vector<16xf32>
      %mul3A_304 = arith.constant 5.000000e-01 : f32
      %mul3A_305 = vector.broadcast %mul3A_304 : f32 to vector<16xf32>
      %mul3A_306 = arith.mulf %mul3A_305, %select_n3A : vector<16xf32>
      %mul3A_307 = arith.mulf %mul3A_306, %mul3A_303 : vector<16xf32>
      %mul3A_308 = arith.mulf %mul3A_307, %mul3A_303 : vector<16xf32>
      %sub3A_309 = arith.constant 1.500000e+00 : f32
      %sub3A_310 = vector.broadcast %sub3A_309 : f32 to vector<16xf32>
      %sub3A_311 = arith.subf %sub3A_310, %mul3A_308 : vector<16xf32>
      %mul3A_312 = arith.mulf %mul3A_303, %sub3A_311 : vector<16xf32>
      %mul3A_313 = arith.mulf %select_n3A, %mul3A_312 : vector<16xf32>
      %get3A_314 = arith.index_cast %mul3A_199 : i32 to index
      %get3A_315 = tpu.vector_load %arg24[%get3A_314] {strides = array<i32>} : memref<2000xf32, #tpu.memory_space<vmem>>, vector<16xf32>,
      %get3A_316 = vector.shape_cast %get3A_315 : vector<16xf32> to vector<16xf32>
      %neg3A = arith.constant 0.000000e+00 : f32
      %neg3A_317 = vector.broadcast %neg3A : f32 to vector<16xf32>
      %neg3A_318 = arith.subf %neg3A_317, %get3A_316 : vector<16xf32>
      %get3A_319 = arith.index_cast %mul3A_199 : i32 to index
      %get3A_320 = tpu.vector_load %arg27[%get3A_319] {strides = array<i32>} : memref<2000xf32, #tpu.memory_space<vmem>>, vector<16xf32>,
      %get3A_321 = vector.shape_cast %get3A_320 : vector<16xf32> to vector<16xf32>
      %sub3A_322 = arith.subf %mul3A_313, %get3A_321 : vector<16xf32>
      %mul3A_323 = arith.mulf %neg3A_318, %sub3A_322 : vector<16xf32>
      %div3A = arith.divf %mul3A_323, %mul3A_313 : vector<16xf32>
      %mul3A_324 = arith.mulf %div3A, %sub3A : vector<16xf32>
      %swap3A = arith.index_cast %mul3A_199 : i32 to index
      %swap3A_325 = tpu.vector_load %arg30[%swap3A] {strides = array<i32>} : memref<2000xf32, #tpu.memory_space<vmem>>, vector<16xf32>,
      %swap3A_326 = vector.shape_cast %swap3A_325 : vector<16xf32> to vector<16xf32>
      %swap3A_327 = vector.shape_cast %mul3A_324 : vector<16xf32> to vector<16xf32>
      tpu.vector_store %arg30[%swap3A], %swap3A_327 {strides = array<i32>} : memref<2000xf32, #tpu.memory_space<vmem>>, vector<16xf32>,
      %mul3A_328 = arith.mulf %div3A, %sub3A_274 : vector<16xf32>
      %swap3A_329 = arith.index_cast %mul3A_199 : i32 to index
      %swap3A_330 = tpu.vector_load %arg33[%swap3A_329] {strides = array<i32>} : memref<2000xf32, #tpu.memory_space<vmem>>, vector<16xf32>,
      %swap3A_331 = vector.shape_cast %swap3A_330 : vector<16xf32> to vector<16xf32>
      %swap3A_332 = vector.shape_cast %mul3A_328 : vector<16xf32> to vector<16xf32>
      tpu.vector_store %arg33[%swap3A_329], %swap3A_332 {strides = array<i32>} : memref<2000xf32, #tpu.memory_space<vmem>>, vector<16xf32>,
    }
    %scan3A_163 = arith.constant 125 : i32
    %dma_start3A_164 = arith.constant 0 : i32
    %dma_start3A_165 = tpu.memref_slice %arg10[%dma_start3A_164] : memref<100352xf32, #tpu.memory_space<vmem_shared>> -> memref<100352xf32, #tpu.memory_space<vmem_shared>>
    tpu.enqueue_indirect_dma source(%arg30 : memref<2000xf32, #tpu.memory_space<vmem>>) target(%dma_start3A_165 : memref<100352xf32, #tpu.memory_space<vmem_shared>>) offsets(%arg15 : memref<2000xi32, #tpu.memory_space<vmem>>) semaphore(%arg42 : memref<!tpu.dma_semaphore, #tpu.memory_space<semaphore_mem>>) {add = true}
    %dma_start3A_166 = arith.constant 0 : i32
    %dma_start3A_167 = tpu.memref_slice %arg11[%dma_start3A_166] : memref<100352xf32, #tpu.memory_space<vmem_shared>> -> memref<100352xf32, #tpu.memory_space<vmem_shared>>
    tpu.enqueue_indirect_dma source(%arg33 : memref<2000xf32, #tpu.memory_space<vmem>>) target(%dma_start3A_167 : memref<100352xf32, #tpu.memory_space<vmem_shared>>) offsets(%arg15 : memref<2000xi32, #tpu.memory_space<vmem>>) semaphore(%arg42 : memref<!tpu.dma_semaphore, #tpu.memory_space<semaphore_mem>>) {add = true}
    %dma_wait3A_168 = arith.constant 0 : i32
    %dma_wait3A_169 = tpu.memref_slice %arg10[%dma_wait3A_168] : memref<100352xf32, #tpu.memory_space<vmem_shared>> -> memref<100352xf32, #tpu.memory_space<vmem_shared>>
    tpu.wait_indirect_dma semaphore(%arg44 : memref<!tpu.dma_semaphore, #tpu.memory_space<semaphore_mem>>) src(%arg32 : memref<2000xf32, #tpu.memory_space<vmem>>) dst(%dma_wait3A_169 : memref<100352xf32, #tpu.memory_space<vmem_shared>>)
    %dma_wait3A_170 = arith.constant 0 : i32
    %dma_wait3A_171 = tpu.memref_slice %arg11[%dma_wait3A_170] : memref<100352xf32, #tpu.memory_space<vmem_shared>> -> memref<100352xf32, #tpu.memory_space<vmem_shared>>
    tpu.wait_indirect_dma semaphore(%arg44 : memref<!tpu.dma_semaphore, #tpu.memory_space<semaphore_mem>>) src(%arg35 : memref<2000xf32, #tpu.memory_space<vmem>>) dst(%dma_wait3A_171 : memref<100352xf32, #tpu.memory_space<vmem_shared>>)
    %dma_wait3A_172 = arith.constant 0 : i32
    %dma_wait3A_173 = tpu.memref_slice %arg10[%dma_wait3A_172] : memref<100352xf32, #tpu.memory_space<vmem_shared>> -> memref<100352xf32, #tpu.memory_space<vmem_shared>>
    tpu.wait_indirect_dma semaphore(%arg42 : memref<!tpu.dma_semaphore, #tpu.memory_space<semaphore_mem>>) src(%arg30 : memref<2000xf32, #tpu.memory_space<vmem>>) dst(%dma_wait3A_173 : memref<100352xf32, #tpu.memory_space<vmem_shared>>)
    %dma_wait3A_174 = arith.constant 0 : i32
    %dma_wait3A_175 = tpu.memref_slice %arg11[%dma_wait3A_174] : memref<100352xf32, #tpu.memory_space<vmem_shared>> -> memref<100352xf32, #tpu.memory_space<vmem_shared>>
    tpu.wait_indirect_dma semaphore(%arg42 : memref<!tpu.dma_semaphore, #tpu.memory_space<semaphore_mem>>) src(%arg33 : memref<2000xf32, #tpu.memory_space<vmem>>) dst(%dma_wait3A_175 : memref<100352xf32, #tpu.memory_space<vmem_shared>>)
    %barrier3A_176 = arith.constant 0 : index
    tpu.barrier barrier_id(%barrier3A_176)
    %mul3A_177 = arith.constant 6272 : i32
    %mul3A_178 = arith.muli %arg1, %mul3A_177 : i32
    %mul3A_179 = arith.constant 2 : i32
    %mul3A_180 = arith.muli %arg0, %mul3A_179 : i32
    %mul3A_181 = arith.constant 100352 : i32
    %mul3A_182 = arith.muli %mul3A_180, %mul3A_181 : i32
    %mul3A_183 = arith.constant 6272 : i32
    %mul3A_184 = arith.muli %arg1, %mul3A_183 : i32
    %add3A_185 = arith.addi %mul3A_182, %mul3A_184 : i32
    "tpu.region"() ({
      %run_scoped3A = tpu.sem_alloc : memref<!tpu.dma_semaphore, #tpu.memory_space<semaphore_mem>>
      %dma_start3A_197 = tpu.memref_slice %arg8[%add3A_185] : memref<401408xf32, #tpu.memory_space<hbm>> -> memref<6272xf32, #tpu.memory_space<hbm>>
      %dma_start3A_198 = tpu.memref_slice %arg10[%mul3A_178] : memref<100352xf32, #tpu.memory_space<vmem_shared>> -> memref<6272xf32, #tpu.memory_space<vmem_shared>>
      tpu.enqueue_dma source(%dma_start3A_198 : memref<6272xf32, #tpu.memory_space<vmem_shared>>) target(%dma_start3A_197 : memref<6272xf32, #tpu.memory_space<hbm>>) target_semaphore(%run_scoped3A : memref<!tpu.dma_semaphore, #tpu.memory_space<semaphore_mem>>)
      %dma_wait3A_199 = tpu.memref_slice %arg8[%add3A_185] : memref<401408xf32, #tpu.memory_space<hbm>> -> memref<6272xf32, #tpu.memory_space<hbm>>
      %dma_wait3A_200 = tpu.memref_slice %arg10[%mul3A_178] : memref<100352xf32, #tpu.memory_space<vmem_shared>> -> memref<6272xf32, #tpu.memory_space<vmem_shared>>
      tpu.wait_dma2 semaphore(%run_scoped3A : memref<!tpu.dma_semaphore, #tpu.memory_space<semaphore_mem>>) src(%dma_wait3A_200 : memref<6272xf32, #tpu.memory_space<vmem_shared>>) dst(%dma_wait3A_199 : memref<6272xf32, #tpu.memory_space<hbm>>)
      tpu.yield
    }) : () -> ()
    %mul3A_186 = arith.constant 6272 : i32
    %mul3A_187 = arith.muli %arg1, %mul3A_186 : i32
    %mul3A_188 = arith.constant 2 : i32
    %mul3A_189 = arith.muli %arg0, %mul3A_188 : i32
    %add3A_190 = arith.constant 1 : i32
    %add3A_191 = arith.addi %mul3A_189, %add3A_190 : i32
    %mul3A_192 = arith.constant 100352 : i32
    %mul3A_193 = arith.muli %add3A_191, %mul3A_192 : i32
    %mul3A_194 = arith.constant 6272 : i32
    %mul3A_195 = arith.muli %arg1, %mul3A_194 : i32
    %add3A_196 = arith.addi %mul3A_193, %mul3A_195 : i32
    "tpu.region"() ({
      %run_scoped3A = tpu.sem_alloc : memref<!tpu.dma_semaphore, #tpu.memory_space<semaphore_mem>>
      %dma_start3A_197 = tpu.memref_slice %arg8[%add3A_196] : memref<401408xf32, #tpu.memory_space<hbm>> -> memref<6272xf32, #tpu.memory_space<hbm>>
      %dma_start3A_198 = tpu.memref_slice %arg11[%mul3A_187] : memref<100352xf32, #tpu.memory_space<vmem_shared>> -> memref<6272xf32, #tpu.memory_space<vmem_shared>>
      tpu.enqueue_dma source(%dma_start3A_198 : memref<6272xf32, #tpu.memory_space<vmem_shared>>) target(%dma_start3A_197 : memref<6272xf32, #tpu.memory_space<hbm>>) target_semaphore(%run_scoped3A : memref<!tpu.dma_semaphore, #tpu.memory_space<semaphore_mem>>)
      %dma_wait3A_199 = tpu.memref_slice %arg8[%add3A_196] : memref<401408xf32, #tpu.memory_space<hbm>> -> memref<6272xf32, #tpu.memory_space<hbm>>
      %dma_wait3A_200 = tpu.memref_slice %arg11[%mul3A_187] : memref<100352xf32, #tpu.memory_space<vmem_shared>> -> memref<6272xf32, #tpu.memory_space<vmem_shared>>
      tpu.wait_dma2 semaphore(%run_scoped3A : memref<!tpu.dma_semaphore, #tpu.memory_space<semaphore_mem>>) src(%dma_wait3A_200 : memref<6272xf32, #tpu.memory_space<vmem_shared>>) dst(%dma_wait3A_199 : memref<6272xf32, #tpu.memory_space<hbm>>)
      tpu.yield
    }) : () -> ()
    return
  }
}

</mosaic_0001>

<sc_bundles>
// kernel: kernel.4.cloned.1.call-start
scs
__scs_entry_jumppad:
0x0: {  	(pc) =	sbr.rel $0x88, $3  }
0x1: {  	(tag) =	ssettag $0x0;
	lr =	simm.s32 $0x1  }
0x2: {  	[smem:$0x3F9D] =	sst lr;
	_ =	strace $0xD0000000  }
0x3: {  	_ = 	snop  }
0x4: {  	_ = 	snop  }
0x5: {  	_ = 	snop  }
0x6: {  	_ = 	snop  }
0x7: {  	_ = 	snop  }
__scs_overlays_trampoline_lowered:
0x8: {  	[smem:$0x3FAC] =	sst s0  }
0x9: {  	[smem:$0x3FAD] =	sst s1  }
0xa: {  	[smem:$0x3FAE] =	sst s2  }
0xb: {  	[smem:$0x3FAF] =	sst s3  }
0xc: {  	[smem:$0x3FB0] =	sst s4  }
0xd: {  	[smem:$0x3FB1] =	sst s5  }
0xe: {  	[smem:$0x3FB2] =	sst s6  }
0xf: {  	[smem:$0x3FB3] =	sst s7  }
0x10: {  	[smem:$0x3FB4] =	sst s8  }
0x11: {  	[smem:$0x3FB5] =	sst s9;
	s0 =	simm.s32 @!p0 $0x0  }
0x12: {  	s1 =	sld [smem:$0x3F9B];
	s0 =	simm.s32 @p0 $0x1  }
0x13: {  	[smem:$0x3FB6] =	sst s0;
	s0 =	simm.s32 @!p1 $0x0  }
0x14: {  	s2 =	sld [smem:$0x3F9A];
	s0 =	simm.s32 @p1 $0x1  }
0x15: {  	[smem:$0x3FB7] =	sst s0;
	s0 =	simm.s32 @!p2 $0x0  }
0x16: {  	s3 =	sld [smem:$0x3FDB];
	s0 =	simm.s32 @p2 $0x1  }
0x17: {  	s4 =	simm.s32 $0x1BF5;
	[smem:$0x3FB9] =	sst s0  }
0x18: {  	s0 =	sld [smem:$0x3F9C];
	_ =	swait.ge [sflag:s4], $0x0  }
0x19: {  	s7 =	sld [smem:$0x3F9D]  }
0x1a: {  	s8 =	sadd.s32 $0xFFFFE003, lr  }
0x1b: {  	s9 =	sadd.s32 $0xFFFFFEF7, lr;
	s5 =	simm.s32 $0xFFFFFFFF;
	p2 =	slt.u32 s8, $0xFFFFF086  }
0x1c: {  	p1 =	slt.u32 s9, $0xF7A;
	s5 =	simm.s32 @!p2 $0x0  }
0x1d: {  	s5 =	simm.s32 @p1 $0x1;
	p0 =	seq.s32 s7, s2  }
0x1e: {  	s7 =	smul.u32 @!p0 $0xF7A, s2;
	p2 =	seq.s32 @!p0 s5, $0x0  }
0x1f: {  	s9 =	smul.u32 $0xF7A, s1;
	s8 =	simm.s32 @!p0 $0x1BF5;
	p2 =	por !p2, p0  }
0x20: {  	[sflag:s8] =	ssyncset.s32 @!p0 $0xFFFFF086;
	s6 =	sadd.s32 @!p0 s3, s7;
	s7 =	simm.s32 @!p0 $0x108  }
0x21: {  	s3 =	sadd.s32 s3, s9;
	s6 =	sadd.s32 @!p0 $0x88, s6;
	s7 =	simm.s32 @p2 $0x1082  }
0x22: {  	[simem:s7], [sflag:s8] =	dma.local @!p0 [hbm:s6], $0xF7A  }
0x23: {  	s9 =	sor.u32 $0xD0000000, s2;
	s6 =	simm.s32 $0x108;
	_ =	swait.ge @!p0 [sflag:s8], $0x0  }
0x24: {  	s3 =	sadd.s32 $0x88, s3;
	s6 =	simm.s32 @!p1 $0x1082;
	[sflag:s4] =	ssyncset.s32 $0xFFFFF086  }
0x25: {  	[simem:s6], [sflag:s4] =	dma.local [hbm:s3], $0xF7A  }
0x26: {  	[smem:$0x3F9D] =	sst s1;
	(tag) =	ssettag s2;
	_ =	strace s9  }
0x27: {  	s1 =	sld [smem:$0x3FAD]  }
0x28: {  	s2 =	sld [smem:$0x3FAE]  }
0x29: {  	s4 =	sld [smem:$0x3FB0]  }
0x2a: {  	p0 =	seq.s32 s5, $0x0;
	s5 =	sld [smem:$0x3FB1]  }
0x2b: {  	s6 =	sld [smem:$0x3FB2]  }
0x2c: {  	s7 =	sld [smem:$0x3FB3]  }
0x2d: {  	s3 =	simm.s32 $0x108;
	s8 =	sld [smem:$0x3FB4]  }
0x2e: {  	s3 =	simm.s32 @!p0 $0x1082;
	s9 =	sld [smem:$0x3FB5]  }
0x2f: {  	lr =	sadd.s32 s0, s3;
	s0 =	sld [smem:$0x3FAC]  }
0x30: {  	s3 =	sld [smem:$0x3FAF]  }
0x31: {  	[smem:$0x3FB8] =	sst s10  }
0x32: {  	s10 =	sld [smem:$0x3FB6];
	_ =	sdelay $0x3  }
0x33: {  	p0 =	seq.s32 s10, $0x1;
	s10 =	sld [smem:$0x3FB8];
	_ =	sdelay $0x3  }
0x34: {  	[smem:$0x3FB8] =	sst s10  }
0x35: {  	s10 =	sld [smem:$0x3FB7];
	_ =	sdelay $0x3  }
0x36: {  	p1 =	seq.s32 s10, $0x1;
	s10 =	sld [smem:$0x3FB8];
	_ =	sdelay $0x3  }
0x37: {  	[smem:$0x3FB8] =	sst s10  }
0x38: {  	s10 =	sld [smem:$0x3FB9]  }
0x39: {  	_ = 	snop;
	(pc) =	sbr.ind lr, $3  }
0x3a: {  	_ = 	snop  }
0x3b: {  	_ = 	snop  }
0x3c: {  	p2 =	seq.s32 s10, $0x1;
	s10 =	sld [smem:$0x3FB8]  }
0x3d: {  	_ =	shalt  }
0x3e: {  	_ =	shalt  }
0x3f: {  	_ =	shalt  }
0x40: {  	_ =	shalt  }
0x41: {  	_ =	shalt  }
0x42: {  	_ =	shalt  }
0x43: {  	_ =	shalt  }
0x44: {  	_ =	shalt  }
0x45: {  	_ =	shalt  }
0x46: {  	_ =	shalt  }
0x47: {  	_ =	shalt  }
0x48: {  	_ =	shalt  }
0x49: {  	_ =	shalt  }
0x4a: {  	_ =	shalt  }
0x4b: {  	_ =	shalt  }
0x4c: {  	_ =	shalt  }
0x4d: {  	_ =	shalt  }
0x4e: {  	_ =	shalt  }
0x4f: {  	_ =	shalt  }
0x50: {  	_ =	shalt  }
0x51: {  	_ =	shalt  }
0x52: {  	_ =	shalt  }
0x53: {  	_ =	shalt  }
0x54: {  	_ =	shalt  }
0x55: {  	_ =	shalt  }
0x56: {  	_ =	shalt  }
0x57: {  	_ =	shalt  }
0x58: {  	_ =	shalt  }
0x59: {  	_ =	shalt  }
0x5a: {  	_ =	shalt  }
0x5b: {  	_ =	shalt  }
0x5c: {  	_ =	shalt  }
0x5d: {  	_ =	shalt  }
0x5e: {  	_ =	shalt  }
0x5f: {  	_ =	shalt  }
0x60: {  	_ =	shalt  }
0x61: {  	_ =	shalt  }
0x62: {  	_ =	shalt  }
0x63: {  	_ =	shalt  }
0x64: {  	_ =	shalt  }
0x65: {  	_ =	shalt  }
0x66: {  	_ =	shalt  }
0x67: {  	_ =	shalt  }
0x68: {  	_ =	shalt  }
0x69: {  	_ =	shalt  }
0x6a: {  	_ =	shalt  }
0x6b: {  	_ =	shalt  }
0x6c: {  	_ =	shalt  }
0x6d: {  	_ =	shalt  }
0x6e: {  	_ =	shalt  }
0x6f: {  	_ =	shalt  }
0x70: {  	_ =	shalt  }
0x71: {  	_ =	shalt  }
0x72: {  	_ =	shalt  }
0x73: {  	_ =	shalt  }
0x74: {  	_ =	shalt  }
0x75: {  	_ =	shalt  }
0x76: {  	_ =	shalt  }
0x77: {  	_ =	shalt  }
0x78: {  	_ =	shalt  }
0x79: {  	_ =	shalt  }
0x7a: {  	_ =	shalt  }
0x7b: {  	_ =	shalt  }
0x7c: {  	_ =	shalt  }
0x7d: {  	_ =	shalt  }
0x7e: {  	_ =	shalt  }
0x7f: {  	_ =	shalt  }
0x80: {  	_ =	shalt  }
0x81: {  	_ =	shalt  }
0x82: {  	_ =	shalt  }
0x83: {  	_ =	shalt  }
0x84: {  	_ =	shalt  }
0x85: {  	_ =	shalt  }
0x86: {  	_ =	shalt  }
0x87: {  	_ =	shalt  }
.Lfunc_end0:
.L_simem_size_0:
called_computation_lowered:
.L_overlay_start_0:
0x88: {  	s2 =	sld [smem:$0x3FD9]  }
0x89: {  	s3 =	sld [smem:$0x3FFE];
	_ =	sdelay $0x1  }
0x8a: {  	s1 =	srdreg.scid  }
0x8b: {  	s0 =	sand.u32 $0x1, s1  }
0x8c: {  	s17 =	sshll.u32 s0, $0xA;
	s2 =	sadd.s32 s3, s2  }
0x8d: {  	s2 =	sadd.s32 s2, s17  }
0x8e: {  	[smem:$0x3FC4] =	sst s2  }
0x8f: {  	_ = 	snop  }
0x90: {  	s2 =	sld [smem:$0x3FD0];
	(tm) =	ssettm $0x1  }
0x91: {  	s18 =	sld [smem:$0x3FFB];
	_ =	sdelay $0x3  }
0x92: {  	_ =	strace s18  }
0x93: {  	s3 =	sld [smem:$0x3FFC];
	_ =	sdelay $0x3  }
0x94: {  	_ =	strace s3  }
0x95: {  	s3 =	sld [smem:$0x3FFD];
	_ =	sdelay $0x3  }
0x96: {  	_ =	strace s3  }
0x97: {  	_ =	strace $0x8FFFFFFF  }
0x98: {  	s19 =	sld [smem:$0x3FDB];
	_ =	sdelay $0x1  }
0x99: {  	s4 =	simm.s32 $_scs_section_size  }
0x9a: {  	s5 =	simm.s32 $_size__tile_overlayer_lowered;
	s6 =	simm.s32 $_tile_overlayer_lowered  }
0x9b: {  	s22 =	simm.s32 $0x1BFF;
	s21 =	sshll.u32 s6, $0x1;
	s3 =	sadd.s32 s4, s19  }
0x9c: {  	s7 =	simm.s32 $0x0;
	s20 =	sshll.u32 s5, $0x1;
	s5 =	sadd.s32 s21, s3  }
0x9d: {  	[timem:s7], [sflag:s22] =	dma.local [hbm:s5], s20  }
0x9e: {  	_ =	swait.ge [sflag:s22], s20  }
0x9f: {  	s4 =	ssub.s32 $0x0, s20;
	[sflag:s22] =	ssyncset.done $0x0  }
0xa0: {  	[sflag:s22] =	ssyncadd.s32 s4;
	_ =	sdelay $0x1  }
0xa1: {  	s23 =	simm.s32 $0x1B8B  }
0xa2: {  	_ =	swait.ge [sflag:s23], $0x1  }
0xa3: {  	[sflag:s23] =	ssyncset.done $0x0  }
0xa4: {  	s25 =	simm.s32 $0x1B8E;
	s24 =	sld [smem:$0x3FFE];
	[sflag:s23] =	ssyncadd.s32 $0xFFFFFFFF  }
0xa5: {  	s26 =	simm.s32 $execute0_lowered;
	[smem:$0x3FD2] =	sst s25  }
0xa6: {  	s5 =	sshll.u32 s26, $0x1;
	_ =	strace $0x80000046;
	[dreg:$0x1] =	wrdreg $0xFFFFFFFF  }
0xa7: {  	s28 =	simm.s32 $_size_execute0_lowered;
	s3 =	sadd.s32 s3, s5;
	[dreg:$0x0] =	wrdreg $0x0  }
0xa8: {  	s5 =	sshll.u32 s28, $0x1;
	[dreg:$0x2] =	wrdreg s3  }
0xa9: {  	[dreg:$0x3] =	wrdreg s5  }
0xaa: {  	[dreg:$0x4] =	wrdreg $0xC0  }
0xab: {  	_ =	task [dreg:s7], $0x5FFFF  }
0xac: {  	[dreg:$0x1] =	wrdreg $0xFFFFFFFF  }
0xad: {  	[dreg:$0x0] =	wrdreg $0x60  }
0xae: {  	[dreg:$0x2] =	wrdreg s24  }
0xaf: {  	[dreg:$0x3] =	wrdreg s2  }
0xb0: {  	[dreg:$0x4] =	wrdreg $0x0  }
0xb1: {  	[dreg:$0x5] =	wrdreg $0x18800  }
0xb2: {  	[dreg:$0x6] =	wrdreg $0x31000  }
0xb3: {  	[dreg:$0x7] =	wrdreg $0x9  }
0xb4: {  	_ =	task.clear_ibuf [dreg:s7], $0x8FFFF;
	_ =	strace $0x90000046  }
0xb5: {  	s29 =	simm.s32 $0x9;
	_ =	strace $0x80000048  }
0xb6: {  	_ =	swait.ge [sflag:s29], $0x1  }
0xb7: {  	[sflag:s29] =	ssyncadd.s32 $0xFFFFFFFF  }
0xb8: {  	_ =	strace $0x90000048  }
0xb9: {  	_ =	sfence  }
0xba: {  	s30 =	sld [smem:$0x0];
	_ =	sdelay $0x2  }
0xbb: {  	s31 =	sshll.u32 s1, $0xD;
	s1 =	sshrl.u32 s1, $0x2  }
0xbc: {  	s3 =	sand.u32 $0x4000, s31;
	s1 =	sadd.s32 s1, s30  }
0xbd: {  	s0 =	sor.u32 s3, s0;
	s1 =	sshll.u32 s1, $0x11  }
0xbe: {  	s0 =	sor.u32 s1, s0  }
0xbf: {  	s0 =	sadd.s32 $0x8F2B, s0  }
0xc0: {  	[sflag:s0] =	ssyncadd.remote.s32 $0x1  }
0xc1: {  	_ =	sfence.sel $0xFFFF  }
0xc2: {  	[dreg:$0x0] =	wrdreg $0xFFFFFFFF;
	(pc) =	sbr.abs _section_cstart, $3  }
0xc3: {  	[dreg:$0x1] =	wrdreg $0xFFFFFFFF  }
0xc4: {  	_ =	task.clear_ibuf [dreg:s7], $0x2FFFF;
	_ =	strace $0x9FFFFFFF  }
0xc5: {  	(tm) =	ssettm $0x7FFFFFFF  }
tec
execute0_lowered:
.L_overlay_start_1:
0x0: {  	(tag) =	ssettag $0x1  }
0x1: {  	s0 =	rddreg [dreg:$0x0]  }
0x2: {  	s5 =	rddreg [dreg:$0x1]  }
0x3: {  	s1 =	rddreg [dreg:$0x2]  }
0x4: {  	s2 =	rddreg [dreg:$0x3]  }
0x5: {  	s3 =	rddreg [dreg:$0x4]  }
0x6: {  	s4 =	simm.s32 $0x0;
	s6 =	srdreg.scid;
	s15 =	stileid.u32  }
0x7: {  	[smem:$0x7FF] =	sst s4;
	s7 =	sadd.s32 $0x310A00, s0;
	s6 =	sand.u32 $0x1, s6  }
0x8: {  	s9 =	sshll.u32 s15, $0x1;
	s8 =	sadd.s32 $0x3200, s0;
	_ =	strace $0x80000047  }
0x9: {  	[dreg:$0x6] =	wrdreg s7;
	s7 =	sadd.s32 $0xC6800, s0;
	s10 =	sor.u32 s6, s9  }
0xa: {  	s9 =	sadd.s32 $0x24D400, s0;
	s11 =	ssub.s32 $0x2, s6;
	s12 =	smul.u32 $0x30D40, s10  }
0xb: {  	s10 =	sadd.s32 $0x189E00, s0;
	s0 =	sadd.s32 $0x313C00, s0;
	s16 =	sshrl.u32 s11, $0x1  }
0xc: {  	[dreg:$0x7] =	wrdreg s0;
	s0 =	ssub.s32 s11, s16  }
0xd: {  	s31 =	simm.s32 $0x2;
	s17 =	sshrl.u32 s12, $0x3;
	s0 =	smax.u32 s0, $0x1  }
0xe: {  	s30 =	simm.s32 $0x5;
	s14 =	sadd.s32 s7, s17;
	[dreg:$0x1c] =	wrdreg s0  }
0xf: {  	s29 =	simm.s32 $0x6;
	s26 =	sadd.s32 s8, s17;
	[dreg:$0x8] =	wrdreg s14  }
0x10: {  	s18 =	sadd.s32 $0xFA, s17;
	s28 =	sadd.s32 s9, s17;
	[dreg:$0x12] =	wrdreg s26  }
0x11: {  	s13 =	smul.u32 $0x1880, s15;
	s16 =	sadd.s32 s7, s18;
	[dreg:$0x13] =	wrdreg s28  }
0x12: {  	p0 =	sne.s32 s15, $0x0;
	s19 =	sadd.s32 s8, s18;
	[dreg:$0x9] =	wrdreg s16  }
0x13: {  	s6 =	smul.u32 $0x31000, s6;
	s20 =	sadd.s32 s9, s18;
	[dreg:$0xa] =	wrdreg s19  }
0x14: {  	s21 =	sadd.s32 $0x1F4, s17;
	s14 =	sadd.s32 s10, s18;
	[dreg:$0xb] =	wrdreg s20  }
0x15: {  	s15 =	simm.s32 $0x6180;
	s22 =	sadd.s32 s7, s21;
	[dreg:$0xc] =	wrdreg s14  }
0x16: {  	s6 =	sadd.s32 s13, s6;
	s23 =	sadd.s32 s8, s21;
	[dreg:$0xd] =	wrdreg s22  }
0x17: {  	s11 =	simm.s32 $0x7180;
	s24 =	sadd.s32 s9, s21;
	[dreg:$0xe] =	wrdreg s23  }
0x18: {  	s6 =	sshrl.u32 s6, $0x3;
	s25 =	sadd.s32 s10, s21;
	[dreg:$0x10] =	wrdreg s24  }
0x19: {  	s0 =	simm.s32 $0x3;
	s18 =	sadd.s32 $0x1F40, s12;
	[dreg:$0x11] =	wrdreg s25  }
0x1a: {  	s16 =	sadd.s32 s5, s6;
	s6 =	sadd.s32 s10, s17;
	[dreg:$0x16] =	wrdreg s18  }
0x1b: {  	s14 =	sadd.s32 $0x60AE, s17;
	s17 =	sadd.s32 $0x1770, s12;
	[dreg:$0x14] =	wrdreg s6  }
0x1c: {  	s19 =	sadd.s32 $0x2710, s12;
	s23 =	sadd.s32 s13, s2;
	[dreg:$0x15] =	wrdreg s17  }
0x1d: {  	s24 =	sadd.s32 s13, s3;
	s18 =	simm.s32 $0x1;
	[dreg:$0x17] =	wrdreg s19  }
0x1e: {  	s13 =	simm.s32 $0x0;
	s20 =	sadd.s32 s7, s14;
	[dreg:$0xf] =	wrdreg s16  }
0x1f: {  	s21 =	sadd.s32 s8, s14;
	s22 =	sadd.s32 s9, s14;
	[dreg:$0x18] =	wrdreg s20  }
0x20: {  	s5 =	sadd.s32 s10, s14;
	s25 =	sshrl.u32 s23, $0x3;
	[dreg:$0x19] =	wrdreg s21  }
0x21: {  	s26 =	sshrl.u32 s24, $0x3;
	s28 =	sadd.s32 $0x3100, s16;
	[dreg:$0x1a] =	wrdreg s22  }
0x22: {  	s14 =	simm.s32 $0x4980;
	s24 =	simm.s32 $0x6980;
	[dreg:$0x1b] =	wrdreg s5  }
0x23: {  	s6 =	simm.s32 $0x4;
	s19 =	simm.s32 $0x5980;
	[dreg:$0x1d] =	wrdreg s25  }
0x24: {  	s16 =	simm.s32 $0x8;
	s17 =	simm.s32 $0x9;
	[dreg:$0x1e] =	wrdreg s26  }
0x25: {  	[dreg:$0x1f] =	wrdreg s28;
	s20 =	simm.s32 $0x7D0;
	s5 =	simm.s32 $0x7  }
.LBB2_1:
0x26: {  	[smem:$0x7FD] =	sst s13  }
0x27: {  	s12 =	sshrl.u32 @!p0 s1, $0x3;
	s13 =	simm.s32 @!p0 $0x1C0A;
	s21 =	rddreg [dreg:$0x6]  }
0x28: {  	[spmem:s12], [sflag:s13] =	dma.local @!p0 [hbm:s21], $0x3100  }
0x29: {  	s12 =	simm.s32 @!p0 $0xA  }
0x2a: {  	_ =	swait.ge @!p0 [sflag:s12], $0x3100  }
0x2b: {  	[sflag:s12] =	ssyncset.done @!p0 $0x0  }
0x2c: {  	s21 =	sshrl.u32 @!p0 s2, $0x3;
	s22 =	rddreg [dreg:$0x7];
	[sflag:s12] =	ssyncadd.s32 @!p0 $0xFFFFCF00  }
0x2d: {  	[spmem:s21], [sflag:s13] =	dma.local @!p0 [hbm:s22], $0x3100  }
0x2e: {  	_ =	swait.ge @!p0 [sflag:s12], $0x3100  }
0x2f: {  	[sflag:s12] =	ssyncset.done @!p0 $0x0  }
0x30: {  	s21 =	sshrl.u32 @!p0 s3, $0x3;
	[sflag:s12] =	ssyncadd.s32 @!p0 $0xFFFFCF00  }
0x31: {  	[spmem:s21], [sflag:s13] =	dma.local @!p0 [hbm:s22], $0x3100  }
0x32: {  	_ =	swait.ge @!p0 [sflag:s12], $0x3100  }
0x33: {  	[sflag:s12] =	ssyncset.done @!p0 $0x0  }
0x34: {  	[sflag:s12] =	ssyncadd.s32 @!p0 $0xFFFFCF00  }
0x35: {  	[bflag:$0x0] =	sbarrier.arrive $0xFFFF  }
0x36: {  	s23 =	rddreg [dreg:$0x8]  }
0x37: {  	[tilespmem:s14], [sflag:$0x1] =	stream.linear.gather [hbm4b:s23+s4], $0x7D0, $0x38;
	[tilespmem:$0x10980] =	vst v63  }
0x38: {  	s25 =	rddreg [dreg:$0x12]  }
0x39: {  	[tilespmem:s15], [sflag:$0x1] =	stream.linear.gather [hbm4b:s25+s4], $0x7D0, $0x38;
	[tilespmem:$0x10980] =	vst v63  }
0x3a: {  	s28 =	simm.s32 $0xA980;
	s26 =	rddreg [dreg:$0x13]  }
0x3b: {  	[tilespmem:s28], [sflag:$0x1] =	stream.linear.gather [hbm4b:s26+s4], $0x7D0, $0x38;
	[tilespmem:$0x10980] =	vst v63  }
0x3c: {  	s22 =	simm.s32 $0xC180;
	s21 =	rddreg [dreg:$0x14]  }
0x3d: {  	[tilespmem:s22], [sflag:$0x1] =	stream.linear.gather [hbm4b:s21+s4], $0x7D0, $0x38;
	[tilespmem:$0x10980] =	vst v63  }
0x3e: {  	_ =	swait.ge [sflag:s18], $0x7D0  }
0x3f: {  	[sflag:s18] =	ssyncset.done $0x0  }
0x40: {  	[sflag:s18] =	ssyncadd.s32 $0xFFFFF830  }
0x41: {  	_ =	swait.ge [sflag:s18], $0x7D0  }
0x42: {  	[sflag:s18] =	ssyncset.done $0x0  }
0x43: {  	[sflag:s18] =	ssyncadd.s32 $0xFFFFF830  }
0x44: {  	_ =	swait.ge [sflag:s18], $0x7D0  }
0x45: {  	[sflag:s18] =	ssyncset.done $0x0  }
0x46: {  	[sflag:s18] =	ssyncadd.s32 $0xFFFFF830  }
0x47: {  	_ =	swait.ge [sflag:s18], $0x7D0  }
0x48: {  	[sflag:s18] =	ssyncset.done $0x0  }
0x49: {  	s23 =	simm.s32 $0x7980;
	[sflag:s18] =	ssyncadd.s32 $0xFFFFF830  }
0x4a: {  	[tilespmem:s23], [sflag:$0x4] =	stream.indirect.gather [spmem:s1], $0x1, s14, s20, $0xb8;
	[tilespmem:$0x10980] =	vst v63  }
0x4b: {  	s25 =	simm.s32 $0x9180  }
0x4c: {  	[tilespmem:s25], [sflag:$0x4] =	stream.indirect.gather [spmem:s1], $0x1, s15, s20, $0xb8;
	[tilespmem:$0x10980] =	vst v63  }
0x4d: {  	s13 =	simm.s32 $0x5180;
	s26 =	rddreg [dreg:$0x9]  }
0x4e: {  	[tilespmem:s13], [sflag:$0x2] =	stream.linear.gather [hbm4b:s26+s4], $0x7D0, $0x38;
	[tilespmem:$0x10980] =	vst v63  }
0x4f: {  	s28 =	rddreg [dreg:$0xa]  }
0x50: {  	[tilespmem:s24], [sflag:$0x2] =	stream.linear.gather [hbm4b:s28+s4], $0x7D0, $0x38;
	[tilespmem:$0x10980] =	vst v63  }
0x51: {  	s22 =	simm.s32 $0xB180;
	s21 =	rddreg [dreg:$0xb]  }
0x52: {  	[tilespmem:s22], [sflag:$0x2] =	stream.linear.gather [hbm4b:s21+s4], $0x7D0, $0x38;
	[tilespmem:$0x10980] =	vst v63  }
0x53: {  	s23 =	rddreg [dreg:$0xc];
	s25 =	simm.s32 $0xC980  }
0x54: {  	[tilespmem:s25], [sflag:$0x2] =	stream.linear.gather [hbm4b:s23+s4], $0x7D0, $0x38;
	[tilespmem:$0x10980] =	vst v63  }
0x55: {  	_ =	swait.ge [sflag:s31], $0x7D0  }
0x56: {  	[sflag:s31] =	ssyncset.done $0x0  }
0x57: {  	[sflag:s31] =	ssyncadd.s32 $0xFFFFF830  }
0x58: {  	_ =	swait.ge [sflag:s31], $0x7D0  }
0x59: {  	[sflag:s31] =	ssyncset.done $0x0  }
0x5a: {  	[sflag:s31] =	ssyncadd.s32 $0xFFFFF830  }
0x5b: {  	_ =	swait.ge [sflag:s31], $0x7D0  }
0x5c: {  	[sflag:s31] =	ssyncset.done $0x0  }
0x5d: {  	[sflag:s31] =	ssyncadd.s32 $0xFFFFF830  }
0x5e: {  	_ =	swait.ge [sflag:s31], $0x7D0  }
0x5f: {  	[sflag:s31] =	ssyncset.done $0x0  }
0x60: {  	s26 =	simm.s32 $0x8180;
	[sflag:s31] =	ssyncadd.s32 $0xFFFFF830  }
0x61: {  	[tilespmem:s26], [sflag:$0x5] =	stream.indirect.gather [spmem:s1], $0x1, s13, s20, $0xb8;
	[tilespmem:$0x10980] =	vst v63  }
0x62: {  	s28 =	simm.s32 $0x9980  }
0x63: {  	[tilespmem:s28], [sflag:$0x5] =	stream.indirect.gather [spmem:s1], $0x1, s24, s20, $0xb8;
	[tilespmem:$0x10980] =	vst v63  }
0x64: {  	_ =	swait.ge [sflag:s6], $0x7D0  }
0x65: {  	[sflag:s6] =	ssyncset.done $0x0  }
0x66: {  	[sflag:s6] =	ssyncadd.s32 $0xFFFFF830  }
0x67: {  	_ =	swait.ge [sflag:s6], $0x7D0  }
0x68: {  	[sflag:s6] =	ssyncset.done $0x0  }
0x69: {  	s21 =	simm.s32 $0x0;
	[sflag:s6] =	ssyncadd.s32 $0xFFFFF830  }
0x6a: {  	v0 =	vld [tilespmem:s21+$0x9180]  }
0x6b: {  	v1 =	vld [tilespmem:s21+$0x7980];
	_ =	sdelay $0x3  }
0x6c: {  	v2 =	vand.u32 $0x80000000, v0;
	v3 =	vshll.u32 v0, $0xD  }
0x6d: {  	v4 =	vand.u32 $0x80000000, v1;
	v5 =	vshll.u32 v0, $0x10;
	v6 =	vshll.u32 v1, $0xD  }
0x6e: {  	v7 =	vshll.u32 v1, $0x10;
	v0 =	vshrl.u32 v0, $0x3;
	v1 =	vshrl.u32 v1, $0x3  }
0x6f: {  	v3 =	vand.u32 $0xFFFE000, v3;
	v5 =	vand.u32 $0x80000000, v5;
	v6 =	vand.u32 $0xFFFE000, v6  }
0x70: {  	v7 =	vand.u32 $0x80000000, v7;
	v0 =	vand.u32 $0xFFFE000, v0;
	v1 =	vand.u32 $0xFFFE000, v1  }
0x71: {  	v3 =	vor.u32 v5, v3;
	v5 =	vor.u32 v7, v6;
	v0 =	vor.u32 v2, v0  }
0x72: {  	v1 =	vor.u32 v4, v1;
	v4 =	vld [tilespmem:s21+$0x4980];
	v2 =	vmul.f32 $5.192296860e+33, v3;
	v3 =	vmul.f32 $5.192296860e+33, v5  }
0x73: {  	s12 =	simm.s32 $0x10;
	v6 =	vld [tilespmem:s21+$0x6180];
	v5 =	vmul.f32 $5.192296860e+33, v0;
	v1 =	vmul.f32 $5.192296860e+33, v1  }
0x74: {  	v7 =	vld [tilespmem:s12+$0x9180]  }
0x75: {  	v0 =	vsub.f32 v2, v3;
	v3 =	vsub.f32 v5, v1  }
0x76: {  	v1 =	vld [tilespmem:s12+$0x7980]  }
0x77: {  	v2 =	vmul.f32 v0, v0;
	v5 =	vmul.f32 v3, v3;
	_ =	sdelay $0x1  }
0x78: {  	vm0 =	vne.s32 v4, v6;
	v8 =	vshll.u32 v7, $0x10;
	v2 =	vadd.f32 v5, v2  }
0x79: {  	v4 =	vand.u32 $0x80000000, v7;
	v8 =	vand.u32 $0x80000000, v8;
	v5 =	vshll.u32 v7, $0xD  }
0x7a: {  	v7 =	vshrl.u32 v7, $0x3;
	v6 =	vand.u32 $0x80000000, v1;
	vm1 =	veq.f32 v2, $0.0e+00  }
0x7b: {  	v9 =	vshll.u32 v1, $0xD;
	v10 =	vshll.u32 v1, $0x10;
	vm0 =	vmand vm0, vm1  }
0x7c: {  	v1 =	vshrl.u32 v1, $0x3;
	v5 =	vand.u32 $0xFFFE000, v5;
	v11 =	vsel vm0, $0x3F800000, v2  }
0x7d: {  	v7 =	vand.u32 $0xFFFE000, v7;
	v2 =	vshra.s32 v11, $0x1;
	v12 =	vmul.f32 $5.000000000e-01, v11  }
0x7e: {  	v5 =	vor.u32 v8, v5;
	v1 =	vand.u32 $0xFFFE000, v1;
	v13 =	vsub.s32 $0x5F3759DF, v2  }
0x7f: {  	v2 =	vand.u32 $0xFFFE000, v9;
	v9 =	vand.u32 $0x80000000, v10;
	v10 =	vmul.f32 v13, v12  }
0x80: {  	v4 =	vor.u32 v4, v7;
	v5 =	vmul.f32 $5.192296860e+33, v5;
	v1 =	vor.u32 v6, v1  }
0x81: {  	v4 =	vmul.f32 $5.192296860e+33, v4;
	v2 =	vor.u32 v9, v2;
	v7 =	vmul.f32 v13, v10  }
0x82: {  	v8 =	vld [tilespmem:s12+$0x4980];
	v2 =	vmul.f32 $5.192296860e+33, v2;
	v10 =	vmul.f32 $5.192296860e+33, v1  }
0x83: {  	s13 =	simm.s32 $0x20;
	v9 =	vld [tilespmem:s12+$0x6180];
	v7 =	vsub.f32 $1.500000000e+00, v7  }
0x84: {  	v6 =	vld [tilespmem:s13+$0x9180];
	v1 =	vsub.f32 v5, v2;
	v2 =	vsub.f32 v4, v10  }
0x85: {  	v5 =	vld [tilespmem:s13+$0x7980];
	v4 =	vmul.f32 v13, v7  }
0x86: {  	v7 =	vmul.f32 v1, v1;
	v10 =	vmul.f32 v2, v2  }
0x87: {  	v12 =	vmul.f32 v4, v12  }
0x88: {  	vm0 =	vne.s32 v8, v9;
	v7 =	vadd.f32 v10, v7  }
0x89: {  	v8 =	vand.u32 $0x80000000, v6;
	v13 =	vshll.u32 v6, $0x10;
	v10 =	vmul.f32 v12, v4  }
0x8a: {  	v14 =	vshll.u32 v5, $0xD;
	v15 =	vshll.u32 v5, $0x10;
	vm1 =	veq.f32 v7, $0.0e+00  }
0x8b: {  	v16 =	vshrl.u32 v5, $0x3;
	vm0 =	vmand vm0, vm1;
	v10 =	vsub.f32 $1.500000000e+00, v10  }
0x8c: {  	v12 =	vand.u32 $0x80000000, v5;
	v5 =	vsel vm0, $0x3F800000, v7;
	v7 =	vand.u32 $0x80000000, v13  }
0x8d: {  	v13 =	vmul.f32 $5.000000000e-01, v5;
	v4 =	vmul.f32 v10, v4;
	v10 =	vshra.s32 v5, $0x1  }
0x8e: {  	v9 =	vshll.u32 v6, $0xD;
	v6 =	vshrl.u32 v6, $0x3;
	v17 =	vsub.s32 $0x5F3759DF, v10  }
0x8f: {  	v6 =	vand.u32 $0xFFFE000, v6;
	v10 =	vmul.f32 v17, v13  }
0x90: {  	s22 =	simm.s32 $0x30;
	v19 =	vld [tilespmem:s21+$0xA980];
	v9 =	vand.u32 $0xFFFE000, v9;
	v6 =	vor.u32 v8, v6;
	v18 =	vmul.f32 v4, v11  }
0x91: {  	v20 =	vld [tilespmem:s22+$0x9180];
	v14 =	vand.u32 $0xFFFE000, v14;
	v6 =	vmul.f32 $5.192296860e+33, v6;
	v11 =	vmul.f32 v17, v10  }
0x92: {  	v8 =	vld [tilespmem:s13+$0x6180];
	v7 =	vor.u32 v7, v9;
	v9 =	vand.u32 $0xFFFE000, v16;
	(erf) = vrcp.f32 v18  }
0x93: {  	v9 =	vor.u32 v12, v9;
	v4 =	vand.u32 $0x80000000, v15;
	v15 =	vld [tilespmem:s21+$0xC180];
	v11 =	vsub.f32 $1.500000000e+00, v11  }
0x94: {  	v16 =	vld [tilespmem:s13+$0x4980];
	v7 =	vmul.f32 $5.192296860e+33, v7;
	v9 =	vmul.f32 $5.192296860e+33, v9;
	v4 =	vor.u32 v4, v14  }
0x95: {  	v4 =	vmul.f32 $5.192296860e+33, v4;
	v10 =	vld [tilespmem:s22+$0x7980];
	v11 =	vmul.f32 v17, v11;
	_ =	sdelay $0x1  }
0x96: {  	v6 =	vsub.f32 v6, v9;
	v4 =	vsub.f32 v7, v4;
	v13 =	vmul.f32 v11, v13  }
0x97: {  	v9 =	vand.u32 $0x80000000, v20;
	v7 =	vsub.f32 $0.0e+00, v19;
	v14 =	vsub.f32 v18, v15  }
0x98: {  	vm0 =	vne.s32 v16, v8;
	v16 =	vmul.f32 v6, v6;
	v12 =	vmul.f32 v4, v4  }
0x99: {  	v15 =	vshll.u32 v20, $0xD;
	v8 =	vand.u32 $0x80000000, v10;
	v7 =	vmul.f32 v14, v7  }
0x9a: {  	v14 =	vshll.u32 v20, $0x10;
	v17 =	vadd.f32 v16, v12;
	v18 =	vmul.f32 v13, v11;
	v13 =	vpop (erf)  }
0x9b: {  	v16 =	vshll.u32 v10, $0xD;
	v12 =	vshll.u32 v10, $0x10;
	v7 =	vmul.f32 v7, v13  }
0x9c: {  	s25 =	simm.s32 $0x100;
	vm1 =	veq.f32 v17, $0.0e+00;
	v18 =	vsub.f32 $1.500000000e+00, v18;
	v13 =	vshrl.u32 v20, $0x3  }
.LBB2_2:
0x9d: {  	p1 =	sne.s32 s25, $0x1F00;
	v10 =	vshrl.u32 v10, $0x3;
	vm0 =	vmand vm0, vm1;
	v19 =	vmul.f32 v7, v3;
	v3 =	vmovc v2;
	v2 =	vmovc v6  }
0x9e: {  	v6 =	vand.u32 $0xFFFE000, v15;
	v15 =	vsel vm0, $0x3F800000, v17;
	v11 =	vmul.f32 v18, v11  }
0x9f: {  	v14 =	vand.u32 $0x80000000, v14;
	v17 =	vshra.s32 v15, $0x1;
	v18 =	vmul.f32 $5.000000000e-01, v15;
	[tilespmem:s21+$0xF180] =	vst v19  }
0xa0: {  	v16 =	vand.u32 $0xFFFE000, v16;
	v17 =	vsub.s32 $0x5F3759DF, v17;
	v19 =	vmul.f32 v11, v5;
	v20 =	vld [tilespmem:s12+$0xA980];
	v5 =	vmovc v15  }
0xa1: {  	v11 =	vand.u32 $0x80000000, v12;
	v12 =	vand.u32 $0xFFFE000, v13;
	v13 =	vmul.f32 v17, v18;
	v15 =	vld [tilespmem:s12+$0xC180]  }
0xa2: {  	v6 =	vor.u32 v14, v6;
	v10 =	vand.u32 $0xFFFE000, v10;
	v14 =	vld [tilespmem:s22+$0x4980];
	(erf) = vrcp.f32 v19  }
0xa3: {  	s26 =	sshra.s32 s25, $0x2;
	v11 =	vor.u32 v11, v16;
	v9 =	vor.u32 v9, v12;
	v12 =	vld [tilespmem:s22+$0x6180];
	v13 =	vmul.f32 v17, v13  }
0xa4: {  	v6 =	vmul.f32 $5.192296860e+33, v6;
	v8 =	vor.u32 v8, v10;
	v11 =	vmul.f32 $5.192296860e+33, v11;
	v21 =	vld [tilespmem:s26+$0x9180]  }
0xa5: {  	v8 =	vmul.f32 $5.192296860e+33, v8;
	v9 =	vmul.f32 $5.192296860e+33, v9;
	v10 =	vld [tilespmem:s26+$0x7980];
	v13 =	vsub.f32 $1.500000000e+00, v13  }
0xa6: {  	v7 =	vmul.f32 v7, v0;
	v0 =	vmovc v1;
	v1 =	vmov v4;
	v4 =	vsub.f32 v6, v11  }
0xa7: {  	v6 =	vsub.f32 v9, v8;
	v11 =	vmul.f32 v17, v13;
	v13 =	vsub.f32 $0.0e+00, v20  }
0xa8: {  	v16 =	vmul.f32 v4, v4;
	vm0 =	vne.s32 v14, v12;
	v12 =	vsub.f32 v19, v15;
	[tilespmem:s21+$0xD980] =	vst v7;
	s21 =	smov.u32 s12;
	s12 =	smov.u32 s13;
	s13 =	smov.u32 s22  }
.Ltmp0:
0xa9: {  	v19 =	vmul.f32 v6, v6;
	s22 =	smov.u32 s26;
	v9 =	vand.u32 $0x80000000, v21;
	v18 =	vmul.f32 v11, v18;
	(pc) =	sbr.rel @p1 .LBB2_2-.Ltmp0, $4  }
0xaa: {  	v15 =	vshll.u32 v21, $0xD;
	v8 =	vand.u32 $0x80000000, v10;
	v13 =	vmul.f32 v12, v13  }
0xab: {  	v14 =	vshll.u32 v21, $0x10;
	v17 =	vadd.f32 v19, v16;
	v18 =	vmul.f32 v18, v11;
	v7 =	vpop (erf)  }
0xac: {  	v16 =	vshll.u32 v10, $0xD;
	v12 =	vshll.u32 v10, $0x10;
	v7 =	vmul.f32 v13, v7  }
0xad: {  	s25 =	sadd.s32 $0x40, s25;
	v13 =	vshrl.u32 v21, $0x3;
	vm1 =	veq.f32 v17, $0.0e+00;
	v18 =	vsub.f32 $1.500000000e+00, v18  }
0xae: {  	v10 =	vshrl.u32 v10, $0x3;
	vm0 =	vmand vm0, vm1  }
0xaf: {  	v3 =	vmul.f32 v7, v3;
	v15 =	vand.u32 $0xFFFE000, v15;
	v14 =	vand.u32 $0x80000000, v14  }
0xb0: {  	v16 =	vand.u32 $0xFFFE000, v16;
	v37 =	vand.u32 $0x80000000, v12;
	v13 =	vand.u32 $0xFFFE000, v13  }
0xb1: {  	v17 =	vsel vm0, $0x3F800000, v17;
	v11 =	vmul.f32 v18, v11;
	v14 =	vor.u32 v14, v15  }
0xb2: {  	v10 =	vand.u32 $0xFFFE000, v10;
	v36 =	vshra.s32 v17, $0x1;
	v19 =	vmul.f32 $5.000000000e-01, v17  }
0xb3: {  	v9 =	vor.u32 v9, v13;
	v39 =	vmul.f32 $5.192296860e+33, v14;
	v18 =	vsub.s32 $0x5F3759DF, v36  }
0xb4: {  	v8 =	vor.u32 v8, v10;
	v9 =	vmul.f32 $5.192296860e+33, v9;
	v38 =	vmul.f32 v18, v19  }
0xb5: {  	[tilespmem:s21+$0xF180] =	vst v3;
	v5 =	vmul.f32 v11, v5;
	v11 =	vor.u32 v37, v16;
	v8 =	vmul.f32 $5.192296860e+33, v8  }
0xb6: {  	v40 =	vld [tilespmem:s12+$0xA980];
	v11 =	vmul.f32 $5.192296860e+33, v11;
	v12 =	vmul.f32 v18, v38  }
0xb7: {  	v41 =	vld [tilespmem:s12+$0xC180];
	(erf) = vrcp.f32 v5;
	v8 =	vsub.f32 v9, v8  }
0xb8: {  	v42 =	vld [tilespmem:s22+$0x4980];
	v3 =	vsub.f32 v39, v11;
	v12 =	vsub.f32 $1.500000000e+00, v12  }
0xb9: {  	v43 =	vld [tilespmem:s22+$0x6180];
	v46 =	vmul.f32 v8, v8  }
0xba: {  	v45 =	vmul.f32 v3, v3;
	v44 =	vmul.f32 v18, v12;
	_ =	sdelay $0x1  }
0xbb: {  	v12 =	vadd.f32 v46, v45;
	v47 =	vmul.f32 v44, v19  }
0xbc: {  	v10 =	vsub.f32 $0.0e+00, v40;
	v5 =	vsub.f32 v5, v41  }
0xbd: {  	vm14 =	vne.s32 v42, v43;
	vm15 =	veq.f32 v12, $0.0e+00;
	v48 =	vmul.f32 v47, v44  }
0xbe: {  	v5 =	vmul.f32 v5, v10;
	vm0 =	vmand vm14, vm15  }
0xbf: {  	v49 =	vpop (erf);
	v12 =	vsel vm0, $0x3F800000, v12;
	v9 =	vsub.f32 $1.500000000e+00, v48  }
0xc0: {  	v5 =	vmul.f32 v5, v49;
	v50 =	vshra.s32 v12, $0x1;
	v51 =	vmul.f32 $5.000000000e-01, v12  }
0xc1: {  	v0 =	vmul.f32 v7, v0;
	v53 =	vsub.s32 $0x5F3759DF, v50;
	v52 =	vmul.f32 v9, v44  }
0xc2: {  	v2 =	vmul.f32 v5, v2;
	v10 =	vmul.f32 v53, v51  }
0xc3: {  	[tilespmem:s21+$0xD980] =	vst v0;
	v54 =	vmul.f32 v52, v17  }
0xc4: {  	[tilespmem:s12+$0xF180] =	vst v2;
	v55 =	vmul.f32 v53, v10  }
0xc5: {  	v56 =	vld [tilespmem:s13+$0xA980];
	(erf) = vrcp.f32 v54  }
0xc6: {  	v57 =	vld [tilespmem:s13+$0xC180];
	v2 =	vsub.f32 $1.500000000e+00, v55;
	_ =	sdelay $0x1  }
0xc7: {  	v2 =	vmul.f32 v53, v2;
	_ =	sdelay $0x1  }
0xc8: {  	v9 =	vmul.f32 v2, v51  }
0xc9: {  	v7 =	vsub.f32 $0.0e+00, v56;
	v0 =	vsub.f32 v54, v57  }
0xca: {  	v9 =	vmul.f32 v9, v2  }
0xcb: {  	v0 =	vmul.f32 v0, v7  }
0xcc: {  	v9 =	vsub.f32 $1.500000000e+00, v9;
	v58 =	vpop (erf)  }
0xcd: {  	v0 =	vmul.f32 v0, v58  }
0xce: {  	v1 =	vmul.f32 v5, v1;
	v2 =	vmul.f32 v9, v2  }
0xcf: {  	v59 =	vmul.f32 v0, v6  }
0xd0: {  	[tilespmem:s12+$0xD980] =	vst v1;
	v60 =	vmul.f32 v2, v12  }
0xd1: {  	[tilespmem:s13+$0xF180] =	vst v59  }
0xd2: {  	(erf) = vrcp.f32 v60;
	v61 =	vld [tilespmem:s22+$0xA980]  }
0xd3: {  	v5 =	vld [tilespmem:s22+$0xC180];
	_ =	sdelay $0x4  }
0xd4: {  	v2 =	vsub.f32 $0.0e+00, v61;
	v1 =	vsub.f32 v60, v5;
	_ =	sdelay $0x1  }
0xd5: {  	v1 =	vmul.f32 v1, v2  }
0xd6: {  	v62 =	vpop (erf)  }
0xd7: {  	v1 =	vmul.f32 v1, v62  }
0xd8: {  	v0 =	vmul.f32 v0, v4  }
0xd9: {  	v2 =	vmul.f32 v1, v8  }
0xda: {  	[tilespmem:s13+$0xD980] =	vst v0;
	v63 =	vmul.f32 v1, v3  }
0xdb: {  	[tilespmem:s22+$0xF180] =	vst v2  }
0xdc: {  	s26 =	simm.s32 $0xD980;
	[tilespmem:s22+$0xD980] =	vst v63  }
0xdd: {  	[spmem:s2] =	stream.indirect.scatter.add.f32 [tilespmem:s26], [sflag:$0x7], $0x1, s15, s20, $0xb8;
	[tilespmem:$0x10980] =	vst v63  }
0xde: {  	s28 =	simm.s32 $0xF180  }
0xdf: {  	[spmem:s3] =	stream.indirect.scatter.add.f32 [tilespmem:s28], [sflag:$0x7], $0x1, s15, s20, $0xb8;
	[tilespmem:$0x10980] =	vst v63  }
0xe0: {  	s21 =	simm.s32 $0x0;
	s13 =	rddreg [dreg:$0xd]  }
0xe1: {  	[tilespmem:s19], [sflag:$0x3] =	stream.linear.gather [hbm4b:s13+s21], $0x7D0, $0x38;
	[tilespmem:$0x10980] =	vst v63  }
0xe2: {  	s22 =	rddreg [dreg:$0xe]  }
0xe3: {  	[tilespmem:s11], [sflag:$0x3] =	stream.linear.gather [hbm4b:s22+s21], $0x7D0, $0x38;
	[tilespmem:$0x10980] =	vst v63  }
0xe4: {  	s23 =	rddreg [dreg:$0x10];
	s25 =	simm.s32 $0xB980  }
0xe5: {  	[tilespmem:s25], [sflag:$0x3] =	stream.linear.gather [hbm4b:s23+s21], $0x7D0, $0x38;
	[tilespmem:$0x10980] =	vst v63  }
0xe6: {  	s26 =	rddreg [dreg:$0x11];
	s28 =	simm.s32 $0xD180  }
0xe7: {  	[tilespmem:s28], [sflag:$0x3] =	stream.linear.gather [hbm4b:s26+s21], $0x7D0, $0x38;
	[tilespmem:$0x10980] =	vst v63  }
.LBB2_4:
0xe8: {  	_ =	swait.ge [sflag:s0], $0x7D0  }
0xe9: {  	[sflag:s0] =	ssyncset.done $0x0  }
0xea: {  	[sflag:s0] =	ssyncadd.s32 $0xFFFFF830  }
0xeb: {  	_ =	swait.ge [sflag:s0], $0x7D0  }
0xec: {  	[sflag:s0] =	ssyncset.done $0x0  }
0xed: {  	[sflag:s0] =	ssyncadd.s32 $0xFFFFF830  }
0xee: {  	_ =	swait.ge [sflag:s0], $0x7D0  }
0xef: {  	[sflag:s0] =	ssyncset.done $0x0  }
0xf0: {  	[sflag:s0] =	ssyncadd.s32 $0xFFFFF830  }
0xf1: {  	_ =	swait.ge [sflag:s0], $0x7D0  }
0xf2: {  	[sflag:s0] =	ssyncset.done $0x0  }
0xf3: {  	s12 =	simm.s32 $0x8980;
	[sflag:s0] =	ssyncadd.s32 $0xFFFFF830  }
0xf4: {  	[tilespmem:s12], [sflag:$0x6] =	stream.indirect.gather [spmem:s1], $0x1, s19, s20, $0xb8;
	[tilespmem:$0x10980] =	vst v63  }
0xf5: {  	s28 =	simm.s32 $0xA180  }
0xf6: {  	[tilespmem:s28], [sflag:$0x6] =	stream.indirect.gather [spmem:s1], $0x1, s11, s20, $0xb8;
	[tilespmem:$0x10980] =	vst v63  }
0xf7: {  	_ =	swait.ge [sflag:s30], $0x7D0  }
0xf8: {  	[sflag:s30] =	ssyncset.done $0x0  }
0xf9: {  	[sflag:s30] =	ssyncadd.s32 $0xFFFFF830  }
0xfa: {  	_ =	swait.ge [sflag:s30], $0x7D0  }
0xfb: {  	[sflag:s30] =	ssyncset.done $0x0  }
0xfc: {  	s22 =	simm.s32 $0x0;
	[sflag:s30] =	ssyncadd.s32 $0xFFFFF830  }
0xfd: {  	v0 =	vld [tilespmem:s22+$0x9980]  }
0xfe: {  	v1 =	vld [tilespmem:s22+$0x8180];
	_ =	sdelay $0x3  }
0xff: {  	v2 =	vand.u32 $0x80000000, v0;
	v3 =	vshll.u32 v0, $0xD  }
0x100: {  	v4 =	vand.u32 $0x80000000, v1;
	v5 =	vshll.u32 v0, $0x10;
	v6 =	vshll.u32 v1, $0xD  }
0x101: {  	v7 =	vshll.u32 v1, $0x10;
	v0 =	vshrl.u32 v0, $0x3;
	v1 =	vshrl.u32 v1, $0x3  }
0x102: {  	v3 =	vand.u32 $0xFFFE000, v3;
	v5 =	vand.u32 $0x80000000, v5;
	v6 =	vand.u32 $0xFFFE000, v6  }
0x103: {  	v7 =	vand.u32 $0x80000000, v7;
	v0 =	vand.u32 $0xFFFE000, v0;
	v1 =	vand.u32 $0xFFFE000, v1  }
0x104: {  	v3 =	vor.u32 v5, v3;
	v5 =	vor.u32 v7, v6;
	v0 =	vor.u32 v2, v0  }
0x105: {  	v1 =	vor.u32 v4, v1;
	v4 =	vld [tilespmem:s22+$0x5180];
	v2 =	vmul.f32 $5.192296860e+33, v3;
	v3 =	vmul.f32 $5.192296860e+33, v5  }
0x106: {  	s12 =	simm.s32 $0x10;
	v6 =	vld [tilespmem:s22+$0x6980];
	v5 =	vmul.f32 $5.192296860e+33, v0;
	v1 =	vmul.f32 $5.192296860e+33, v1  }
0x107: {  	v7 =	vld [tilespmem:s12+$0x9980]  }
0x108: {  	v0 =	vsub.f32 v2, v3;
	v3 =	vsub.f32 v5, v1  }
0x109: {  	v1 =	vld [tilespmem:s12+$0x8180]  }
0x10a: {  	v2 =	vmul.f32 v0, v0;
	v5 =	vmul.f32 v3, v3;
	_ =	sdelay $0x1  }
0x10b: {  	vm0 =	vne.s32 v4, v6;
	v8 =	vshll.u32 v7, $0x10;
	v2 =	vadd.f32 v5, v2  }
0x10c: {  	v4 =	vand.u32 $0x80000000, v7;
	v8 =	vand.u32 $0x80000000, v8;
	v5 =	vshll.u32 v7, $0xD  }
0x10d: {  	v7 =	vshrl.u32 v7, $0x3;
	v6 =	vand.u32 $0x80000000, v1;
	vm1 =	veq.f32 v2, $0.0e+00  }
0x10e: {  	v9 =	vshll.u32 v1, $0xD;
	v10 =	vshll.u32 v1, $0x10;
	vm0 =	vmand vm0, vm1  }
0x10f: {  	v1 =	vshrl.u32 v1, $0x3;
	v5 =	vand.u32 $0xFFFE000, v5;
	v11 =	vsel vm0, $0x3F800000, v2  }
0x110: {  	v7 =	vand.u32 $0xFFFE000, v7;
	v2 =	vshra.s32 v11, $0x1;
	v12 =	vmul.f32 $5.000000000e-01, v11  }
0x111: {  	v5 =	vor.u32 v8, v5;
	v1 =	vand.u32 $0xFFFE000, v1;
	v13 =	vsub.s32 $0x5F3759DF, v2  }
0x112: {  	v2 =	vand.u32 $0xFFFE000, v9;
	v9 =	vand.u32 $0x80000000, v10;
	v10 =	vmul.f32 v13, v12  }
0x113: {  	v4 =	vor.u32 v4, v7;
	v5 =	vmul.f32 $5.192296860e+33, v5;
	v1 =	vor.u32 v6, v1  }
0x114: {  	v4 =	vmul.f32 $5.192296860e+33, v4;
	v2 =	vor.u32 v9, v2;
	v7 =	vmul.f32 v13, v10  }
0x115: {  	v8 =	vld [tilespmem:s12+$0x5180];
	v2 =	vmul.f32 $5.192296860e+33, v2;
	v10 =	vmul.f32 $5.192296860e+33, v1  }
0x116: {  	s13 =	simm.s32 $0x20;
	v9 =	vld [tilespmem:s12+$0x6980];
	v7 =	vsub.f32 $1.500000000e+00, v7  }
0x117: {  	v6 =	vld [tilespmem:s13+$0x9980];
	v1 =	vsub.f32 v5, v2;
	v2 =	vsub.f32 v4, v10  }
0x118: {  	v5 =	vld [tilespmem:s13+$0x8180];
	v4 =	vmul.f32 v13, v7  }
0x119: {  	v7 =	vmul.f32 v1, v1;
	v10 =	vmul.f32 v2, v2  }
0x11a: {  	v12 =	vmul.f32 v4, v12  }
0x11b: {  	vm0 =	vne.s32 v8, v9;
	v7 =	vadd.f32 v10, v7  }
0x11c: {  	v8 =	vand.u32 $0x80000000, v6;
	v13 =	vshll.u32 v6, $0x10;
	v10 =	vmul.f32 v12, v4  }
0x11d: {  	v14 =	vshll.u32 v5, $0xD;
	v15 =	vshll.u32 v5, $0x10;
	vm1 =	veq.f32 v7, $0.0e+00  }
0x11e: {  	v16 =	vshrl.u32 v5, $0x3;
	vm0 =	vmand vm0, vm1;
	v10 =	vsub.f32 $1.500000000e+00, v10  }
0x11f: {  	v12 =	vand.u32 $0x80000000, v5;
	v5 =	vsel vm0, $0x3F800000, v7;
	v7 =	vand.u32 $0x80000000, v13  }
0x120: {  	v13 =	vmul.f32 $5.000000000e-01, v5;
	v4 =	vmul.f32 v10, v4;
	v10 =	vshra.s32 v5, $0x1  }
0x121: {  	v9 =	vshll.u32 v6, $0xD;
	v6 =	vshrl.u32 v6, $0x3;
	v17 =	vsub.s32 $0x5F3759DF, v10  }
0x122: {  	v6 =	vand.u32 $0xFFFE000, v6;
	v10 =	vmul.f32 v17, v13  }
0x123: {  	s25 =	simm.s32 $0x30;
	v19 =	vld [tilespmem:s22+$0xB180];
	v9 =	vand.u32 $0xFFFE000, v9;
	v6 =	vor.u32 v8, v6;
	v18 =	vmul.f32 v4, v11  }
0x124: {  	v20 =	vld [tilespmem:s25+$0x9980];
	v14 =	vand.u32 $0xFFFE000, v14;
	v6 =	vmul.f32 $5.192296860e+33, v6;
	v11 =	vmul.f32 v17, v10  }
0x125: {  	v8 =	vld [tilespmem:s13+$0x6980];
	v7 =	vor.u32 v7, v9;
	v9 =	vand.u32 $0xFFFE000, v16;
	(erf) = vrcp.f32 v18  }
0x126: {  	v9 =	vor.u32 v12, v9;
	v4 =	vand.u32 $0x80000000, v15;
	v15 =	vld [tilespmem:s22+$0xC980];
	v11 =	vsub.f32 $1.500000000e+00, v11  }
0x127: {  	v16 =	vld [tilespmem:s13+$0x5180];
	v7 =	vmul.f32 $5.192296860e+33, v7;
	v9 =	vmul.f32 $5.192296860e+33, v9;
	v4 =	vor.u32 v4, v14  }
0x128: {  	v4 =	vmul.f32 $5.192296860e+33, v4;
	v10 =	vld [tilespmem:s25+$0x8180];
	v11 =	vmul.f32 v17, v11;
	_ =	sdelay $0x1  }
0x129: {  	v6 =	vsub.f32 v6, v9;
	v4 =	vsub.f32 v7, v4;
	v13 =	vmul.f32 v11, v13  }
0x12a: {  	v9 =	vand.u32 $0x80000000, v20;
	v7 =	vsub.f32 $0.0e+00, v19;
	v14 =	vsub.f32 v18, v15  }
0x12b: {  	vm0 =	vne.s32 v16, v8;
	v16 =	vmul.f32 v6, v6;
	v12 =	vmul.f32 v4, v4  }
0x12c: {  	v15 =	vshll.u32 v20, $0xD;
	v8 =	vand.u32 $0x80000000, v10;
	v7 =	vmul.f32 v14, v7  }
0x12d: {  	v14 =	vshll.u32 v20, $0x10;
	v17 =	vadd.f32 v16, v12;
	v18 =	vmul.f32 v13, v11;
	v13 =	vpop (erf)  }
0x12e: {  	v16 =	vshll.u32 v10, $0xD;
	v12 =	vshll.u32 v10, $0x10;
	v7 =	vmul.f32 v7, v13  }
0x12f: {  	s26 =	simm.s32 $0x100;
	vm1 =	veq.f32 v17, $0.0e+00;
	v18 =	vsub.f32 $1.500000000e+00, v18;
	v13 =	vshrl.u32 v20, $0x3  }
.LBB2_5:
0x130: {  	p1 =	sne.s32 s26, $0x1F00;
	v10 =	vshrl.u32 v10, $0x3;
	vm0 =	vmand vm0, vm1;
	v19 =	vmul.f32 v7, v3;
	v3 =	vmovc v2;
	v2 =	vmovc v6  }
0x131: {  	v6 =	vand.u32 $0xFFFE000, v15;
	v15 =	vsel vm0, $0x3F800000, v17;
	v11 =	vmul.f32 v18, v11  }
0x132: {  	v14 =	vand.u32 $0x80000000, v14;
	v17 =	vshra.s32 v15, $0x1;
	v18 =	vmul.f32 $5.000000000e-01, v15;
	[tilespmem:s22+$0xF980] =	vst v19  }
0x133: {  	v16 =	vand.u32 $0xFFFE000, v16;
	v17 =	vsub.s32 $0x5F3759DF, v17;
	v19 =	vmul.f32 v11, v5;
	v20 =	vld [tilespmem:s12+$0xB180];
	v5 =	vmovc v15  }
0x134: {  	v11 =	vand.u32 $0x80000000, v12;
	v12 =	vand.u32 $0xFFFE000, v13;
	v13 =	vmul.f32 v17, v18;
	v15 =	vld [tilespmem:s12+$0xC980]  }
0x135: {  	v6 =	vor.u32 v14, v6;
	v10 =	vand.u32 $0xFFFE000, v10;
	v14 =	vld [tilespmem:s25+$0x5180];
	(erf) = vrcp.f32 v19  }
0x136: {  	s28 =	sshra.s32 s26, $0x2;
	v11 =	vor.u32 v11, v16;
	v9 =	vor.u32 v9, v12;
	v12 =	vld [tilespmem:s25+$0x6980];
	v13 =	vmul.f32 v17, v13  }
0x137: {  	v6 =	vmul.f32 $5.192296860e+33, v6;
	v8 =	vor.u32 v8, v10;
	v11 =	vmul.f32 $5.192296860e+33, v11;
	v21 =	vld [tilespmem:s28+$0x9980]  }
0x138: {  	v8 =	vmul.f32 $5.192296860e+33, v8;
	v9 =	vmul.f32 $5.192296860e+33, v9;
	v10 =	vld [tilespmem:s28+$0x8180];
	v13 =	vsub.f32 $1.500000000e+00, v13  }
0x139: {  	v7 =	vmul.f32 v7, v0;
	v0 =	vmovc v1;
	v1 =	vmov v4;
	v4 =	vsub.f32 v6, v11  }
0x13a: {  	v6 =	vsub.f32 v9, v8;
	v11 =	vmul.f32 v17, v13;
	v13 =	vsub.f32 $0.0e+00, v20  }
0x13b: {  	v16 =	vmul.f32 v4, v4;
	vm0 =	vne.s32 v14, v12;
	v12 =	vsub.f32 v19, v15;
	[tilespmem:s22+$0xE180] =	vst v7;
	s22 =	smov.u32 s12;
	s12 =	smov.u32 s13;
	s13 =	smov.u32 s25  }
.Ltmp1:
0x13c: {  	v19 =	vmul.f32 v6, v6;
	s25 =	smov.u32 s28;
	v9 =	vand.u32 $0x80000000, v21;
	v18 =	vmul.f32 v11, v18;
	(pc) =	sbr.rel @p1 .LBB2_5-.Ltmp1, $4  }
0x13d: {  	v15 =	vshll.u32 v21, $0xD;
	v8 =	vand.u32 $0x80000000, v10;
	v13 =	vmul.f32 v12, v13  }
0x13e: {  	v14 =	vshll.u32 v21, $0x10;
	v17 =	vadd.f32 v19, v16;
	v18 =	vmul.f32 v18, v11;
	v7 =	vpop (erf)  }
0x13f: {  	v16 =	vshll.u32 v10, $0xD;
	v12 =	vshll.u32 v10, $0x10;
	v7 =	vmul.f32 v13, v7  }
0x140: {  	s26 =	sadd.s32 $0x40, s26;
	v13 =	vshrl.u32 v21, $0x3;
	vm1 =	veq.f32 v17, $0.0e+00;
	v18 =	vsub.f32 $1.500000000e+00, v18  }
0x141: {  	v10 =	vshrl.u32 v10, $0x3;
	vm0 =	vmand vm0, vm1  }
0x142: {  	v3 =	vmul.f32 v7, v3;
	v15 =	vand.u32 $0xFFFE000, v15;
	v14 =	vand.u32 $0x80000000, v14  }
0x143: {  	v16 =	vand.u32 $0xFFFE000, v16;
	v13 =	vand.u32 $0xFFFE000, v13;
	v17 =	vsel vm0, $0x3F800000, v17  }
0x144: {  	v11 =	vmul.f32 v18, v11;
	v14 =	vor.u32 v14, v15;
	v10 =	vand.u32 $0xFFFE000, v10  }
0x145: {  	v9 =	vor.u32 v9, v13;
	v18 =	vshra.s32 v17, $0x1;
	v19 =	vmul.f32 $5.000000000e-01, v17  }
0x146: {  	[tilespmem:s22+$0xF980] =	vst v3;
	v3 =	vmul.f32 $5.192296860e+33, v14;
	v8 =	vor.u32 v8, v10;
	v18 =	vsub.s32 $0x5F3759DF, v18  }
0x147: {  	v5 =	vmul.f32 v11, v5;
	v11 =	vand.u32 $0x80000000, v12;
	v12 =	vmul.f32 v18, v19  }
0x148: {  	v9 =	vmul.f32 $5.192296860e+33, v9;
	v8 =	vmul.f32 $5.192296860e+33, v8;
	v11 =	vor.u32 v11, v16  }
0x149: {  	v10 =	vld [tilespmem:s12+$0xB180];
	v11 =	vmul.f32 $5.192296860e+33, v11;
	v12 =	vmul.f32 v18, v12  }
0x14a: {  	v13 =	vld [tilespmem:s12+$0xC980];
	(erf) = vrcp.f32 v5;
	v8 =	vsub.f32 v9, v8  }
0x14b: {  	v14 =	vld [tilespmem:s25+$0x5180];
	v3 =	vsub.f32 v3, v11;
	v12 =	vsub.f32 $1.500000000e+00, v12  }
0x14c: {  	v9 =	vld [tilespmem:s25+$0x6980];
	v15 =	vmul.f32 v8, v8  }
0x14d: {  	v11 =	vmul.f32 v18, v12;
	v12 =	vmul.f32 v3, v3;
	_ =	sdelay $0x1  }
0x14e: {  	v10 =	vsub.f32 $0.0e+00, v10;
	v16 =	vmul.f32 v11, v19;
	v12 =	vadd.f32 v15, v12  }
0x14f: {  	v5 =	vsub.f32 v5, v13  }
0x150: {  	vm0 =	vne.s32 v14, v9;
	v9 =	vmul.f32 v16, v11;
	vm1 =	veq.f32 v12, $0.0e+00  }
0x151: {  	v5 =	vmul.f32 v5, v10;
	vm0 =	vmand vm0, vm1  }
0x152: {  	v10 =	vpop (erf);
	v9 =	vsub.f32 $1.500000000e+00, v9;
	v12 =	vsel vm0, $0x3F800000, v12  }
0x153: {  	v5 =	vmul.f32 v5, v10;
	v10 =	vshra.s32 v12, $0x1;
	v13 =	vmul.f32 $5.000000000e-01, v12  }
0x154: {  	v0 =	vmul.f32 v7, v0;
	v7 =	vmul.f32 v9, v11;
	v9 =	vsub.s32 $0x5F3759DF, v10  }
0x155: {  	v2 =	vmul.f32 v5, v2;
	v10 =	vmul.f32 v9, v13  }
0x156: {  	[tilespmem:s22+$0xE180] =	vst v0;
	v0 =	vmul.f32 v7, v17  }
0x157: {  	[tilespmem:s12+$0xF980] =	vst v2;
	v2 =	vmul.f32 v9, v10  }
0x158: {  	v7 =	vld [tilespmem:s13+$0xB180];
	(erf) = vrcp.f32 v0  }
0x159: {  	v10 =	vld [tilespmem:s13+$0xC980];
	v2 =	vsub.f32 $1.500000000e+00, v2;
	_ =	sdelay $0x1  }
0x15a: {  	v2 =	vmul.f32 v9, v2;
	_ =	sdelay $0x1  }
0x15b: {  	v7 =	vsub.f32 $0.0e+00, v7;
	v9 =	vmul.f32 v2, v13  }
0x15c: {  	v0 =	vsub.f32 v0, v10  }
0x15d: {  	v9 =	vmul.f32 v9, v2  }
0x15e: {  	v0 =	vmul.f32 v0, v7  }
0x15f: {  	v7 =	vpop (erf);
	v9 =	vsub.f32 $1.500000000e+00, v9  }
0x160: {  	v0 =	vmul.f32 v0, v7  }
0x161: {  	v1 =	vmul.f32 v5, v1;
	v2 =	vmul.f32 v9, v2  }
0x162: {  	v5 =	vmul.f32 v0, v6  }
0x163: {  	[tilespmem:s12+$0xE180] =	vst v1;
	v1 =	vmul.f32 v2, v12  }
0x164: {  	[tilespmem:s13+$0xF980] =	vst v5  }
0x165: {  	v2 =	vld [tilespmem:s25+$0xB180];
	(erf) = vrcp.f32 v1  }
0x166: {  	v5 =	vld [tilespmem:s25+$0xC980];
	_ =	sdelay $0x3  }
0x167: {  	v2 =	vsub.f32 $0.0e+00, v2  }
0x168: {  	v1 =	vsub.f32 v1, v5;
	_ =	sdelay $0x1  }
0x169: {  	v1 =	vmul.f32 v1, v2  }
0x16a: {  	v2 =	vpop (erf)  }
0x16b: {  	v1 =	vmul.f32 v1, v2  }
0x16c: {  	v0 =	vmul.f32 v0, v4  }
0x16d: {  	v2 =	vmul.f32 v1, v8  }
0x16e: {  	[tilespmem:s13+$0xE180] =	vst v0;
	v0 =	vmul.f32 v1, v3  }
0x16f: {  	[tilespmem:s25+$0xF980] =	vst v2  }
0x170: {  	s22 =	simm.s32 $0xE180;
	[tilespmem:s25+$0xE180] =	vst v0  }
0x171: {  	[spmem:s2] =	stream.indirect.scatter.add.f32 [tilespmem:s22], [sflag:$0x8], $0x1, s24, s20, $0xb8;
	[tilespmem:$0x10980] =	vst v63  }
0x172: {  	s23 =	simm.s32 $0xF980  }
0x173: {  	[spmem:s3] =	stream.indirect.scatter.add.f32 [tilespmem:s23], [sflag:$0x8], $0x1, s24, s20, $0xb8;
	[tilespmem:$0x10980] =	vst v63  }
0x174: {  	_ =	swait.ge [sflag:s5], $0x7D0  }
0x175: {  	[sflag:s5] =	ssyncset.done $0x0  }
0x176: {  	[sflag:s5] =	ssyncadd.s32 $0xFFFFF830  }
0x177: {  	s22 =	smul.u32 $0x1770, s21;
	_ =	swait.ge [sflag:s5], $0x7D0  }
0x178: {  	s25 =	rddreg [dreg:$0x15]  }
0x179: {  	s12 =	sadd.s32 s22, s25  }
0x17a: {  	[sflag:s5] =	ssyncset.done $0x0;
	s12 =	sshrl.u32 s12, $0x3  }
0x17b: {  	[sflag:s5] =	ssyncadd.s32 $0xFFFFF830;
	s25 =	simm.s32 $0x0;
	s26 =	sadd.s32 s7, s12  }
0x17c: {  	[tilespmem:s14], [sflag:$0x1] =	stream.linear.gather [hbm4b:s26+s25], $0x7D0, $0x38;
	[tilespmem:$0x10980] =	vst v63  }
0x17d: {  	s23 =	sadd.s32 s8, s12  }
0x17e: {  	[tilespmem:s15], [sflag:$0x1] =	stream.linear.gather [hbm4b:s23+s25], $0x7D0, $0x38;
	[tilespmem:$0x10980] =	vst v63  }
0x17f: {  	s26 =	sadd.s32 s9, s12;
	s23 =	simm.s32 $0xA980  }
0x180: {  	[tilespmem:s23], [sflag:$0x1] =	stream.linear.gather [hbm4b:s26+s25], $0x7D0, $0x38;
	[tilespmem:$0x10980] =	vst v63  }
0x181: {  	s12 =	sadd.s32 s10, s12;
	s23 =	simm.s32 $0xC180  }
0x182: {  	[tilespmem:s23], [sflag:$0x1] =	stream.linear.gather [hbm4b:s12+s25], $0x7D0, $0x38;
	[tilespmem:$0x10980] =	vst v63  }
0x183: {  	_ =	swait.ge [sflag:s18], $0x7D0  }
0x184: {  	[sflag:s18] =	ssyncset.done $0x0  }
0x185: {  	[sflag:s18] =	ssyncadd.s32 $0xFFFFF830  }
0x186: {  	_ =	swait.ge [sflag:s18], $0x7D0  }
0x187: {  	[sflag:s18] =	ssyncset.done $0x0  }
0x188: {  	[sflag:s18] =	ssyncadd.s32 $0xFFFFF830  }
0x189: {  	_ =	swait.ge [sflag:s18], $0x7D0  }
0x18a: {  	[sflag:s18] =	ssyncset.done $0x0  }
0x18b: {  	[sflag:s18] =	ssyncadd.s32 $0xFFFFF830  }
0x18c: {  	_ =	swait.ge [sflag:s18], $0x7D0  }
0x18d: {  	[sflag:s18] =	ssyncset.done $0x0  }
0x18e: {  	s25 =	simm.s32 $0x7980;
	[sflag:s18] =	ssyncadd.s32 $0xFFFFF830  }
0x18f: {  	[tilespmem:s25], [sflag:$0x4] =	stream.indirect.gather [spmem:s1], $0x1, s14, s20, $0xb8;
	[tilespmem:$0x10980] =	vst v63  }
0x190: {  	s26 =	simm.s32 $0x9180  }
0x191: {  	[tilespmem:s26], [sflag:$0x4] =	stream.indirect.gather [spmem:s1], $0x1, s15, s20, $0xb8;
	[tilespmem:$0x10980] =	vst v63  }
0x192: {  	_ =	swait.ge [sflag:s29], $0x7D0  }
0x193: {  	[sflag:s29] =	ssyncset.done $0x0  }
0x194: {  	[sflag:s29] =	ssyncadd.s32 $0xFFFFF830  }
0x195: {  	_ =	swait.ge [sflag:s29], $0x7D0  }
0x196: {  	[sflag:s29] =	ssyncset.done $0x0  }
0x197: {  	s12 =	simm.s32 $0x0;
	[sflag:s29] =	ssyncadd.s32 $0xFFFFF830  }
0x198: {  	v0 =	vld [tilespmem:s12+$0xA180]  }
0x199: {  	v1 =	vld [tilespmem:s12+$0x8980];
	_ =	sdelay $0x3  }
0x19a: {  	v2 =	vand.u32 $0x80000000, v0;
	v3 =	vshll.u32 v0, $0xD  }
0x19b: {  	v4 =	vand.u32 $0x80000000, v1;
	v5 =	vshll.u32 v0, $0x10;
	v6 =	vshll.u32 v1, $0xD  }
0x19c: {  	v7 =	vshll.u32 v1, $0x10;
	v0 =	vshrl.u32 v0, $0x3;
	v1 =	vshrl.u32 v1, $0x3  }
0x19d: {  	v3 =	vand.u32 $0xFFFE000, v3;
	v5 =	vand.u32 $0x80000000, v5;
	v6 =	vand.u32 $0xFFFE000, v6  }
0x19e: {  	v7 =	vand.u32 $0x80000000, v7;
	v0 =	vand.u32 $0xFFFE000, v0;
	v1 =	vand.u32 $0xFFFE000, v1  }
0x19f: {  	v3 =	vor.u32 v5, v3;
	v5 =	vor.u32 v7, v6;
	v0 =	vor.u32 v2, v0  }
0x1a0: {  	v1 =	vor.u32 v4, v1;
	v4 =	vld [tilespmem:s12+$0x5980];
	v2 =	vmul.f32 $5.192296860e+33, v3;
	v3 =	vmul.f32 $5.192296860e+33, v5  }
0x1a1: {  	s13 =	simm.s32 $0x10;
	v6 =	vld [tilespmem:s12+$0x7180];
	v5 =	vmul.f32 $5.192296860e+33, v0;
	v1 =	vmul.f32 $5.192296860e+33, v1  }
0x1a2: {  	v7 =	vld [tilespmem:s13+$0xA180]  }
0x1a3: {  	v0 =	vsub.f32 v2, v3;
	v3 =	vsub.f32 v5, v1  }
0x1a4: {  	v1 =	vld [tilespmem:s13+$0x8980]  }
0x1a5: {  	v2 =	vmul.f32 v0, v0;
	v5 =	vmul.f32 v3, v3;
	_ =	sdelay $0x1  }
0x1a6: {  	vm0 =	vne.s32 v4, v6;
	v8 =	vshll.u32 v7, $0x10;
	v2 =	vadd.f32 v5, v2  }
0x1a7: {  	v4 =	vand.u32 $0x80000000, v7;
	v8 =	vand.u32 $0x80000000, v8;
	v5 =	vshll.u32 v7, $0xD  }
0x1a8: {  	v7 =	vshrl.u32 v7, $0x3;
	v6 =	vand.u32 $0x80000000, v1;
	vm1 =	veq.f32 v2, $0.0e+00  }
0x1a9: {  	v9 =	vshll.u32 v1, $0xD;
	v10 =	vshll.u32 v1, $0x10;
	vm0 =	vmand vm0, vm1  }
0x1aa: {  	v1 =	vshrl.u32 v1, $0x3;
	v5 =	vand.u32 $0xFFFE000, v5;
	v11 =	vsel vm0, $0x3F800000, v2  }
0x1ab: {  	v7 =	vand.u32 $0xFFFE000, v7;
	v2 =	vshra.s32 v11, $0x1;
	v12 =	vmul.f32 $5.000000000e-01, v11  }
0x1ac: {  	v5 =	vor.u32 v8, v5;
	v1 =	vand.u32 $0xFFFE000, v1;
	v13 =	vsub.s32 $0x5F3759DF, v2  }
0x1ad: {  	v2 =	vand.u32 $0xFFFE000, v9;
	v9 =	vand.u32 $0x80000000, v10;
	v10 =	vmul.f32 v13, v12  }
0x1ae: {  	v4 =	vor.u32 v4, v7;
	v5 =	vmul.f32 $5.192296860e+33, v5;
	v1 =	vor.u32 v6, v1  }
0x1af: {  	v4 =	vmul.f32 $5.192296860e+33, v4;
	v2 =	vor.u32 v9, v2;
	v7 =	vmul.f32 v13, v10  }
0x1b0: {  	v8 =	vld [tilespmem:s13+$0x5980];
	v2 =	vmul.f32 $5.192296860e+33, v2;
	v10 =	vmul.f32 $5.192296860e+33, v1  }
0x1b1: {  	s25 =	simm.s32 $0x20;
	v9 =	vld [tilespmem:s13+$0x7180];
	v7 =	vsub.f32 $1.500000000e+00, v7  }
0x1b2: {  	v6 =	vld [tilespmem:s25+$0xA180];
	v1 =	vsub.f32 v5, v2;
	v2 =	vsub.f32 v4, v10  }
0x1b3: {  	v5 =	vld [tilespmem:s25+$0x8980];
	v4 =	vmul.f32 v13, v7  }
0x1b4: {  	v7 =	vmul.f32 v1, v1;
	v10 =	vmul.f32 v2, v2  }
0x1b5: {  	v12 =	vmul.f32 v4, v12  }
0x1b6: {  	vm0 =	vne.s32 v8, v9;
	v7 =	vadd.f32 v10, v7  }
0x1b7: {  	v8 =	vand.u32 $0x80000000, v6;
	v13 =	vshll.u32 v6, $0x10;
	v10 =	vmul.f32 v12, v4  }
0x1b8: {  	v14 =	vshll.u32 v5, $0xD;
	v15 =	vshll.u32 v5, $0x10;
	vm1 =	veq.f32 v7, $0.0e+00  }
0x1b9: {  	v16 =	vshrl.u32 v5, $0x3;
	vm0 =	vmand vm0, vm1;
	v10 =	vsub.f32 $1.500000000e+00, v10  }
0x1ba: {  	v12 =	vand.u32 $0x80000000, v5;
	v5 =	vsel vm0, $0x3F800000, v7;
	v7 =	vand.u32 $0x80000000, v13  }
0x1bb: {  	v13 =	vmul.f32 $5.000000000e-01, v5;
	v4 =	vmul.f32 v10, v4;
	v10 =	vshra.s32 v5, $0x1  }
0x1bc: {  	v9 =	vshll.u32 v6, $0xD;
	v6 =	vshrl.u32 v6, $0x3;
	v17 =	vsub.s32 $0x5F3759DF, v10  }
0x1bd: {  	v6 =	vand.u32 $0xFFFE000, v6;
	v10 =	vmul.f32 v17, v13  }
0x1be: {  	s26 =	simm.s32 $0x30;
	v19 =	vld [tilespmem:s12+$0xB980];
	v9 =	vand.u32 $0xFFFE000, v9;
	v6 =	vor.u32 v8, v6;
	v18 =	vmul.f32 v4, v11  }
0x1bf: {  	v20 =	vld [tilespmem:s26+$0xA180];
	v14 =	vand.u32 $0xFFFE000, v14;
	v6 =	vmul.f32 $5.192296860e+33, v6;
	v11 =	vmul.f32 v17, v10  }
0x1c0: {  	v8 =	vld [tilespmem:s25+$0x7180];
	v7 =	vor.u32 v7, v9;
	v9 =	vand.u32 $0xFFFE000, v16;
	(erf) = vrcp.f32 v18  }
0x1c1: {  	v9 =	vor.u32 v12, v9;
	v4 =	vand.u32 $0x80000000, v15;
	v15 =	vld [tilespmem:s12+$0xD180];
	v11 =	vsub.f32 $1.500000000e+00, v11  }
0x1c2: {  	v16 =	vld [tilespmem:s25+$0x5980];
	v7 =	vmul.f32 $5.192296860e+33, v7;
	v9 =	vmul.f32 $5.192296860e+33, v9;
	v4 =	vor.u32 v4, v14  }
0x1c3: {  	v4 =	vmul.f32 $5.192296860e+33, v4;
	v10 =	vld [tilespmem:s26+$0x8980];
	v11 =	vmul.f32 v17, v11;
	_ =	sdelay $0x1  }
0x1c4: {  	v6 =	vsub.f32 v6, v9;
	v4 =	vsub.f32 v7, v4;
	v13 =	vmul.f32 v11, v13  }
0x1c5: {  	v9 =	vand.u32 $0x80000000, v20;
	v7 =	vsub.f32 $0.0e+00, v19;
	v14 =	vsub.f32 v18, v15  }
0x1c6: {  	vm0 =	vne.s32 v16, v8;
	v16 =	vmul.f32 v6, v6;
	v12 =	vmul.f32 v4, v4  }
0x1c7: {  	v15 =	vshll.u32 v20, $0xD;
	v8 =	vand.u32 $0x80000000, v10;
	v7 =	vmul.f32 v14, v7  }
0x1c8: {  	v14 =	vshll.u32 v20, $0x10;
	v17 =	vadd.f32 v16, v12;
	v18 =	vmul.f32 v13, v11;
	v13 =	vpop (erf)  }
0x1c9: {  	v16 =	vshll.u32 v10, $0xD;
	v12 =	vshll.u32 v10, $0x10;
	v7 =	vmul.f32 v7, v13  }
0x1ca: {  	s28 =	simm.s32 $0x100;
	vm1 =	veq.f32 v17, $0.0e+00;
	v18 =	vsub.f32 $1.500000000e+00, v18;
	v13 =	vshrl.u32 v20, $0x3  }
.LBB2_7:
0x1cb: {  	p1 =	sne.s32 s28, $0x1F00;
	v10 =	vshrl.u32 v10, $0x3;
	vm0 =	vmand vm0, vm1;
	v19 =	vmul.f32 v7, v3;
	v3 =	vmovc v2;
	v2 =	vmovc v6  }
0x1cc: {  	v6 =	vand.u32 $0xFFFE000, v15;
	v15 =	vsel vm0, $0x3F800000, v17;
	v11 =	vmul.f32 v18, v11  }
0x1cd: {  	v14 =	vand.u32 $0x80000000, v14;
	v17 =	vshra.s32 v15, $0x1;
	v18 =	vmul.f32 $5.000000000e-01, v15;
	[tilespmem:s12+$0x10180] =	vst v19  }
0x1ce: {  	v16 =	vand.u32 $0xFFFE000, v16;
	v17 =	vsub.s32 $0x5F3759DF, v17;
	v19 =	vmul.f32 v11, v5;
	v20 =	vld [tilespmem:s13+$0xB980];
	v5 =	vmovc v15  }
0x1cf: {  	v11 =	vand.u32 $0x80000000, v12;
	v12 =	vand.u32 $0xFFFE000, v13;
	v13 =	vmul.f32 v17, v18;
	v15 =	vld [tilespmem:s13+$0xD180]  }
0x1d0: {  	v6 =	vor.u32 v14, v6;
	v10 =	vand.u32 $0xFFFE000, v10;
	v14 =	vld [tilespmem:s26+$0x5980];
	(erf) = vrcp.f32 v19  }
0x1d1: {  	s23 =	sshra.s32 s28, $0x2;
	v11 =	vor.u32 v11, v16;
	v9 =	vor.u32 v9, v12;
	v12 =	vld [tilespmem:s26+$0x7180];
	v13 =	vmul.f32 v17, v13  }
0x1d2: {  	v6 =	vmul.f32 $5.192296860e+33, v6;
	v8 =	vor.u32 v8, v10;
	v11 =	vmul.f32 $5.192296860e+33, v11;
	v21 =	vld [tilespmem:s23+$0xA180]  }
0x1d3: {  	v8 =	vmul.f32 $5.192296860e+33, v8;
	v9 =	vmul.f32 $5.192296860e+33, v9;
	v10 =	vld [tilespmem:s23+$0x8980];
	v13 =	vsub.f32 $1.500000000e+00, v13  }
0x1d4: {  	v7 =	vmul.f32 v7, v0;
	v0 =	vmovc v1;
	v1 =	vmov v4;
	v4 =	vsub.f32 v6, v11  }
0x1d5: {  	v6 =	vsub.f32 v9, v8;
	v11 =	vmul.f32 v17, v13;
	v13 =	vsub.f32 $0.0e+00, v20  }
0x1d6: {  	v16 =	vmul.f32 v4, v4;
	vm0 =	vne.s32 v14, v12;
	v12 =	vsub.f32 v19, v15;
	[tilespmem:s12+$0xE980] =	vst v7;
	s12 =	smov.u32 s13;
	s13 =	smov.u32 s25;
	s25 =	smov.u32 s26  }
.Ltmp2:
0x1d7: {  	v19 =	vmul.f32 v6, v6;
	s26 =	smov.u32 s23;
	v9 =	vand.u32 $0x80000000, v21;
	v18 =	vmul.f32 v11, v18;
	(pc) =	sbr.rel @p1 .LBB2_7-.Ltmp2, $4  }
0x1d8: {  	v15 =	vshll.u32 v21, $0xD;
	v8 =	vand.u32 $0x80000000, v10;
	v13 =	vmul.f32 v12, v13  }
0x1d9: {  	v14 =	vshll.u32 v21, $0x10;
	v17 =	vadd.f32 v19, v16;
	v18 =	vmul.f32 v18, v11;
	v7 =	vpop (erf)  }
0x1da: {  	v16 =	vshll.u32 v10, $0xD;
	v12 =	vshll.u32 v10, $0x10;
	v7 =	vmul.f32 v13, v7  }
0x1db: {  	s28 =	sadd.s32 $0x40, s28;
	v13 =	vshrl.u32 v21, $0x3;
	vm1 =	veq.f32 v17, $0.0e+00;
	v18 =	vsub.f32 $1.500000000e+00, v18  }
0x1dc: {  	v10 =	vshrl.u32 v10, $0x3;
	vm0 =	vmand vm0, vm1  }
0x1dd: {  	v3 =	vmul.f32 v7, v3;
	v15 =	vand.u32 $0xFFFE000, v15;
	v14 =	vand.u32 $0x80000000, v14  }
0x1de: {  	v16 =	vand.u32 $0xFFFE000, v16;
	v13 =	vand.u32 $0xFFFE000, v13;
	v17 =	vsel vm0, $0x3F800000, v17  }
0x1df: {  	v11 =	vmul.f32 v18, v11;
	v14 =	vor.u32 v14, v15;
	v10 =	vand.u32 $0xFFFE000, v10  }
0x1e0: {  	v9 =	vor.u32 v9, v13;
	v18 =	vshra.s32 v17, $0x1;
	v19 =	vmul.f32 $5.000000000e-01, v17  }
0x1e1: {  	[tilespmem:s12+$0x10180] =	vst v3;
	v3 =	vmul.f32 $5.192296860e+33, v14;
	v8 =	vor.u32 v8, v10;
	v18 =	vsub.s32 $0x5F3759DF, v18  }
0x1e2: {  	v5 =	vmul.f32 v11, v5;
	v11 =	vand.u32 $0x80000000, v12;
	v12 =	vmul.f32 v18, v19  }
0x1e3: {  	v9 =	vmul.f32 $5.192296860e+33, v9;
	v8 =	vmul.f32 $5.192296860e+33, v8;
	v11 =	vor.u32 v11, v16  }
0x1e4: {  	v10 =	vld [tilespmem:s13+$0xB980];
	v11 =	vmul.f32 $5.192296860e+33, v11;
	v12 =	vmul.f32 v18, v12  }
0x1e5: {  	v13 =	vld [tilespmem:s13+$0xD180];
	(erf) = vrcp.f32 v5;
	v8 =	vsub.f32 v9, v8  }
0x1e6: {  	v14 =	vld [tilespmem:s26+$0x5980];
	v3 =	vsub.f32 v3, v11;
	v12 =	vsub.f32 $1.500000000e+00, v12  }
0x1e7: {  	v9 =	vld [tilespmem:s26+$0x7180];
	v15 =	vmul.f32 v8, v8  }
0x1e8: {  	v11 =	vmul.f32 v18, v12;
	v12 =	vmul.f32 v3, v3;
	_ =	sdelay $0x1  }
0x1e9: {  	v10 =	vsub.f32 $0.0e+00, v10;
	v16 =	vmul.f32 v11, v19;
	v12 =	vadd.f32 v15, v12  }
0x1ea: {  	v5 =	vsub.f32 v5, v13  }
0x1eb: {  	vm0 =	vne.s32 v14, v9;
	v9 =	vmul.f32 v16, v11;
	vm1 =	veq.f32 v12, $0.0e+00  }
0x1ec: {  	v5 =	vmul.f32 v5, v10;
	vm0 =	vmand vm0, vm1  }
0x1ed: {  	v10 =	vpop (erf);
	v9 =	vsub.f32 $1.500000000e+00, v9;
	v12 =	vsel vm0, $0x3F800000, v12  }
0x1ee: {  	v5 =	vmul.f32 v5, v10;
	v10 =	vshra.s32 v12, $0x1;
	v13 =	vmul.f32 $5.000000000e-01, v12  }
0x1ef: {  	v0 =	vmul.f32 v7, v0;
	v7 =	vmul.f32 v9, v11;
	v9 =	vsub.s32 $0x5F3759DF, v10  }
0x1f0: {  	v2 =	vmul.f32 v5, v2;
	v10 =	vmul.f32 v9, v13  }
0x1f1: {  	[tilespmem:s12+$0xE980] =	vst v0;
	v0 =	vmul.f32 v7, v17  }
0x1f2: {  	[tilespmem:s13+$0x10180] =	vst v2;
	v2 =	vmul.f32 v9, v10  }
0x1f3: {  	v7 =	vld [tilespmem:s25+$0xB980];
	(erf) = vrcp.f32 v0  }
0x1f4: {  	v10 =	vld [tilespmem:s25+$0xD180];
	v2 =	vsub.f32 $1.500000000e+00, v2;
	_ =	sdelay $0x1  }
0x1f5: {  	v2 =	vmul.f32 v9, v2;
	_ =	sdelay $0x1  }
0x1f6: {  	v7 =	vsub.f32 $0.0e+00, v7;
	v9 =	vmul.f32 v2, v13  }
0x1f7: {  	v0 =	vsub.f32 v0, v10  }
0x1f8: {  	v9 =	vmul.f32 v9, v2  }
0x1f9: {  	v0 =	vmul.f32 v0, v7  }
0x1fa: {  	v7 =	vpop (erf);
	v9 =	vsub.f32 $1.500000000e+00, v9  }
0x1fb: {  	v0 =	vmul.f32 v0, v7  }
0x1fc: {  	v1 =	vmul.f32 v5, v1;
	v2 =	vmul.f32 v9, v2  }
0x1fd: {  	v5 =	vmul.f32 v0, v6  }
0x1fe: {  	[tilespmem:s13+$0xE980] =	vst v1;
	v1 =	vmul.f32 v2, v12  }
0x1ff: {  	[tilespmem:s25+$0x10180] =	vst v5  }
0x200: {  	v2 =	vld [tilespmem:s26+$0xB980];
	(erf) = vrcp.f32 v1  }
0x201: {  	v5 =	vld [tilespmem:s26+$0xD180];
	_ =	sdelay $0x3  }
0x202: {  	v2 =	vsub.f32 $0.0e+00, v2  }
0x203: {  	v1 =	vsub.f32 v1, v5;
	_ =	sdelay $0x1  }
0x204: {  	v1 =	vmul.f32 v1, v2  }
0x205: {  	v2 =	vpop (erf)  }
0x206: {  	v1 =	vmul.f32 v1, v2  }
0x207: {  	v0 =	vmul.f32 v0, v4  }
0x208: {  	v2 =	vmul.f32 v1, v8  }
0x209: {  	[tilespmem:s25+$0xE980] =	vst v0;
	v0 =	vmul.f32 v1, v3  }
0x20a: {  	[tilespmem:s26+$0x10180] =	vst v2  }
0x20b: {  	s13 =	simm.s32 $0xE980;
	[tilespmem:s26+$0xE980] =	vst v0  }
0x20c: {  	[spmem:s2] =	stream.indirect.scatter.add.f32 [tilespmem:s13], [sflag:$0x9], $0x1, s11, s20, $0xb8;
	[tilespmem:$0x10980] =	vst v63  }
0x20d: {  	s23 =	simm.s32 $0x10180  }
0x20e: {  	[spmem:s3] =	stream.indirect.scatter.add.f32 [tilespmem:s23], [sflag:$0x9], $0x1, s11, s20, $0xb8;
	[tilespmem:$0x10980] =	vst v63  }
0x20f: {  	_ =	swait.ge [sflag:s16], $0x7D0  }
0x210: {  	[sflag:s16] =	ssyncset.done $0x0  }
0x211: {  	[sflag:s16] =	ssyncadd.s32 $0xFFFFF830  }
0x212: {  	_ =	swait.ge [sflag:s16], $0x7D0  }
0x213: {  	s25 =	rddreg [dreg:$0x16]  }
0x214: {  	s12 =	sadd.s32 s22, s25  }
0x215: {  	s23 =	simm.s32 $0x0;
	[sflag:s16] =	ssyncset.done $0x0;
	s12 =	sshrl.u32 s12, $0x3  }
0x216: {  	[sflag:s16] =	ssyncadd.s32 $0xFFFFF830;
	s25 =	simm.s32 $0x5180;
	s26 =	sadd.s32 s7, s12  }
0x217: {  	[tilespmem:s25], [sflag:$0x2] =	stream.linear.gather [hbm4b:s26+s23], $0x7D0, $0x38;
	[tilespmem:$0x10980] =	vst v63  }
0x218: {  	s26 =	sadd.s32 s8, s12  }
0x219: {  	[tilespmem:s24], [sflag:$0x2] =	stream.linear.gather [hbm4b:s26+s23], $0x7D0, $0x38;
	[tilespmem:$0x10980] =	vst v63  }
0x21a: {  	s13 =	sadd.s32 s9, s12;
	s26 =	simm.s32 $0xB180  }
0x21b: {  	[tilespmem:s26], [sflag:$0x2] =	stream.linear.gather [hbm4b:s13+s23], $0x7D0, $0x38;
	[tilespmem:$0x10980] =	vst v63  }
0x21c: {  	s12 =	sadd.s32 s10, s12;
	s26 =	simm.s32 $0xC980  }
0x21d: {  	[tilespmem:s26], [sflag:$0x2] =	stream.linear.gather [hbm4b:s12+s23], $0x7D0, $0x38;
	[tilespmem:$0x10980] =	vst v63  }
0x21e: {  	_ =	swait.ge [sflag:s31], $0x7D0  }
0x21f: {  	[sflag:s31] =	ssyncset.done $0x0  }
0x220: {  	[sflag:s31] =	ssyncadd.s32 $0xFFFFF830  }
0x221: {  	_ =	swait.ge [sflag:s31], $0x7D0  }
0x222: {  	[sflag:s31] =	ssyncset.done $0x0  }
0x223: {  	[sflag:s31] =	ssyncadd.s32 $0xFFFFF830  }
0x224: {  	_ =	swait.ge [sflag:s31], $0x7D0  }
0x225: {  	[sflag:s31] =	ssyncset.done $0x0  }
0x226: {  	[sflag:s31] =	ssyncadd.s32 $0xFFFFF830  }
0x227: {  	_ =	swait.ge [sflag:s31], $0x7D0  }
0x228: {  	[sflag:s31] =	ssyncset.done $0x0  }
0x229: {  	s23 =	simm.s32 $0x8180;
	[sflag:s31] =	ssyncadd.s32 $0xFFFFF830  }
0x22a: {  	[tilespmem:s23], [sflag:$0x5] =	stream.indirect.gather [spmem:s1], $0x1, s25, s20, $0xb8;
	[tilespmem:$0x10980] =	vst v63  }
0x22b: {  	s26 =	simm.s32 $0x9980  }
0x22c: {  	[tilespmem:s26], [sflag:$0x5] =	stream.indirect.gather [spmem:s1], $0x1, s24, s20, $0xb8;
	[tilespmem:$0x10980] =	vst v63  }
0x22d: {  	_ =	swait.ge [sflag:s6], $0x7D0  }
0x22e: {  	[sflag:s6] =	ssyncset.done $0x0  }
0x22f: {  	[sflag:s6] =	ssyncadd.s32 $0xFFFFF830  }
0x230: {  	_ =	swait.ge [sflag:s6], $0x7D0  }
0x231: {  	[sflag:s6] =	ssyncset.done $0x0  }
0x232: {  	s12 =	simm.s32 $0x0;
	[sflag:s6] =	ssyncadd.s32 $0xFFFFF830  }
0x233: {  	v0 =	vld [tilespmem:s12+$0x9180]  }
0x234: {  	v1 =	vld [tilespmem:s12+$0x7980];
	_ =	sdelay $0x3  }
0x235: {  	v2 =	vand.u32 $0x80000000, v0;
	v3 =	vshll.u32 v0, $0xD  }
0x236: {  	v4 =	vand.u32 $0x80000000, v1;
	v5 =	vshll.u32 v0, $0x10;
	v6 =	vshll.u32 v1, $0xD  }
0x237: {  	v7 =	vshll.u32 v1, $0x10;
	v0 =	vshrl.u32 v0, $0x3;
	v1 =	vshrl.u32 v1, $0x3  }
0x238: {  	v3 =	vand.u32 $0xFFFE000, v3;
	v5 =	vand.u32 $0x80000000, v5;
	v6 =	vand.u32 $0xFFFE000, v6  }
0x239: {  	v7 =	vand.u32 $0x80000000, v7;
	v0 =	vand.u32 $0xFFFE000, v0;
	v1 =	vand.u32 $0xFFFE000, v1  }
0x23a: {  	v3 =	vor.u32 v5, v3;
	v5 =	vor.u32 v7, v6;
	v0 =	vor.u32 v2, v0  }
0x23b: {  	v1 =	vor.u32 v4, v1;
	v4 =	vld [tilespmem:s12+$0x4980];
	v2 =	vmul.f32 $5.192296860e+33, v3;
	v3 =	vmul.f32 $5.192296860e+33, v5  }
0x23c: {  	s13 =	simm.s32 $0x10;
	v6 =	vld [tilespmem:s12+$0x6180];
	v5 =	vmul.f32 $5.192296860e+33, v0;
	v1 =	vmul.f32 $5.192296860e+33, v1  }
0x23d: {  	v7 =	vld [tilespmem:s13+$0x9180]  }
0x23e: {  	v0 =	vsub.f32 v2, v3;
	v3 =	vsub.f32 v5, v1  }
0x23f: {  	v1 =	vld [tilespmem:s13+$0x7980]  }
0x240: {  	v2 =	vmul.f32 v0, v0;
	v5 =	vmul.f32 v3, v3;
	_ =	sdelay $0x1  }
0x241: {  	vm0 =	vne.s32 v4, v6;
	v8 =	vshll.u32 v7, $0x10;
	v2 =	vadd.f32 v5, v2  }
0x242: {  	v4 =	vand.u32 $0x80000000, v7;
	v8 =	vand.u32 $0x80000000, v8;
	v5 =	vshll.u32 v7, $0xD  }
0x243: {  	v7 =	vshrl.u32 v7, $0x3;
	v6 =	vand.u32 $0x80000000, v1;
	vm1 =	veq.f32 v2, $0.0e+00  }
0x244: {  	v9 =	vshll.u32 v1, $0xD;
	v10 =	vshll.u32 v1, $0x10;
	vm0 =	vmand vm0, vm1  }
0x245: {  	v1 =	vshrl.u32 v1, $0x3;
	v5 =	vand.u32 $0xFFFE000, v5;
	v11 =	vsel vm0, $0x3F800000, v2  }
0x246: {  	v7 =	vand.u32 $0xFFFE000, v7;
	v2 =	vshra.s32 v11, $0x1;
	v12 =	vmul.f32 $5.000000000e-01, v11  }
0x247: {  	v5 =	vor.u32 v8, v5;
	v1 =	vand.u32 $0xFFFE000, v1;
	v13 =	vsub.s32 $0x5F3759DF, v2  }
0x248: {  	v2 =	vand.u32 $0xFFFE000, v9;
	v9 =	vand.u32 $0x80000000, v10;
	v10 =	vmul.f32 v13, v12  }
0x249: {  	v4 =	vor.u32 v4, v7;
	v5 =	vmul.f32 $5.192296860e+33, v5;
	v1 =	vor.u32 v6, v1  }
0x24a: {  	v4 =	vmul.f32 $5.192296860e+33, v4;
	v2 =	vor.u32 v9, v2;
	v7 =	vmul.f32 v13, v10  }
0x24b: {  	v8 =	vld [tilespmem:s13+$0x4980];
	v2 =	vmul.f32 $5.192296860e+33, v2;
	v10 =	vmul.f32 $5.192296860e+33, v1  }
0x24c: {  	s25 =	simm.s32 $0x20;
	v9 =	vld [tilespmem:s13+$0x6180];
	v7 =	vsub.f32 $1.500000000e+00, v7  }
0x24d: {  	v6 =	vld [tilespmem:s25+$0x9180];
	v1 =	vsub.f32 v5, v2;
	v2 =	vsub.f32 v4, v10  }
0x24e: {  	v5 =	vld [tilespmem:s25+$0x7980];
	v4 =	vmul.f32 v13, v7  }
0x24f: {  	v7 =	vmul.f32 v1, v1;
	v10 =	vmul.f32 v2, v2  }
0x250: {  	v12 =	vmul.f32 v4, v12  }
0x251: {  	vm0 =	vne.s32 v8, v9;
	v7 =	vadd.f32 v10, v7  }
0x252: {  	v8 =	vand.u32 $0x80000000, v6;
	v13 =	vshll.u32 v6, $0x10;
	v10 =	vmul.f32 v12, v4  }
0x253: {  	v14 =	vshll.u32 v5, $0xD;
	v15 =	vshll.u32 v5, $0x10;
	vm1 =	veq.f32 v7, $0.0e+00  }
0x254: {  	v16 =	vshrl.u32 v5, $0x3;
	vm0 =	vmand vm0, vm1;
	v10 =	vsub.f32 $1.500000000e+00, v10  }
0x255: {  	v12 =	vand.u32 $0x80000000, v5;
	v5 =	vsel vm0, $0x3F800000, v7;
	v7 =	vand.u32 $0x80000000, v13  }
0x256: {  	v13 =	vmul.f32 $5.000000000e-01, v5;
	v4 =	vmul.f32 v10, v4;
	v10 =	vshra.s32 v5, $0x1  }
0x257: {  	v9 =	vshll.u32 v6, $0xD;
	v6 =	vshrl.u32 v6, $0x3;
	v17 =	vsub.s32 $0x5F3759DF, v10  }
0x258: {  	v6 =	vand.u32 $0xFFFE000, v6;
	v10 =	vmul.f32 v17, v13  }
0x259: {  	s26 =	simm.s32 $0x30;
	v19 =	vld [tilespmem:s12+$0xA980];
	v9 =	vand.u32 $0xFFFE000, v9;
	v6 =	vor.u32 v8, v6;
	v18 =	vmul.f32 v4, v11  }
0x25a: {  	v20 =	vld [tilespmem:s26+$0x9180];
	v14 =	vand.u32 $0xFFFE000, v14;
	v6 =	vmul.f32 $5.192296860e+33, v6;
	v11 =	vmul.f32 v17, v10  }
0x25b: {  	v8 =	vld [tilespmem:s25+$0x6180];
	v7 =	vor.u32 v7, v9;
	v9 =	vand.u32 $0xFFFE000, v16;
	(erf) = vrcp.f32 v18  }
0x25c: {  	v9 =	vor.u32 v12, v9;
	v4 =	vand.u32 $0x80000000, v15;
	v15 =	vld [tilespmem:s12+$0xC180];
	v11 =	vsub.f32 $1.500000000e+00, v11  }
0x25d: {  	v16 =	vld [tilespmem:s25+$0x4980];
	v7 =	vmul.f32 $5.192296860e+33, v7;
	v9 =	vmul.f32 $5.192296860e+33, v9;
	v4 =	vor.u32 v4, v14  }
0x25e: {  	v4 =	vmul.f32 $5.192296860e+33, v4;
	v10 =	vld [tilespmem:s26+$0x7980];
	v11 =	vmul.f32 v17, v11;
	_ =	sdelay $0x1  }
0x25f: {  	v6 =	vsub.f32 v6, v9;
	v4 =	vsub.f32 v7, v4;
	v13 =	vmul.f32 v11, v13  }
0x260: {  	v9 =	vand.u32 $0x80000000, v20;
	v7 =	vsub.f32 $0.0e+00, v19;
	v14 =	vsub.f32 v18, v15  }
0x261: {  	vm0 =	vne.s32 v16, v8;
	v16 =	vmul.f32 v6, v6;
	v12 =	vmul.f32 v4, v4  }
0x262: {  	v15 =	vshll.u32 v20, $0xD;
	v8 =	vand.u32 $0x80000000, v10;
	v7 =	vmul.f32 v14, v7  }
0x263: {  	v14 =	vshll.u32 v20, $0x10;
	v17 =	vadd.f32 v16, v12;
	v18 =	vmul.f32 v13, v11;
	v13 =	vpop (erf)  }
0x264: {  	v16 =	vshll.u32 v10, $0xD;
	v12 =	vshll.u32 v10, $0x10;
	v7 =	vmul.f32 v7, v13  }
0x265: {  	s28 =	simm.s32 $0x100;
	vm1 =	veq.f32 v17, $0.0e+00;
	v18 =	vsub.f32 $1.500000000e+00, v18;
	v13 =	vshrl.u32 v20, $0x3  }
.LBB2_9:
0x266: {  	p1 =	sne.s32 s28, $0x1F00;
	v10 =	vshrl.u32 v10, $0x3;
	vm0 =	vmand vm0, vm1;
	v19 =	vmul.f32 v7, v3;
	v3 =	vmovc v2;
	v2 =	vmovc v6  }
0x267: {  	v6 =	vand.u32 $0xFFFE000, v15;
	v15 =	vsel vm0, $0x3F800000, v17;
	v11 =	vmul.f32 v18, v11  }
0x268: {  	v14 =	vand.u32 $0x80000000, v14;
	v17 =	vshra.s32 v15, $0x1;
	v18 =	vmul.f32 $5.000000000e-01, v15;
	[tilespmem:s12+$0xF180] =	vst v19  }
0x269: {  	v16 =	vand.u32 $0xFFFE000, v16;
	v17 =	vsub.s32 $0x5F3759DF, v17;
	v19 =	vmul.f32 v11, v5;
	v20 =	vld [tilespmem:s13+$0xA980];
	v5 =	vmovc v15  }
0x26a: {  	v11 =	vand.u32 $0x80000000, v12;
	v12 =	vand.u32 $0xFFFE000, v13;
	v13 =	vmul.f32 v17, v18;
	v15 =	vld [tilespmem:s13+$0xC180]  }
0x26b: {  	v6 =	vor.u32 v14, v6;
	v10 =	vand.u32 $0xFFFE000, v10;
	v14 =	vld [tilespmem:s26+$0x4980];
	(erf) = vrcp.f32 v19  }
0x26c: {  	s23 =	sshra.s32 s28, $0x2;
	v11 =	vor.u32 v11, v16;
	v9 =	vor.u32 v9, v12;
	v12 =	vld [tilespmem:s26+$0x6180];
	v13 =	vmul.f32 v17, v13  }
0x26d: {  	v6 =	vmul.f32 $5.192296860e+33, v6;
	v8 =	vor.u32 v8, v10;
	v11 =	vmul.f32 $5.192296860e+33, v11;
	v21 =	vld [tilespmem:s23+$0x9180]  }
0x26e: {  	v8 =	vmul.f32 $5.192296860e+33, v8;
	v9 =	vmul.f32 $5.192296860e+33, v9;
	v10 =	vld [tilespmem:s23+$0x7980];
	v13 =	vsub.f32 $1.500000000e+00, v13  }
0x26f: {  	v7 =	vmul.f32 v7, v0;
	v0 =	vmovc v1;
	v1 =	vmov v4;
	v4 =	vsub.f32 v6, v11  }
0x270: {  	v6 =	vsub.f32 v9, v8;
	v11 =	vmul.f32 v17, v13;
	v13 =	vsub.f32 $0.0e+00, v20  }
0x271: {  	v16 =	vmul.f32 v4, v4;
	vm0 =	vne.s32 v14, v12;
	v12 =	vsub.f32 v19, v15;
	[tilespmem:s12+$0xD980] =	vst v7;
	s12 =	smov.u32 s13;
	s13 =	smov.u32 s25;
	s25 =	smov.u32 s26  }
.Ltmp3:
0x272: {  	v19 =	vmul.f32 v6, v6;
	s26 =	smov.u32 s23;
	v9 =	vand.u32 $0x80000000, v21;
	v18 =	vmul.f32 v11, v18;
	(pc) =	sbr.rel @p1 .LBB2_9-.Ltmp3, $4  }
0x273: {  	v15 =	vshll.u32 v21, $0xD;
	v8 =	vand.u32 $0x80000000, v10;
	v13 =	vmul.f32 v12, v13  }
0x274: {  	v14 =	vshll.u32 v21, $0x10;
	v17 =	vadd.f32 v19, v16;
	v18 =	vmul.f32 v18, v11;
	v7 =	vpop (erf)  }
0x275: {  	v16 =	vshll.u32 v10, $0xD;
	v12 =	vshll.u32 v10, $0x10;
	v7 =	vmul.f32 v13, v7  }
0x276: {  	s28 =	sadd.s32 $0x40, s28;
	v13 =	vshrl.u32 v21, $0x3;
	vm1 =	veq.f32 v17, $0.0e+00;
	v18 =	vsub.f32 $1.500000000e+00, v18  }
0x277: {  	v10 =	vshrl.u32 v10, $0x3;
	vm0 =	vmand vm0, vm1  }
0x278: {  	v3 =	vmul.f32 v7, v3;
	v15 =	vand.u32 $0xFFFE000, v15;
	v14 =	vand.u32 $0x80000000, v14  }
0x279: {  	v16 =	vand.u32 $0xFFFE000, v16;
	v37 =	vand.u32 $0x80000000, v12;
	v13 =	vand.u32 $0xFFFE000, v13  }
0x27a: {  	v17 =	vsel vm0, $0x3F800000, v17;
	v11 =	vmul.f32 v18, v11;
	v14 =	vor.u32 v14, v15  }
0x27b: {  	v10 =	vand.u32 $0xFFFE000, v10;
	v36 =	vshra.s32 v17, $0x1;
	v19 =	vmul.f32 $5.000000000e-01, v17  }
0x27c: {  	v9 =	vor.u32 v9, v13;
	v39 =	vmul.f32 $5.192296860e+33, v14;
	v18 =	vsub.s32 $0x5F3759DF, v36  }
0x27d: {  	v8 =	vor.u32 v8, v10;
	v9 =	vmul.f32 $5.192296860e+33, v9;
	v38 =	vmul.f32 v18, v19  }
0x27e: {  	[tilespmem:s12+$0xF180] =	vst v3;
	v5 =	vmul.f32 v11, v5;
	v11 =	vor.u32 v37, v16;
	v8 =	vmul.f32 $5.192296860e+33, v8  }
0x27f: {  	v40 =	vld [tilespmem:s13+$0xA980];
	v11 =	vmul.f32 $5.192296860e+33, v11;
	v12 =	vmul.f32 v18, v38  }
0x280: {  	v41 =	vld [tilespmem:s13+$0xC180];
	(erf) = vrcp.f32 v5;
	v8 =	vsub.f32 v9, v8  }
0x281: {  	v42 =	vld [tilespmem:s26+$0x4980];
	v3 =	vsub.f32 v39, v11;
	v12 =	vsub.f32 $1.500000000e+00, v12  }
0x282: {  	v43 =	vld [tilespmem:s26+$0x6180];
	v46 =	vmul.f32 v8, v8  }
0x283: {  	v45 =	vmul.f32 v3, v3;
	v44 =	vmul.f32 v18, v12;
	_ =	sdelay $0x1  }
0x284: {  	v12 =	vadd.f32 v46, v45;
	v47 =	vmul.f32 v44, v19  }
0x285: {  	v10 =	vsub.f32 $0.0e+00, v40;
	v5 =	vsub.f32 v5, v41  }
0x286: {  	vm14 =	vne.s32 v42, v43;
	vm15 =	veq.f32 v12, $0.0e+00;
	v48 =	vmul.f32 v47, v44  }
0x287: {  	v5 =	vmul.f32 v5, v10;
	vm0 =	vmand vm14, vm15  }
0x288: {  	v49 =	vpop (erf);
	v12 =	vsel vm0, $0x3F800000, v12;
	v9 =	vsub.f32 $1.500000000e+00, v48  }
0x289: {  	v5 =	vmul.f32 v5, v49;
	v50 =	vshra.s32 v12, $0x1;
	v51 =	vmul.f32 $5.000000000e-01, v12  }
0x28a: {  	v0 =	vmul.f32 v7, v0;
	v53 =	vsub.s32 $0x5F3759DF, v50;
	v52 =	vmul.f32 v9, v44  }
0x28b: {  	v2 =	vmul.f32 v5, v2;
	v10 =	vmul.f32 v53, v51  }
0x28c: {  	[tilespmem:s12+$0xD980] =	vst v0;
	v54 =	vmul.f32 v52, v17  }
0x28d: {  	[tilespmem:s13+$0xF180] =	vst v2;
	v55 =	vmul.f32 v53, v10  }
0x28e: {  	v56 =	vld [tilespmem:s25+$0xA980];
	(erf) = vrcp.f32 v54  }
0x28f: {  	v57 =	vld [tilespmem:s25+$0xC180];
	v2 =	vsub.f32 $1.500000000e+00, v55;
	_ =	sdelay $0x1  }
0x290: {  	v2 =	vmul.f32 v53, v2;
	_ =	sdelay $0x1  }
0x291: {  	v9 =	vmul.f32 v2, v51  }
0x292: {  	v7 =	vsub.f32 $0.0e+00, v56;
	v0 =	vsub.f32 v54, v57  }
0x293: {  	v9 =	vmul.f32 v9, v2  }
0x294: {  	v0 =	vmul.f32 v0, v7  }
0x295: {  	v9 =	vsub.f32 $1.500000000e+00, v9;
	v58 =	vpop (erf)  }
0x296: {  	v0 =	vmul.f32 v0, v58  }
0x297: {  	v1 =	vmul.f32 v5, v1;
	v2 =	vmul.f32 v9, v2  }
0x298: {  	v59 =	vmul.f32 v0, v6  }
0x299: {  	[tilespmem:s13+$0xD980] =	vst v1;
	v60 =	vmul.f32 v2, v12  }
0x29a: {  	[tilespmem:s25+$0xF180] =	vst v59  }
0x29b: {  	(erf) = vrcp.f32 v60;
	v61 =	vld [tilespmem:s26+$0xA980]  }
0x29c: {  	v5 =	vld [tilespmem:s26+$0xC180];
	_ =	sdelay $0x4  }
0x29d: {  	v2 =	vsub.f32 $0.0e+00, v61;
	v1 =	vsub.f32 v60, v5;
	_ =	sdelay $0x1  }
0x29e: {  	v1 =	vmul.f32 v1, v2  }
0x29f: {  	v62 =	vpop (erf)  }
0x2a0: {  	v1 =	vmul.f32 v1, v62  }
0x2a1: {  	v0 =	vmul.f32 v0, v4  }
0x2a2: {  	v2 =	vmul.f32 v1, v8  }
0x2a3: {  	[tilespmem:s25+$0xD980] =	vst v0;
	v63 =	vmul.f32 v1, v3  }
0x2a4: {  	[tilespmem:s26+$0xF180] =	vst v2  }
0x2a5: {  	[tilespmem:s26+$0xD980] =	vst v63;
	s26 =	simm.s32 $0xD980  }
0x2a6: {  	[spmem:s2] =	stream.indirect.scatter.add.f32 [tilespmem:s26], [sflag:$0x7], $0x1, s15, s20, $0xb8;
	[tilespmem:$0x10980] =	vst v63  }
0x2a7: {  	s28 =	simm.s32 $0xF180  }
0x2a8: {  	[spmem:s3] =	stream.indirect.scatter.add.f32 [tilespmem:s28], [sflag:$0x7], $0x1, s15, s20, $0xb8;
	[tilespmem:$0x10980] =	vst v63  }
0x2a9: {  	_ =	swait.ge [sflag:s17], $0x7D0  }
0x2aa: {  	[sflag:s17] =	ssyncset.done $0x0  }
0x2ab: {  	[sflag:s17] =	ssyncadd.s32 $0xFFFFF830  }
0x2ac: {  	_ =	swait.ge [sflag:s17], $0x7D0  }
0x2ad: {  	s13 =	rddreg [dreg:$0x17]  }
0x2ae: {  	s12 =	sadd.s32 s22, s13  }
0x2af: {  	[sflag:s17] =	ssyncset.done $0x0;
	s12 =	sshrl.u32 s12, $0x3  }
0x2b0: {  	s21 =	sadd.s32 $0x1, s21;
	[sflag:s17] =	ssyncadd.s32 $0xFFFFF830;
	s22 =	sadd.s32 s7, s12  }
0x2b1: {  	[tilespmem:s19], [sflag:$0x3] =	stream.linear.gather [hbm4b:s22+s4], $0x7D0, $0x38;
	[tilespmem:$0x10980] =	vst v63  }
0x2b2: {  	p1 =	sne.s32 s21, $0x20;
	s23 =	sadd.s32 s8, s12  }
0x2b3: {  	[tilespmem:s11], [sflag:$0x3] =	stream.linear.gather [hbm4b:s23+s4], $0x7D0, $0x38;
	[tilespmem:$0x10980] =	vst v63  }
.Ltmp4:
0x2b4: {  	_ = 	snop;
	(pc) =	sbr.rel @p1 .LBB2_4-.Ltmp4, $4  }
0x2b5: {  	s26 =	simm.s32 $0xB980;
	s25 =	sadd.s32 s9, s12  }
0x2b6: {  	[tilespmem:s26], [sflag:$0x3] =	stream.linear.gather [hbm4b:s25+s4], $0x7D0, $0x38;
	[tilespmem:$0x10980] =	vst v63  }
0x2b7: {  	s28 =	simm.s32 $0xD180;
	s12 =	sadd.s32 s10, s12  }
0x2b8: {  	[tilespmem:s28], [sflag:$0x3] =	stream.linear.gather [hbm4b:s12+s4], $0x7D0, $0x38;
	[tilespmem:$0x10980] =	vst v63  }
0x2b9: {  	_ =	swait.ge [sflag:s0], $0x7D0  }
0x2ba: {  	[sflag:s0] =	ssyncset.done $0x0  }
0x2bb: {  	[sflag:s0] =	ssyncadd.s32 $0xFFFFF830  }
0x2bc: {  	_ =	swait.ge [sflag:s0], $0x7D0  }
0x2bd: {  	[sflag:s0] =	ssyncset.done $0x0  }
0x2be: {  	[sflag:s0] =	ssyncadd.s32 $0xFFFFF830  }
0x2bf: {  	_ =	swait.ge [sflag:s0], $0x7D0  }
0x2c0: {  	[sflag:s0] =	ssyncset.done $0x0  }
0x2c1: {  	[sflag:s0] =	ssyncadd.s32 $0xFFFFF830  }
0x2c2: {  	_ =	swait.ge [sflag:s0], $0x7D0  }
0x2c3: {  	[sflag:s0] =	ssyncset.done $0x0  }
0x2c4: {  	s12 =	simm.s32 $0x8980;
	[sflag:s0] =	ssyncadd.s32 $0xFFFFF830  }
0x2c5: {  	[tilespmem:s12], [sflag:$0x6] =	stream.indirect.gather [spmem:s1], $0x1, s19, s20, $0xb8;
	[tilespmem:$0x10980] =	vst v63  }
0x2c6: {  	s28 =	simm.s32 $0xA180  }
0x2c7: {  	[tilespmem:s28], [sflag:$0x6] =	stream.indirect.gather [spmem:s1], $0x1, s11, s20, $0xb8;
	[tilespmem:$0x10980] =	vst v63  }
0x2c8: {  	_ =	swait.ge [sflag:s30], $0x7D0  }
0x2c9: {  	[sflag:s30] =	ssyncset.done $0x0  }
0x2ca: {  	[sflag:s30] =	ssyncadd.s32 $0xFFFFF830  }
0x2cb: {  	_ =	swait.ge [sflag:s30], $0x7D0  }
0x2cc: {  	[sflag:s30] =	ssyncset.done $0x0  }
0x2cd: {  	s12 =	simm.s32 $0x0;
	[sflag:s30] =	ssyncadd.s32 $0xFFFFF830  }
0x2ce: {  	v0 =	vld [tilespmem:s12+$0x9980]  }
0x2cf: {  	v1 =	vld [tilespmem:s12+$0x8180];
	_ =	sdelay $0x3  }
0x2d0: {  	v2 =	vand.u32 $0x80000000, v0;
	v3 =	vshll.u32 v0, $0xD  }
0x2d1: {  	v4 =	vand.u32 $0x80000000, v1;
	v5 =	vshll.u32 v0, $0x10;
	v6 =	vshll.u32 v1, $0xD  }
0x2d2: {  	v7 =	vshll.u32 v1, $0x10;
	v0 =	vshrl.u32 v0, $0x3;
	v1 =	vshrl.u32 v1, $0x3  }
0x2d3: {  	v3 =	vand.u32 $0xFFFE000, v3;
	v5 =	vand.u32 $0x80000000, v5;
	v6 =	vand.u32 $0xFFFE000, v6  }
0x2d4: {  	v7 =	vand.u32 $0x80000000, v7;
	v0 =	vand.u32 $0xFFFE000, v0;
	v1 =	vand.u32 $0xFFFE000, v1  }
0x2d5: {  	v3 =	vor.u32 v5, v3;
	v5 =	vor.u32 v7, v6;
	v0 =	vor.u32 v2, v0  }
0x2d6: {  	v1 =	vor.u32 v4, v1;
	v4 =	vld [tilespmem:s12+$0x5180];
	v2 =	vmul.f32 $5.192296860e+33, v3;
	v3 =	vmul.f32 $5.192296860e+33, v5  }
0x2d7: {  	s13 =	simm.s32 $0x10;
	v6 =	vld [tilespmem:s12+$0x6980];
	v5 =	vmul.f32 $5.192296860e+33, v0;
	v1 =	vmul.f32 $5.192296860e+33, v1  }
0x2d8: {  	v7 =	vld [tilespmem:s13+$0x9980]  }
0x2d9: {  	v0 =	vsub.f32 v2, v3;
	v3 =	vsub.f32 v5, v1  }
0x2da: {  	v1 =	vld [tilespmem:s13+$0x8180]  }
0x2db: {  	v2 =	vmul.f32 v0, v0;
	v5 =	vmul.f32 v3, v3;
	_ =	sdelay $0x1  }
0x2dc: {  	vm0 =	vne.s32 v4, v6;
	v8 =	vshll.u32 v7, $0x10;
	v2 =	vadd.f32 v5, v2  }
0x2dd: {  	v4 =	vand.u32 $0x80000000, v7;
	v8 =	vand.u32 $0x80000000, v8;
	v5 =	vshll.u32 v7, $0xD  }
0x2de: {  	v7 =	vshrl.u32 v7, $0x3;
	v6 =	vand.u32 $0x80000000, v1;
	vm1 =	veq.f32 v2, $0.0e+00  }
0x2df: {  	v9 =	vshll.u32 v1, $0xD;
	v10 =	vshll.u32 v1, $0x10;
	vm0 =	vmand vm0, vm1  }
0x2e0: {  	v1 =	vshrl.u32 v1, $0x3;
	v5 =	vand.u32 $0xFFFE000, v5;
	v11 =	vsel vm0, $0x3F800000, v2  }
0x2e1: {  	v7 =	vand.u32 $0xFFFE000, v7;
	v2 =	vshra.s32 v11, $0x1;
	v12 =	vmul.f32 $5.000000000e-01, v11  }
0x2e2: {  	v5 =	vor.u32 v8, v5;
	v1 =	vand.u32 $0xFFFE000, v1;
	v13 =	vsub.s32 $0x5F3759DF, v2  }
0x2e3: {  	v2 =	vand.u32 $0xFFFE000, v9;
	v9 =	vand.u32 $0x80000000, v10;
	v10 =	vmul.f32 v13, v12  }
0x2e4: {  	v4 =	vor.u32 v4, v7;
	v5 =	vmul.f32 $5.192296860e+33, v5;
	v1 =	vor.u32 v6, v1  }
0x2e5: {  	v4 =	vmul.f32 $5.192296860e+33, v4;
	v2 =	vor.u32 v9, v2;
	v7 =	vmul.f32 v13, v10  }
0x2e6: {  	v8 =	vld [tilespmem:s13+$0x5180];
	v2 =	vmul.f32 $5.192296860e+33, v2;
	v10 =	vmul.f32 $5.192296860e+33, v1  }
0x2e7: {  	s21 =	simm.s32 $0x20;
	v9 =	vld [tilespmem:s13+$0x6980];
	v7 =	vsub.f32 $1.500000000e+00, v7  }
0x2e8: {  	v6 =	vld [tilespmem:s21+$0x9980];
	v1 =	vsub.f32 v5, v2;
	v2 =	vsub.f32 v4, v10  }
0x2e9: {  	v5 =	vld [tilespmem:s21+$0x8180];
	v4 =	vmul.f32 v13, v7  }
0x2ea: {  	v7 =	vmul.f32 v1, v1;
	v10 =	vmul.f32 v2, v2  }
0x2eb: {  	v12 =	vmul.f32 v4, v12  }
0x2ec: {  	vm0 =	vne.s32 v8, v9;
	v7 =	vadd.f32 v10, v7  }
0x2ed: {  	v8 =	vand.u32 $0x80000000, v6;
	v13 =	vshll.u32 v6, $0x10;
	v10 =	vmul.f32 v12, v4  }
0x2ee: {  	v14 =	vshll.u32 v5, $0xD;
	v15 =	vshll.u32 v5, $0x10;
	vm1 =	veq.f32 v7, $0.0e+00  }
0x2ef: {  	v16 =	vshrl.u32 v5, $0x3;
	vm0 =	vmand vm0, vm1;
	v10 =	vsub.f32 $1.500000000e+00, v10  }
0x2f0: {  	v12 =	vand.u32 $0x80000000, v5;
	v5 =	vsel vm0, $0x3F800000, v7;
	v7 =	vand.u32 $0x80000000, v13  }
0x2f1: {  	v13 =	vmul.f32 $5.000000000e-01, v5;
	v4 =	vmul.f32 v10, v4;
	v10 =	vshra.s32 v5, $0x1  }
0x2f2: {  	v9 =	vshll.u32 v6, $0xD;
	v6 =	vshrl.u32 v6, $0x3;
	v17 =	vsub.s32 $0x5F3759DF, v10  }
0x2f3: {  	v6 =	vand.u32 $0xFFFE000, v6;
	v10 =	vmul.f32 v17, v13  }
0x2f4: {  	s22 =	simm.s32 $0x30;
	v19 =	vld [tilespmem:s12+$0xB180];
	v9 =	vand.u32 $0xFFFE000, v9;
	v6 =	vor.u32 v8, v6;
	v18 =	vmul.f32 v4, v11  }
0x2f5: {  	v20 =	vld [tilespmem:s22+$0x9980];
	v14 =	vand.u32 $0xFFFE000, v14;
	v6 =	vmul.f32 $5.192296860e+33, v6;
	v11 =	vmul.f32 v17, v10  }
0x2f6: {  	v8 =	vld [tilespmem:s21+$0x6980];
	v7 =	vor.u32 v7, v9;
	v9 =	vand.u32 $0xFFFE000, v16;
	(erf) = vrcp.f32 v18  }
0x2f7: {  	v9 =	vor.u32 v12, v9;
	v4 =	vand.u32 $0x80000000, v15;
	v15 =	vld [tilespmem:s12+$0xC980];
	v11 =	vsub.f32 $1.500000000e+00, v11  }
0x2f8: {  	v16 =	vld [tilespmem:s21+$0x5180];
	v7 =	vmul.f32 $5.192296860e+33, v7;
	v9 =	vmul.f32 $5.192296860e+33, v9;
	v4 =	vor.u32 v4, v14  }
0x2f9: {  	v4 =	vmul.f32 $5.192296860e+33, v4;
	v10 =	vld [tilespmem:s22+$0x8180];
	v11 =	vmul.f32 v17, v11;
	_ =	sdelay $0x1  }
0x2fa: {  	v6 =	vsub.f32 v6, v9;
	v4 =	vsub.f32 v7, v4;
	v13 =	vmul.f32 v11, v13  }
0x2fb: {  	v9 =	vand.u32 $0x80000000, v20;
	v7 =	vsub.f32 $0.0e+00, v19;
	v14 =	vsub.f32 v18, v15  }
0x2fc: {  	vm0 =	vne.s32 v16, v8;
	v16 =	vmul.f32 v6, v6;
	v12 =	vmul.f32 v4, v4  }
0x2fd: {  	v15 =	vshll.u32 v20, $0xD;
	v8 =	vand.u32 $0x80000000, v10;
	v7 =	vmul.f32 v14, v7  }
0x2fe: {  	v14 =	vshll.u32 v20, $0x10;
	v17 =	vadd.f32 v16, v12;
	v18 =	vmul.f32 v13, v11;
	v13 =	vpop (erf)  }
0x2ff: {  	v16 =	vshll.u32 v10, $0xD;
	v12 =	vshll.u32 v10, $0x10;
	v7 =	vmul.f32 v7, v13  }
0x300: {  	s25 =	simm.s32 $0x100;
	vm1 =	veq.f32 v17, $0.0e+00;
	v18 =	vsub.f32 $1.500000000e+00, v18;
	v13 =	vshrl.u32 v20, $0x3  }
.LBB2_12:
0x301: {  	p1 =	sne.s32 s25, $0x1F00;
	v10 =	vshrl.u32 v10, $0x3;
	vm0 =	vmand vm0, vm1;
	v19 =	vmul.f32 v7, v3;
	v3 =	vmovc v2;
	v2 =	vmovc v6  }
0x302: {  	v6 =	vand.u32 $0xFFFE000, v15;
	v15 =	vsel vm0, $0x3F800000, v17;
	v11 =	vmul.f32 v18, v11  }
0x303: {  	v14 =	vand.u32 $0x80000000, v14;
	v17 =	vshra.s32 v15, $0x1;
	v18 =	vmul.f32 $5.000000000e-01, v15;
	[tilespmem:s12+$0xF980] =	vst v19  }
0x304: {  	v16 =	vand.u32 $0xFFFE000, v16;
	v17 =	vsub.s32 $0x5F3759DF, v17;
	v19 =	vmul.f32 v11, v5;
	v20 =	vld [tilespmem:s13+$0xB180];
	v5 =	vmovc v15  }
0x305: {  	v11 =	vand.u32 $0x80000000, v12;
	v12 =	vand.u32 $0xFFFE000, v13;
	v13 =	vmul.f32 v17, v18;
	v15 =	vld [tilespmem:s13+$0xC980]  }
0x306: {  	v6 =	vor.u32 v14, v6;
	v10 =	vand.u32 $0xFFFE000, v10;
	v14 =	vld [tilespmem:s22+$0x5180];
	(erf) = vrcp.f32 v19  }
0x307: {  	s23 =	sshra.s32 s25, $0x2;
	v11 =	vor.u32 v11, v16;
	v9 =	vor.u32 v9, v12;
	v12 =	vld [tilespmem:s22+$0x6980];
	v13 =	vmul.f32 v17, v13  }
0x308: {  	v6 =	vmul.f32 $5.192296860e+33, v6;
	v8 =	vor.u32 v8, v10;
	v11 =	vmul.f32 $5.192296860e+33, v11;
	v21 =	vld [tilespmem:s23+$0x9980]  }
0x309: {  	v8 =	vmul.f32 $5.192296860e+33, v8;
	v9 =	vmul.f32 $5.192296860e+33, v9;
	v10 =	vld [tilespmem:s23+$0x8180];
	v13 =	vsub.f32 $1.500000000e+00, v13  }
0x30a: {  	v7 =	vmul.f32 v7, v0;
	v0 =	vmovc v1;
	v1 =	vmov v4;
	v4 =	vsub.f32 v6, v11  }
0x30b: {  	v6 =	vsub.f32 v9, v8;
	v11 =	vmul.f32 v17, v13;
	v13 =	vsub.f32 $0.0e+00, v20  }
0x30c: {  	v16 =	vmul.f32 v4, v4;
	vm0 =	vne.s32 v14, v12;
	v12 =	vsub.f32 v19, v15;
	[tilespmem:s12+$0xE180] =	vst v7;
	s12 =	smov.u32 s13;
	s13 =	smov.u32 s21;
	s21 =	smov.u32 s22  }
.Ltmp5:
0x30d: {  	v19 =	vmul.f32 v6, v6;
	s22 =	smov.u32 s23;
	v9 =	vand.u32 $0x80000000, v21;
	v18 =	vmul.f32 v11, v18;
	(pc) =	sbr.rel @p1 .LBB2_12-.Ltmp5, $4  }
0x30e: {  	v15 =	vshll.u32 v21, $0xD;
	v8 =	vand.u32 $0x80000000, v10;
	v13 =	vmul.f32 v12, v13  }
0x30f: {  	v14 =	vshll.u32 v21, $0x10;
	v17 =	vadd.f32 v19, v16;
	v18 =	vmul.f32 v18, v11;
	v7 =	vpop (erf)  }
0x310: {  	v16 =	vshll.u32 v10, $0xD;
	v12 =	vshll.u32 v10, $0x10;
	v7 =	vmul.f32 v13, v7  }
0x311: {  	s25 =	sadd.s32 $0x40, s25;
	v13 =	vshrl.u32 v21, $0x3;
	vm1 =	veq.f32 v17, $0.0e+00;
	v18 =	vsub.f32 $1.500000000e+00, v18  }
0x312: {  	v10 =	vshrl.u32 v10, $0x3;
	vm0 =	vmand vm0, vm1  }
0x313: {  	v3 =	vmul.f32 v7, v3;
	v15 =	vand.u32 $0xFFFE000, v15;
	v14 =	vand.u32 $0x80000000, v14  }
0x314: {  	v16 =	vand.u32 $0xFFFE000, v16;
	v13 =	vand.u32 $0xFFFE000, v13;
	v17 =	vsel vm0, $0x3F800000, v17  }
0x315: {  	v11 =	vmul.f32 v18, v11;
	v14 =	vor.u32 v14, v15;
	v10 =	vand.u32 $0xFFFE000, v10  }
0x316: {  	v9 =	vor.u32 v9, v13;
	v18 =	vshra.s32 v17, $0x1;
	v19 =	vmul.f32 $5.000000000e-01, v17  }
0x317: {  	[tilespmem:s12+$0xF980] =	vst v3;
	v3 =	vmul.f32 $5.192296860e+33, v14;
	v8 =	vor.u32 v8, v10;
	v18 =	vsub.s32 $0x5F3759DF, v18  }
0x318: {  	v5 =	vmul.f32 v11, v5;
	v11 =	vand.u32 $0x80000000, v12;
	v12 =	vmul.f32 v18, v19  }
0x319: {  	v9 =	vmul.f32 $5.192296860e+33, v9;
	v8 =	vmul.f32 $5.192296860e+33, v8;
	v11 =	vor.u32 v11, v16  }
0x31a: {  	v10 =	vld [tilespmem:s13+$0xB180];
	v11 =	vmul.f32 $5.192296860e+33, v11;
	v12 =	vmul.f32 v18, v12  }
0x31b: {  	v13 =	vld [tilespmem:s13+$0xC980];
	(erf) = vrcp.f32 v5;
	v8 =	vsub.f32 v9, v8  }
0x31c: {  	v14 =	vld [tilespmem:s22+$0x5180];
	v3 =	vsub.f32 v3, v11;
	v12 =	vsub.f32 $1.500000000e+00, v12  }
0x31d: {  	v9 =	vld [tilespmem:s22+$0x6980];
	v15 =	vmul.f32 v8, v8  }
0x31e: {  	v11 =	vmul.f32 v18, v12;
	v12 =	vmul.f32 v3, v3;
	_ =	sdelay $0x1  }
0x31f: {  	v10 =	vsub.f32 $0.0e+00, v10;
	v16 =	vmul.f32 v11, v19;
	v12 =	vadd.f32 v15, v12  }
0x320: {  	v5 =	vsub.f32 v5, v13  }
0x321: {  	vm0 =	vne.s32 v14, v9;
	v9 =	vmul.f32 v16, v11;
	vm1 =	veq.f32 v12, $0.0e+00  }
0x322: {  	v5 =	vmul.f32 v5, v10;
	vm0 =	vmand vm0, vm1  }
0x323: {  	v10 =	vpop (erf);
	v9 =	vsub.f32 $1.500000000e+00, v9;
	v12 =	vsel vm0, $0x3F800000, v12  }
0x324: {  	v5 =	vmul.f32 v5, v10;
	v10 =	vshra.s32 v12, $0x1;
	v13 =	vmul.f32 $5.000000000e-01, v12  }
0x325: {  	v0 =	vmul.f32 v7, v0;
	v7 =	vmul.f32 v9, v11;
	v9 =	vsub.s32 $0x5F3759DF, v10  }
0x326: {  	v2 =	vmul.f32 v5, v2;
	v10 =	vmul.f32 v9, v13  }
0x327: {  	[tilespmem:s12+$0xE180] =	vst v0;
	v0 =	vmul.f32 v7, v17  }
0x328: {  	[tilespmem:s13+$0xF980] =	vst v2;
	v2 =	vmul.f32 v9, v10  }
0x329: {  	v7 =	vld [tilespmem:s21+$0xB180];
	(erf) = vrcp.f32 v0  }
0x32a: {  	v10 =	vld [tilespmem:s21+$0xC980];
	v2 =	vsub.f32 $1.500000000e+00, v2;
	_ =	sdelay $0x1  }
0x32b: {  	v2 =	vmul.f32 v9, v2;
	_ =	sdelay $0x1  }
0x32c: {  	v7 =	vsub.f32 $0.0e+00, v7;
	v9 =	vmul.f32 v2, v13  }
0x32d: {  	v0 =	vsub.f32 v0, v10  }
0x32e: {  	v9 =	vmul.f32 v9, v2  }
0x32f: {  	v0 =	vmul.f32 v0, v7  }
0x330: {  	v7 =	vpop (erf);
	v9 =	vsub.f32 $1.500000000e+00, v9  }
0x331: {  	v0 =	vmul.f32 v0, v7  }
0x332: {  	v1 =	vmul.f32 v5, v1;
	v2 =	vmul.f32 v9, v2  }
0x333: {  	v5 =	vmul.f32 v0, v6  }
0x334: {  	[tilespmem:s13+$0xE180] =	vst v1;
	v1 =	vmul.f32 v2, v12  }
0x335: {  	[tilespmem:s21+$0xF980] =	vst v5  }
0x336: {  	v2 =	vld [tilespmem:s22+$0xB180];
	(erf) = vrcp.f32 v1  }
0x337: {  	v5 =	vld [tilespmem:s22+$0xC980];
	_ =	sdelay $0x3  }
0x338: {  	v2 =	vsub.f32 $0.0e+00, v2  }
0x339: {  	v1 =	vsub.f32 v1, v5;
	_ =	sdelay $0x1  }
0x33a: {  	v1 =	vmul.f32 v1, v2  }
0x33b: {  	v2 =	vpop (erf)  }
0x33c: {  	v1 =	vmul.f32 v1, v2  }
0x33d: {  	v0 =	vmul.f32 v0, v4  }
0x33e: {  	v2 =	vmul.f32 v1, v8  }
0x33f: {  	[tilespmem:s21+$0xE180] =	vst v0;
	v0 =	vmul.f32 v1, v3  }
0x340: {  	[tilespmem:s22+$0xF980] =	vst v2  }
0x341: {  	s23 =	simm.s32 $0xE180;
	[tilespmem:s22+$0xE180] =	vst v0  }
0x342: {  	[spmem:s2] =	stream.indirect.scatter.add.f32 [tilespmem:s23], [sflag:$0x8], $0x1, s24, s20, $0xb8;
	[tilespmem:$0x10980] =	vst v63  }
0x343: {  	s25 =	simm.s32 $0xF980  }
0x344: {  	[spmem:s3] =	stream.indirect.scatter.add.f32 [tilespmem:s25], [sflag:$0x8], $0x1, s24, s20, $0xb8;
	[tilespmem:$0x10980] =	vst v63  }
0x345: {  	_ =	swait.ge [sflag:s5], $0x7D0  }
0x346: {  	[sflag:s5] =	ssyncset.done $0x0  }
0x347: {  	[sflag:s5] =	ssyncadd.s32 $0xFFFFF830  }
0x348: {  	_ =	swait.ge [sflag:s5], $0x7D0  }
0x349: {  	[sflag:s5] =	ssyncset.done $0x0  }
0x34a: {  	s12 =	simm.s32 $0x0;
	s26 =	rddreg [dreg:$0x18];
	[sflag:s5] =	ssyncadd.s32 $0xFFFFF830  }
0x34b: {  	[tilespmem:s14], [sflag:$0x1] =	stream.linear.gather [hbm4b:s26+s12], $0x7D0, $0x38;
	[tilespmem:$0x10980] =	vst v63  }
0x34c: {  	s28 =	rddreg [dreg:$0x19]  }
0x34d: {  	[tilespmem:s15], [sflag:$0x1] =	stream.linear.gather [hbm4b:s28+s12], $0x7D0, $0x38;
	[tilespmem:$0x10980] =	vst v63  }
0x34e: {  	s22 =	simm.s32 $0xA980;
	s21 =	rddreg [dreg:$0x1a]  }
0x34f: {  	[tilespmem:s22], [sflag:$0x1] =	stream.linear.gather [hbm4b:s21+s12], $0x7D0, $0x38;
	[tilespmem:$0x10980] =	vst v63  }
0x350: {  	s25 =	simm.s32 $0xC180;
	s23 =	rddreg [dreg:$0x1b]  }
0x351: {  	[tilespmem:s25], [sflag:$0x1] =	stream.linear.gather [hbm4b:s23+s12], $0x7D0, $0x38;
	[tilespmem:$0x10980] =	vst v63  }
0x352: {  	_ =	swait.ge [sflag:s18], $0x7D0  }
0x353: {  	[sflag:s18] =	ssyncset.done $0x0  }
0x354: {  	[sflag:s18] =	ssyncadd.s32 $0xFFFFF830  }
0x355: {  	_ =	swait.ge [sflag:s18], $0x7D0  }
0x356: {  	[sflag:s18] =	ssyncset.done $0x0  }
0x357: {  	[sflag:s18] =	ssyncadd.s32 $0xFFFFF830  }
0x358: {  	_ =	swait.ge [sflag:s18], $0x7D0  }
0x359: {  	[sflag:s18] =	ssyncset.done $0x0  }
0x35a: {  	[sflag:s18] =	ssyncadd.s32 $0xFFFFF830  }
0x35b: {  	_ =	swait.ge [sflag:s18], $0x7D0  }
0x35c: {  	[sflag:s18] =	ssyncset.done $0x0  }
0x35d: {  	s26 =	simm.s32 $0x7980;
	[sflag:s18] =	ssyncadd.s32 $0xFFFFF830  }
0x35e: {  	[tilespmem:s26], [sflag:$0x4] =	stream.indirect.gather [spmem:s1], $0x1, s14, s20, $0xb8;
	[tilespmem:$0x10980] =	vst v63  }
0x35f: {  	s28 =	simm.s32 $0x9180  }
0x360: {  	[tilespmem:s28], [sflag:$0x4] =	stream.indirect.gather [spmem:s1], $0x1, s15, s20, $0xb8;
	[tilespmem:$0x10980] =	vst v63  }
0x361: {  	_ =	swait.ge [sflag:s29], $0x7D0  }
0x362: {  	[sflag:s29] =	ssyncset.done $0x0  }
0x363: {  	[sflag:s29] =	ssyncadd.s32 $0xFFFFF830  }
0x364: {  	_ =	swait.ge [sflag:s29], $0x7D0  }
0x365: {  	[sflag:s29] =	ssyncset.done $0x0  }
0x366: {  	s12 =	simm.s32 $0x0;
	[sflag:s29] =	ssyncadd.s32 $0xFFFFF830  }
0x367: {  	v0 =	vld [tilespmem:s12+$0xA180]  }
0x368: {  	v1 =	vld [tilespmem:s12+$0x8980];
	_ =	sdelay $0x3  }
0x369: {  	v2 =	vand.u32 $0x80000000, v0;
	v3 =	vshll.u32 v0, $0xD  }
0x36a: {  	v4 =	vand.u32 $0x80000000, v1;
	v5 =	vshll.u32 v0, $0x10;
	v6 =	vshll.u32 v1, $0xD  }
0x36b: {  	v7 =	vshll.u32 v1, $0x10;
	v0 =	vshrl.u32 v0, $0x3;
	v1 =	vshrl.u32 v1, $0x3  }
0x36c: {  	v3 =	vand.u32 $0xFFFE000, v3;
	v5 =	vand.u32 $0x80000000, v5;
	v6 =	vand.u32 $0xFFFE000, v6  }
0x36d: {  	v7 =	vand.u32 $0x80000000, v7;
	v0 =	vand.u32 $0xFFFE000, v0;
	v1 =	vand.u32 $0xFFFE000, v1  }
0x36e: {  	v3 =	vor.u32 v5, v3;
	v5 =	vor.u32 v7, v6;
	v0 =	vor.u32 v2, v0  }
0x36f: {  	v1 =	vor.u32 v4, v1;
	v4 =	vld [tilespmem:s12+$0x5980];
	v2 =	vmul.f32 $5.192296860e+33, v3;
	v3 =	vmul.f32 $5.192296860e+33, v5  }
0x370: {  	s13 =	simm.s32 $0x10;
	v6 =	vld [tilespmem:s12+$0x7180];
	v5 =	vmul.f32 $5.192296860e+33, v0;
	v1 =	vmul.f32 $5.192296860e+33, v1  }
0x371: {  	v7 =	vld [tilespmem:s13+$0xA180]  }
0x372: {  	v0 =	vsub.f32 v2, v3;
	v3 =	vsub.f32 v5, v1  }
0x373: {  	v1 =	vld [tilespmem:s13+$0x8980]  }
0x374: {  	v2 =	vmul.f32 v0, v0;
	v5 =	vmul.f32 v3, v3;
	_ =	sdelay $0x1  }
0x375: {  	vm0 =	vne.s32 v4, v6;
	v8 =	vshll.u32 v7, $0x10;
	v2 =	vadd.f32 v5, v2  }
0x376: {  	v4 =	vand.u32 $0x80000000, v7;
	v8 =	vand.u32 $0x80000000, v8;
	v5 =	vshll.u32 v7, $0xD  }
0x377: {  	v7 =	vshrl.u32 v7, $0x3;
	v6 =	vand.u32 $0x80000000, v1;
	vm1 =	veq.f32 v2, $0.0e+00  }
0x378: {  	v9 =	vshll.u32 v1, $0xD;
	v10 =	vshll.u32 v1, $0x10;
	vm0 =	vmand vm0, vm1  }
0x379: {  	v1 =	vshrl.u32 v1, $0x3;
	v5 =	vand.u32 $0xFFFE000, v5;
	v11 =	vsel vm0, $0x3F800000, v2  }
0x37a: {  	v7 =	vand.u32 $0xFFFE000, v7;
	v2 =	vshra.s32 v11, $0x1;
	v12 =	vmul.f32 $5.000000000e-01, v11  }
0x37b: {  	v5 =	vor.u32 v8, v5;
	v1 =	vand.u32 $0xFFFE000, v1;
	v13 =	vsub.s32 $0x5F3759DF, v2  }
0x37c: {  	v2 =	vand.u32 $0xFFFE000, v9;
	v9 =	vand.u32 $0x80000000, v10;
	v10 =	vmul.f32 v13, v12  }
0x37d: {  	v4 =	vor.u32 v4, v7;
	v5 =	vmul.f32 $5.192296860e+33, v5;
	v1 =	vor.u32 v6, v1  }
0x37e: {  	v4 =	vmul.f32 $5.192296860e+33, v4;
	v2 =	vor.u32 v9, v2;
	v7 =	vmul.f32 v13, v10  }
0x37f: {  	v8 =	vld [tilespmem:s13+$0x5980];
	v2 =	vmul.f32 $5.192296860e+33, v2;
	v10 =	vmul.f32 $5.192296860e+33, v1  }
0x380: {  	s21 =	simm.s32 $0x20;
	v9 =	vld [tilespmem:s13+$0x7180];
	v7 =	vsub.f32 $1.500000000e+00, v7  }
0x381: {  	v6 =	vld [tilespmem:s21+$0xA180];
	v1 =	vsub.f32 v5, v2;
	v2 =	vsub.f32 v4, v10  }
0x382: {  	v5 =	vld [tilespmem:s21+$0x8980];
	v4 =	vmul.f32 v13, v7  }
0x383: {  	v7 =	vmul.f32 v1, v1;
	v10 =	vmul.f32 v2, v2  }
0x384: {  	v12 =	vmul.f32 v4, v12  }
0x385: {  	vm0 =	vne.s32 v8, v9;
	v7 =	vadd.f32 v10, v7  }
0x386: {  	v8 =	vand.u32 $0x80000000, v6;
	v13 =	vshll.u32 v6, $0x10;
	v10 =	vmul.f32 v12, v4  }
0x387: {  	v14 =	vshll.u32 v5, $0xD;
	v15 =	vshll.u32 v5, $0x10;
	vm1 =	veq.f32 v7, $0.0e+00  }
0x388: {  	v16 =	vshrl.u32 v5, $0x3;
	vm0 =	vmand vm0, vm1;
	v10 =	vsub.f32 $1.500000000e+00, v10  }
0x389: {  	v12 =	vand.u32 $0x80000000, v5;
	v5 =	vsel vm0, $0x3F800000, v7;
	v7 =	vand.u32 $0x80000000, v13  }
0x38a: {  	v13 =	vmul.f32 $5.000000000e-01, v5;
	v4 =	vmul.f32 v10, v4;
	v10 =	vshra.s32 v5, $0x1  }
0x38b: {  	v9 =	vshll.u32 v6, $0xD;
	v6 =	vshrl.u32 v6, $0x3;
	v17 =	vsub.s32 $0x5F3759DF, v10  }
0x38c: {  	v6 =	vand.u32 $0xFFFE000, v6;
	v10 =	vmul.f32 v17, v13  }
0x38d: {  	s22 =	simm.s32 $0x30;
	v19 =	vld [tilespmem:s12+$0xB980];
	v9 =	vand.u32 $0xFFFE000, v9;
	v6 =	vor.u32 v8, v6;
	v18 =	vmul.f32 v4, v11  }
0x38e: {  	v20 =	vld [tilespmem:s22+$0xA180];
	v14 =	vand.u32 $0xFFFE000, v14;
	v6 =	vmul.f32 $5.192296860e+33, v6;
	v11 =	vmul.f32 v17, v10  }
0x38f: {  	v8 =	vld [tilespmem:s21+$0x7180];
	v7 =	vor.u32 v7, v9;
	v9 =	vand.u32 $0xFFFE000, v16;
	(erf) = vrcp.f32 v18  }
0x390: {  	v9 =	vor.u32 v12, v9;
	v4 =	vand.u32 $0x80000000, v15;
	v15 =	vld [tilespmem:s12+$0xD180];
	v11 =	vsub.f32 $1.500000000e+00, v11  }
0x391: {  	v16 =	vld [tilespmem:s21+$0x5980];
	v7 =	vmul.f32 $5.192296860e+33, v7;
	v9 =	vmul.f32 $5.192296860e+33, v9;
	v4 =	vor.u32 v4, v14  }
0x392: {  	v4 =	vmul.f32 $5.192296860e+33, v4;
	v10 =	vld [tilespmem:s22+$0x8980];
	v11 =	vmul.f32 v17, v11;
	_ =	sdelay $0x1  }
0x393: {  	v6 =	vsub.f32 v6, v9;
	v4 =	vsub.f32 v7, v4;
	v13 =	vmul.f32 v11, v13  }
0x394: {  	v9 =	vand.u32 $0x80000000, v20;
	v7 =	vsub.f32 $0.0e+00, v19;
	v14 =	vsub.f32 v18, v15  }
0x395: {  	vm0 =	vne.s32 v16, v8;
	v16 =	vmul.f32 v6, v6;
	v12 =	vmul.f32 v4, v4  }
0x396: {  	v15 =	vshll.u32 v20, $0xD;
	v8 =	vand.u32 $0x80000000, v10;
	v7 =	vmul.f32 v14, v7  }
0x397: {  	v14 =	vshll.u32 v20, $0x10;
	v17 =	vadd.f32 v16, v12;
	v18 =	vmul.f32 v13, v11;
	v13 =	vpop (erf)  }
0x398: {  	v16 =	vshll.u32 v10, $0xD;
	v12 =	vshll.u32 v10, $0x10;
	v7 =	vmul.f32 v7, v13  }
0x399: {  	s25 =	simm.s32 $0x100;
	vm1 =	veq.f32 v17, $0.0e+00;
	v18 =	vsub.f32 $1.500000000e+00, v18;
	v13 =	vshrl.u32 v20, $0x3  }
.LBB2_14:
0x39a: {  	p1 =	sne.s32 s25, $0x1F00;
	v10 =	vshrl.u32 v10, $0x3;
	vm0 =	vmand vm0, vm1;
	v19 =	vmul.f32 v7, v3;
	v3 =	vmovc v2;
	v2 =	vmovc v6  }
0x39b: {  	v6 =	vand.u32 $0xFFFE000, v15;
	v15 =	vsel vm0, $0x3F800000, v17;
	v11 =	vmul.f32 v18, v11  }
0x39c: {  	v14 =	vand.u32 $0x80000000, v14;
	v17 =	vshra.s32 v15, $0x1;
	v18 =	vmul.f32 $5.000000000e-01, v15;
	[tilespmem:s12+$0x10180] =	vst v19  }
0x39d: {  	v16 =	vand.u32 $0xFFFE000, v16;
	v17 =	vsub.s32 $0x5F3759DF, v17;
	v19 =	vmul.f32 v11, v5;
	v20 =	vld [tilespmem:s13+$0xB980];
	v5 =	vmovc v15  }
0x39e: {  	v11 =	vand.u32 $0x80000000, v12;
	v12 =	vand.u32 $0xFFFE000, v13;
	v13 =	vmul.f32 v17, v18;
	v15 =	vld [tilespmem:s13+$0xD180]  }
0x39f: {  	v6 =	vor.u32 v14, v6;
	v10 =	vand.u32 $0xFFFE000, v10;
	v14 =	vld [tilespmem:s22+$0x5980];
	(erf) = vrcp.f32 v19  }
0x3a0: {  	s23 =	sshra.s32 s25, $0x2;
	v11 =	vor.u32 v11, v16;
	v9 =	vor.u32 v9, v12;
	v12 =	vld [tilespmem:s22+$0x7180];
	v13 =	vmul.f32 v17, v13  }
0x3a1: {  	v6 =	vmul.f32 $5.192296860e+33, v6;
	v8 =	vor.u32 v8, v10;
	v11 =	vmul.f32 $5.192296860e+33, v11;
	v21 =	vld [tilespmem:s23+$0xA180]  }
0x3a2: {  	v8 =	vmul.f32 $5.192296860e+33, v8;
	v9 =	vmul.f32 $5.192296860e+33, v9;
	v10 =	vld [tilespmem:s23+$0x8980];
	v13 =	vsub.f32 $1.500000000e+00, v13  }
0x3a3: {  	v7 =	vmul.f32 v7, v0;
	v0 =	vmovc v1;
	v1 =	vmov v4;
	v4 =	vsub.f32 v6, v11  }
0x3a4: {  	v6 =	vsub.f32 v9, v8;
	v11 =	vmul.f32 v17, v13;
	v13 =	vsub.f32 $0.0e+00, v20  }
0x3a5: {  	v16 =	vmul.f32 v4, v4;
	vm0 =	vne.s32 v14, v12;
	v12 =	vsub.f32 v19, v15;
	[tilespmem:s12+$0xE980] =	vst v7;
	s12 =	smov.u32 s13;
	s13 =	smov.u32 s21;
	s21 =	smov.u32 s22  }
.Ltmp6:
0x3a6: {  	v19 =	vmul.f32 v6, v6;
	s22 =	smov.u32 s23;
	v9 =	vand.u32 $0x80000000, v21;
	v18 =	vmul.f32 v11, v18;
	(pc) =	sbr.rel @p1 .LBB2_14-.Ltmp6, $4  }
0x3a7: {  	v15 =	vshll.u32 v21, $0xD;
	v8 =	vand.u32 $0x80000000, v10;
	v13 =	vmul.f32 v12, v13  }
0x3a8: {  	v14 =	vshll.u32 v21, $0x10;
	v17 =	vadd.f32 v19, v16;
	v18 =	vmul.f32 v18, v11;
	v7 =	vpop (erf)  }
0x3a9: {  	v16 =	vshll.u32 v10, $0xD;
	v12 =	vshll.u32 v10, $0x10;
	v7 =	vmul.f32 v13, v7  }
0x3aa: {  	s25 =	sadd.s32 $0x40, s25;
	v13 =	vshrl.u32 v21, $0x3;
	vm1 =	veq.f32 v17, $0.0e+00;
	v18 =	vsub.f32 $1.500000000e+00, v18  }
0x3ab: {  	v10 =	vshrl.u32 v10, $0x3;
	vm0 =	vmand vm0, vm1  }
0x3ac: {  	v3 =	vmul.f32 v7, v3;
	v15 =	vand.u32 $0xFFFE000, v15;
	v14 =	vand.u32 $0x80000000, v14  }
0x3ad: {  	v16 =	vand.u32 $0xFFFE000, v16;
	v13 =	vand.u32 $0xFFFE000, v13;
	v17 =	vsel vm0, $0x3F800000, v17  }
0x3ae: {  	v11 =	vmul.f32 v18, v11;
	v14 =	vor.u32 v14, v15;
	v10 =	vand.u32 $0xFFFE000, v10  }
0x3af: {  	v9 =	vor.u32 v9, v13;
	v18 =	vshra.s32 v17, $0x1;
	v19 =	vmul.f32 $5.000000000e-01, v17  }
0x3b0: {  	[tilespmem:s12+$0x10180] =	vst v3;
	v3 =	vmul.f32 $5.192296860e+33, v14;
	v8 =	vor.u32 v8, v10;
	v18 =	vsub.s32 $0x5F3759DF, v18  }
0x3b1: {  	v5 =	vmul.f32 v11, v5;
	v11 =	vand.u32 $0x80000000, v12;
	v12 =	vmul.f32 v18, v19  }
0x3b2: {  	v9 =	vmul.f32 $5.192296860e+33, v9;
	v8 =	vmul.f32 $5.192296860e+33, v8;
	v11 =	vor.u32 v11, v16  }
0x3b3: {  	v10 =	vld [tilespmem:s13+$0xB980];
	v11 =	vmul.f32 $5.192296860e+33, v11;
	v12 =	vmul.f32 v18, v12  }
0x3b4: {  	v13 =	vld [tilespmem:s13+$0xD180];
	(erf) = vrcp.f32 v5;
	v8 =	vsub.f32 v9, v8  }
0x3b5: {  	v14 =	vld [tilespmem:s22+$0x5980];
	v3 =	vsub.f32 v3, v11;
	v12 =	vsub.f32 $1.500000000e+00, v12  }
0x3b6: {  	v9 =	vld [tilespmem:s22+$0x7180];
	v15 =	vmul.f32 v8, v8  }
0x3b7: {  	v11 =	vmul.f32 v18, v12;
	v12 =	vmul.f32 v3, v3;
	_ =	sdelay $0x1  }
0x3b8: {  	v10 =	vsub.f32 $0.0e+00, v10;
	v16 =	vmul.f32 v11, v19;
	v12 =	vadd.f32 v15, v12  }
0x3b9: {  	v5 =	vsub.f32 v5, v13  }
0x3ba: {  	vm0 =	vne.s32 v14, v9;
	v9 =	vmul.f32 v16, v11;
	vm1 =	veq.f32 v12, $0.0e+00  }
0x3bb: {  	v5 =	vmul.f32 v5, v10;
	vm0 =	vmand vm0, vm1  }
0x3bc: {  	v10 =	vpop (erf);
	v9 =	vsub.f32 $1.500000000e+00, v9;
	v12 =	vsel vm0, $0x3F800000, v12  }
0x3bd: {  	v5 =	vmul.f32 v5, v10;
	v10 =	vshra.s32 v12, $0x1;
	v13 =	vmul.f32 $5.000000000e-01, v12  }
0x3be: {  	v0 =	vmul.f32 v7, v0;
	v7 =	vmul.f32 v9, v11;
	v9 =	vsub.s32 $0x5F3759DF, v10  }
0x3bf: {  	v2 =	vmul.f32 v5, v2;
	v10 =	vmul.f32 v9, v13  }
0x3c0: {  	[tilespmem:s12+$0xE980] =	vst v0;
	v0 =	vmul.f32 v7, v17  }
0x3c1: {  	[tilespmem:s13+$0x10180] =	vst v2;
	v2 =	vmul.f32 v9, v10  }
0x3c2: {  	v7 =	vld [tilespmem:s21+$0xB980];
	(erf) = vrcp.f32 v0  }
0x3c3: {  	v10 =	vld [tilespmem:s21+$0xD180];
	v2 =	vsub.f32 $1.500000000e+00, v2;
	_ =	sdelay $0x1  }
0x3c4: {  	v2 =	vmul.f32 v9, v2;
	_ =	sdelay $0x1  }
0x3c5: {  	v7 =	vsub.f32 $0.0e+00, v7;
	v9 =	vmul.f32 v2, v13  }
0x3c6: {  	v0 =	vsub.f32 v0, v10  }
0x3c7: {  	v9 =	vmul.f32 v9, v2  }
0x3c8: {  	v0 =	vmul.f32 v0, v7  }
0x3c9: {  	v7 =	vpop (erf);
	v9 =	vsub.f32 $1.500000000e+00, v9  }
0x3ca: {  	v0 =	vmul.f32 v0, v7  }
0x3cb: {  	v1 =	vmul.f32 v5, v1;
	v2 =	vmul.f32 v9, v2  }
0x3cc: {  	v5 =	vmul.f32 v0, v6  }
0x3cd: {  	[tilespmem:s13+$0xE980] =	vst v1;
	v1 =	vmul.f32 v2, v12  }
0x3ce: {  	[tilespmem:s21+$0x10180] =	vst v5  }
0x3cf: {  	v2 =	vld [tilespmem:s22+$0xB980];
	(erf) = vrcp.f32 v1  }
0x3d0: {  	v5 =	vld [tilespmem:s22+$0xD180];
	_ =	sdelay $0x3  }
0x3d1: {  	v2 =	vsub.f32 $0.0e+00, v2  }
0x3d2: {  	v1 =	vsub.f32 v1, v5;
	_ =	sdelay $0x1  }
0x3d3: {  	v1 =	vmul.f32 v1, v2  }
0x3d4: {  	v2 =	vpop (erf)  }
0x3d5: {  	v1 =	vmul.f32 v1, v2  }
0x3d6: {  	v0 =	vmul.f32 v0, v4  }
0x3d7: {  	v2 =	vmul.f32 v1, v8  }
0x3d8: {  	[tilespmem:s21+$0xE980] =	vst v0;
	v0 =	vmul.f32 v1, v3  }
0x3d9: {  	[tilespmem:s22+$0x10180] =	vst v2  }
0x3da: {  	s26 =	simm.s32 $0xE980;
	[tilespmem:s22+$0xE980] =	vst v0  }
0x3db: {  	[spmem:s2] =	stream.indirect.scatter.add.f32 [tilespmem:s26], [sflag:$0x9], $0x1, s11, s20, $0xb8;
	[tilespmem:$0x10980] =	vst v63  }
0x3dc: {  	s28 =	simm.s32 $0x10180  }
0x3dd: {  	[spmem:s3] =	stream.indirect.scatter.add.f32 [tilespmem:s28], [sflag:$0x9], $0x1, s11, s20, $0xb8;
	[tilespmem:$0x10980] =	vst v63  }
0x3de: {  	_ =	swait.ge [sflag:s16], $0x7D0  }
0x3df: {  	[sflag:s16] =	ssyncset.done $0x0  }
0x3e0: {  	[sflag:s16] =	ssyncadd.s32 $0xFFFFF830  }
0x3e1: {  	_ =	swait.ge [sflag:s16], $0x7D0  }
0x3e2: {  	[sflag:s16] =	ssyncset.done $0x0  }
0x3e3: {  	[sflag:s16] =	ssyncadd.s32 $0xFFFFF830  }
0x3e4: {  	_ =	swait.ge [sflag:s6], $0x7D0  }
0x3e5: {  	[sflag:s6] =	ssyncset.done $0x0  }
0x3e6: {  	[sflag:s6] =	ssyncadd.s32 $0xFFFFF830  }
0x3e7: {  	_ =	swait.ge [sflag:s6], $0x7D0  }
0x3e8: {  	[sflag:s6] =	ssyncset.done $0x0  }
0x3e9: {  	s12 =	simm.s32 $0x0;
	[sflag:s6] =	ssyncadd.s32 $0xFFFFF830  }
0x3ea: {  	v0 =	vld [tilespmem:s12+$0x9180]  }
0x3eb: {  	v1 =	vld [tilespmem:s12+$0x7980];
	_ =	sdelay $0x3  }
0x3ec: {  	v2 =	vand.u32 $0x80000000, v0;
	v3 =	vshll.u32 v0, $0xD  }
0x3ed: {  	v4 =	vand.u32 $0x80000000, v1;
	v5 =	vshll.u32 v0, $0x10;
	v6 =	vshll.u32 v1, $0xD  }
0x3ee: {  	v7 =	vshll.u32 v1, $0x10;
	v0 =	vshrl.u32 v0, $0x3;
	v1 =	vshrl.u32 v1, $0x3  }
0x3ef: {  	v3 =	vand.u32 $0xFFFE000, v3;
	v5 =	vand.u32 $0x80000000, v5;
	v6 =	vand.u32 $0xFFFE000, v6  }
0x3f0: {  	v7 =	vand.u32 $0x80000000, v7;
	v0 =	vand.u32 $0xFFFE000, v0;
	v1 =	vand.u32 $0xFFFE000, v1  }
0x3f1: {  	v3 =	vor.u32 v5, v3;
	v5 =	vor.u32 v7, v6;
	v0 =	vor.u32 v2, v0  }
0x3f2: {  	v1 =	vor.u32 v4, v1;
	v4 =	vld [tilespmem:s12+$0x4980];
	v2 =	vmul.f32 $5.192296860e+33, v3;
	v3 =	vmul.f32 $5.192296860e+33, v5  }
0x3f3: {  	s13 =	simm.s32 $0x10;
	v6 =	vld [tilespmem:s12+$0x6180];
	v5 =	vmul.f32 $5.192296860e+33, v0;
	v1 =	vmul.f32 $5.192296860e+33, v1  }
0x3f4: {  	v7 =	vld [tilespmem:s13+$0x9180]  }
0x3f5: {  	v0 =	vsub.f32 v2, v3;
	v3 =	vsub.f32 v5, v1  }
0x3f6: {  	v1 =	vld [tilespmem:s13+$0x7980]  }
0x3f7: {  	v2 =	vmul.f32 v0, v0;
	v5 =	vmul.f32 v3, v3;
	_ =	sdelay $0x1  }
0x3f8: {  	vm0 =	vne.s32 v4, v6;
	v8 =	vshll.u32 v7, $0x10;
	v2 =	vadd.f32 v5, v2  }
0x3f9: {  	v4 =	vand.u32 $0x80000000, v7;
	v8 =	vand.u32 $0x80000000, v8;
	v5 =	vshll.u32 v7, $0xD  }
0x3fa: {  	v7 =	vshrl.u32 v7, $0x3;
	v6 =	vand.u32 $0x80000000, v1;
	vm1 =	veq.f32 v2, $0.0e+00  }
0x3fb: {  	v9 =	vshll.u32 v1, $0xD;
	v10 =	vshll.u32 v1, $0x10;
	vm0 =	vmand vm0, vm1  }
0x3fc: {  	v1 =	vshrl.u32 v1, $0x3;
	v5 =	vand.u32 $0xFFFE000, v5;
	v11 =	vsel vm0, $0x3F800000, v2  }
0x3fd: {  	v7 =	vand.u32 $0xFFFE000, v7;
	v2 =	vshra.s32 v11, $0x1;
	v12 =	vmul.f32 $5.000000000e-01, v11  }
0x3fe: {  	v5 =	vor.u32 v8, v5;
	v1 =	vand.u32 $0xFFFE000, v1;
	v13 =	vsub.s32 $0x5F3759DF, v2  }
0x3ff: {  	v2 =	vand.u32 $0xFFFE000, v9;
	v9 =	vand.u32 $0x80000000, v10;
	v10 =	vmul.f32 v13, v12  }
0x400: {  	v4 =	vor.u32 v4, v7;
	v5 =	vmul.f32 $5.192296860e+33, v5;
	v1 =	vor.u32 v6, v1  }
0x401: {  	v4 =	vmul.f32 $5.192296860e+33, v4;
	v2 =	vor.u32 v9, v2;
	v7 =	vmul.f32 v13, v10  }
0x402: {  	v8 =	vld [tilespmem:s13+$0x4980];
	v2 =	vmul.f32 $5.192296860e+33, v2;
	v10 =	vmul.f32 $5.192296860e+33, v1  }
0x403: {  	s21 =	simm.s32 $0x20;
	v9 =	vld [tilespmem:s13+$0x6180];
	v7 =	vsub.f32 $1.500000000e+00, v7  }
0x404: {  	v6 =	vld [tilespmem:s21+$0x9180];
	v1 =	vsub.f32 v5, v2;
	v2 =	vsub.f32 v4, v10  }
0x405: {  	v5 =	vld [tilespmem:s21+$0x7980];
	v4 =	vmul.f32 v13, v7  }
0x406: {  	v7 =	vmul.f32 v1, v1;
	v10 =	vmul.f32 v2, v2  }
0x407: {  	v12 =	vmul.f32 v4, v12  }
0x408: {  	vm0 =	vne.s32 v8, v9;
	v7 =	vadd.f32 v10, v7  }
0x409: {  	v8 =	vand.u32 $0x80000000, v6;
	v13 =	vshll.u32 v6, $0x10;
	v10 =	vmul.f32 v12, v4  }
0x40a: {  	v14 =	vshll.u32 v5, $0xD;
	v15 =	vshll.u32 v5, $0x10;
	vm1 =	veq.f32 v7, $0.0e+00  }
0x40b: {  	v16 =	vshrl.u32 v5, $0x3;
	vm0 =	vmand vm0, vm1;
	v10 =	vsub.f32 $1.500000000e+00, v10  }
0x40c: {  	v12 =	vand.u32 $0x80000000, v5;
	v5 =	vsel vm0, $0x3F800000, v7;
	v7 =	vand.u32 $0x80000000, v13  }
0x40d: {  	v13 =	vmul.f32 $5.000000000e-01, v5;
	v4 =	vmul.f32 v10, v4;
	v10 =	vshra.s32 v5, $0x1  }
0x40e: {  	v9 =	vshll.u32 v6, $0xD;
	v6 =	vshrl.u32 v6, $0x3;
	v17 =	vsub.s32 $0x5F3759DF, v10  }
0x40f: {  	v6 =	vand.u32 $0xFFFE000, v6;
	v10 =	vmul.f32 v17, v13  }
0x410: {  	s22 =	simm.s32 $0x30;
	v19 =	vld [tilespmem:s12+$0xA980];
	v9 =	vand.u32 $0xFFFE000, v9;
	v6 =	vor.u32 v8, v6;
	v18 =	vmul.f32 v4, v11  }
0x411: {  	v20 =	vld [tilespmem:s22+$0x9180];
	v14 =	vand.u32 $0xFFFE000, v14;
	v6 =	vmul.f32 $5.192296860e+33, v6;
	v11 =	vmul.f32 v17, v10  }
0x412: {  	v8 =	vld [tilespmem:s21+$0x6180];
	v7 =	vor.u32 v7, v9;
	v9 =	vand.u32 $0xFFFE000, v16;
	(erf) = vrcp.f32 v18  }
0x413: {  	v9 =	vor.u32 v12, v9;
	v4 =	vand.u32 $0x80000000, v15;
	v15 =	vld [tilespmem:s12+$0xC180];
	v11 =	vsub.f32 $1.500000000e+00, v11  }
0x414: {  	v16 =	vld [tilespmem:s21+$0x4980];
	v7 =	vmul.f32 $5.192296860e+33, v7;
	v9 =	vmul.f32 $5.192296860e+33, v9;
	v4 =	vor.u32 v4, v14  }
0x415: {  	v4 =	vmul.f32 $5.192296860e+33, v4;
	v10 =	vld [tilespmem:s22+$0x7980];
	v11 =	vmul.f32 v17, v11;
	_ =	sdelay $0x1  }
0x416: {  	v6 =	vsub.f32 v6, v9;
	v4 =	vsub.f32 v7, v4;
	v13 =	vmul.f32 v11, v13  }
0x417: {  	v9 =	vand.u32 $0x80000000, v20;
	v7 =	vsub.f32 $0.0e+00, v19;
	v14 =	vsub.f32 v18, v15  }
0x418: {  	vm0 =	vne.s32 v16, v8;
	v16 =	vmul.f32 v6, v6;
	v12 =	vmul.f32 v4, v4  }
0x419: {  	v15 =	vshll.u32 v20, $0xD;
	v8 =	vand.u32 $0x80000000, v10;
	v7 =	vmul.f32 v14, v7  }
0x41a: {  	v14 =	vshll.u32 v20, $0x10;
	v17 =	vadd.f32 v16, v12;
	v18 =	vmul.f32 v13, v11;
	v13 =	vpop (erf)  }
0x41b: {  	v16 =	vshll.u32 v10, $0xD;
	v12 =	vshll.u32 v10, $0x10;
	v7 =	vmul.f32 v7, v13  }
0x41c: {  	s25 =	simm.s32 $0x100;
	vm1 =	veq.f32 v17, $0.0e+00;
	v18 =	vsub.f32 $1.500000000e+00, v18;
	v13 =	vshrl.u32 v20, $0x3  }
.LBB2_16:
0x41d: {  	p1 =	sne.s32 s25, $0x1F00;
	v10 =	vshrl.u32 v10, $0x3;
	vm0 =	vmand vm0, vm1;
	v19 =	vmul.f32 v7, v3;
	v3 =	vmovc v2;
	v2 =	vmovc v6  }
0x41e: {  	v6 =	vand.u32 $0xFFFE000, v15;
	v15 =	vsel vm0, $0x3F800000, v17;
	v11 =	vmul.f32 v18, v11  }
0x41f: {  	v14 =	vand.u32 $0x80000000, v14;
	v17 =	vshra.s32 v15, $0x1;
	v18 =	vmul.f32 $5.000000000e-01, v15;
	[tilespmem:s12+$0xF180] =	vst v19  }
0x420: {  	v16 =	vand.u32 $0xFFFE000, v16;
	v17 =	vsub.s32 $0x5F3759DF, v17;
	v19 =	vmul.f32 v11, v5;
	v20 =	vld [tilespmem:s13+$0xA980];
	v5 =	vmovc v15  }
0x421: {  	v11 =	vand.u32 $0x80000000, v12;
	v12 =	vand.u32 $0xFFFE000, v13;
	v13 =	vmul.f32 v17, v18;
	v15 =	vld [tilespmem:s13+$0xC180]  }
0x422: {  	v6 =	vor.u32 v14, v6;
	v10 =	vand.u32 $0xFFFE000, v10;
	v14 =	vld [tilespmem:s22+$0x4980];
	(erf) = vrcp.f32 v19  }
0x423: {  	s23 =	sshra.s32 s25, $0x2;
	v11 =	vor.u32 v11, v16;
	v9 =	vor.u32 v9, v12;
	v12 =	vld [tilespmem:s22+$0x6180];
	v13 =	vmul.f32 v17, v13  }
0x424: {  	v6 =	vmul.f32 $5.192296860e+33, v6;
	v8 =	vor.u32 v8, v10;
	v11 =	vmul.f32 $5.192296860e+33, v11;
	v21 =	vld [tilespmem:s23+$0x9180]  }
0x425: {  	v8 =	vmul.f32 $5.192296860e+33, v8;
	v9 =	vmul.f32 $5.192296860e+33, v9;
	v10 =	vld [tilespmem:s23+$0x7980];
	v13 =	vsub.f32 $1.500000000e+00, v13  }
0x426: {  	v7 =	vmul.f32 v7, v0;
	v0 =	vmovc v1;
	v1 =	vmov v4;
	v4 =	vsub.f32 v6, v11  }
0x427: {  	v6 =	vsub.f32 v9, v8;
	v11 =	vmul.f32 v17, v13;
	v13 =	vsub.f32 $0.0e+00, v20  }
0x428: {  	v16 =	vmul.f32 v4, v4;
	vm0 =	vne.s32 v14, v12;
	v12 =	vsub.f32 v19, v15;
	[tilespmem:s12+$0xD980] =	vst v7;
	s12 =	smov.u32 s13;
	s13 =	smov.u32 s21;
	s21 =	smov.u32 s22  }
.Ltmp7:
0x429: {  	v19 =	vmul.f32 v6, v6;
	s22 =	smov.u32 s23;
	v9 =	vand.u32 $0x80000000, v21;
	v18 =	vmul.f32 v11, v18;
	(pc) =	sbr.rel @p1 .LBB2_16-.Ltmp7, $4  }
0x42a: {  	v15 =	vshll.u32 v21, $0xD;
	v8 =	vand.u32 $0x80000000, v10;
	v13 =	vmul.f32 v12, v13  }
0x42b: {  	v14 =	vshll.u32 v21, $0x10;
	v17 =	vadd.f32 v19, v16;
	v18 =	vmul.f32 v18, v11;
	v7 =	vpop (erf)  }
0x42c: {  	v16 =	vshll.u32 v10, $0xD;
	v12 =	vshll.u32 v10, $0x10;
	v7 =	vmul.f32 v13, v7  }
0x42d: {  	s25 =	sadd.s32 $0x40, s25;
	v13 =	vshrl.u32 v21, $0x3;
	vm1 =	veq.f32 v17, $0.0e+00;
	v18 =	vsub.f32 $1.500000000e+00, v18  }
0x42e: {  	v10 =	vshrl.u32 v10, $0x3;
	vm0 =	vmand vm0, vm1  }
0x42f: {  	v3 =	vmul.f32 v7, v3;
	v15 =	vand.u32 $0xFFFE000, v15;
	v14 =	vand.u32 $0x80000000, v14  }
0x430: {  	v16 =	vand.u32 $0xFFFE000, v16;
	v37 =	vand.u32 $0x80000000, v12;
	v13 =	vand.u32 $0xFFFE000, v13  }
0x431: {  	v17 =	vsel vm0, $0x3F800000, v17;
	v11 =	vmul.f32 v18, v11;
	v14 =	vor.u32 v14, v15  }
0x432: {  	v10 =	vand.u32 $0xFFFE000, v10;
	v36 =	vshra.s32 v17, $0x1;
	v19 =	vmul.f32 $5.000000000e-01, v17  }
0x433: {  	v9 =	vor.u32 v9, v13;
	v39 =	vmul.f32 $5.192296860e+33, v14;
	v18 =	vsub.s32 $0x5F3759DF, v36  }
0x434: {  	v8 =	vor.u32 v8, v10;
	v9 =	vmul.f32 $5.192296860e+33, v9;
	v38 =	vmul.f32 v18, v19  }
0x435: {  	[tilespmem:s12+$0xF180] =	vst v3;
	v5 =	vmul.f32 v11, v5;
	v11 =	vor.u32 v37, v16;
	v8 =	vmul.f32 $5.192296860e+33, v8  }
0x436: {  	v40 =	vld [tilespmem:s13+$0xA980];
	v11 =	vmul.f32 $5.192296860e+33, v11;
	v12 =	vmul.f32 v18, v38  }
0x437: {  	v41 =	vld [tilespmem:s13+$0xC180];
	(erf) = vrcp.f32 v5;
	v8 =	vsub.f32 v9, v8  }
0x438: {  	v42 =	vld [tilespmem:s22+$0x4980];
	v3 =	vsub.f32 v39, v11;
	v12 =	vsub.f32 $1.500000000e+00, v12  }
0x439: {  	v43 =	vld [tilespmem:s22+$0x6180];
	v46 =	vmul.f32 v8, v8  }
0x43a: {  	v45 =	vmul.f32 v3, v3;
	v44 =	vmul.f32 v18, v12;
	_ =	sdelay $0x1  }
0x43b: {  	v12 =	vadd.f32 v46, v45;
	v47 =	vmul.f32 v44, v19  }
0x43c: {  	v10 =	vsub.f32 $0.0e+00, v40;
	v5 =	vsub.f32 v5, v41  }
0x43d: {  	vm14 =	vne.s32 v42, v43;
	vm15 =	veq.f32 v12, $0.0e+00;
	v48 =	vmul.f32 v47, v44  }
0x43e: {  	v5 =	vmul.f32 v5, v10;
	vm0 =	vmand vm14, vm15  }
0x43f: {  	v49 =	vpop (erf);
	v12 =	vsel vm0, $0x3F800000, v12;
	v9 =	vsub.f32 $1.500000000e+00, v48  }
0x440: {  	v5 =	vmul.f32 v5, v49;
	v50 =	vshra.s32 v12, $0x1;
	v51 =	vmul.f32 $5.000000000e-01, v12  }
0x441: {  	v0 =	vmul.f32 v7, v0;
	v53 =	vsub.s32 $0x5F3759DF, v50;
	v52 =	vmul.f32 v9, v44  }
0x442: {  	v2 =	vmul.f32 v5, v2;
	v10 =	vmul.f32 v53, v51  }
0x443: {  	[tilespmem:s12+$0xD980] =	vst v0;
	v54 =	vmul.f32 v52, v17  }
0x444: {  	[tilespmem:s13+$0xF180] =	vst v2;
	v55 =	vmul.f32 v53, v10  }
0x445: {  	v56 =	vld [tilespmem:s21+$0xA980];
	(erf) = vrcp.f32 v54  }
0x446: {  	v57 =	vld [tilespmem:s21+$0xC180];
	v2 =	vsub.f32 $1.500000000e+00, v55;
	_ =	sdelay $0x1  }
0x447: {  	v2 =	vmul.f32 v53, v2;
	_ =	sdelay $0x1  }
0x448: {  	v9 =	vmul.f32 v2, v51  }
0x449: {  	v7 =	vsub.f32 $0.0e+00, v56;
	v0 =	vsub.f32 v54, v57  }
0x44a: {  	v9 =	vmul.f32 v9, v2  }
0x44b: {  	v0 =	vmul.f32 v0, v7  }
0x44c: {  	v9 =	vsub.f32 $1.500000000e+00, v9;
	v58 =	vpop (erf)  }
0x44d: {  	v0 =	vmul.f32 v0, v58  }
0x44e: {  	v1 =	vmul.f32 v5, v1;
	v2 =	vmul.f32 v9, v2  }
0x44f: {  	v59 =	vmul.f32 v0, v6  }
0x450: {  	[tilespmem:s13+$0xD980] =	vst v1;
	v60 =	vmul.f32 v2, v12  }
0x451: {  	[tilespmem:s21+$0xF180] =	vst v59  }
0x452: {  	(erf) = vrcp.f32 v60;
	v61 =	vld [tilespmem:s22+$0xA980]  }
0x453: {  	v5 =	vld [tilespmem:s22+$0xC180];
	_ =	sdelay $0x4  }
0x454: {  	v2 =	vsub.f32 $0.0e+00, v61;
	v1 =	vsub.f32 v60, v5;
	_ =	sdelay $0x1  }
0x455: {  	v1 =	vmul.f32 v1, v2  }
0x456: {  	v62 =	vpop (erf)  }
0x457: {  	v1 =	vmul.f32 v1, v62  }
0x458: {  	v0 =	vmul.f32 v0, v4  }
0x459: {  	v2 =	vmul.f32 v1, v8  }
0x45a: {  	[tilespmem:s21+$0xD980] =	vst v0;
	v63 =	vmul.f32 v1, v3  }
0x45b: {  	[tilespmem:s22+$0xF180] =	vst v2  }
0x45c: {  	s26 =	simm.s32 $0xD980;
	[tilespmem:s22+$0xD980] =	vst v63  }
0x45d: {  	[spmem:s2] =	stream.indirect.scatter.add.f32 [tilespmem:s26], [sflag:$0x7], $0x1, s15, s20, $0xb8;
	[tilespmem:$0x10980] =	vst v63  }
0x45e: {  	s28 =	simm.s32 $0xF180  }
0x45f: {  	[spmem:s3] =	stream.indirect.scatter.add.f32 [tilespmem:s28], [sflag:$0x7], $0x1, s15, s20, $0xb8;
	[tilespmem:$0x10980] =	vst v63  }
0x460: {  	_ =	swait.ge [sflag:s17], $0x7D0  }
0x461: {  	[sflag:s17] =	ssyncset.done $0x0  }
0x462: {  	[sflag:s17] =	ssyncadd.s32 $0xFFFFF830  }
0x463: {  	_ =	swait.ge [sflag:s17], $0x7D0  }
0x464: {  	[sflag:s17] =	ssyncset.done $0x0  }
0x465: {  	[sflag:s17] =	ssyncadd.s32 $0xFFFFF830  }
0x466: {  	_ =	swait.ge [sflag:s5], $0x7D0  }
0x467: {  	[sflag:s5] =	ssyncset.done $0x0  }
0x468: {  	[sflag:s5] =	ssyncadd.s32 $0xFFFFF830  }
0x469: {  	_ =	swait.ge [sflag:s5], $0x7D0  }
0x46a: {  	[sflag:s5] =	ssyncset.done $0x0  }
0x46b: {  	[sflag:s5] =	ssyncadd.s32 $0xFFFFF830  }
0x46c: {  	s13 =	stileid.u32;
	[bflag:$0x0] =	sbarrier.arrive $0xFFFF  }
0x46d: {  	s12 =	sshll.u32 s13, $0x6;
	s21 =	rddreg [dreg:$0xf]  }
0x46e: {  	s12 =	sor.u32 $0x1C0A, s12;
	s22 =	rddreg [dreg:$0x1d]  }
0x46f: {  	[hbm:s21], [sflag:s12] =	dma.local [spmem:s22], $0x310  }
0x470: {  	s22 =	simm.s32 $0xA  }
0x471: {  	_ =	swait.ge [sflag:s22], $0x310  }
0x472: {  	[sflag:s22] =	ssyncset.done $0x0;
	s23 =	rddreg [dreg:$0x1e]  }
0x473: {  	s25 =	rddreg [dreg:$0x1f];
	[sflag:s22] =	ssyncadd.s32 $0xFFFFFCF0  }
0x474: {  	[hbm:s25], [sflag:s12] =	dma.local [spmem:s23], $0x310  }
0x475: {  	_ =	swait.ge [sflag:s22], $0x310  }
0x476: {  	s26 =	sld [smem:$0x7FD];
	_ =	sdelay $0x2  }
0x477: {  	s28 =	rddreg [dreg:$0x1c];
	s13 =	sadd.s32 $0x1, s26  }
0x478: {  	p1 =	sne.s32 s13, s28  }
.Ltmp8:
0x479: {  	_ = 	snop;
	(pc) =	sbr.rel @p1 .LBB2_1-.Ltmp8, $3  }
0x47a: {  	_ =	sdelay $0x1  }
0x47b: {  	[sflag:s22] =	ssyncset.done $0x0  }
0x47c: {  	[sflag:s22] =	ssyncadd.s32 $0xFFFFFCF0  }
0x47d: {  	_ =	sfence.sel $0x180000  }
0x47e: {  	[bflag:$0x0] =	sbarrier.arrive $0xFFFF  }
0x47f: {  	_ =	strace $0x90000047  }
0x480: {  	[bflag:$0x2] =	sbarrier.arrive $0xFFFF  }
0x481: {  	s0 =	rddreg [dreg:$0x5]  }
0x482: {  	s0 =	sadd.s32 @!p0 $0x100000, s0  }
0x483: {  	[sflag:s0] =	ssyncadd.tile.s32 @!p0 $0x1;
	_ =	shalt  }
.Lfunc_end2:
_tile_overlayer_lowered:
.L_overlay_start_2:
0x484: {  	(tag) =	ssettag $0x2  }
0x485: {  	s0 =	rddreg [dreg:$0x0];
	s2 =	stileid.u32  }
0x486: {  	s1 =	rddreg [dreg:$0x1];
	p0 =	sne.s32 s2, $0x0  }
0x487: {  	s3 =	rddreg [dreg:$0x2];
	[bflag:$0x3] =	sbarrier.arrive $0xFFFF;
	s2 =	simm.s32 @!p0 $0x1C0A  }
0x488: {  	[timem:s3], [sflag:s2] =	dma.local @!p0 [hbm:s0], s1  }
0x489: {  	s0 =	simm.s32 @!p0 $0xA  }
0x48a: {  	_ =	swait.ge @!p0 [sflag:s0], s1  }
0x48b: {  	s1 =	ssub.s32 @!p0 $0x0, s1;
	[sflag:s0] =	ssyncset.done @!p0 $0x0  }
0x48c: {  	[sflag:s0] =	ssyncadd.s32 @!p0 s1  }
0x48d: {  	[bflag:$0x3] =	sbarrier.arrive $0xFFFF  }
0x48e: {  	_ =	shalt  }

// kernel: kernel.7.cloned.1.call-start
scs
__scs_entry_jumppad:
0x0: {  	(pc) =	sbr.rel $0x88, $3  }
0x1: {  	(tag) =	ssettag $0x0;
	lr =	simm.s32 $0x1  }
0x2: {  	[smem:$0x3F9D] =	sst lr;
	_ =	strace $0xD0000000  }
0x3: {  	_ = 	snop  }
0x4: {  	_ = 	snop  }
0x5: {  	_ = 	snop  }
0x6: {  	_ = 	snop  }
0x7: {  	_ = 	snop  }
__scs_overlays_trampoline_lowered:
0x8: {  	[smem:$0x3FAC] =	sst s0  }
0x9: {  	[smem:$0x3FAD] =	sst s1  }
0xa: {  	[smem:$0x3FAE] =	sst s2  }
0xb: {  	[smem:$0x3FAF] =	sst s3  }
0xc: {  	[smem:$0x3FB0] =	sst s4  }
0xd: {  	[smem:$0x3FB1] =	sst s5  }
0xe: {  	[smem:$0x3FB2] =	sst s6  }
0xf: {  	[smem:$0x3FB3] =	sst s7  }
0x10: {  	[smem:$0x3FB4] =	sst s8  }
0x11: {  	[smem:$0x3FB5] =	sst s9;
	s0 =	simm.s32 @!p0 $0x0  }
0x12: {  	s1 =	sld [smem:$0x3F9B];
	s0 =	simm.s32 @p0 $0x1  }
0x13: {  	[smem:$0x3FB6] =	sst s0;
	s0 =	simm.s32 @!p1 $0x0  }
0x14: {  	s2 =	sld [smem:$0x3F9A];
	s0 =	simm.s32 @p1 $0x1  }
0x15: {  	[smem:$0x3FB7] =	sst s0;
	s0 =	simm.s32 @!p2 $0x0  }
0x16: {  	s3 =	sld [smem:$0x3FDB];
	s0 =	simm.s32 @p2 $0x1  }
0x17: {  	s4 =	simm.s32 $0x1BF5;
	[smem:$0x3FB9] =	sst s0  }
0x18: {  	s0 =	sld [smem:$0x3F9C];
	_ =	swait.ge [sflag:s4], $0x0  }
0x19: {  	s7 =	sld [smem:$0x3F9D]  }
0x1a: {  	s8 =	sadd.s32 $0xFFFFE003, lr  }
0x1b: {  	s9 =	sadd.s32 $0xFFFFFEF7, lr;
	s5 =	simm.s32 $0xFFFFFFFF;
	p2 =	slt.u32 s8, $0xFFFFF086  }
0x1c: {  	p1 =	slt.u32 s9, $0xF7A;
	s5 =	simm.s32 @!p2 $0x0  }
0x1d: {  	s5 =	simm.s32 @p1 $0x1;
	p0 =	seq.s32 s7, s2  }
0x1e: {  	s7 =	smul.u32 @!p0 $0xF7A, s2;
	p2 =	seq.s32 @!p0 s5, $0x0  }
0x1f: {  	s9 =	smul.u32 $0xF7A, s1;
	s8 =	simm.s32 @!p0 $0x1BF5;
	p2 =	por !p2, p0  }
0x20: {  	[sflag:s8] =	ssyncset.s32 @!p0 $0xFFFFF086;
	s6 =	sadd.s32 @!p0 s3, s7;
	s7 =	simm.s32 @!p0 $0x108  }
0x21: {  	s3 =	sadd.s32 s3, s9;
	s6 =	sadd.s32 @!p0 $0x88, s6;
	s7 =	simm.s32 @p2 $0x1082  }
0x22: {  	[simem:s7], [sflag:s8] =	dma.local @!p0 [hbm:s6], $0xF7A  }
0x23: {  	s9 =	sor.u32 $0xD0000000, s2;
	s6 =	simm.s32 $0x108;
	_ =	swait.ge @!p0 [sflag:s8], $0x0  }
0x24: {  	s3 =	sadd.s32 $0x88, s3;
	s6 =	simm.s32 @!p1 $0x1082;
	[sflag:s4] =	ssyncset.s32 $0xFFFFF086  }
0x25: {  	[simem:s6], [sflag:s4] =	dma.local [hbm:s3], $0xF7A  }
0x26: {  	[smem:$0x3F9D] =	sst s1;
	(tag) =	ssettag s2;
	_ =	strace s9  }
0x27: {  	s1 =	sld [smem:$0x3FAD]  }
0x28: {  	s2 =	sld [smem:$0x3FAE]  }
0x29: {  	s4 =	sld [smem:$0x3FB0]  }
0x2a: {  	p0 =	seq.s32 s5, $0x0;
	s5 =	sld [smem:$0x3FB1]  }
0x2b: {  	s6 =	sld [smem:$0x3FB2]  }
0x2c: {  	s7 =	sld [smem:$0x3FB3]  }
0x2d: {  	s3 =	simm.s32 $0x108;
	s8 =	sld [smem:$0x3FB4]  }
0x2e: {  	s3 =	simm.s32 @!p0 $0x1082;
	s9 =	sld [smem:$0x3FB5]  }
0x2f: {  	lr =	sadd.s32 s0, s3;
	s0 =	sld [smem:$0x3FAC]  }
0x30: {  	s3 =	sld [smem:$0x3FAF]  }
0x31: {  	[smem:$0x3FB8] =	sst s10  }
0x32: {  	s10 =	sld [smem:$0x3FB6];
	_ =	sdelay $0x3  }
0x33: {  	p0 =	seq.s32 s10, $0x1;
	s10 =	sld [smem:$0x3FB8];
	_ =	sdelay $0x3  }
0x34: {  	[smem:$0x3FB8] =	sst s10  }
0x35: {  	s10 =	sld [smem:$0x3FB7];
	_ =	sdelay $0x3  }
0x36: {  	p1 =	seq.s32 s10, $0x1;
	s10 =	sld [smem:$0x3FB8];
	_ =	sdelay $0x3  }
0x37: {  	[smem:$0x3FB8] =	sst s10  }
0x38: {  	s10 =	sld [smem:$0x3FB9]  }
0x39: {  	_ = 	snop;
	(pc) =	sbr.ind lr, $3  }
0x3a: {  	_ = 	snop  }
0x3b: {  	_ = 	snop  }
0x3c: {  	p2 =	seq.s32 s10, $0x1;
	s10 =	sld [smem:$0x3FB8]  }
0x3d: {  	_ =	shalt  }
0x3e: {  	_ =	shalt  }
0x3f: {  	_ =	shalt  }
0x40: {  	_ =	shalt  }
0x41: {  	_ =	shalt  }
0x42: {  	_ =	shalt  }
0x43: {  	_ =	shalt  }
0x44: {  	_ =	shalt  }
0x45: {  	_ =	shalt  }
0x46: {  	_ =	shalt  }
0x47: {  	_ =	shalt  }
0x48: {  	_ =	shalt  }
0x49: {  	_ =	shalt  }
0x4a: {  	_ =	shalt  }
0x4b: {  	_ =	shalt  }
0x4c: {  	_ =	shalt  }
0x4d: {  	_ =	shalt  }
0x4e: {  	_ =	shalt  }
0x4f: {  	_ =	shalt  }
0x50: {  	_ =	shalt  }
0x51: {  	_ =	shalt  }
0x52: {  	_ =	shalt  }
0x53: {  	_ =	shalt  }
0x54: {  	_ =	shalt  }
0x55: {  	_ =	shalt  }
0x56: {  	_ =	shalt  }
0x57: {  	_ =	shalt  }
0x58: {  	_ =	shalt  }
0x59: {  	_ =	shalt  }
0x5a: {  	_ =	shalt  }
0x5b: {  	_ =	shalt  }
0x5c: {  	_ =	shalt  }
0x5d: {  	_ =	shalt  }
0x5e: {  	_ =	shalt  }
0x5f: {  	_ =	shalt  }
0x60: {  	_ =	shalt  }
0x61: {  	_ =	shalt  }
0x62: {  	_ =	shalt  }
0x63: {  	_ =	shalt  }
0x64: {  	_ =	shalt  }
0x65: {  	_ =	shalt  }
0x66: {  	_ =	shalt  }
0x67: {  	_ =	shalt  }
0x68: {  	_ =	shalt  }
0x69: {  	_ =	shalt  }
0x6a: {  	_ =	shalt  }
0x6b: {  	_ =	shalt  }
0x6c: {  	_ =	shalt  }
0x6d: {  	_ =	shalt  }
0x6e: {  	_ =	shalt  }
0x6f: {  	_ =	shalt  }
0x70: {  	_ =	shalt  }
0x71: {  	_ =	shalt  }
0x72: {  	_ =	shalt  }
0x73: {  	_ =	shalt  }
0x74: {  	_ =	shalt  }
0x75: {  	_ =	shalt  }
0x76: {  	_ =	shalt  }
0x77: {  	_ =	shalt  }
0x78: {  	_ =	shalt  }
0x79: {  	_ =	shalt  }
0x7a: {  	_ =	shalt  }
0x7b: {  	_ =	shalt  }
0x7c: {  	_ =	shalt  }
0x7d: {  	_ =	shalt  }
0x7e: {  	_ =	shalt  }
0x7f: {  	_ =	shalt  }
0x80: {  	_ =	shalt  }
0x81: {  	_ =	shalt  }
0x82: {  	_ =	shalt  }
0x83: {  	_ =	shalt  }
0x84: {  	_ =	shalt  }
0x85: {  	_ =	shalt  }
0x86: {  	_ =	shalt  }
0x87: {  	_ =	shalt  }
.Lfunc_end0:
.L_simem_size_0:
called_computation.1_lowered:
.L_overlay_start_0:
0x88: {  	s2 =	sld [smem:$0x3FD9]  }
0x89: {  	s3 =	sld [smem:$0x3FFE];
	_ =	sdelay $0x1  }
0x8a: {  	s1 =	srdreg.scid  }
0x8b: {  	s0 =	sand.u32 $0x1, s1  }
0x8c: {  	s17 =	sshll.u32 s0, $0xA;
	s2 =	sadd.s32 s3, s2  }
0x8d: {  	s2 =	sadd.s32 s2, s17  }
0x8e: {  	[smem:$0x3FC4] =	sst s2  }
0x8f: {  	_ = 	snop  }
0x90: {  	s2 =	sld [smem:$0x3FD0];
	(tm) =	ssettm $0x1  }
0x91: {  	s18 =	sld [smem:$0x3FFB];
	_ =	sdelay $0x3  }
0x92: {  	_ =	strace s18  }
0x93: {  	s3 =	sld [smem:$0x3FFC];
	_ =	sdelay $0x3  }
0x94: {  	_ =	strace s3  }
0x95: {  	s3 =	sld [smem:$0x3FFD];
	_ =	sdelay $0x3  }
0x96: {  	_ =	strace s3  }
0x97: {  	_ =	strace $0x8FFFFFFF  }
0x98: {  	s19 =	sld [smem:$0x3FDB];
	_ =	sdelay $0x1  }
0x99: {  	s4 =	simm.s32 $_scs_section_size  }
0x9a: {  	s5 =	simm.s32 $_size__tile_overlayer_lowered;
	s6 =	simm.s32 $_tile_overlayer_lowered  }
0x9b: {  	s22 =	simm.s32 $0x1BFF;
	s21 =	sshll.u32 s6, $0x1;
	s3 =	sadd.s32 s4, s19  }
0x9c: {  	s7 =	simm.s32 $0x0;
	s20 =	sshll.u32 s5, $0x1;
	s5 =	sadd.s32 s21, s3  }
0x9d: {  	[timem:s7], [sflag:s22] =	dma.local [hbm:s5], s20  }
0x9e: {  	_ =	swait.ge [sflag:s22], s20  }
0x9f: {  	s4 =	ssub.s32 $0x0, s20;
	[sflag:s22] =	ssyncset.done $0x0  }
0xa0: {  	[sflag:s22] =	ssyncadd.s32 s4;
	_ =	sdelay $0x1  }
0xa1: {  	s23 =	simm.s32 $0x1B8B  }
0xa2: {  	_ =	swait.ge [sflag:s23], $0x1  }
0xa3: {  	[sflag:s23] =	ssyncset.done $0x0  }
0xa4: {  	s25 =	simm.s32 $0x1B8E;
	s24 =	sld [smem:$0x3FFE];
	[sflag:s23] =	ssyncadd.s32 $0xFFFFFFFF  }
0xa5: {  	s26 =	simm.s32 $execute0_lowered;
	[smem:$0x3FD2] =	sst s25  }
0xa6: {  	s5 =	sshll.u32 s26, $0x1;
	_ =	strace $0x80000049;
	[dreg:$0x1] =	wrdreg $0xFFFFFFFF  }
0xa7: {  	s28 =	simm.s32 $_size_execute0_lowered;
	s3 =	sadd.s32 s3, s5;
	[dreg:$0x0] =	wrdreg $0x0  }
0xa8: {  	s5 =	sshll.u32 s28, $0x1;
	[dreg:$0x2] =	wrdreg s3  }
0xa9: {  	[dreg:$0x3] =	wrdreg s5  }
0xaa: {  	[dreg:$0x4] =	wrdreg $0xC0  }
0xab: {  	_ =	task [dreg:s7], $0x5FFFF  }
0xac: {  	[dreg:$0x1] =	wrdreg $0xFFFFFFFF  }
0xad: {  	[dreg:$0x0] =	wrdreg $0x60  }
0xae: {  	[dreg:$0x2] =	wrdreg s2  }
0xaf: {  	[dreg:$0x3] =	wrdreg s24  }
0xb0: {  	[dreg:$0x4] =	wrdreg $0x9  }
0xb1: {  	_ =	task.clear_ibuf [dreg:s7], $0x5FFFF;
	_ =	strace $0x90000049  }
0xb2: {  	s29 =	simm.s32 $0x9;
	_ =	strace $0x8000004B  }
0xb3: {  	_ =	swait.ge [sflag:s29], $0x1  }
0xb4: {  	[sflag:s29] =	ssyncadd.s32 $0xFFFFFFFF  }
0xb5: {  	_ =	strace $0x9000004B  }
0xb6: {  	_ =	sfence  }
0xb7: {  	s30 =	sld [smem:$0x0];
	_ =	sdelay $0x2  }
0xb8: {  	s31 =	sshll.u32 s1, $0xD;
	s1 =	sshrl.u32 s1, $0x2  }
0xb9: {  	s3 =	sand.u32 $0x4000, s31;
	s1 =	sadd.s32 s1, s30  }
0xba: {  	s0 =	sor.u32 s3, s0;
	s1 =	sshll.u32 s1, $0x11  }
0xbb: {  	s0 =	sor.u32 s1, s0  }
0xbc: {  	s0 =	sadd.s32 $0x8F2B, s0  }
0xbd: {  	[sflag:s0] =	ssyncadd.remote.s32 $0x1  }
0xbe: {  	_ =	sfence.sel $0xFFFF  }
0xbf: {  	[dreg:$0x0] =	wrdreg $0xFFFFFFFF;
	(pc) =	sbr.abs _section_cstart, $3  }
0xc0: {  	[dreg:$0x1] =	wrdreg $0xFFFFFFFF  }
0xc1: {  	_ =	task.clear_ibuf [dreg:s7], $0x2FFFF;
	_ =	strace $0x9FFFFFFF  }
0xc2: {  	(tm) =	ssettm $0x7FFFFFFF  }
0xc3: {  	_ =	shalt  }
tec
execute0_lowered:
.L_overlay_start_1:
0x0: {  	(tag) =	ssettag $0x1  }
0x1: {  	s0 =	rddreg [dreg:$0x0]  }
0x2: {  	s1 =	srdreg.scid;
	s2 =	stileid.u32  }
0x3: {  	s5 =	rddreg [dreg:$0x1];
	s19 =	simm.s32 $0x1;
	s28 =	simm.s32 $0x6400  }
0x4: {  	s29 =	simm.s32 $0xA280;
	s30 =	simm.s32 $0xA290;
	s31 =	simm.s32 $0x7080  }
0x5: {  	s20 =	simm.s32 $0x9600;
	s1 =	sand.u32 $0x1, s1;
	s3 =	sshll.u32 s2, $0x1  }
0x6: {  	s2 =	simm.s32 $0x0;
	s4 =	sadd.s32 $0x326800, s5;
	s3 =	sor.u32 s1, s3  }
0x7: {  	[smem:$0x7FF] =	sst s2;
	s1 =	ssub.s32 $0x2, s1;
	s6 =	smul.u32 $0xC40, s3  }
0x8: {  	_ =	strace $0x8000004A;
	s3 =	sadd.s32 $0x3200, s5;
	s12 =	sshrl.u32 s1, $0x1  }
0x9: {  	s26 =	ssub.s32 s1, s12;
	s1 =	simm.s32 $0x7D00;
	s6 =	sshrl.u32 s6, $0x3  }
0xa: {  	s18 =	smax.u32 s26, $0x1;
	s17 =	sadd.s32 s6, s5;
	s5 =	sadd.s32 s0, s6  }
0xb: {  	s26 =	simm.s32 $0x5780;
	s0 =	simm.s32 $0x8980;
	s6 =	sadd.s32 $0x3100, s5  }
0xc: {  	s7 =	sadd.s32 $0x6200, s5;
	s8 =	sadd.s32 $0x316E00, s17;
	s9 =	sadd.s32 $0x9300, s5  }
0xd: {  	s21 =	simm.s32 $0x0;
	s11 =	sadd.s32 $0x31D200, s17;
	s12 =	sadd.s32 $0x320400, s17  }
0xe: {  	s10 =	sadd.s32 $0x31A000, s17;
	s13 =	sadd.s32 $0x323600, s17;
	s14 =	sadd.s32 $0x3400, s17  }
0xf: {  	s15 =	sadd.s32 $0x6600, s17;
	s16 =	sadd.s32 $0x9800, s17;
	s17 =	sadd.s32 $0xCA00, s17  }
.LBB2_1:
0x10: {  	[tilespmem:s2], [sflag:$0x1] =	stream.linear.gather [hbm4b:s5+s2], $0xC40, $0x38;
	[tilespmem:$0xA300] =	vst v63  }
0x11: {  	_ =	swait.ge [sflag:s19], $0xC40  }
0x12: {  	[sflag:s19] =	ssyncset.done $0x0  }
0x13: {  	s22 =	simm.s32 $0xC80;
	[sflag:s19] =	ssyncadd.s32 $0xFFFFF3C0  }
0x14: {  	[tilespmem:s22], [sflag:$0x1] =	stream.linear.gather [hbm4b:s6+s2], $0xC40, $0x38;
	[tilespmem:$0xA300] =	vst v63  }
0x15: {  	_ =	swait.ge [sflag:s19], $0xC40  }
0x16: {  	[sflag:s19] =	ssyncset.done $0x0  }
0x17: {  	s24 =	simm.s32 $0x1900;
	[sflag:s19] =	ssyncadd.s32 $0xFFFFF3C0  }
0x18: {  	[tilespmem:s24], [sflag:$0x1] =	stream.linear.gather [hbm4b:s7+s2], $0xC40, $0x38;
	[tilespmem:$0xA300] =	vst v63  }
0x19: {  	_ =	swait.ge [sflag:s19], $0xC40  }
0x1a: {  	[sflag:s19] =	ssyncset.done $0x0  }
0x1b: {  	s25 =	simm.s32 $0x2580;
	[sflag:s19] =	ssyncadd.s32 $0xFFFFF3C0  }
0x1c: {  	[tilespmem:s25], [sflag:$0x1] =	stream.linear.gather [hbm4b:s9+s2], $0xC40, $0x38;
	[tilespmem:$0xA300] =	vst v63  }
0x1d: {  	_ =	swait.ge [sflag:s19], $0xC40  }
0x1e: {  	[sflag:s19] =	ssyncset.done $0x0  }
0x1f: {  	s23 =	simm.s32 $0x3200;
	[sflag:s19] =	ssyncadd.s32 $0xFFFFF3C0  }
0x20: {  	[tilespmem:s23], [sflag:$0x1] =	stream.linear.gather [hbm4b:s8+s2], $0xC40, $0x38;
	[tilespmem:$0xA300] =	vst v63  }
0x21: {  	_ =	swait.ge [sflag:s19], $0xC40  }
0x22: {  	[sflag:s19] =	ssyncset.done $0x0  }
0x23: {  	s24 =	simm.s32 $0x3E80;
	[sflag:s19] =	ssyncadd.s32 $0xFFFFF3C0  }
0x24: {  	[tilespmem:s24], [sflag:$0x1] =	stream.linear.gather [hbm4b:s10+s2], $0xC40, $0x38;
	[tilespmem:$0xA300] =	vst v63  }
0x25: {  	_ =	swait.ge [sflag:s19], $0xC40  }
0x26: {  	[sflag:s19] =	ssyncset.done $0x0  }
0x27: {  	s25 =	simm.s32 $0x4B00;
	[sflag:s19] =	ssyncadd.s32 $0xFFFFF3C0  }
0x28: {  	[tilespmem:s25], [sflag:$0x1] =	stream.linear.gather [hbm4b:s11+s2], $0xC40, $0x38;
	[tilespmem:$0xA300] =	vst v63  }
0x29: {  	_ =	swait.ge [sflag:s19], $0xC40  }
0x2a: {  	[sflag:s19] =	ssyncset.done $0x0  }
0x2b: {  	[sflag:s19] =	ssyncadd.s32 $0xFFFFF3C0  }
0x2c: {  	[tilespmem:s26], [sflag:$0x1] =	stream.linear.gather [hbm4b:s12+s2], $0xC40, $0x38;
	[tilespmem:$0xA300] =	vst v63  }
0x2d: {  	_ =	swait.ge [sflag:s19], $0xC40  }
0x2e: {  	[sflag:s19] =	ssyncset.done $0x0  }
0x2f: {  	[sflag:s19] =	ssyncadd.s32 $0xFFFFF3C0  }
0x30: {  	[tilespmem:s28], [sflag:$0x1] =	stream.linear.gather [hbm4b:s13+s2], $0xC40, $0x38;
	[tilespmem:$0xA300] =	vst v63  }
0x31: {  	_ =	swait.ge [sflag:s19], $0xC40  }
0x32: {  	[sflag:s19] =	ssyncset.done $0x0  }
0x33: {  	[sflag:s19] =	ssyncadd.s32 $0xFFFFF3C0  }
0x34: {  	[tilespmem:s29], [sflag:$0x1] =	stream.linear.gather [hbm4b:s3+s2], $0x10, $0x38;
	[tilespmem:$0xA300] =	vst v63  }
0x35: {  	_ =	swait.ge [sflag:s19], $0x10  }
0x36: {  	[sflag:s19] =	ssyncset.done $0x0  }
0x37: {  	[sflag:s19] =	ssyncadd.s32 $0xFFFFFFF0  }
0x38: {  	[tilespmem:s30], [sflag:$0x1] =	stream.linear.gather [hbm4b:s4+s2], $0x10, $0x38;
	[tilespmem:$0xA300] =	vst v63  }
0x39: {  	_ =	swait.ge [sflag:s19], $0x10  }
0x3a: {  	[sflag:s19] =	ssyncset.done $0x0  }
0x3b: {  	[sflag:s19] =	ssyncadd.s32 $0xFFFFFFF0  }
0x3c: {  	s23 =	simm.s32 $0x0;
	v0 =	vld [tilespmem:$0xA280]  }
0x3d: {  	v2 =	vld [tilespmem:s23+$0xC80]  }
0x3e: {  	v3 =	vld [tilespmem:s23+$0x2580]  }
0x3f: {  	v1 =	vld [tilespmem:$0xA290]  }
0x40: {  	v5 =	vld [tilespmem:s23+$0x6400]  }
0x41: {  	v4 =	vld [tilespmem:s23+$0x0]  }
0x42: {  	v6 =	vld [tilespmem:s23+$0x1900]  }
0x43: {  	v10 =	vld [tilespmem:s23+$0x4B00];
	v3 =	vadd.f32 v3, v2  }
0x44: {  	s22 =	simm.s32 $0x10;
	v8 =	vld [tilespmem:s23+$0x5780]  }
0x45: {  	v11 =	vld [tilespmem:s22+$0xC80];
	v9 =	vsub.f32 $1.000000000e+00, v5;
	v3 =	vadd.f32 v3, v1  }
0x46: {  	v12 =	vld [tilespmem:s22+$0x2580]  }
0x47: {  	v13 =	vld [tilespmem:s23+$0x3E80];
	v4 =	vadd.f32 v6, v4;
	v3 =	vmul.f32 v3, v9  }
0x48: {  	v7 =	vld [tilespmem:s22+$0x1900]  }
0x49: {  	v6 =	vld [tilespmem:s22+$0x6400];
	v4 =	vadd.f32 v4, v0;
	v3 =	vmul.f32 $1.000000010e-01, v3  }
0x4a: {  	v2 =	vld [tilespmem:s23+$0x3200]  }
0x4b: {  	v5 =	vld [tilespmem:s22+$0x0];
	v9 =	vmul.f32 v4, v9;
	v8 =	vadd.f32 v3, v8  }
0x4c: {  	v11 =	vadd.f32 v12, v11;
	v4 =	vld [tilespmem:s22+$0x4B00]  }
0x4d: {  	v12 =	vmul.f32 $1.000000010e-01, v9;
	v3 =	vld [tilespmem:s22+$0x3200];
	[tilespmem:s23+$0x9600] =	vst v8;
	v14 =	vmul.f32 $1.000000010e-01, v8  }
0x4e: {  	s24 =	simm.s32 $0x20;
	v11 =	vadd.f32 v11, v1;
	v6 =	vsub.f32 $1.000000000e+00, v6;
	v9 =	vld [tilespmem:s22+$0x5780]  }
0x4f: {  	s25 =	simm.s32 $0xC0;
	v10 =	vadd.f32 v12, v10;
	v8 =	vld [tilespmem:s24+$0xC80];
	v12 =	vadd.f32 v13, v14  }
.LBB2_2:
0x50: {  	p0 =	sne.s32 s25, $0x30C0;
	v13 =	vld [tilespmem:s24+$0x2580];
	v7 =	vadd.f32 v7, v5;
	v11 =	vmul.f32 v11, v6  }
0x51: {  	v5 =	vld [tilespmem:s24+$0x0];
	v14 =	vmul.f32 $1.000000010e-01, v10;
	[tilespmem:s23+$0x7D00] =	vst v12;
	v12 =	vmov v4  }
0x52: {  	v15 =	vld [tilespmem:s24+$0x6400];
	v4 =	vadd.f32 v7, v0;
	v11 =	vmul.f32 $1.000000010e-01, v11;
	[tilespmem:s23+$0x8980] =	vst v10  }
0x53: {  	v16 =	vld [tilespmem:s22+$0x3E80];
	v10 =	vadd.f32 v2, v14;
	v2 =	vmov v3  }
.Ltmp0:
0x54: {  	v7 =	vld [tilespmem:s24+$0x1900];
	v6 =	vmul.f32 v4, v6;
	v9 =	vadd.f32 v11, v9;
	(pc) =	sbr.rel @p0 .LBB2_2-.Ltmp0, $4  }
0x55: {  	v8 =	vadd.f32 v13, v8;
	v4 =	vld [tilespmem:s24+$0x4B00];
	[tilespmem:s23+$0x7080] =	vst v10;
	s23 =	smov.u32 s22;
	s22 =	smov.u32 s24  }
0x56: {  	v3 =	vld [tilespmem:s22+$0x3200];
	v10 =	vmul.f32 $1.000000010e-01, v6;
	[tilespmem:s23+$0x9600] =	vst v9;
	v13 =	vmul.f32 $1.000000010e-01, v9  }
0x57: {  	s24 =	sshra.s32 s25, $0x2;
	v6 =	vsub.f32 $1.000000000e+00, v15;
	v11 =	vadd.f32 v8, v1;
	v9 =	vld [tilespmem:s22+$0x5780]  }
0x58: {  	s25 =	sadd.s32 $0x40, s25;
	v8 =	vld [tilespmem:s24+$0xC80];
	v10 =	vadd.f32 v10, v12;
	v12 =	vadd.f32 v16, v13  }
0x59: {  	v13 =	vld [tilespmem:s24+$0x2580]  }
0x5a: {  	v14 =	vld [tilespmem:s24+$0x0];
	[tilespmem:s23+$0x7D00] =	vst v12  }
0x5b: {  	v11 =	vmul.f32 v11, v6;
	v12 =	vld [tilespmem:s24+$0x6400];
	[tilespmem:s23+$0x8980] =	vst v10  }
0x5c: {  	v5 =	vadd.f32 v7, v5;
	v52 =	vld [tilespmem:s24+$0x1900]  }
0x5d: {  	v50 =	vmul.f32 $1.000000010e-01, v10;
	v51 =	vmul.f32 $1.000000010e-01, v11  }
0x5e: {  	v5 =	vadd.f32 v5, v0;
	v53 =	vld [tilespmem:s22+$0x3E80]  }
0x5f: {  	v2 =	vadd.f32 v2, v50;
	v9 =	vadd.f32 v51, v9  }
0x60: {  	v5 =	vmul.f32 v5, v6;
	v55 =	vadd.f32 v13, v8  }
0x61: {  	v54 =	vld [tilespmem:s24+$0x4B00];
	[tilespmem:s23+$0x7080] =	vst v2;
	v56 =	vmul.f32 $1.000000010e-01, v9;
	v57 =	vadd.f32 v52, v14  }
0x62: {  	v2 =	vld [tilespmem:s24+$0x3200];
	v5 =	vmul.f32 $1.000000010e-01, v5;
	[tilespmem:s22+$0x9600] =	vst v9;
	v12 =	vsub.f32 $1.000000000e+00, v12;
	v1 =	vadd.f32 v55, v1  }
0x63: {  	v9 =	vld [tilespmem:s24+$0x5780];
	v7 =	vadd.f32 v53, v56;
	v58 =	vadd.f32 v57, v0  }
0x64: {  	v4 =	vadd.f32 v5, v4;
	v1 =	vmul.f32 v1, v12  }
0x65: {  	[tilespmem:s22+$0x7D00] =	vst v7;
	v0 =	vmul.f32 v58, v12  }
0x66: {  	[tilespmem:s22+$0x8980] =	vst v4;
	v1 =	vmul.f32 $1.000000010e-01, v1  }
0x67: {  	v4 =	vmul.f32 $1.000000010e-01, v4;
	v59 =	vld [tilespmem:s24+$0x3E80];
	v0 =	vmul.f32 $1.000000010e-01, v0  }
0x68: {  	v1 =	vadd.f32 v1, v9  }
0x69: {  	v3 =	vadd.f32 v3, v4;
	v0 =	vadd.f32 v0, v54  }
0x6a: {  	v60 =	vmul.f32 $1.000000010e-01, v1  }
0x6b: {  	[tilespmem:s22+$0x7080] =	vst v3;
	v62 =	vmul.f32 $1.000000010e-01, v0  }
0x6c: {  	[tilespmem:s24+$0x9600] =	vst v1;
	v61 =	vadd.f32 v59, v60  }
0x6d: {  	[tilespmem:s24+$0x8980] =	vst v0;
	v63 =	vadd.f32 v2, v62  }
0x6e: {  	[tilespmem:s24+$0x7D00] =	vst v61  }
0x6f: {  	[tilespmem:s24+$0x7080] =	vst v63  }
0x70: {  	[hbm4b:s14+s2] =	stream.linear.scatter [tilespmem:s31], [sflag:$0x1], $0xC40, $0x38;
	[tilespmem:$0xA300] =	vst v63  }
0x71: {  	_ =	swait.ge [sflag:s19], $0xC40  }
0x72: {  	[sflag:s19] =	ssyncset.done $0x0  }
0x73: {  	[sflag:s19] =	ssyncadd.s32 $0xFFFFF3C0  }
0x74: {  	[hbm4b:s15+s2] =	stream.linear.scatter [tilespmem:s1], [sflag:$0x1], $0xC40, $0x38;
	[tilespmem:$0xA300] =	vst v63  }
0x75: {  	_ =	swait.ge [sflag:s19], $0xC40  }
0x76: {  	[sflag:s19] =	ssyncset.done $0x0  }
0x77: {  	[sflag:s19] =	ssyncadd.s32 $0xFFFFF3C0  }
0x78: {  	[hbm4b:s16+s2] =	stream.linear.scatter [tilespmem:s0], [sflag:$0x1], $0xC40, $0x38;
	[tilespmem:$0xA300] =	vst v63  }
0x79: {  	s21 =	sadd.s32 $0x1, s21;
	_ =	swait.ge [sflag:s19], $0xC40  }
0x7a: {  	p0 =	sne.s32 s21, s18;
	[sflag:s19] =	ssyncset.done $0x0  }
.Ltmp1:
0x7b: {  	[sflag:s19] =	ssyncadd.s32 $0xFFFFF3C0;
	(pc) =	sbr.rel @p0 .LBB2_1-.Ltmp1, $4  }
0x7c: {  	[hbm4b:s17+s2] =	stream.linear.scatter [tilespmem:s20], [sflag:$0x1], $0xC40, $0x38;
	[tilespmem:$0xA300] =	vst v63  }
0x7d: {  	_ =	swait.ge [sflag:s19], $0xC40  }
0x7e: {  	[sflag:s19] =	ssyncset.done $0x0  }
0x7f: {  	[sflag:s19] =	ssyncadd.s32 $0xFFFFF3C0  }
0x80: {  	_ =	sfence.sel $0x180000  }
0x81: {  	[bflag:$0x0] =	sbarrier.arrive $0xFFFF  }
0x82: {  	_ =	strace $0x9000004A  }
0x83: {  	s0 =	stileid.u32;
	[bflag:$0x2] =	sbarrier.arrive $0xFFFF  }
0x84: {  	p0 =	sne.s32 s0, $0x0;
	s0 =	rddreg [dreg:$0x2]  }
0x85: {  	s0 =	sadd.s32 @!p0 $0x100000, s0  }
0x86: {  	[sflag:s0] =	ssyncadd.tile.s32 @!p0 $0x1;
	_ =	shalt  }
.Lfunc_end2:
_tile_overlayer_lowered:
.L_overlay_start_2:
0x87: {  	(tag) =	ssettag $0x2  }
0x88: {  	s0 =	rddreg [dreg:$0x0];
	s2 =	stileid.u32  }
0x89: {  	s1 =	rddreg [dreg:$0x1];
	p0 =	sne.s32 s2, $0x0  }
0x8a: {  	s3 =	rddreg [dreg:$0x2];
	[bflag:$0x3] =	sbarrier.arrive $0xFFFF;
	s2 =	simm.s32 @!p0 $0x1C01  }
0x8b: {  	[timem:s3], [sflag:s2] =	dma.local @!p0 [hbm:s0], s1  }
0x8c: {  	s0 =	simm.s32 @!p0 $0x1  }
0x8d: {  	_ =	swait.ge @!p0 [sflag:s0], s1  }
0x8e: {  	s1 =	ssub.s32 @!p0 $0x0, s1;
	[sflag:s0] =	ssyncset.done @!p0 $0x0  }
0x8f: {  	[sflag:s0] =	ssyncadd.s32 @!p0 s1  }
0x90: {  	[bflag:$0x3] =	sbarrier.arrive $0xFFFF  }
0x91: {  	_ =	shalt  }

</sc_bundles>
